<compile_context>
chip_gen: v7x
topology: tpu7x:2x2x1
jax: 0.10.2.dev20260603
libtpu: 0.0.44.dev20260713+nightly
codegen_flags: <defaults>
</compile_context>

<pallas_src>
import functools

import jax
import jax.numpy as jnp
from jax import lax
from jax.experimental import pallas as pl
from jax.experimental.pallas import tpu as pltpu, tpu_sc as plsc

V = 100000
D = 128
A = 64
B = 4096
L = 50
N = B * L
NB = (V * D) // 4096
NB_PAD = 3200

NC = 2
NS = 16
NW = NC * NS

DQ_CHUNK = 160
DQ_BLOCKS = DQ_CHUNK // 32
DQ_NCHUNKS = V // DQ_CHUNK

TOK_PER_W = N // NW
G_CHUNK = 128
G_STEPS = TOK_PER_W // G_CHUNK


def _adapter_matmul(emb_t, w_t):
    def body(emb_ref, w_ref, out_ref):
        out_ref[...] = lax.dot_general(
            emb_ref[...], w_ref[...],
            dimension_numbers=(((0,), (0,)), ((), ())),
            preferred_element_type=jnp.float32)

    blk = 4096
    return pl.pallas_call(
        body,
        grid=((V + blk - 1) // blk,),
        in_specs=[
            pl.BlockSpec((A, blk), lambda i: (0, i)),
            pl.BlockSpec((A, D), lambda i: (0, 0)),
        ],
        out_specs=pl.BlockSpec((blk, D), lambda i: (i, 0)),
        out_shape=jax.ShapeDtypeStruct((V, D), jnp.float32),
    )(emb_t, w_t)


def _dequant_table(weight, absmax_pad, code, p):
    mesh = plsc.VectorSubcoreMesh(
        core_axis_name="c", subcore_axis_name="s",
        num_cores=NC, num_subcores=NS)

    @functools.partial(
        pl.kernel,
        out_type=jax.ShapeDtypeStruct((V, D), jnp.float32),
        mesh=mesh,
        scratch_types=[
            pltpu.VMEM((256,), jnp.float32),
            pltpu.VMEM((NB_PAD,), jnp.float32),
            pltpu.VMEM((2, DQ_CHUNK, D), jnp.int32),
            pltpu.VMEM((2, DQ_CHUNK, D), jnp.float32),
            pltpu.SemaphoreType.DMA((2,)),
            pltpu.SemaphoreType.DMA((2,)),
            pltpu.SemaphoreType.DMA((2,)),
        ],
        compiler_params=pltpu.CompilerParams(needs_layout_passes=False),
    )
    def run(w_hbm, am_hbm, code_hbm, p_hbm, f_hbm,
            code_v, am_v, w_v, p_v, sem_w, sem_p, sem_o):
        wid = lax.axis_index("s") * NC + lax.axis_index("c")
        pltpu.sync_copy(code_hbm, code_v)
        pltpu.sync_copy(am_hbm, am_v)
        nj = (DQ_NCHUNKS - wid + NW - 1) // NW

        def start_in(ch, s):
            base = ch * DQ_CHUNK
            pltpu.async_copy(
                w_hbm.at[pl.ds(base, DQ_CHUNK)], w_v.at[s], sem_w.at[s])
            pltpu.async_copy(
                p_hbm.at[pl.ds(base, DQ_CHUNK)], p_v.at[s], sem_p.at[s])

        def wait_in(s):
            pltpu.make_async_copy(
                w_hbm.at[pl.ds(0, DQ_CHUNK)], w_v.at[s], sem_w.at[s]).wait()
            pltpu.make_async_copy(
                p_hbm.at[pl.ds(0, DQ_CHUNK)], p_v.at[s], sem_p.at[s]).wait()

        def start_out(ch, s):
            pltpu.async_copy(
                p_v.at[s], f_hbm.at[pl.ds(ch * DQ_CHUNK, DQ_CHUNK)],
                sem_o.at[s])

        def wait_out(s):
            pltpu.make_async_copy(
                p_v.at[s], f_hbm.at[pl.ds(0, DQ_CHUNK)], sem_o.at[s]).wait()

        start_in(wid, 0)

        @pl.loop(0, nj)
        def chunk_loop(j):
            ch = wid + j * NW
            s = j % 2

            @pl.when(j + 1 < nj)
            def _():
                @pl.when(j >= 1)
                def _():
                    wait_out(1 - s)
                start_in(ch + NW, 1 - s)

            wait_in(s)

            for b in range(DQ_BLOCKS):
                am16 = plsc.load_gather(
                    am_v, [jnp.full((16,), ch * DQ_BLOCKS + b, jnp.int32)])

                @pl.loop(0, 32, unroll=2)
                def row_loop(r0):
                    r = b * 32 + r0
                    ws = [w_v[s, r, pl.ds(k * 16, 16)] for k in range(D // 16)]
                    cs = [plsc.load_gather(code_v, [w16]) for w16 in ws]
                    for k in range(D // 16):
                        plsc.addupdate(
                            p_v.at[s, r, pl.ds(k * 16, 16)], cs[k] * am16)

            start_out(ch, s)

        wait_out((nj - 2) % 2)
        wait_out((nj - 1) % 2)

    return run(weight, absmax_pad, code, p)


def _gather_rows(table, idx):
    mesh = plsc.VectorSubcoreMesh(
        core_axis_name="c", subcore_axis_name="s",
        num_cores=NC, num_subcores=NS)

    @functools.partial(
        pl.kernel,
        out_type=jax.ShapeDtypeStruct((N, D), jnp.float32),
        mesh=mesh,
        scratch_types=[
            pltpu.VMEM((TOK_PER_W,), jnp.int32),
            pltpu.VMEM((4, G_CHUNK, D), jnp.float32),
            pltpu.SemaphoreType.DMA((4,)),
            pltpu.SemaphoreType.DMA((4,)),
        ],
        compiler_params=pltpu.CompilerParams(needs_layout_passes=False),
    )
    def run(tab_hbm, idx_hbm, out_hbm, idx_v, rows_v, sem_g, sem_o):
        wid = lax.axis_index("s") * NC + lax.axis_index("c")
        tok0 = wid * TOK_PER_W
        pltpu.sync_copy(idx_hbm.at[pl.ds(tok0, TOK_PER_W)], idx_v)

        def start_gather(g, s):
            pltpu.async_copy(
                tab_hbm.at[idx_v.at[pl.ds(g * G_CHUNK, G_CHUNK)]],
                rows_v.at[s], sem_g.at[s])

        def wait_gather(s):
            pltpu.make_async_copy(
                tab_hbm.at[idx_v.at[pl.ds(0, G_CHUNK)]],
                rows_v.at[s], sem_g.at[s]).wait()

        def start_out(g, s):
            pltpu.async_copy(
                rows_v.at[s],
                out_hbm.at[pl.ds(tok0 + g * G_CHUNK, G_CHUNK)], sem_o.at[s])

        def wait_out(s):
            pltpu.make_async_copy(
                rows_v.at[s], out_hbm.at[pl.ds(0, G_CHUNK)],
                sem_o.at[s]).wait()

        start_gather(0, 0)

        @pl.loop(0, G_STEPS)
        def step(g):
            s = g % 4

            @pl.when(g + 1 < G_STEPS)
            def _():
                @pl.when(g >= 3)
                def _():
                    wait_out((g + 1) % 4)
                start_gather(g + 1, (g + 1) % 4)

            wait_gather(s)
            start_out(g, s)

        for tail in range(4):
            wait_out((G_STEPS - 4 + tail) % 4)

    return run(table, idx)


def kernel(input, weight, absmax, code, adapter_emb, adapter_W):
    idx_t = input.T.reshape(N)
    absmax_pad = jnp.pad(absmax, (0, NB_PAD - NB))
    p = _adapter_matmul(adapter_emb.T, adapter_W.T)
    f = _dequant_table(weight, absmax_pad, code, p)
    out_t = _gather_rows(f, idx_t)
    return out_t.reshape(L, B, D).transpose(1, 0, 2)

# --- scband reference (transcript-rebuilt; emitter-appended) ---
"""Pipeline reference for scband-bnbembedding-with-adapter-90443421319841 (READ-ONLY COPY).

The authoritative reference and input builder live on the scoring server;
editing this copy changes nothing except your own understanding.
"""

import jax, jax.numpy as jnp
import numpy as np

V = 100000
D = 128
A = 64
B = 4096
L = 50
BLK = 4096
NB = (V * D) // BLK  # 3125


def setup_inputs(seed: int = 0) -> dict:
    key = jax.random.key(seed)
    k1, k2, k3, k4, k5 = jax.random.split(key, 5)
    inp = {}
    # token indices
    inp["input"] = jax.random.randint(k1, (B, L), 0, V, dtype=jnp.int32)
    # int8 quantized weight stored as code indices in [0, 256)
    inp["weight"] = jax.random.randint(k2, (V, D), 0, 256, dtype=jnp.int32)
    # per-block absmax scales (blocksize 4096)
    inp["absmax"] = jax.random.uniform(k3, (NB,), dtype=jnp.float32) + 0.5
    # blockwise quantization code map (dynamic map lives in [-1, 1])
    inp["code"] = jnp.linspace(-1.0, 1.0, 256, dtype=jnp.float32)
    # adapter: low-rank embedding + up-projection
    inp["adapter_emb"] = jax.random.normal(k4, (V, A), dtype=jnp.float32) * 0.02
    # NOTE: torch init zeros this; use small random values so output/grads are nontrivial
    inp["adapter_W"] = jax.random.normal(k5, (D, A), dtype=jnp.float32) * 0.02
    return inp


def reference(input, weight, absmax, code, adapter_emb, adapter_W):
    # dequantize_blockwise: out[i] = code[weight_flat[i]] * absmax[i // BLK]
    flat_codes = weight.reshape(-1)
    deq = jnp.take(code, flat_codes, axis=0).reshape(NB, BLK) * absmax[:, None]
    weight_deq = deq.reshape(V, D)
    # F.embedding on dequantized table
    out = jnp.take(weight_deq, input, axis=0)  # [B, L, D]
    # adapter: Embedding(V, A) -> Linear(A, D, bias=False)
    adapt = jnp.take(adapter_emb, input, axis=0) @ adapter_W.T  # [B, L, D]
    return out + adapt

if __name__ == "__main__":
    import jax
    _d = setup_inputs()
    print(jax.jit(kernel)(*tuple(_d.values())))

</pallas_src>

<mosaic_0001>
#map = affine_map<(d0, d1) -> (0, 0)>
#map1 = affine_map<(d0, d1) -> (0)>
module attributes {stable_mosaic.version = 14 : i64} {
  func.func @run(%arg0: i32, %arg1: i32, %arg2: memref<100000x128xf32, #tpu.memory_space<hbm>>, %arg3: memref<204800xi32, #tpu.memory_space<hbm>>, %arg4: memref<204800x128xf32, #tpu.memory_space<hbm>>, %arg5: memref<6400xi32, #tpu.memory_space<vmem>>, %arg6: memref<4x128x128xf32, #tpu.memory_space<vmem>>, %arg7: memref<4x!tpu.dma_semaphore, #tpu.memory_space<semaphore_mem>>, %arg8: memref<4x!tpu.dma_semaphore, #tpu.memory_space<semaphore_mem>>) attributes {dimension_semantics = [#tpu.dimension_semantics<core_parallel>, #tpu.dimension_semantics<subcore_parallel>], iteration_bounds = array<i64: 2, 16>, scalar_prefetch = 0 : i64, scratch_operands = 4 : i64, tpu.core_type = #tpu.core_type<sc_vector_subcore>, window_params = [{transform_indices = #map}, {transform_indices = #map1}, {transform_indices = #map}]} {
    %mul3A = arith.constant 2 : i32
    %mul3A_0 = arith.muli %arg1, %mul3A : i32
    %add3A = arith.addi %mul3A_0, %arg0 : i32
    %mul3A_1 = arith.constant 6400 : i32
    %mul3A_2 = arith.muli %add3A, %mul3A_1 : i32
    "tpu.region"() ({
      %run_scoped3A = tpu.sem_alloc : memref<!tpu.dma_semaphore, #tpu.memory_space<semaphore_mem>>
      %dma_start3A_90 = tpu.memref_slice %arg3[%mul3A_2] : memref<204800xi32, #tpu.memory_space<hbm>> -> memref<6400xi32, #tpu.memory_space<hbm>>
      %dma_start3A_91 = tpu.memref_slice %arg3[%mul3A_2] : memref<204800xi32, #tpu.memory_space<hbm>> -> memref<6400xi32, #tpu.memory_space<hbm>>
      tpu.enqueue_dma source(%dma_start3A_91 : memref<6400xi32, #tpu.memory_space<hbm>>) target(%arg5 : memref<6400xi32, #tpu.memory_space<vmem>>) target_semaphore(%run_scoped3A : memref<!tpu.dma_semaphore, #tpu.memory_space<semaphore_mem>>)
      %dma_wait3A_92 = tpu.memref_slice %arg3[%mul3A_2] : memref<204800xi32, #tpu.memory_space<hbm>> -> memref<6400xi32, #tpu.memory_space<hbm>>
      %dma_wait3A_93 = tpu.memref_slice %arg3[%mul3A_2] : memref<204800xi32, #tpu.memory_space<hbm>> -> memref<6400xi32, #tpu.memory_space<hbm>>
      tpu.wait_dma2 semaphore(%run_scoped3A : memref<!tpu.dma_semaphore, #tpu.memory_space<semaphore_mem>>) src(%dma_wait3A_93 : memref<6400xi32, #tpu.memory_space<hbm>>) dst(%arg5 : memref<6400xi32, #tpu.memory_space<vmem>>)
      tpu.yield
    }) : () -> ()
    %dma_start3A = arith.constant 0 : i32
    %dma_start3A_3 = arith.constant 0 : i32
    %dma_start3A_4 = arith.constant 0 : i32
    %dma_start3A_5 = arith.constant 0 : i32
    %dma_start3A_6 = tpu.memref_slice %arg6[%dma_start3A, %dma_start3A_4, %dma_start3A_5] : memref<4x128x128xf32, #tpu.memory_space<vmem>> -> memref<1x128x128xf32, #tpu.memory_space<vmem>>
    %dma_start3A_7 = tpu.memref_squeeze %dma_start3A_6 : memref<1x128x128xf32, #tpu.memory_space<vmem>> -> memref<128x128xf32, #tpu.memory_space<vmem>>
    %dma_start3A_8 = arith.constant 0 : i32
    %dma_start3A_9 = tpu.memref_slice %arg5[%dma_start3A_8] : memref<6400xi32, #tpu.memory_space<vmem>> -> memref<128xi32, #tpu.memory_space<vmem>>
    %dma_start3A_10 = arith.constant 0 : i32
    %dma_start3A_11 = arith.constant 0 : i32
    %dma_start3A_12 = tpu.memref_slice %arg2[%dma_start3A_10, %dma_start3A_11] : memref<100000x128xf32, #tpu.memory_space<hbm>> -> memref<100000x128xf32, #tpu.memory_space<hbm>>
    %dma_start3A_13 = tpu.memref_slice %arg7[%dma_start3A_3] : memref<4x!tpu.dma_semaphore, #tpu.memory_space<semaphore_mem>> -> memref<1x!tpu.dma_semaphore, #tpu.memory_space<semaphore_mem>>
    %dma_start3A_14 = tpu.memref_squeeze %dma_start3A_13 : memref<1x!tpu.dma_semaphore, #tpu.memory_space<semaphore_mem>> -> memref<!tpu.dma_semaphore, #tpu.memory_space<semaphore_mem>>
    tpu.enqueue_indirect_dma source(%dma_start3A_12 : memref<100000x128xf32, #tpu.memory_space<hbm>>) target(%dma_start3A_7 : memref<128x128xf32, #tpu.memory_space<vmem>>) offsets(%dma_start3A_9 : memref<128xi32, #tpu.memory_space<vmem>>) semaphore(%dma_start3A_14 : memref<!tpu.dma_semaphore, #tpu.memory_space<semaphore_mem>>)
    %scan3A = arith.constant 0 : i32
    %scan3A_15 = arith.constant 50 : i32
    %scan3A_16 = arith.addi %scan3A, %scan3A_15 : i32
    %scan3A_17 = arith.constant 1 : i32
    scf.for %scan3A_90 = %scan3A to %scan3A_16 step %scan3A_17  : i32 {
      %mul3A_91 = arith.constant 1 : i32
      %mul3A_92 = arith.muli %scan3A_90, %mul3A_91 : i32
      %add3A_93 = arith.constant 0 : i32
      %add3A_94 = arith.addi %add3A_93, %mul3A_92 : i32
      %jit3A = arith.constant 4 : i32
      %eq3A = arith.constant 0 : i32
      %eq3A_95 = arith.cmpi eq, %jit3A, %eq3A : i32
      %jit3A_96 = arith.constant 1 : i32
      %select_n3A = arith.select %eq3A_95, %jit3A_96, %jit3A : i32
      %rem3A = arith.remsi %add3A_94, %select_n3A : i32
      %ne3A = arith.constant 0 : i32
      %ne3A_97 = arith.cmpi ne, %rem3A, %ne3A : i32
      %lt3A = arith.constant 0 : i32
      %lt3A_98 = arith.cmpi slt, %rem3A, %lt3A : i32
      %lt3A_99 = arith.constant 0 : i32
      %lt3A_100 = arith.cmpi slt, %select_n3A, %lt3A_99 : i32
      %ne3A_101 = arith.xori %lt3A_98, %lt3A_100 : i1
      %and3A = arith.andi %ne3A_101, %ne3A_97 : i1
      %add3A_102 = arith.addi %rem3A, %select_n3A : i32
      %select_n3A_103 = arith.select %and3A, %add3A_102, %rem3A : i32
      %add3A_104 = arith.constant 1 : i32
      %add3A_105 = arith.addi %add3A_94, %add3A_104 : i32
      %lt3A_106 = arith.constant 50 : i32
      %lt3A_107 = arith.cmpi slt, %add3A_105, %lt3A_106 : i32
      %convert_element_type3A = arith.extui %lt3A_107 : i1 to i32
      %cond3A = arith.constant 0 : i32
      %cond3A_108 = arith.cmpi ne, %convert_element_type3A, %cond3A : i32
      scf.if %cond3A_108 {
        %ge3A = arith.constant 3 : i32
        %ge3A_137 = arith.cmpi sge, %add3A_94, %ge3A : i32
        %convert_element_type3A_138 = arith.extui %ge3A_137 : i1 to i32
        %cond3A_139 = arith.constant 0 : i32
        %cond3A_140 = arith.cmpi ne, %convert_element_type3A_138, %cond3A_139 : i32
        scf.if %cond3A_140 {
          %add3A_173 = arith.constant 1 : i32
          %add3A_174 = arith.addi %add3A_94, %add3A_173 : i32
          %jit3A_175 = arith.constant 4 : i32
          %eq3A_176 = arith.constant 0 : i32
          %eq3A_177 = arith.cmpi eq, %jit3A_175, %eq3A_176 : i32
          %jit3A_178 = arith.constant 1 : i32
          %select_n3A_179 = arith.select %eq3A_177, %jit3A_178, %jit3A_175 : i32
          %rem3A_180 = arith.remsi %add3A_174, %select_n3A_179 : i32
          %ne3A_181 = arith.constant 0 : i32
          %ne3A_182 = arith.cmpi ne, %rem3A_180, %ne3A_181 : i32
          %lt3A_183 = arith.constant 0 : i32
          %lt3A_184 = arith.cmpi slt, %rem3A_180, %lt3A_183 : i32
          %lt3A_185 = arith.constant 0 : i32
          %lt3A_186 = arith.cmpi slt, %select_n3A_179, %lt3A_185 : i32
          %ne3A_187 = arith.xori %lt3A_184, %lt3A_186 : i1
          %and3A_188 = arith.andi %ne3A_187, %ne3A_182 : i1
          %add3A_189 = arith.addi %rem3A_180, %select_n3A_179 : i32
          %select_n3A_190 = arith.select %and3A_188, %add3A_189, %rem3A_180 : i32
          %dma_wait3A_191 = arith.constant 0 : i32
          %dma_wait3A_192 = arith.constant 0 : i32
          %dma_wait3A_193 = tpu.memref_slice %arg6[%select_n3A_190, %dma_wait3A_191, %dma_wait3A_192] : memref<4x128x128xf32, #tpu.memory_space<vmem>> -> memref<1x128x128xf32, #tpu.memory_space<vmem>>
          %dma_wait3A_194 = tpu.memref_squeeze %dma_wait3A_193 : memref<1x128x128xf32, #tpu.memory_space<vmem>> -> memref<128x128xf32, #tpu.memory_space<vmem>>
          %dma_wait3A_195 = arith.constant 0 : i32
          %dma_wait3A_196 = arith.constant 0 : i32
          %dma_wait3A_197 = tpu.memref_slice %arg4[%dma_wait3A_195, %dma_wait3A_196] : memref<204800x128xf32, #tpu.memory_space<hbm>> -> memref<128x128xf32, #tpu.memory_space<hbm>>
          %dma_wait3A_198 = tpu.memref_slice %arg8[%select_n3A_190] : memref<4x!tpu.dma_semaphore, #tpu.memory_space<semaphore_mem>> -> memref<1x!tpu.dma_semaphore, #tpu.memory_space<semaphore_mem>>
          %dma_wait3A_199 = tpu.memref_squeeze %dma_wait3A_198 : memref<1x!tpu.dma_semaphore, #tpu.memory_space<semaphore_mem>> -> memref<!tpu.dma_semaphore, #tpu.memory_space<semaphore_mem>>
          %dma_wait3A_200 = arith.constant 0 : i32
          %dma_wait3A_201 = arith.constant 0 : i32
          %dma_wait3A_202 = tpu.memref_slice %arg4[%dma_wait3A_200, %dma_wait3A_201] : memref<204800x128xf32, #tpu.memory_space<hbm>> -> memref<128x128xf32, #tpu.memory_space<hbm>>
          %dma_wait3A_203 = arith.constant 0 : i32
          %dma_wait3A_204 = arith.constant 0 : i32
          %dma_wait3A_205 = tpu.memref_slice %arg6[%select_n3A_190, %dma_wait3A_203, %dma_wait3A_204] : memref<4x128x128xf32, #tpu.memory_space<vmem>> -> memref<1x128x128xf32, #tpu.memory_space<vmem>>
          %dma_wait3A_206 = tpu.memref_squeeze %dma_wait3A_205 : memref<1x128x128xf32, #tpu.memory_space<vmem>> -> memref<128x128xf32, #tpu.memory_space<vmem>>
          tpu.wait_dma2 semaphore(%dma_wait3A_199 : memref<!tpu.dma_semaphore, #tpu.memory_space<semaphore_mem>>) src(%dma_wait3A_206 : memref<128x128xf32, #tpu.memory_space<vmem>>) dst(%dma_wait3A_202 : memref<128x128xf32, #tpu.memory_space<hbm>>)
        } else {
        }
        %add3A_141 = arith.constant 1 : i32
        %add3A_142 = arith.addi %add3A_94, %add3A_141 : i32
        %add3A_143 = arith.constant 1 : i32
        %add3A_144 = arith.addi %add3A_94, %add3A_143 : i32
        %jit3A_145 = arith.constant 4 : i32
        %eq3A_146 = arith.constant 0 : i32
        %eq3A_147 = arith.cmpi eq, %jit3A_145, %eq3A_146 : i32
        %jit3A_148 = arith.constant 1 : i32
        %select_n3A_149 = arith.select %eq3A_147, %jit3A_148, %jit3A_145 : i32
        %rem3A_150 = arith.remsi %add3A_144, %select_n3A_149 : i32
        %ne3A_151 = arith.constant 0 : i32
        %ne3A_152 = arith.cmpi ne, %rem3A_150, %ne3A_151 : i32
        %lt3A_153 = arith.constant 0 : i32
        %lt3A_154 = arith.cmpi slt, %rem3A_150, %lt3A_153 : i32
        %lt3A_155 = arith.constant 0 : i32
        %lt3A_156 = arith.cmpi slt, %select_n3A_149, %lt3A_155 : i32
        %ne3A_157 = arith.xori %lt3A_154, %lt3A_156 : i1
        %and3A_158 = arith.andi %ne3A_157, %ne3A_152 : i1
        %add3A_159 = arith.addi %rem3A_150, %select_n3A_149 : i32
        %select_n3A_160 = arith.select %and3A_158, %add3A_159, %rem3A_150 : i32
        %mul3A_161 = arith.constant 128 : i32
        %mul3A_162 = arith.muli %add3A_142, %mul3A_161 : i32
        %dma_start3A_163 = arith.constant 0 : i32
        %dma_start3A_164 = arith.constant 0 : i32
        %dma_start3A_165 = tpu.memref_slice %arg6[%select_n3A_160, %dma_start3A_163, %dma_start3A_164] : memref<4x128x128xf32, #tpu.memory_space<vmem>> -> memref<1x128x128xf32, #tpu.memory_space<vmem>>
        %dma_start3A_166 = tpu.memref_squeeze %dma_start3A_165 : memref<1x128x128xf32, #tpu.memory_space<vmem>> -> memref<128x128xf32, #tpu.memory_space<vmem>>
        %dma_start3A_167 = tpu.memref_slice %arg5[%mul3A_162] : memref<6400xi32, #tpu.memory_space<vmem>> -> memref<128xi32, #tpu.memory_space<vmem>>
        %dma_start3A_168 = arith.constant 0 : i32
        %dma_start3A_169 = arith.constant 0 : i32
        %dma_start3A_170 = tpu.memref_slice %arg2[%dma_start3A_168, %dma_start3A_169] : memref<100000x128xf32, #tpu.memory_space<hbm>> -> memref<100000x128xf32, #tpu.memory_space<hbm>>
        %dma_start3A_171 = tpu.memref_slice %arg7[%select_n3A_160] : memref<4x!tpu.dma_semaphore, #tpu.memory_space<semaphore_mem>> -> memref<1x!tpu.dma_semaphore, #tpu.memory_space<semaphore_mem>>
        %dma_start3A_172 = tpu.memref_squeeze %dma_start3A_171 : memref<1x!tpu.dma_semaphore, #tpu.memory_space<semaphore_mem>> -> memref<!tpu.dma_semaphore, #tpu.memory_space<semaphore_mem>>
        tpu.enqueue_indirect_dma source(%dma_start3A_170 : memref<100000x128xf32, #tpu.memory_space<hbm>>) target(%dma_start3A_166 : memref<128x128xf32, #tpu.memory_space<vmem>>) offsets(%dma_start3A_167 : memref<128xi32, #tpu.memory_space<vmem>>) semaphore(%dma_start3A_172 : memref<!tpu.dma_semaphore, #tpu.memory_space<semaphore_mem>>)
      } else {
      }
      %dma_wait3A_109 = arith.constant 0 : i32
      %dma_wait3A_110 = arith.constant 0 : i32
      %dma_wait3A_111 = tpu.memref_slice %arg6[%select_n3A_103, %dma_wait3A_109, %dma_wait3A_110] : memref<4x128x128xf32, #tpu.memory_space<vmem>> -> memref<1x128x128xf32, #tpu.memory_space<vmem>>
      %dma_wait3A_112 = tpu.memref_squeeze %dma_wait3A_111 : memref<1x128x128xf32, #tpu.memory_space<vmem>> -> memref<128x128xf32, #tpu.memory_space<vmem>>
      %dma_wait3A_113 = arith.constant 0 : i32
      %dma_wait3A_114 = tpu.memref_slice %arg5[%dma_wait3A_113] : memref<6400xi32, #tpu.memory_space<vmem>> -> memref<128xi32, #tpu.memory_space<vmem>>
      %dma_wait3A_115 = arith.constant 0 : i32
      %dma_wait3A_116 = arith.constant 0 : i32
      %dma_wait3A_117 = tpu.memref_slice %arg2[%dma_wait3A_115, %dma_wait3A_116] : memref<100000x128xf32, #tpu.memory_space<hbm>> -> memref<100000x128xf32, #tpu.memory_space<hbm>>
      %dma_wait3A_118 = tpu.memref_slice %arg7[%select_n3A_103] : memref<4x!tpu.dma_semaphore, #tpu.memory_space<semaphore_mem>> -> memref<1x!tpu.dma_semaphore, #tpu.memory_space<semaphore_mem>>
      %dma_wait3A_119 = tpu.memref_squeeze %dma_wait3A_118 : memref<1x!tpu.dma_semaphore, #tpu.memory_space<semaphore_mem>> -> memref<!tpu.dma_semaphore, #tpu.memory_space<semaphore_mem>>
      tpu.wait_indirect_dma semaphore(%dma_wait3A_119 : memref<!tpu.dma_semaphore, #tpu.memory_space<semaphore_mem>>) src(%dma_wait3A_117 : memref<100000x128xf32, #tpu.memory_space<hbm>>) dst(%dma_wait3A_112 : memref<128x128xf32, #tpu.memory_space<vmem>>)
      %mul3A_120 = arith.constant 128 : i32
      %mul3A_121 = arith.muli %add3A_94, %mul3A_120 : i32
      %add3A_122 = arith.addi %mul3A_2, %mul3A_121 : i32
      %dma_start3A_123 = arith.constant 0 : i32
      %dma_start3A_124 = arith.constant 0 : i32
      %dma_start3A_125 = tpu.memref_slice %arg6[%select_n3A_103, %dma_start3A_123, %dma_start3A_124] : memref<4x128x128xf32, #tpu.memory_space<vmem>> -> memref<1x128x128xf32, #tpu.memory_space<vmem>>
      %dma_start3A_126 = tpu.memref_squeeze %dma_start3A_125 : memref<1x128x128xf32, #tpu.memory_space<vmem>> -> memref<128x128xf32, #tpu.memory_space<vmem>>
      %dma_start3A_127 = arith.constant 0 : i32
      %dma_start3A_128 = tpu.memref_slice %arg4[%add3A_122, %dma_start3A_127] : memref<204800x128xf32, #tpu.memory_space<hbm>> -> memref<128x128xf32, #tpu.memory_space<hbm>>
      %dma_start3A_129 = tpu.memref_slice %arg8[%select_n3A_103] : memref<4x!tpu.dma_semaphore, #tpu.memory_space<semaphore_mem>> -> memref<1x!tpu.dma_semaphore, #tpu.memory_space<semaphore_mem>>
      %dma_start3A_130 = tpu.memref_squeeze %dma_start3A_129 : memref<1x!tpu.dma_semaphore, #tpu.memory_space<semaphore_mem>> -> memref<!tpu.dma_semaphore, #tpu.memory_space<semaphore_mem>>
      %dma_start3A_131 = arith.constant 0 : i32
      %dma_start3A_132 = tpu.memref_slice %arg4[%add3A_122, %dma_start3A_131] : memref<204800x128xf32, #tpu.memory_space<hbm>> -> memref<128x128xf32, #tpu.memory_space<hbm>>
      %dma_start3A_133 = arith.constant 0 : i32
      %dma_start3A_134 = arith.constant 0 : i32
      %dma_start3A_135 = tpu.memref_slice %arg6[%select_n3A_103, %dma_start3A_133, %dma_start3A_134] : memref<4x128x128xf32, #tpu.memory_space<vmem>> -> memref<1x128x128xf32, #tpu.memory_space<vmem>>
      %dma_start3A_136 = tpu.memref_squeeze %dma_start3A_135 : memref<1x128x128xf32, #tpu.memory_space<vmem>> -> memref<128x128xf32, #tpu.memory_space<vmem>>
      tpu.enqueue_dma source(%dma_start3A_136 : memref<128x128xf32, #tpu.memory_space<vmem>>) target(%dma_start3A_132 : memref<128x128xf32, #tpu.memory_space<hbm>>) target_semaphore(%dma_start3A_130 : memref<!tpu.dma_semaphore, #tpu.memory_space<semaphore_mem>>)
    }
    %scan3A_18 = arith.constant 50 : i32
    %dma_wait3A = arith.constant 2 : i32
    %dma_wait3A_19 = arith.constant 2 : i32
    %dma_wait3A_20 = arith.constant 0 : i32
    %dma_wait3A_21 = arith.constant 0 : i32
    %dma_wait3A_22 = tpu.memref_slice %arg6[%dma_wait3A, %dma_wait3A_20, %dma_wait3A_21] : memref<4x128x128xf32, #tpu.memory_space<vmem>> -> memref<1x128x128xf32, #tpu.memory_space<vmem>>
    %dma_wait3A_23 = tpu.memref_squeeze %dma_wait3A_22 : memref<1x128x128xf32, #tpu.memory_space<vmem>> -> memref<128x128xf32, #tpu.memory_space<vmem>>
    %dma_wait3A_24 = arith.constant 0 : i32
    %dma_wait3A_25 = arith.constant 0 : i32
    %dma_wait3A_26 = tpu.memref_slice %arg4[%dma_wait3A_24, %dma_wait3A_25] : memref<204800x128xf32, #tpu.memory_space<hbm>> -> memref<128x128xf32, #tpu.memory_space<hbm>>
    %dma_wait3A_27 = tpu.memref_slice %arg8[%dma_wait3A_19] : memref<4x!tpu.dma_semaphore, #tpu.memory_space<semaphore_mem>> -> memref<1x!tpu.dma_semaphore, #tpu.memory_space<semaphore_mem>>
    %dma_wait3A_28 = tpu.memref_squeeze %dma_wait3A_27 : memref<1x!tpu.dma_semaphore, #tpu.memory_space<semaphore_mem>> -> memref<!tpu.dma_semaphore, #tpu.memory_space<semaphore_mem>>
    %dma_wait3A_29 = arith.constant 0 : i32
    %dma_wait3A_30 = arith.constant 0 : i32
    %dma_wait3A_31 = tpu.memref_slice %arg4[%dma_wait3A_29, %dma_wait3A_30] : memref<204800x128xf32, #tpu.memory_space<hbm>> -> memref<128x128xf32, #tpu.memory_space<hbm>>
    %dma_wait3A_32 = arith.constant 0 : i32
    %dma_wait3A_33 = arith.constant 0 : i32
    %dma_wait3A_34 = tpu.memref_slice %arg6[%dma_wait3A, %dma_wait3A_32, %dma_wait3A_33] : memref<4x128x128xf32, #tpu.memory_space<vmem>> -> memref<1x128x128xf32, #tpu.memory_space<vmem>>
    %dma_wait3A_35 = tpu.memref_squeeze %dma_wait3A_34 : memref<1x128x128xf32, #tpu.memory_space<vmem>> -> memref<128x128xf32, #tpu.memory_space<vmem>>
    tpu.wait_dma2 semaphore(%dma_wait3A_28 : memref<!tpu.dma_semaphore, #tpu.memory_space<semaphore_mem>>) src(%dma_wait3A_35 : memref<128x128xf32, #tpu.memory_space<vmem>>) dst(%dma_wait3A_31 : memref<128x128xf32, #tpu.memory_space<hbm>>)
    %dma_wait3A_36 = arith.constant 3 : i32
    %dma_wait3A_37 = arith.constant 3 : i32
    %dma_wait3A_38 = arith.constant 0 : i32
    %dma_wait3A_39 = arith.constant 0 : i32
    %dma_wait3A_40 = tpu.memref_slice %arg6[%dma_wait3A_36, %dma_wait3A_38, %dma_wait3A_39] : memref<4x128x128xf32, #tpu.memory_space<vmem>> -> memref<1x128x128xf32, #tpu.memory_space<vmem>>
    %dma_wait3A_41 = tpu.memref_squeeze %dma_wait3A_40 : memref<1x128x128xf32, #tpu.memory_space<vmem>> -> memref<128x128xf32, #tpu.memory_space<vmem>>
    %dma_wait3A_42 = arith.constant 0 : i32
    %dma_wait3A_43 = arith.constant 0 : i32
    %dma_wait3A_44 = tpu.memref_slice %arg4[%dma_wait3A_42, %dma_wait3A_43] : memref<204800x128xf32, #tpu.memory_space<hbm>> -> memref<128x128xf32, #tpu.memory_space<hbm>>
    %dma_wait3A_45 = tpu.memref_slice %arg8[%dma_wait3A_37] : memref<4x!tpu.dma_semaphore, #tpu.memory_space<semaphore_mem>> -> memref<1x!tpu.dma_semaphore, #tpu.memory_space<semaphore_mem>>
    %dma_wait3A_46 = tpu.memref_squeeze %dma_wait3A_45 : memref<1x!tpu.dma_semaphore, #tpu.memory_space<semaphore_mem>> -> memref<!tpu.dma_semaphore, #tpu.memory_space<semaphore_mem>>
    %dma_wait3A_47 = arith.constant 0 : i32
    %dma_wait3A_48 = arith.constant 0 : i32
    %dma_wait3A_49 = tpu.memref_slice %arg4[%dma_wait3A_47, %dma_wait3A_48] : memref<204800x128xf32, #tpu.memory_space<hbm>> -> memref<128x128xf32, #tpu.memory_space<hbm>>
    %dma_wait3A_50 = arith.constant 0 : i32
    %dma_wait3A_51 = arith.constant 0 : i32
    %dma_wait3A_52 = tpu.memref_slice %arg6[%dma_wait3A_36, %dma_wait3A_50, %dma_wait3A_51] : memref<4x128x128xf32, #tpu.memory_space<vmem>> -> memref<1x128x128xf32, #tpu.memory_space<vmem>>
    %dma_wait3A_53 = tpu.memref_squeeze %dma_wait3A_52 : memref<1x128x128xf32, #tpu.memory_space<vmem>> -> memref<128x128xf32, #tpu.memory_space<vmem>>
    tpu.wait_dma2 semaphore(%dma_wait3A_46 : memref<!tpu.dma_semaphore, #tpu.memory_space<semaphore_mem>>) src(%dma_wait3A_53 : memref<128x128xf32, #tpu.memory_space<vmem>>) dst(%dma_wait3A_49 : memref<128x128xf32, #tpu.memory_space<hbm>>)
    %dma_wait3A_54 = arith.constant 0 : i32
    %dma_wait3A_55 = arith.constant 0 : i32
    %dma_wait3A_56 = arith.constant 0 : i32
    %dma_wait3A_57 = arith.constant 0 : i32
    %dma_wait3A_58 = tpu.memref_slice %arg6[%dma_wait3A_54, %dma_wait3A_56, %dma_wait3A_57] : memref<4x128x128xf32, #tpu.memory_space<vmem>> -> memref<1x128x128xf32, #tpu.memory_space<vmem>>
    %dma_wait3A_59 = tpu.memref_squeeze %dma_wait3A_58 : memref<1x128x128xf32, #tpu.memory_space<vmem>> -> memref<128x128xf32, #tpu.memory_space<vmem>>
    %dma_wait3A_60 = arith.constant 0 : i32
    %dma_wait3A_61 = arith.constant 0 : i32
    %dma_wait3A_62 = tpu.memref_slice %arg4[%dma_wait3A_60, %dma_wait3A_61] : memref<204800x128xf32, #tpu.memory_space<hbm>> -> memref<128x128xf32, #tpu.memory_space<hbm>>
    %dma_wait3A_63 = tpu.memref_slice %arg8[%dma_wait3A_55] : memref<4x!tpu.dma_semaphore, #tpu.memory_space<semaphore_mem>> -> memref<1x!tpu.dma_semaphore, #tpu.memory_space<semaphore_mem>>
    %dma_wait3A_64 = tpu.memref_squeeze %dma_wait3A_63 : memref<1x!tpu.dma_semaphore, #tpu.memory_space<semaphore_mem>> -> memref<!tpu.dma_semaphore, #tpu.memory_space<semaphore_mem>>
    %dma_wait3A_65 = arith.constant 0 : i32
    %dma_wait3A_66 = arith.constant 0 : i32
    %dma_wait3A_67 = tpu.memref_slice %arg4[%dma_wait3A_65, %dma_wait3A_66] : memref<204800x128xf32, #tpu.memory_space<hbm>> -> memref<128x128xf32, #tpu.memory_space<hbm>>
    %dma_wait3A_68 = arith.constant 0 : i32
    %dma_wait3A_69 = arith.constant 0 : i32
    %dma_wait3A_70 = tpu.memref_slice %arg6[%dma_wait3A_54, %dma_wait3A_68, %dma_wait3A_69] : memref<4x128x128xf32, #tpu.memory_space<vmem>> -> memref<1x128x128xf32, #tpu.memory_space<vmem>>
    %dma_wait3A_71 = tpu.memref_squeeze %dma_wait3A_70 : memref<1x128x128xf32, #tpu.memory_space<vmem>> -> memref<128x128xf32, #tpu.memory_space<vmem>>
    tpu.wait_dma2 semaphore(%dma_wait3A_64 : memref<!tpu.dma_semaphore, #tpu.memory_space<semaphore_mem>>) src(%dma_wait3A_71 : memref<128x128xf32, #tpu.memory_space<vmem>>) dst(%dma_wait3A_67 : memref<128x128xf32, #tpu.memory_space<hbm>>)
    %dma_wait3A_72 = arith.constant 1 : i32
    %dma_wait3A_73 = arith.constant 1 : i32
    %dma_wait3A_74 = arith.constant 0 : i32
    %dma_wait3A_75 = arith.constant 0 : i32
    %dma_wait3A_76 = tpu.memref_slice %arg6[%dma_wait3A_72, %dma_wait3A_74, %dma_wait3A_75] : memref<4x128x128xf32, #tpu.memory_space<vmem>> -> memref<1x128x128xf32, #tpu.memory_space<vmem>>
    %dma_wait3A_77 = tpu.memref_squeeze %dma_wait3A_76 : memref<1x128x128xf32, #tpu.memory_space<vmem>> -> memref<128x128xf32, #tpu.memory_space<vmem>>
    %dma_wait3A_78 = arith.constant 0 : i32
    %dma_wait3A_79 = arith.constant 0 : i32
    %dma_wait3A_80 = tpu.memref_slice %arg4[%dma_wait3A_78, %dma_wait3A_79] : memref<204800x128xf32, #tpu.memory_space<hbm>> -> memref<128x128xf32, #tpu.memory_space<hbm>>
    %dma_wait3A_81 = tpu.memref_slice %arg8[%dma_wait3A_73] : memref<4x!tpu.dma_semaphore, #tpu.memory_space<semaphore_mem>> -> memref<1x!tpu.dma_semaphore, #tpu.memory_space<semaphore_mem>>
    %dma_wait3A_82 = tpu.memref_squeeze %dma_wait3A_81 : memref<1x!tpu.dma_semaphore, #tpu.memory_space<semaphore_mem>> -> memref<!tpu.dma_semaphore, #tpu.memory_space<semaphore_mem>>
    %dma_wait3A_83 = arith.constant 0 : i32
    %dma_wait3A_84 = arith.constant 0 : i32
    %dma_wait3A_85 = tpu.memref_slice %arg4[%dma_wait3A_83, %dma_wait3A_84] : memref<204800x128xf32, #tpu.memory_space<hbm>> -> memref<128x128xf32, #tpu.memory_space<hbm>>
    %dma_wait3A_86 = arith.constant 0 : i32
    %dma_wait3A_87 = arith.constant 0 : i32
    %dma_wait3A_88 = tpu.memref_slice %arg6[%dma_wait3A_72, %dma_wait3A_86, %dma_wait3A_87] : memref<4x128x128xf32, #tpu.memory_space<vmem>> -> memref<1x128x128xf32, #tpu.memory_space<vmem>>
    %dma_wait3A_89 = tpu.memref_squeeze %dma_wait3A_88 : memref<1x128x128xf32, #tpu.memory_space<vmem>> -> memref<128x128xf32, #tpu.memory_space<vmem>>
    tpu.wait_dma2 semaphore(%dma_wait3A_82 : memref<!tpu.dma_semaphore, #tpu.memory_space<semaphore_mem>>) src(%dma_wait3A_89 : memref<128x128xf32, #tpu.memory_space<vmem>>) dst(%dma_wait3A_85 : memref<128x128xf32, #tpu.memory_space<hbm>>)
    return
  }
}

#map = affine_map<(d0, d1) -> (0, 0)>
#map1 = affine_map<(d0, d1) -> (0)>
module attributes {stable_mosaic.version = 14 : i64} {
  func.func @run(%arg0: i32, %arg1: i32, %arg2: memref<100000x128xi32, #tpu.memory_space<hbm>>, %arg3: memref<3200xf32, #tpu.memory_space<hbm>>, %arg4: memref<256xf32, #tpu.memory_space<hbm>>, %arg5: memref<100000x128xf32, #tpu.memory_space<hbm>>, %arg6: memref<100000x128xf32, #tpu.memory_space<hbm>>, %arg7: memref<256xf32, #tpu.memory_space<vmem>>, %arg8: memref<3200xf32, #tpu.memory_space<vmem>>, %arg9: memref<2x160x128xi32, #tpu.memory_space<vmem>>, %arg10: memref<2x160x128xf32, #tpu.memory_space<vmem>>, %arg11: memref<2x!tpu.dma_semaphore, #tpu.memory_space<semaphore_mem>>, %arg12: memref<2x!tpu.dma_semaphore, #tpu.memory_space<semaphore_mem>>, %arg13: memref<2x!tpu.dma_semaphore, #tpu.memory_space<semaphore_mem>>) attributes {dimension_semantics = [#tpu.dimension_semantics<core_parallel>, #tpu.dimension_semantics<subcore_parallel>], iteration_bounds = array<i64: 2, 16>, scalar_prefetch = 0 : i64, scratch_operands = 7 : i64, tpu.core_type = #tpu.core_type<sc_vector_subcore>, window_params = [{transform_indices = #map}, {transform_indices = #map1}, {transform_indices = #map1}, {transform_indices = #map}, {transform_indices = #map}]} {
    %mul3A = arith.constant 2 : i32
    %mul3A_0 = arith.muli %arg1, %mul3A : i32
    %add3A = arith.addi %mul3A_0, %arg0 : i32
    "tpu.region"() ({
      %run_scoped3A = tpu.sem_alloc : memref<!tpu.dma_semaphore, #tpu.memory_space<semaphore_mem>>
      tpu.enqueue_dma source(%arg4 : memref<256xf32, #tpu.memory_space<hbm>>) target(%arg7 : memref<256xf32, #tpu.memory_space<vmem>>) target_semaphore(%run_scoped3A : memref<!tpu.dma_semaphore, #tpu.memory_space<semaphore_mem>>)
      tpu.wait_dma2 semaphore(%run_scoped3A : memref<!tpu.dma_semaphore, #tpu.memory_space<semaphore_mem>>) src(%arg4 : memref<256xf32, #tpu.memory_space<hbm>>) dst(%arg7 : memref<256xf32, #tpu.memory_space<vmem>>)
      tpu.yield
    }) : () -> ()
    "tpu.region"() ({
      %run_scoped3A = tpu.sem_alloc : memref<!tpu.dma_semaphore, #tpu.memory_space<semaphore_mem>>
      tpu.enqueue_dma source(%arg3 : memref<3200xf32, #tpu.memory_space<hbm>>) target(%arg8 : memref<3200xf32, #tpu.memory_space<vmem>>) target_semaphore(%run_scoped3A : memref<!tpu.dma_semaphore, #tpu.memory_space<semaphore_mem>>)
      tpu.wait_dma2 semaphore(%run_scoped3A : memref<!tpu.dma_semaphore, #tpu.memory_space<semaphore_mem>>) src(%arg3 : memref<3200xf32, #tpu.memory_space<hbm>>) dst(%arg8 : memref<3200xf32, #tpu.memory_space<vmem>>)
      tpu.yield
    }) : () -> ()
    %sub3A = arith.constant 625 : i32
    %sub3A_1 = arith.subi %sub3A, %add3A : i32
    %add3A_2 = arith.constant 32 : i32
    %add3A_3 = arith.addi %sub3A_1, %add3A_2 : i32
    %sub3A_4 = arith.constant 1 : i32
    %sub3A_5 = arith.subi %add3A_3, %sub3A_4 : i32
    %jit3A = arith.constant 32 : i32
    %div3A = arith.divsi %sub3A_5, %jit3A : i32
    %sign3A = arith.constant 0 : i32
    %sign3A_6 = arith.cmpi sgt, %sub3A_5, %sign3A : i32
    %sign3A_7 = arith.extui %sign3A_6 : i1 to i32
    %sign3A_8 = arith.constant 0 : i32
    %sign3A_9 = arith.cmpi slt, %sub3A_5, %sign3A_8 : i32
    %sign3A_10 = arith.extui %sign3A_9 : i1 to i32
    %sign3A_11 = arith.subi %sign3A_7, %sign3A_10 : i32
    %sign3A_12 = arith.constant 0 : i32
    %sign3A_13 = arith.cmpi sgt, %jit3A, %sign3A_12 : i32
    %sign3A_14 = arith.extui %sign3A_13 : i1 to i32
    %sign3A_15 = arith.constant 0 : i32
    %sign3A_16 = arith.cmpi slt, %jit3A, %sign3A_15 : i32
    %sign3A_17 = arith.extui %sign3A_16 : i1 to i32
    %sign3A_18 = arith.subi %sign3A_14, %sign3A_17 : i32
    %ne3A = arith.cmpi ne, %sign3A_11, %sign3A_18 : i32
    %rem3A = arith.remsi %sub3A_5, %jit3A : i32
    %ne3A_19 = arith.constant 0 : i32
    %ne3A_20 = arith.cmpi ne, %rem3A, %ne3A_19 : i32
    %and3A = arith.andi %ne3A, %ne3A_20 : i1
    %sub3A_21 = arith.constant 1 : i32
    %sub3A_22 = arith.subi %div3A, %sub3A_21 : i32
    %select_n3A = arith.select %and3A, %sub3A_22, %div3A : i32
    %mul3A_23 = arith.constant 160 : i32
    %mul3A_24 = arith.muli %add3A, %mul3A_23 : i32
    %dma_start3A = arith.constant 0 : i32
    %dma_start3A_25 = arith.constant 0 : i32
    %dma_start3A_26 = arith.constant 0 : i32
    %dma_start3A_27 = arith.constant 0 : i32
    %dma_start3A_28 = tpu.memref_slice %arg9[%dma_start3A, %dma_start3A_26, %dma_start3A_27] : memref<2x160x128xi32, #tpu.memory_space<vmem>> -> memref<1x160x128xi32, #tpu.memory_space<vmem>>
    %dma_start3A_29 = tpu.memref_squeeze %dma_start3A_28 : memref<1x160x128xi32, #tpu.memory_space<vmem>> -> memref<160x128xi32, #tpu.memory_space<vmem>>
    %dma_start3A_30 = arith.constant 0 : i32
    %dma_start3A_31 = tpu.memref_slice %arg2[%mul3A_24, %dma_start3A_30] : memref<100000x128xi32, #tpu.memory_space<hbm>> -> memref<160x128xi32, #tpu.memory_space<hbm>>
    %dma_start3A_32 = tpu.memref_slice %arg11[%dma_start3A_25] : memref<2x!tpu.dma_semaphore, #tpu.memory_space<semaphore_mem>> -> memref<1x!tpu.dma_semaphore, #tpu.memory_space<semaphore_mem>>
    %dma_start3A_33 = tpu.memref_squeeze %dma_start3A_32 : memref<1x!tpu.dma_semaphore, #tpu.memory_space<semaphore_mem>> -> memref<!tpu.dma_semaphore, #tpu.memory_space<semaphore_mem>>
    %dma_start3A_34 = arith.constant 0 : i32
    %dma_start3A_35 = arith.constant 0 : i32
    %dma_start3A_36 = tpu.memref_slice %arg9[%dma_start3A, %dma_start3A_34, %dma_start3A_35] : memref<2x160x128xi32, #tpu.memory_space<vmem>> -> memref<1x160x128xi32, #tpu.memory_space<vmem>>
    %dma_start3A_37 = tpu.memref_squeeze %dma_start3A_36 : memref<1x160x128xi32, #tpu.memory_space<vmem>> -> memref<160x128xi32, #tpu.memory_space<vmem>>
    %dma_start3A_38 = arith.constant 0 : i32
    %dma_start3A_39 = tpu.memref_slice %arg2[%mul3A_24, %dma_start3A_38] : memref<100000x128xi32, #tpu.memory_space<hbm>> -> memref<160x128xi32, #tpu.memory_space<hbm>>
    tpu.enqueue_dma source(%dma_start3A_39 : memref<160x128xi32, #tpu.memory_space<hbm>>) target(%dma_start3A_37 : memref<160x128xi32, #tpu.memory_space<vmem>>) target_semaphore(%dma_start3A_33 : memref<!tpu.dma_semaphore, #tpu.memory_space<semaphore_mem>>)
    %dma_start3A_40 = arith.constant 0 : i32
    %dma_start3A_41 = arith.constant 0 : i32
    %dma_start3A_42 = arith.constant 0 : i32
    %dma_start3A_43 = arith.constant 0 : i32
    %dma_start3A_44 = tpu.memref_slice %arg10[%dma_start3A_40, %dma_start3A_42, %dma_start3A_43] : memref<2x160x128xf32, #tpu.memory_space<vmem>> -> memref<1x160x128xf32, #tpu.memory_space<vmem>>
    %dma_start3A_45 = tpu.memref_squeeze %dma_start3A_44 : memref<1x160x128xf32, #tpu.memory_space<vmem>> -> memref<160x128xf32, #tpu.memory_space<vmem>>
    %dma_start3A_46 = arith.constant 0 : i32
    %dma_start3A_47 = tpu.memref_slice %arg5[%mul3A_24, %dma_start3A_46] : memref<100000x128xf32, #tpu.memory_space<hbm>> -> memref<160x128xf32, #tpu.memory_space<hbm>>
    %dma_start3A_48 = tpu.memref_slice %arg12[%dma_start3A_41] : memref<2x!tpu.dma_semaphore, #tpu.memory_space<semaphore_mem>> -> memref<1x!tpu.dma_semaphore, #tpu.memory_space<semaphore_mem>>
    %dma_start3A_49 = tpu.memref_squeeze %dma_start3A_48 : memref<1x!tpu.dma_semaphore, #tpu.memory_space<semaphore_mem>> -> memref<!tpu.dma_semaphore, #tpu.memory_space<semaphore_mem>>
    %dma_start3A_50 = arith.constant 0 : i32
    %dma_start3A_51 = arith.constant 0 : i32
    %dma_start3A_52 = tpu.memref_slice %arg10[%dma_start3A_40, %dma_start3A_50, %dma_start3A_51] : memref<2x160x128xf32, #tpu.memory_space<vmem>> -> memref<1x160x128xf32, #tpu.memory_space<vmem>>
    %dma_start3A_53 = tpu.memref_squeeze %dma_start3A_52 : memref<1x160x128xf32, #tpu.memory_space<vmem>> -> memref<160x128xf32, #tpu.memory_space<vmem>>
    %dma_start3A_54 = arith.constant 0 : i32
    %dma_start3A_55 = tpu.memref_slice %arg5[%mul3A_24, %dma_start3A_54] : memref<100000x128xf32, #tpu.memory_space<hbm>> -> memref<160x128xf32, #tpu.memory_space<hbm>>
    tpu.enqueue_dma source(%dma_start3A_55 : memref<160x128xf32, #tpu.memory_space<hbm>>) target(%dma_start3A_53 : memref<160x128xf32, #tpu.memory_space<vmem>>) target_semaphore(%dma_start3A_49 : memref<!tpu.dma_semaphore, #tpu.memory_space<semaphore_mem>>)
    %sub3A_56 = arith.constant 0 : i32
    %sub3A_57 = arith.subi %select_n3A, %sub3A_56 : i32
    %sub3A_58 = arith.constant 1 : i32
    %sub3A_59 = arith.constant 1 : i32
    %sub3A_60 = arith.subi %sub3A_58, %sub3A_59 : i32
    %add3A_61 = arith.addi %sub3A_57, %sub3A_60 : i32
    %div3A_62 = arith.constant 1 : i32
    %div3A_63 = arith.divsi %add3A_61, %div3A_62 : i32
    %while3A = arith.constant 1 : i32
    %while3A_64 = arith.constant 0 : i32
    %while3A_65 = arith.constant 0 : i32
    %while3A_66 = arith.subi %div3A_63, %while3A_65 : i32
    %while3A_67 = arith.addi %while3A_65, %while3A_66 : i32
    %while3A_68 = arith.constant 1 : i32
    %while3A_69 = arith.divsi %while3A_66, %while3A_68 : i32
    %while3A_70 = arith.muli %while3A_69, %while3A_68 : i32
    %while3A_71 = arith.addi %while3A_65, %while3A_70 : i32
    %while3A_72 = arith.constant 1 : i32
    scf.for %while3A_139 = %while3A_65 to %while3A_71 step %while3A_72  : i32 {
      %mul3A_140 = arith.muli %while3A_139, %while3A : i32
      %add3A_141 = arith.addi %while3A_64, %mul3A_140 : i32
      %mul3A_142 = arith.constant 32 : i32
      %mul3A_143 = arith.muli %add3A_141, %mul3A_142 : i32
      %add3A_144 = arith.addi %add3A, %mul3A_143 : i32
      %jit3A_145 = arith.constant 2 : i32
      %eq3A_146 = arith.constant 0 : i32
      %eq3A_147 = arith.cmpi eq, %jit3A_145, %eq3A_146 : i32
      %jit3A_148 = arith.constant 1 : i32
      %select_n3A_149 = arith.select %eq3A_147, %jit3A_148, %jit3A_145 : i32
      %rem3A_150 = arith.remsi %add3A_141, %select_n3A_149 : i32
      %ne3A_151 = arith.constant 0 : i32
      %ne3A_152 = arith.cmpi ne, %rem3A_150, %ne3A_151 : i32
      %lt3A_153 = arith.constant 0 : i32
      %lt3A_154 = arith.cmpi slt, %rem3A_150, %lt3A_153 : i32
      %lt3A_155 = arith.constant 0 : i32
      %lt3A_156 = arith.cmpi slt, %select_n3A_149, %lt3A_155 : i32
      %ne3A_157 = arith.xori %lt3A_154, %lt3A_156 : i1
      %and3A_158 = arith.andi %ne3A_157, %ne3A_152 : i1
      %add3A_159 = arith.addi %rem3A_150, %select_n3A_149 : i32
      %select_n3A_160 = arith.select %and3A_158, %add3A_159, %rem3A_150 : i32
      %add3A_161 = arith.constant 1 : i32
      %add3A_162 = arith.addi %add3A_141, %add3A_161 : i32
      %lt3A_163 = arith.cmpi slt, %add3A_162, %select_n3A : i32
      %convert_element_type3A = arith.extui %lt3A_163 : i1 to i32
      %cond3A = arith.constant 0 : i32
      %cond3A_164 = arith.cmpi ne, %convert_element_type3A, %cond3A : i32
      scf.if %cond3A_164 {
        %ge3A = arith.constant 1 : i32
        %ge3A_265 = arith.cmpi sge, %add3A_141, %ge3A : i32
        %convert_element_type3A_266 = arith.extui %ge3A_265 : i1 to i32
        %cond3A_267 = arith.constant 0 : i32
        %cond3A_268 = arith.cmpi ne, %convert_element_type3A_266, %cond3A_267 : i32
        scf.if %cond3A_268 {
          %sub3A_303 = arith.constant 1 : i32
          %sub3A_304 = arith.subi %sub3A_303, %select_n3A_160 : i32
          %dma_wait3A_305 = arith.constant 0 : i32
          %dma_wait3A_306 = arith.constant 0 : i32
          %dma_wait3A_307 = tpu.memref_slice %arg10[%sub3A_304, %dma_wait3A_305, %dma_wait3A_306] : memref<2x160x128xf32, #tpu.memory_space<vmem>> -> memref<1x160x128xf32, #tpu.memory_space<vmem>>
          %dma_wait3A_308 = tpu.memref_squeeze %dma_wait3A_307 : memref<1x160x128xf32, #tpu.memory_space<vmem>> -> memref<160x128xf32, #tpu.memory_space<vmem>>
          %dma_wait3A_309 = arith.constant 0 : i32
          %dma_wait3A_310 = arith.constant 0 : i32
          %dma_wait3A_311 = tpu.memref_slice %arg6[%dma_wait3A_309, %dma_wait3A_310] : memref<100000x128xf32, #tpu.memory_space<hbm>> -> memref<160x128xf32, #tpu.memory_space<hbm>>
          %dma_wait3A_312 = tpu.memref_slice %arg13[%sub3A_304] : memref<2x!tpu.dma_semaphore, #tpu.memory_space<semaphore_mem>> -> memref<1x!tpu.dma_semaphore, #tpu.memory_space<semaphore_mem>>
          %dma_wait3A_313 = tpu.memref_squeeze %dma_wait3A_312 : memref<1x!tpu.dma_semaphore, #tpu.memory_space<semaphore_mem>> -> memref<!tpu.dma_semaphore, #tpu.memory_space<semaphore_mem>>
          %dma_wait3A_314 = arith.constant 0 : i32
          %dma_wait3A_315 = arith.constant 0 : i32
          %dma_wait3A_316 = tpu.memref_slice %arg6[%dma_wait3A_314, %dma_wait3A_315] : memref<100000x128xf32, #tpu.memory_space<hbm>> -> memref<160x128xf32, #tpu.memory_space<hbm>>
          %dma_wait3A_317 = arith.constant 0 : i32
          %dma_wait3A_318 = arith.constant 0 : i32
          %dma_wait3A_319 = tpu.memref_slice %arg10[%sub3A_304, %dma_wait3A_317, %dma_wait3A_318] : memref<2x160x128xf32, #tpu.memory_space<vmem>> -> memref<1x160x128xf32, #tpu.memory_space<vmem>>
          %dma_wait3A_320 = tpu.memref_squeeze %dma_wait3A_319 : memref<1x160x128xf32, #tpu.memory_space<vmem>> -> memref<160x128xf32, #tpu.memory_space<vmem>>
          tpu.wait_dma2 semaphore(%dma_wait3A_313 : memref<!tpu.dma_semaphore, #tpu.memory_space<semaphore_mem>>) src(%dma_wait3A_320 : memref<160x128xf32, #tpu.memory_space<vmem>>) dst(%dma_wait3A_316 : memref<160x128xf32, #tpu.memory_space<hbm>>)
        } else {
        }
        %add3A_269 = arith.constant 32 : i32
        %add3A_270 = arith.addi %add3A_144, %add3A_269 : i32
        %sub3A_271 = arith.constant 1 : i32
        %sub3A_272 = arith.subi %sub3A_271, %select_n3A_160 : i32
        %mul3A_273 = arith.constant 160 : i32
        %mul3A_274 = arith.muli %add3A_270, %mul3A_273 : i32
        %dma_start3A_275 = arith.constant 0 : i32
        %dma_start3A_276 = arith.constant 0 : i32
        %dma_start3A_277 = tpu.memref_slice %arg9[%sub3A_272, %dma_start3A_275, %dma_start3A_276] : memref<2x160x128xi32, #tpu.memory_space<vmem>> -> memref<1x160x128xi32, #tpu.memory_space<vmem>>
        %dma_start3A_278 = tpu.memref_squeeze %dma_start3A_277 : memref<1x160x128xi32, #tpu.memory_space<vmem>> -> memref<160x128xi32, #tpu.memory_space<vmem>>
        %dma_start3A_279 = arith.constant 0 : i32
        %dma_start3A_280 = tpu.memref_slice %arg2[%mul3A_274, %dma_start3A_279] : memref<100000x128xi32, #tpu.memory_space<hbm>> -> memref<160x128xi32, #tpu.memory_space<hbm>>
        %dma_start3A_281 = tpu.memref_slice %arg11[%sub3A_272] : memref<2x!tpu.dma_semaphore, #tpu.memory_space<semaphore_mem>> -> memref<1x!tpu.dma_semaphore, #tpu.memory_space<semaphore_mem>>
        %dma_start3A_282 = tpu.memref_squeeze %dma_start3A_281 : memref<1x!tpu.dma_semaphore, #tpu.memory_space<semaphore_mem>> -> memref<!tpu.dma_semaphore, #tpu.memory_space<semaphore_mem>>
        %dma_start3A_283 = arith.constant 0 : i32
        %dma_start3A_284 = arith.constant 0 : i32
        %dma_start3A_285 = tpu.memref_slice %arg9[%sub3A_272, %dma_start3A_283, %dma_start3A_284] : memref<2x160x128xi32, #tpu.memory_space<vmem>> -> memref<1x160x128xi32, #tpu.memory_space<vmem>>
        %dma_start3A_286 = tpu.memref_squeeze %dma_start3A_285 : memref<1x160x128xi32, #tpu.memory_space<vmem>> -> memref<160x128xi32, #tpu.memory_space<vmem>>
        %dma_start3A_287 = arith.constant 0 : i32
        %dma_start3A_288 = tpu.memref_slice %arg2[%mul3A_274, %dma_start3A_287] : memref<100000x128xi32, #tpu.memory_space<hbm>> -> memref<160x128xi32, #tpu.memory_space<hbm>>
        tpu.enqueue_dma source(%dma_start3A_288 : memref<160x128xi32, #tpu.memory_space<hbm>>) target(%dma_start3A_286 : memref<160x128xi32, #tpu.memory_space<vmem>>) target_semaphore(%dma_start3A_282 : memref<!tpu.dma_semaphore, #tpu.memory_space<semaphore_mem>>)
        %dma_start3A_289 = arith.constant 0 : i32
        %dma_start3A_290 = arith.constant 0 : i32
        %dma_start3A_291 = tpu.memref_slice %arg10[%sub3A_272, %dma_start3A_289, %dma_start3A_290] : memref<2x160x128xf32, #tpu.memory_space<vmem>> -> memref<1x160x128xf32, #tpu.memory_space<vmem>>
        %dma_start3A_292 = tpu.memref_squeeze %dma_start3A_291 : memref<1x160x128xf32, #tpu.memory_space<vmem>> -> memref<160x128xf32, #tpu.memory_space<vmem>>
        %dma_start3A_293 = arith.constant 0 : i32
        %dma_start3A_294 = tpu.memref_slice %arg5[%mul3A_274, %dma_start3A_293] : memref<100000x128xf32, #tpu.memory_space<hbm>> -> memref<160x128xf32, #tpu.memory_space<hbm>>
        %dma_start3A_295 = tpu.memref_slice %arg12[%sub3A_272] : memref<2x!tpu.dma_semaphore, #tpu.memory_space<semaphore_mem>> -> memref<1x!tpu.dma_semaphore, #tpu.memory_space<semaphore_mem>>
        %dma_start3A_296 = tpu.memref_squeeze %dma_start3A_295 : memref<1x!tpu.dma_semaphore, #tpu.memory_space<semaphore_mem>> -> memref<!tpu.dma_semaphore, #tpu.memory_space<semaphore_mem>>
        %dma_start3A_297 = arith.constant 0 : i32
        %dma_start3A_298 = arith.constant 0 : i32
        %dma_start3A_299 = tpu.memref_slice %arg10[%sub3A_272, %dma_start3A_297, %dma_start3A_298] : memref<2x160x128xf32, #tpu.memory_space<vmem>> -> memref<1x160x128xf32, #tpu.memory_space<vmem>>
        %dma_start3A_300 = tpu.memref_squeeze %dma_start3A_299 : memref<1x160x128xf32, #tpu.memory_space<vmem>> -> memref<160x128xf32, #tpu.memory_space<vmem>>
        %dma_start3A_301 = arith.constant 0 : i32
        %dma_start3A_302 = tpu.memref_slice %arg5[%mul3A_274, %dma_start3A_301] : memref<100000x128xf32, #tpu.memory_space<hbm>> -> memref<160x128xf32, #tpu.memory_space<hbm>>
        tpu.enqueue_dma source(%dma_start3A_302 : memref<160x128xf32, #tpu.memory_space<hbm>>) target(%dma_start3A_300 : memref<160x128xf32, #tpu.memory_space<vmem>>) target_semaphore(%dma_start3A_296 : memref<!tpu.dma_semaphore, #tpu.memory_space<semaphore_mem>>)
      } else {
      }
      %dma_wait3A_165 = arith.constant 0 : i32
      %dma_wait3A_166 = arith.constant 0 : i32
      %dma_wait3A_167 = tpu.memref_slice %arg9[%select_n3A_160, %dma_wait3A_165, %dma_wait3A_166] : memref<2x160x128xi32, #tpu.memory_space<vmem>> -> memref<1x160x128xi32, #tpu.memory_space<vmem>>
      %dma_wait3A_168 = tpu.memref_squeeze %dma_wait3A_167 : memref<1x160x128xi32, #tpu.memory_space<vmem>> -> memref<160x128xi32, #tpu.memory_space<vmem>>
      %dma_wait3A_169 = arith.constant 0 : i32
      %dma_wait3A_170 = arith.constant 0 : i32
      %dma_wait3A_171 = tpu.memref_slice %arg2[%dma_wait3A_169, %dma_wait3A_170] : memref<100000x128xi32, #tpu.memory_space<hbm>> -> memref<160x128xi32, #tpu.memory_space<hbm>>
      %dma_wait3A_172 = tpu.memref_slice %arg11[%select_n3A_160] : memref<2x!tpu.dma_semaphore, #tpu.memory_space<semaphore_mem>> -> memref<1x!tpu.dma_semaphore, #tpu.memory_space<semaphore_mem>>
      %dma_wait3A_173 = tpu.memref_squeeze %dma_wait3A_172 : memref<1x!tpu.dma_semaphore, #tpu.memory_space<semaphore_mem>> -> memref<!tpu.dma_semaphore, #tpu.memory_space<semaphore_mem>>
      %dma_wait3A_174 = arith.constant 0 : i32
      %dma_wait3A_175 = arith.constant 0 : i32
      %dma_wait3A_176 = tpu.memref_slice %arg9[%select_n3A_160, %dma_wait3A_174, %dma_wait3A_175] : memref<2x160x128xi32, #tpu.memory_space<vmem>> -> memref<1x160x128xi32, #tpu.memory_space<vmem>>
      %dma_wait3A_177 = tpu.memref_squeeze %dma_wait3A_176 : memref<1x160x128xi32, #tpu.memory_space<vmem>> -> memref<160x128xi32, #tpu.memory_space<vmem>>
      %dma_wait3A_178 = arith.constant 0 : i32
      %dma_wait3A_179 = arith.constant 0 : i32
      %dma_wait3A_180 = tpu.memref_slice %arg2[%dma_wait3A_178, %dma_wait3A_179] : memref<100000x128xi32, #tpu.memory_space<hbm>> -> memref<160x128xi32, #tpu.memory_space<hbm>>
      tpu.wait_dma2 semaphore(%dma_wait3A_173 : memref<!tpu.dma_semaphore, #tpu.memory_space<semaphore_mem>>) src(%dma_wait3A_180 : memref<160x128xi32, #tpu.memory_space<hbm>>) dst(%dma_wait3A_177 : memref<160x128xi32, #tpu.memory_space<vmem>>)
      %dma_wait3A_181 = arith.constant 0 : i32
      %dma_wait3A_182 = arith.constant 0 : i32
      %dma_wait3A_183 = tpu.memref_slice %arg10[%select_n3A_160, %dma_wait3A_181, %dma_wait3A_182] : memref<2x160x128xf32, #tpu.memory_space<vmem>> -> memref<1x160x128xf32, #tpu.memory_space<vmem>>
      %dma_wait3A_184 = tpu.memref_squeeze %dma_wait3A_183 : memref<1x160x128xf32, #tpu.memory_space<vmem>> -> memref<160x128xf32, #tpu.memory_space<vmem>>
      %dma_wait3A_185 = arith.constant 0 : i32
      %dma_wait3A_186 = arith.constant 0 : i32
      %dma_wait3A_187 = tpu.memref_slice %arg5[%dma_wait3A_185, %dma_wait3A_186] : memref<100000x128xf32, #tpu.memory_space<hbm>> -> memref<160x128xf32, #tpu.memory_space<hbm>>
      %dma_wait3A_188 = tpu.memref_slice %arg12[%select_n3A_160] : memref<2x!tpu.dma_semaphore, #tpu.memory_space<semaphore_mem>> -> memref<1x!tpu.dma_semaphore, #tpu.memory_space<semaphore_mem>>
      %dma_wait3A_189 = tpu.memref_squeeze %dma_wait3A_188 : memref<1x!tpu.dma_semaphore, #tpu.memory_space<semaphore_mem>> -> memref<!tpu.dma_semaphore, #tpu.memory_space<semaphore_mem>>
      %dma_wait3A_190 = arith.constant 0 : i32
      %dma_wait3A_191 = arith.constant 0 : i32
      %dma_wait3A_192 = tpu.memref_slice %arg10[%select_n3A_160, %dma_wait3A_190, %dma_wait3A_191] : memref<2x160x128xf32, #tpu.memory_space<vmem>> -> memref<1x160x128xf32, #tpu.memory_space<vmem>>
      %dma_wait3A_193 = tpu.memref_squeeze %dma_wait3A_192 : memref<1x160x128xf32, #tpu.memory_space<vmem>> -> memref<160x128xf32, #tpu.memory_space<vmem>>
      %dma_wait3A_194 = arith.constant 0 : i32
      %dma_wait3A_195 = arith.constant 0 : i32
      %dma_wait3A_196 = tpu.memref_slice %arg5[%dma_wait3A_194, %dma_wait3A_195] : memref<100000x128xf32, #tpu.memory_space<hbm>> -> memref<160x128xf32, #tpu.memory_space<hbm>>
      tpu.wait_dma2 semaphore(%dma_wait3A_189 : memref<!tpu.dma_semaphore, #tpu.memory_space<semaphore_mem>>) src(%dma_wait3A_196 : memref<160x128xf32, #tpu.memory_space<hbm>>) dst(%dma_wait3A_193 : memref<160x128xf32, #tpu.memory_space<vmem>>)
      %mul3A_197 = arith.constant 5 : i32
      %mul3A_198 = arith.muli %add3A_144, %mul3A_197 : i32
      %add3A_199 = arith.constant 0 : i32
      %add3A_200 = arith.addi %mul3A_198, %add3A_199 : i32
      %broadcast_in_dim3A = vector.broadcast %add3A_200 : i32 to vector<16xi32>
      %gather3A = tpu.vector_load_idx %arg8[%broadcast_in_dim3A] : memref<3200xf32, #tpu.memory_space<vmem>>[vector<16xi32>], vector<16xf32>,
      %scan3A = arith.constant 0 : i32
      %scan3A_201 = arith.constant 32 : i32
      %scan3A_202 = arith.addi %scan3A, %scan3A_201 : i32
      %scan3A_203 = arith.constant 2 : i32
      scf.for %scan3A_265 = %scan3A to %scan3A_202 step %scan3A_203  : i32 {
        %mul3A_266 = arith.constant 1 : i32
        %mul3A_267 = arith.muli %scan3A_265, %mul3A_266 : i32
        %add3A_268 = arith.constant 0 : i32
        %add3A_269 = arith.addi %add3A_268, %mul3A_267 : i32
        %add3A_270 = arith.constant 0 : i32
        %add3A_271 = arith.addi %add3A_270, %add3A_269 : i32
        %get3A = arith.index_cast %select_n3A_160 : i32 to index
        %get3A_272 = arith.index_cast %add3A_271 : i32 to index
        %get3A_273 = arith.constant 0 : index
        %get3A_274 = tpu.vector_load %arg9[%get3A, %get3A_272, %get3A_273] {strides = array<i32>} : memref<2x160x128xi32, #tpu.memory_space<vmem>>, vector<16xi32>,
        %get3A_275 = arith.index_cast %select_n3A_160 : i32 to index
        %get3A_276 = arith.index_cast %add3A_271 : i32 to index
        %get3A_277 = arith.constant 16 : index
        %get3A_278 = tpu.vector_load %arg9[%get3A_275, %get3A_276, %get3A_277] {strides = array<i32>} : memref<2x160x128xi32, #tpu.memory_space<vmem>>, vector<16xi32>,
        %get3A_279 = arith.index_cast %select_n3A_160 : i32 to index
        %get3A_280 = arith.index_cast %add3A_271 : i32 to index
        %get3A_281 = arith.constant 32 : index
        %get3A_282 = tpu.vector_load %arg9[%get3A_279, %get3A_280, %get3A_281] {strides = array<i32>} : memref<2x160x128xi32, #tpu.memory_space<vmem>>, vector<16xi32>,
        %get3A_283 = arith.index_cast %select_n3A_160 : i32 to index
        %get3A_284 = arith.index_cast %add3A_271 : i32 to index
        %get3A_285 = arith.constant 48 : index
        %get3A_286 = tpu.vector_load %arg9[%get3A_283, %get3A_284, %get3A_285] {strides = array<i32>} : memref<2x160x128xi32, #tpu.memory_space<vmem>>, vector<16xi32>,
        %get3A_287 = arith.index_cast %select_n3A_160 : i32 to index
        %get3A_288 = arith.index_cast %add3A_271 : i32 to index
        %get3A_289 = arith.constant 64 : index
        %get3A_290 = tpu.vector_load %arg9[%get3A_287, %get3A_288, %get3A_289] {strides = array<i32>} : memref<2x160x128xi32, #tpu.memory_space<vmem>>, vector<16xi32>,
        %get3A_291 = arith.index_cast %select_n3A_160 : i32 to index
        %get3A_292 = arith.index_cast %add3A_271 : i32 to index
        %get3A_293 = arith.constant 80 : index
        %get3A_294 = tpu.vector_load %arg9[%get3A_291, %get3A_292, %get3A_293] {strides = array<i32>} : memref<2x160x128xi32, #tpu.memory_space<vmem>>, vector<16xi32>,
        %get3A_295 = arith.index_cast %select_n3A_160 : i32 to index
        %get3A_296 = arith.index_cast %add3A_271 : i32 to index
        %get3A_297 = arith.constant 96 : index
        %get3A_298 = tpu.vector_load %arg9[%get3A_295, %get3A_296, %get3A_297] {strides = array<i32>} : memref<2x160x128xi32, #tpu.memory_space<vmem>>, vector<16xi32>,
        %get3A_299 = arith.index_cast %select_n3A_160 : i32 to index
        %get3A_300 = arith.index_cast %add3A_271 : i32 to index
        %get3A_301 = arith.constant 112 : index
        %get3A_302 = tpu.vector_load %arg9[%get3A_299, %get3A_300, %get3A_301] {strides = array<i32>} : memref<2x160x128xi32, #tpu.memory_space<vmem>>, vector<16xi32>,
        %gather3A_303 = tpu.vector_load_idx %arg7[%get3A_274] : memref<256xf32, #tpu.memory_space<vmem>>[vector<16xi32>], vector<16xf32>,
        %gather3A_304 = tpu.vector_load_idx %arg7[%get3A_278] : memref<256xf32, #tpu.memory_space<vmem>>[vector<16xi32>], vector<16xf32>,
        %gather3A_305 = tpu.vector_load_idx %arg7[%get3A_282] : memref<256xf32, #tpu.memory_space<vmem>>[vector<16xi32>], vector<16xf32>,
        %gather3A_306 = tpu.vector_load_idx %arg7[%get3A_286] : memref<256xf32, #tpu.memory_space<vmem>>[vector<16xi32>], vector<16xf32>,
        %gather3A_307 = tpu.vector_load_idx %arg7[%get3A_290] : memref<256xf32, #tpu.memory_space<vmem>>[vector<16xi32>], vector<16xf32>,
        %gather3A_308 = tpu.vector_load_idx %arg7[%get3A_294] : memref<256xf32, #tpu.memory_space<vmem>>[vector<16xi32>], vector<16xf32>,
        %gather3A_309 = tpu.vector_load_idx %arg7[%get3A_298] : memref<256xf32, #tpu.memory_space<vmem>>[vector<16xi32>], vector<16xf32>,
        %gather3A_310 = tpu.vector_load_idx %arg7[%get3A_302] : memref<256xf32, #tpu.memory_space<vmem>>[vector<16xi32>], vector<16xf32>,
        %mul3A_311 = arith.mulf %gather3A_303, %gather3A : vector<16xf32>
        %swap3A = arith.index_cast %select_n3A_160 : i32 to index
        %swap3A_312 = arith.index_cast %add3A_271 : i32 to index
        %swap3A_313 = arith.constant 0 : index
        %swap3A_314 = tpu.vector_load %arg10[%swap3A, %swap3A_312, %swap3A_313] {strides = array<i32>} : memref<2x160x128xf32, #tpu.memory_space<vmem>>, vector<16xf32>,
        tpu.vector_store %arg10[%swap3A, %swap3A_312, %swap3A_313], %mul3A_311 {add = true, strides = array<i32>} : memref<2x160x128xf32, #tpu.memory_space<vmem>>, vector<16xf32>,
        %mul3A_315 = arith.mulf %gather3A_304, %gather3A : vector<16xf32>
        %swap3A_316 = arith.index_cast %select_n3A_160 : i32 to index
        %swap3A_317 = arith.index_cast %add3A_271 : i32 to index
        %swap3A_318 = arith.constant 16 : index
        %swap3A_319 = tpu.vector_load %arg10[%swap3A_316, %swap3A_317, %swap3A_318] {strides = array<i32>} : memref<2x160x128xf32, #tpu.memory_space<vmem>>, vector<16xf32>,
        tpu.vector_store %arg10[%swap3A_316, %swap3A_317, %swap3A_318], %mul3A_315 {add = true, strides = array<i32>} : memref<2x160x128xf32, #tpu.memory_space<vmem>>, vector<16xf32>,
        %mul3A_320 = arith.mulf %gather3A_305, %gather3A : vector<16xf32>
        %swap3A_321 = arith.index_cast %select_n3A_160 : i32 to index
        %swap3A_322 = arith.index_cast %add3A_271 : i32 to index
        %swap3A_323 = arith.constant 32 : index
        %swap3A_324 = tpu.vector_load %arg10[%swap3A_321, %swap3A_322, %swap3A_323] {strides = array<i32>} : memref<2x160x128xf32, #tpu.memory_space<vmem>>, vector<16xf32>,
        tpu.vector_store %arg10[%swap3A_321, %swap3A_322, %swap3A_323], %mul3A_320 {add = true, strides = array<i32>} : memref<2x160x128xf32, #tpu.memory_space<vmem>>, vector<16xf32>,
        %mul3A_325 = arith.mulf %gather3A_306, %gather3A : vector<16xf32>
        %swap3A_326 = arith.index_cast %select_n3A_160 : i32 to index
        %swap3A_327 = arith.index_cast %add3A_271 : i32 to index
        %swap3A_328 = arith.constant 48 : index
        %swap3A_329 = tpu.vector_load %arg10[%swap3A_326, %swap3A_327, %swap3A_328] {strides = array<i32>} : memref<2x160x128xf32, #tpu.memory_space<vmem>>, vector<16xf32>,
        tpu.vector_store %arg10[%swap3A_326, %swap3A_327, %swap3A_328], %mul3A_325 {add = true, strides = array<i32>} : memref<2x160x128xf32, #tpu.memory_space<vmem>>, vector<16xf32>,
        %mul3A_330 = arith.mulf %gather3A_307, %gather3A : vector<16xf32>
        %swap3A_331 = arith.index_cast %select_n3A_160 : i32 to index
        %swap3A_332 = arith.index_cast %add3A_271 : i32 to index
        %swap3A_333 = arith.constant 64 : index
        %swap3A_334 = tpu.vector_load %arg10[%swap3A_331, %swap3A_332, %swap3A_333] {strides = array<i32>} : memref<2x160x128xf32, #tpu.memory_space<vmem>>, vector<16xf32>,
        tpu.vector_store %arg10[%swap3A_331, %swap3A_332, %swap3A_333], %mul3A_330 {add = true, strides = array<i32>} : memref<2x160x128xf32, #tpu.memory_space<vmem>>, vector<16xf32>,
        %mul3A_335 = arith.mulf %gather3A_308, %gather3A : vector<16xf32>
        %swap3A_336 = arith.index_cast %select_n3A_160 : i32 to index
        %swap3A_337 = arith.index_cast %add3A_271 : i32 to index
        %swap3A_338 = arith.constant 80 : index
        %swap3A_339 = tpu.vector_load %arg10[%swap3A_336, %swap3A_337, %swap3A_338] {strides = array<i32>} : memref<2x160x128xf32, #tpu.memory_space<vmem>>, vector<16xf32>,
        tpu.vector_store %arg10[%swap3A_336, %swap3A_337, %swap3A_338], %mul3A_335 {add = true, strides = array<i32>} : memref<2x160x128xf32, #tpu.memory_space<vmem>>, vector<16xf32>,
        %mul3A_340 = arith.mulf %gather3A_309, %gather3A : vector<16xf32>
        %swap3A_341 = arith.index_cast %select_n3A_160 : i32 to index
        %swap3A_342 = arith.index_cast %add3A_271 : i32 to index
        %swap3A_343 = arith.constant 96 : index
        %swap3A_344 = tpu.vector_load %arg10[%swap3A_341, %swap3A_342, %swap3A_343] {strides = array<i32>} : memref<2x160x128xf32, #tpu.memory_space<vmem>>, vector<16xf32>,
        tpu.vector_store %arg10[%swap3A_341, %swap3A_342, %swap3A_343], %mul3A_340 {add = true, strides = array<i32>} : memref<2x160x128xf32, #tpu.memory_space<vmem>>, vector<16xf32>,
        %mul3A_345 = arith.mulf %gather3A_310, %gather3A : vector<16xf32>
        %swap3A_346 = arith.index_cast %select_n3A_160 : i32 to index
        %swap3A_347 = arith.index_cast %add3A_271 : i32 to index
        %swap3A_348 = arith.constant 112 : index
        %swap3A_349 = tpu.vector_load %arg10[%swap3A_346, %swap3A_347, %swap3A_348] {strides = array<i32>} : memref<2x160x128xf32, #tpu.memory_space<vmem>>, vector<16xf32>,
        tpu.vector_store %arg10[%swap3A_346, %swap3A_347, %swap3A_348], %mul3A_345 {add = true, strides = array<i32>} : memref<2x160x128xf32, #tpu.memory_space<vmem>>, vector<16xf32>,
        %scan3A_350 = arith.constant 1 : i32
        %scan3A_351 = arith.addi %scan3A_265, %scan3A_350 : i32
        %mul3A_352 = arith.constant 1 : i32
        %mul3A_353 = arith.muli %scan3A_351, %mul3A_352 : i32
        %add3A_354 = arith.constant 0 : i32
        %add3A_355 = arith.addi %add3A_354, %mul3A_353 : i32
        %add3A_356 = arith.constant 0 : i32
        %add3A_357 = arith.addi %add3A_356, %add3A_355 : i32
        %get3A_358 = arith.index_cast %select_n3A_160 : i32 to index
        %get3A_359 = arith.index_cast %add3A_357 : i32 to index
        %get3A_360 = arith.constant 0 : index
        %get3A_361 = tpu.vector_load %arg9[%get3A_358, %get3A_359, %get3A_360] {strides = array<i32>} : memref<2x160x128xi32, #tpu.memory_space<vmem>>, vector<16xi32>,
        %get3A_362 = arith.index_cast %select_n3A_160 : i32 to index
        %get3A_363 = arith.index_cast %add3A_357 : i32 to index
        %get3A_364 = arith.constant 16 : index
        %get3A_365 = tpu.vector_load %arg9[%get3A_362, %get3A_363, %get3A_364] {strides = array<i32>} : memref<2x160x128xi32, #tpu.memory_space<vmem>>, vector<16xi32>,
        %get3A_366 = arith.index_cast %select_n3A_160 : i32 to index
        %get3A_367 = arith.index_cast %add3A_357 : i32 to index
        %get3A_368 = arith.constant 32 : index
        %get3A_369 = tpu.vector_load %arg9[%get3A_366, %get3A_367, %get3A_368] {strides = array<i32>} : memref<2x160x128xi32, #tpu.memory_space<vmem>>, vector<16xi32>,
        %get3A_370 = arith.index_cast %select_n3A_160 : i32 to index
        %get3A_371 = arith.index_cast %add3A_357 : i32 to index
        %get3A_372 = arith.constant 48 : index
        %get3A_373 = tpu.vector_load %arg9[%get3A_370, %get3A_371, %get3A_372] {strides = array<i32>} : memref<2x160x128xi32, #tpu.memory_space<vmem>>, vector<16xi32>,
        %get3A_374 = arith.index_cast %select_n3A_160 : i32 to index
        %get3A_375 = arith.index_cast %add3A_357 : i32 to index
        %get3A_376 = arith.constant 64 : index
        %get3A_377 = tpu.vector_load %arg9[%get3A_374, %get3A_375, %get3A_376] {strides = array<i32>} : memref<2x160x128xi32, #tpu.memory_space<vmem>>, vector<16xi32>,
        %get3A_378 = arith.index_cast %select_n3A_160 : i32 to index
        %get3A_379 = arith.index_cast %add3A_357 : i32 to index
        %get3A_380 = arith.constant 80 : index
        %get3A_381 = tpu.vector_load %arg9[%get3A_378, %get3A_379, %get3A_380] {strides = array<i32>} : memref<2x160x128xi32, #tpu.memory_space<vmem>>, vector<16xi32>,
        %get3A_382 = arith.index_cast %select_n3A_160 : i32 to index
        %get3A_383 = arith.index_cast %add3A_357 : i32 to index
        %get3A_384 = arith.constant 96 : index
        %get3A_385 = tpu.vector_load %arg9[%get3A_382, %get3A_383, %get3A_384] {strides = array<i32>} : memref<2x160x128xi32, #tpu.memory_space<vmem>>, vector<16xi32>,
        %get3A_386 = arith.index_cast %select_n3A_160 : i32 to index
        %get3A_387 = arith.index_cast %add3A_357 : i32 to index
        %get3A_388 = arith.constant 112 : index
        %get3A_389 = tpu.vector_load %arg9[%get3A_386, %get3A_387, %get3A_388] {strides = array<i32>} : memref<2x160x128xi32, #tpu.memory_space<vmem>>, vector<16xi32>,
        %gather3A_390 = tpu.vector_load_idx %arg7[%get3A_361] : memref<256xf32, #tpu.memory_space<vmem>>[vector<16xi32>], vector<16xf32>,
        %gather3A_391 = tpu.vector_load_idx %arg7[%get3A_365] : memref<256xf32, #tpu.memory_space<vmem>>[vector<16xi32>], vector<16xf32>,
        %gather3A_392 = tpu.vector_load_idx %arg7[%get3A_369] : memref<256xf32, #tpu.memory_space<vmem>>[vector<16xi32>], vector<16xf32>,
        %gather3A_393 = tpu.vector_load_idx %arg7[%get3A_373] : memref<256xf32, #tpu.memory_space<vmem>>[vector<16xi32>], vector<16xf32>,
        %gather3A_394 = tpu.vector_load_idx %arg7[%get3A_377] : memref<256xf32, #tpu.memory_space<vmem>>[vector<16xi32>], vector<16xf32>,
        %gather3A_395 = tpu.vector_load_idx %arg7[%get3A_381] : memref<256xf32, #tpu.memory_space<vmem>>[vector<16xi32>], vector<16xf32>,
        %gather3A_396 = tpu.vector_load_idx %arg7[%get3A_385] : memref<256xf32, #tpu.memory_space<vmem>>[vector<16xi32>], vector<16xf32>,
        %gather3A_397 = tpu.vector_load_idx %arg7[%get3A_389] : memref<256xf32, #tpu.memory_space<vmem>>[vector<16xi32>], vector<16xf32>,
        %mul3A_398 = arith.mulf %gather3A_390, %gather3A : vector<16xf32>
        %swap3A_399 = arith.index_cast %select_n3A_160 : i32 to index
        %swap3A_400 = arith.index_cast %add3A_357 : i32 to index
        %swap3A_401 = arith.constant 0 : index
        %swap3A_402 = tpu.vector_load %arg10[%swap3A_399, %swap3A_400, %swap3A_401] {strides = array<i32>} : memref<2x160x128xf32, #tpu.memory_space<vmem>>, vector<16xf32>,
        tpu.vector_store %arg10[%swap3A_399, %swap3A_400, %swap3A_401], %mul3A_398 {add = true, strides = array<i32>} : memref<2x160x128xf32, #tpu.memory_space<vmem>>, vector<16xf32>,
        %mul3A_403 = arith.mulf %gather3A_391, %gather3A : vector<16xf32>
        %swap3A_404 = arith.index_cast %select_n3A_160 : i32 to index
        %swap3A_405 = arith.index_cast %add3A_357 : i32 to index
        %swap3A_406 = arith.constant 16 : index
        %swap3A_407 = tpu.vector_load %arg10[%swap3A_404, %swap3A_405, %swap3A_406] {strides = array<i32>} : memref<2x160x128xf32, #tpu.memory_space<vmem>>, vector<16xf32>,
        tpu.vector_store %arg10[%swap3A_404, %swap3A_405, %swap3A_406], %mul3A_403 {add = true, strides = array<i32>} : memref<2x160x128xf32, #tpu.memory_space<vmem>>, vector<16xf32>,
        %mul3A_408 = arith.mulf %gather3A_392, %gather3A : vector<16xf32>
        %swap3A_409 = arith.index_cast %select_n3A_160 : i32 to index
        %swap3A_410 = arith.index_cast %add3A_357 : i32 to index
        %swap3A_411 = arith.constant 32 : index
        %swap3A_412 = tpu.vector_load %arg10[%swap3A_409, %swap3A_410, %swap3A_411] {strides = array<i32>} : memref<2x160x128xf32, #tpu.memory_space<vmem>>, vector<16xf32>,
        tpu.vector_store %arg10[%swap3A_409, %swap3A_410, %swap3A_411], %mul3A_408 {add = true, strides = array<i32>} : memref<2x160x128xf32, #tpu.memory_space<vmem>>, vector<16xf32>,
        %mul3A_413 = arith.mulf %gather3A_393, %gather3A : vector<16xf32>
        %swap3A_414 = arith.index_cast %select_n3A_160 : i32 to index
        %swap3A_415 = arith.index_cast %add3A_357 : i32 to index
        %swap3A_416 = arith.constant 48 : index
        %swap3A_417 = tpu.vector_load %arg10[%swap3A_414, %swap3A_415, %swap3A_416] {strides = array<i32>} : memref<2x160x128xf32, #tpu.memory_space<vmem>>, vector<16xf32>,
        tpu.vector_store %arg10[%swap3A_414, %swap3A_415, %swap3A_416], %mul3A_413 {add = true, strides = array<i32>} : memref<2x160x128xf32, #tpu.memory_space<vmem>>, vector<16xf32>,
        %mul3A_418 = arith.mulf %gather3A_394, %gather3A : vector<16xf32>
        %swap3A_419 = arith.index_cast %select_n3A_160 : i32 to index
        %swap3A_420 = arith.index_cast %add3A_357 : i32 to index
        %swap3A_421 = arith.constant 64 : index
        %swap3A_422 = tpu.vector_load %arg10[%swap3A_419, %swap3A_420, %swap3A_421] {strides = array<i32>} : memref<2x160x128xf32, #tpu.memory_space<vmem>>, vector<16xf32>,
        tpu.vector_store %arg10[%swap3A_419, %swap3A_420, %swap3A_421], %mul3A_418 {add = true, strides = array<i32>} : memref<2x160x128xf32, #tpu.memory_space<vmem>>, vector<16xf32>,
        %mul3A_423 = arith.mulf %gather3A_395, %gather3A : vector<16xf32>
        %swap3A_424 = arith.index_cast %select_n3A_160 : i32 to index
        %swap3A_425 = arith.index_cast %add3A_357 : i32 to index
        %swap3A_426 = arith.constant 80 : index
        %swap3A_427 = tpu.vector_load %arg10[%swap3A_424, %swap3A_425, %swap3A_426] {strides = array<i32>} : memref<2x160x128xf32, #tpu.memory_space<vmem>>, vector<16xf32>,
        tpu.vector_store %arg10[%swap3A_424, %swap3A_425, %swap3A_426], %mul3A_423 {add = true, strides = array<i32>} : memref<2x160x128xf32, #tpu.memory_space<vmem>>, vector<16xf32>,
        %mul3A_428 = arith.mulf %gather3A_396, %gather3A : vector<16xf32>
        %swap3A_429 = arith.index_cast %select_n3A_160 : i32 to index
        %swap3A_430 = arith.index_cast %add3A_357 : i32 to index
        %swap3A_431 = arith.constant 96 : index
        %swap3A_432 = tpu.vector_load %arg10[%swap3A_429, %swap3A_430, %swap3A_431] {strides = array<i32>} : memref<2x160x128xf32, #tpu.memory_space<vmem>>, vector<16xf32>,
        tpu.vector_store %arg10[%swap3A_429, %swap3A_430, %swap3A_431], %mul3A_428 {add = true, strides = array<i32>} : memref<2x160x128xf32, #tpu.memory_space<vmem>>, vector<16xf32>,
        %mul3A_433 = arith.mulf %gather3A_397, %gather3A : vector<16xf32>
        %swap3A_434 = arith.index_cast %select_n3A_160 : i32 to index
        %swap3A_435 = arith.index_cast %add3A_357 : i32 to index
        %swap3A_436 = arith.constant 112 : index
        %swap3A_437 = tpu.vector_load %arg10[%swap3A_434, %swap3A_435, %swap3A_436] {strides = array<i32>} : memref<2x160x128xf32, #tpu.memory_space<vmem>>, vector<16xf32>,
        tpu.vector_store %arg10[%swap3A_434, %swap3A_435, %swap3A_436], %mul3A_433 {add = true, strides = array<i32>} : memref<2x160x128xf32, #tpu.memory_space<vmem>>, vector<16xf32>,
      }
      %scan3A_204 = arith.constant 32 : i32
      %mul3A_205 = arith.constant 5 : i32
      %mul3A_206 = arith.muli %add3A_144, %mul3A_205 : i32
      %add3A_207 = arith.constant 1 : i32
      %add3A_208 = arith.addi %mul3A_206, %add3A_207 : i32
      %broadcast_in_dim3A_209 = vector.broadcast %add3A_208 : i32 to vector<16xi32>
      %gather3A_210 = tpu.vector_load_idx %arg8[%broadcast_in_dim3A_209] : memref<3200xf32, #tpu.memory_space<vmem>>[vector<16xi32>], vector<16xf32>,
      %scan3A_211 = arith.constant 0 : i32
      %scan3A_212 = arith.constant 32 : i32
      %scan3A_213 = arith.addi %scan3A_211, %scan3A_212 : i32
      %scan3A_214 = arith.constant 2 : i32
      scf.for %scan3A_265 = %scan3A_211 to %scan3A_213 step %scan3A_214  : i32 {
        %mul3A_266 = arith.constant 1 : i32
        %mul3A_267 = arith.muli %scan3A_265, %mul3A_266 : i32
        %add3A_268 = arith.constant 0 : i32
        %add3A_269 = arith.addi %add3A_268, %mul3A_267 : i32
        %add3A_270 = arith.constant 32 : i32
        %add3A_271 = arith.addi %add3A_270, %add3A_269 : i32
        %get3A = arith.index_cast %select_n3A_160 : i32 to index
        %get3A_272 = arith.index_cast %add3A_271 : i32 to index
        %get3A_273 = arith.constant 0 : index
        %get3A_274 = tpu.vector_load %arg9[%get3A, %get3A_272, %get3A_273] {strides = array<i32>} : memref<2x160x128xi32, #tpu.memory_space<vmem>>, vector<16xi32>,
        %get3A_275 = arith.index_cast %select_n3A_160 : i32 to index
        %get3A_276 = arith.index_cast %add3A_271 : i32 to index
        %get3A_277 = arith.constant 16 : index
        %get3A_278 = tpu.vector_load %arg9[%get3A_275, %get3A_276, %get3A_277] {strides = array<i32>} : memref<2x160x128xi32, #tpu.memory_space<vmem>>, vector<16xi32>,
        %get3A_279 = arith.index_cast %select_n3A_160 : i32 to index
        %get3A_280 = arith.index_cast %add3A_271 : i32 to index
        %get3A_281 = arith.constant 32 : index
        %get3A_282 = tpu.vector_load %arg9[%get3A_279, %get3A_280, %get3A_281] {strides = array<i32>} : memref<2x160x128xi32, #tpu.memory_space<vmem>>, vector<16xi32>,
        %get3A_283 = arith.index_cast %select_n3A_160 : i32 to index
        %get3A_284 = arith.index_cast %add3A_271 : i32 to index
        %get3A_285 = arith.constant 48 : index
        %get3A_286 = tpu.vector_load %arg9[%get3A_283, %get3A_284, %get3A_285] {strides = array<i32>} : memref<2x160x128xi32, #tpu.memory_space<vmem>>, vector<16xi32>,
        %get3A_287 = arith.index_cast %select_n3A_160 : i32 to index
        %get3A_288 = arith.index_cast %add3A_271 : i32 to index
        %get3A_289 = arith.constant 64 : index
        %get3A_290 = tpu.vector_load %arg9[%get3A_287, %get3A_288, %get3A_289] {strides = array<i32>} : memref<2x160x128xi32, #tpu.memory_space<vmem>>, vector<16xi32>,
        %get3A_291 = arith.index_cast %select_n3A_160 : i32 to index
        %get3A_292 = arith.index_cast %add3A_271 : i32 to index
        %get3A_293 = arith.constant 80 : index
        %get3A_294 = tpu.vector_load %arg9[%get3A_291, %get3A_292, %get3A_293] {strides = array<i32>} : memref<2x160x128xi32, #tpu.memory_space<vmem>>, vector<16xi32>,
        %get3A_295 = arith.index_cast %select_n3A_160 : i32 to index
        %get3A_296 = arith.index_cast %add3A_271 : i32 to index
        %get3A_297 = arith.constant 96 : index
        %get3A_298 = tpu.vector_load %arg9[%get3A_295, %get3A_296, %get3A_297] {strides = array<i32>} : memref<2x160x128xi32, #tpu.memory_space<vmem>>, vector<16xi32>,
        %get3A_299 = arith.index_cast %select_n3A_160 : i32 to index
        %get3A_300 = arith.index_cast %add3A_271 : i32 to index
        %get3A_301 = arith.constant 112 : index
        %get3A_302 = tpu.vector_load %arg9[%get3A_299, %get3A_300, %get3A_301] {strides = array<i32>} : memref<2x160x128xi32, #tpu.memory_space<vmem>>, vector<16xi32>,
        %gather3A_303 = tpu.vector_load_idx %arg7[%get3A_274] : memref<256xf32, #tpu.memory_space<vmem>>[vector<16xi32>], vector<16xf32>,
        %gather3A_304 = tpu.vector_load_idx %arg7[%get3A_278] : memref<256xf32, #tpu.memory_space<vmem>>[vector<16xi32>], vector<16xf32>,
        %gather3A_305 = tpu.vector_load_idx %arg7[%get3A_282] : memref<256xf32, #tpu.memory_space<vmem>>[vector<16xi32>], vector<16xf32>,
        %gather3A_306 = tpu.vector_load_idx %arg7[%get3A_286] : memref<256xf32, #tpu.memory_space<vmem>>[vector<16xi32>], vector<16xf32>,
        %gather3A_307 = tpu.vector_load_idx %arg7[%get3A_290] : memref<256xf32, #tpu.memory_space<vmem>>[vector<16xi32>], vector<16xf32>,
        %gather3A_308 = tpu.vector_load_idx %arg7[%get3A_294] : memref<256xf32, #tpu.memory_space<vmem>>[vector<16xi32>], vector<16xf32>,
        %gather3A_309 = tpu.vector_load_idx %arg7[%get3A_298] : memref<256xf32, #tpu.memory_space<vmem>>[vector<16xi32>], vector<16xf32>,
        %gather3A_310 = tpu.vector_load_idx %arg7[%get3A_302] : memref<256xf32, #tpu.memory_space<vmem>>[vector<16xi32>], vector<16xf32>,
        %mul3A_311 = arith.mulf %gather3A_303, %gather3A_210 : vector<16xf32>
        %swap3A = arith.index_cast %select_n3A_160 : i32 to index
        %swap3A_312 = arith.index_cast %add3A_271 : i32 to index
        %swap3A_313 = arith.constant 0 : index
        %swap3A_314 = tpu.vector_load %arg10[%swap3A, %swap3A_312, %swap3A_313] {strides = array<i32>} : memref<2x160x128xf32, #tpu.memory_space<vmem>>, vector<16xf32>,
        tpu.vector_store %arg10[%swap3A, %swap3A_312, %swap3A_313], %mul3A_311 {add = true, strides = array<i32>} : memref<2x160x128xf32, #tpu.memory_space<vmem>>, vector<16xf32>,
        %mul3A_315 = arith.mulf %gather3A_304, %gather3A_210 : vector<16xf32>
        %swap3A_316 = arith.index_cast %select_n3A_160 : i32 to index
        %swap3A_317 = arith.index_cast %add3A_271 : i32 to index
        %swap3A_318 = arith.constant 16 : index
        %swap3A_319 = tpu.vector_load %arg10[%swap3A_316, %swap3A_317, %swap3A_318] {strides = array<i32>} : memref<2x160x128xf32, #tpu.memory_space<vmem>>, vector<16xf32>,
        tpu.vector_store %arg10[%swap3A_316, %swap3A_317, %swap3A_318], %mul3A_315 {add = true, strides = array<i32>} : memref<2x160x128xf32, #tpu.memory_space<vmem>>, vector<16xf32>,
        %mul3A_320 = arith.mulf %gather3A_305, %gather3A_210 : vector<16xf32>
        %swap3A_321 = arith.index_cast %select_n3A_160 : i32 to index
        %swap3A_322 = arith.index_cast %add3A_271 : i32 to index
        %swap3A_323 = arith.constant 32 : index
        %swap3A_324 = tpu.vector_load %arg10[%swap3A_321, %swap3A_322, %swap3A_323] {strides = array<i32>} : memref<2x160x128xf32, #tpu.memory_space<vmem>>, vector<16xf32>,
        tpu.vector_store %arg10[%swap3A_321, %swap3A_322, %swap3A_323], %mul3A_320 {add = true, strides = array<i32>} : memref<2x160x128xf32, #tpu.memory_space<vmem>>, vector<16xf32>,
        %mul3A_325 = arith.mulf %gather3A_306, %gather3A_210 : vector<16xf32>
        %swap3A_326 = arith.index_cast %select_n3A_160 : i32 to index
        %swap3A_327 = arith.index_cast %add3A_271 : i32 to index
        %swap3A_328 = arith.constant 48 : index
        %swap3A_329 = tpu.vector_load %arg10[%swap3A_326, %swap3A_327, %swap3A_328] {strides = array<i32>} : memref<2x160x128xf32, #tpu.memory_space<vmem>>, vector<16xf32>,
        tpu.vector_store %arg10[%swap3A_326, %swap3A_327, %swap3A_328], %mul3A_325 {add = true, strides = array<i32>} : memref<2x160x128xf32, #tpu.memory_space<vmem>>, vector<16xf32>,
        %mul3A_330 = arith.mulf %gather3A_307, %gather3A_210 : vector<16xf32>
        %swap3A_331 = arith.index_cast %select_n3A_160 : i32 to index
        %swap3A_332 = arith.index_cast %add3A_271 : i32 to index
        %swap3A_333 = arith.constant 64 : index
        %swap3A_334 = tpu.vector_load %arg10[%swap3A_331, %swap3A_332, %swap3A_333] {strides = array<i32>} : memref<2x160x128xf32, #tpu.memory_space<vmem>>, vector<16xf32>,
        tpu.vector_store %arg10[%swap3A_331, %swap3A_332, %swap3A_333], %mul3A_330 {add = true, strides = array<i32>} : memref<2x160x128xf32, #tpu.memory_space<vmem>>, vector<16xf32>,
        %mul3A_335 = arith.mulf %gather3A_308, %gather3A_210 : vector<16xf32>
        %swap3A_336 = arith.index_cast %select_n3A_160 : i32 to index
        %swap3A_337 = arith.index_cast %add3A_271 : i32 to index
        %swap3A_338 = arith.constant 80 : index
        %swap3A_339 = tpu.vector_load %arg10[%swap3A_336, %swap3A_337, %swap3A_338] {strides = array<i32>} : memref<2x160x128xf32, #tpu.memory_space<vmem>>, vector<16xf32>,
        tpu.vector_store %arg10[%swap3A_336, %swap3A_337, %swap3A_338], %mul3A_335 {add = true, strides = array<i32>} : memref<2x160x128xf32, #tpu.memory_space<vmem>>, vector<16xf32>,
        %mul3A_340 = arith.mulf %gather3A_309, %gather3A_210 : vector<16xf32>
        %swap3A_341 = arith.index_cast %select_n3A_160 : i32 to index
        %swap3A_342 = arith.index_cast %add3A_271 : i32 to index
        %swap3A_343 = arith.constant 96 : index
        %swap3A_344 = tpu.vector_load %arg10[%swap3A_341, %swap3A_342, %swap3A_343] {strides = array<i32>} : memref<2x160x128xf32, #tpu.memory_space<vmem>>, vector<16xf32>,
        tpu.vector_store %arg10[%swap3A_341, %swap3A_342, %swap3A_343], %mul3A_340 {add = true, strides = array<i32>} : memref<2x160x128xf32, #tpu.memory_space<vmem>>, vector<16xf32>,
        %mul3A_345 = arith.mulf %gather3A_310, %gather3A_210 : vector<16xf32>
        %swap3A_346 = arith.index_cast %select_n3A_160 : i32 to index
        %swap3A_347 = arith.index_cast %add3A_271 : i32 to index
        %swap3A_348 = arith.constant 112 : index
        %swap3A_349 = tpu.vector_load %arg10[%swap3A_346, %swap3A_347, %swap3A_348] {strides = array<i32>} : memref<2x160x128xf32, #tpu.memory_space<vmem>>, vector<16xf32>,
        tpu.vector_store %arg10[%swap3A_346, %swap3A_347, %swap3A_348], %mul3A_345 {add = true, strides = array<i32>} : memref<2x160x128xf32, #tpu.memory_space<vmem>>, vector<16xf32>,
        %scan3A_350 = arith.constant 1 : i32
        %scan3A_351 = arith.addi %scan3A_265, %scan3A_350 : i32
        %mul3A_352 = arith.constant 1 : i32
        %mul3A_353 = arith.muli %scan3A_351, %mul3A_352 : i32
        %add3A_354 = arith.constant 0 : i32
        %add3A_355 = arith.addi %add3A_354, %mul3A_353 : i32
        %add3A_356 = arith.constant 32 : i32
        %add3A_357 = arith.addi %add3A_356, %add3A_355 : i32
        %get3A_358 = arith.index_cast %select_n3A_160 : i32 to index
        %get3A_359 = arith.index_cast %add3A_357 : i32 to index
        %get3A_360 = arith.constant 0 : index
        %get3A_361 = tpu.vector_load %arg9[%get3A_358, %get3A_359, %get3A_360] {strides = array<i32>} : memref<2x160x128xi32, #tpu.memory_space<vmem>>, vector<16xi32>,
        %get3A_362 = arith.index_cast %select_n3A_160 : i32 to index
        %get3A_363 = arith.index_cast %add3A_357 : i32 to index
        %get3A_364 = arith.constant 16 : index
        %get3A_365 = tpu.vector_load %arg9[%get3A_362, %get3A_363, %get3A_364] {strides = array<i32>} : memref<2x160x128xi32, #tpu.memory_space<vmem>>, vector<16xi32>,
        %get3A_366 = arith.index_cast %select_n3A_160 : i32 to index
        %get3A_367 = arith.index_cast %add3A_357 : i32 to index
        %get3A_368 = arith.constant 32 : index
        %get3A_369 = tpu.vector_load %arg9[%get3A_366, %get3A_367, %get3A_368] {strides = array<i32>} : memref<2x160x128xi32, #tpu.memory_space<vmem>>, vector<16xi32>,
        %get3A_370 = arith.index_cast %select_n3A_160 : i32 to index
        %get3A_371 = arith.index_cast %add3A_357 : i32 to index
        %get3A_372 = arith.constant 48 : index
        %get3A_373 = tpu.vector_load %arg9[%get3A_370, %get3A_371, %get3A_372] {strides = array<i32>} : memref<2x160x128xi32, #tpu.memory_space<vmem>>, vector<16xi32>,
        %get3A_374 = arith.index_cast %select_n3A_160 : i32 to index
        %get3A_375 = arith.index_cast %add3A_357 : i32 to index
        %get3A_376 = arith.constant 64 : index
        %get3A_377 = tpu.vector_load %arg9[%get3A_374, %get3A_375, %get3A_376] {strides = array<i32>} : memref<2x160x128xi32, #tpu.memory_space<vmem>>, vector<16xi32>,
        %get3A_378 = arith.index_cast %select_n3A_160 : i32 to index
        %get3A_379 = arith.index_cast %add3A_357 : i32 to index
        %get3A_380 = arith.constant 80 : index
        %get3A_381 = tpu.vector_load %arg9[%get3A_378, %get3A_379, %get3A_380] {strides = array<i32>} : memref<2x160x128xi32, #tpu.memory_space<vmem>>, vector<16xi32>,
        %get3A_382 = arith.index_cast %select_n3A_160 : i32 to index
        %get3A_383 = arith.index_cast %add3A_357 : i32 to index
        %get3A_384 = arith.constant 96 : index
        %get3A_385 = tpu.vector_load %arg9[%get3A_382, %get3A_383, %get3A_384] {strides = array<i32>} : memref<2x160x128xi32, #tpu.memory_space<vmem>>, vector<16xi32>,
        %get3A_386 = arith.index_cast %select_n3A_160 : i32 to index
        %get3A_387 = arith.index_cast %add3A_357 : i32 to index
        %get3A_388 = arith.constant 112 : index
        %get3A_389 = tpu.vector_load %arg9[%get3A_386, %get3A_387, %get3A_388] {strides = array<i32>} : memref<2x160x128xi32, #tpu.memory_space<vmem>>, vector<16xi32>,
        %gather3A_390 = tpu.vector_load_idx %arg7[%get3A_361] : memref<256xf32, #tpu.memory_space<vmem>>[vector<16xi32>], vector<16xf32>,
        %gather3A_391 = tpu.vector_load_idx %arg7[%get3A_365] : memref<256xf32, #tpu.memory_space<vmem>>[vector<16xi32>], vector<16xf32>,
        %gather3A_392 = tpu.vector_load_idx %arg7[%get3A_369] : memref<256xf32, #tpu.memory_space<vmem>>[vector<16xi32>], vector<16xf32>,
        %gather3A_393 = tpu.vector_load_idx %arg7[%get3A_373] : memref<256xf32, #tpu.memory_space<vmem>>[vector<16xi32>], vector<16xf32>,
        %gather3A_394 = tpu.vector_load_idx %arg7[%get3A_377] : memref<256xf32, #tpu.memory_space<vmem>>[vector<16xi32>], vector<16xf32>,
        %gather3A_395 = tpu.vector_load_idx %arg7[%get3A_381] : memref<256xf32, #tpu.memory_space<vmem>>[vector<16xi32>], vector<16xf32>,
        %gather3A_396 = tpu.vector_load_idx %arg7[%get3A_385] : memref<256xf32, #tpu.memory_space<vmem>>[vector<16xi32>], vector<16xf32>,
        %gather3A_397 = tpu.vector_load_idx %arg7[%get3A_389] : memref<256xf32, #tpu.memory_space<vmem>>[vector<16xi32>], vector<16xf32>,
        %mul3A_398 = arith.mulf %gather3A_390, %gather3A_210 : vector<16xf32>
        %swap3A_399 = arith.index_cast %select_n3A_160 : i32 to index
        %swap3A_400 = arith.index_cast %add3A_357 : i32 to index
        %swap3A_401 = arith.constant 0 : index
        %swap3A_402 = tpu.vector_load %arg10[%swap3A_399, %swap3A_400, %swap3A_401] {strides = array<i32>} : memref<2x160x128xf32, #tpu.memory_space<vmem>>, vector<16xf32>,
        tpu.vector_store %arg10[%swap3A_399, %swap3A_400, %swap3A_401], %mul3A_398 {add = true, strides = array<i32>} : memref<2x160x128xf32, #tpu.memory_space<vmem>>, vector<16xf32>,
        %mul3A_403 = arith.mulf %gather3A_391, %gather3A_210 : vector<16xf32>
        %swap3A_404 = arith.index_cast %select_n3A_160 : i32 to index
        %swap3A_405 = arith.index_cast %add3A_357 : i32 to index
        %swap3A_406 = arith.constant 16 : index
        %swap3A_407 = tpu.vector_load %arg10[%swap3A_404, %swap3A_405, %swap3A_406] {strides = array<i32>} : memref<2x160x128xf32, #tpu.memory_space<vmem>>, vector<16xf32>,
        tpu.vector_store %arg10[%swap3A_404, %swap3A_405, %swap3A_406], %mul3A_403 {add = true, strides = array<i32>} : memref<2x160x128xf32, #tpu.memory_space<vmem>>, vector<16xf32>,
        %mul3A_408 = arith.mulf %gather3A_392, %gather3A_210 : vector<16xf32>
        %swap3A_409 = arith.index_cast %select_n3A_160 : i32 to index
        %swap3A_410 = arith.index_cast %add3A_357 : i32 to index
        %swap3A_411 = arith.constant 32 : index
        %swap3A_412 = tpu.vector_load %arg10[%swap3A_409, %swap3A_410, %swap3A_411] {strides = array<i32>} : memref<2x160x128xf32, #tpu.memory_space<vmem>>, vector<16xf32>,
        tpu.vector_store %arg10[%swap3A_409, %swap3A_410, %swap3A_411], %mul3A_408 {add = true, strides = array<i32>} : memref<2x160x128xf32, #tpu.memory_space<vmem>>, vector<16xf32>,
        %mul3A_413 = arith.mulf %gather3A_393, %gather3A_210 : vector<16xf32>
        %swap3A_414 = arith.index_cast %select_n3A_160 : i32 to index
        %swap3A_415 = arith.index_cast %add3A_357 : i32 to index
        %swap3A_416 = arith.constant 48 : index
        %swap3A_417 = tpu.vector_load %arg10[%swap3A_414, %swap3A_415, %swap3A_416] {strides = array<i32>} : memref<2x160x128xf32, #tpu.memory_space<vmem>>, vector<16xf32>,
        tpu.vector_store %arg10[%swap3A_414, %swap3A_415, %swap3A_416], %mul3A_413 {add = true, strides = array<i32>} : memref<2x160x128xf32, #tpu.memory_space<vmem>>, vector<16xf32>,
        %mul3A_418 = arith.mulf %gather3A_394, %gather3A_210 : vector<16xf32>
        %swap3A_419 = arith.index_cast %select_n3A_160 : i32 to index
        %swap3A_420 = arith.index_cast %add3A_357 : i32 to index
        %swap3A_421 = arith.constant 64 : index
        %swap3A_422 = tpu.vector_load %arg10[%swap3A_419, %swap3A_420, %swap3A_421] {strides = array<i32>} : memref<2x160x128xf32, #tpu.memory_space<vmem>>, vector<16xf32>,
        tpu.vector_store %arg10[%swap3A_419, %swap3A_420, %swap3A_421], %mul3A_418 {add = true, strides = array<i32>} : memref<2x160x128xf32, #tpu.memory_space<vmem>>, vector<16xf32>,
        %mul3A_423 = arith.mulf %gather3A_395, %gather3A_210 : vector<16xf32>
        %swap3A_424 = arith.index_cast %select_n3A_160 : i32 to index
        %swap3A_425 = arith.index_cast %add3A_357 : i32 to index
        %swap3A_426 = arith.constant 80 : index
        %swap3A_427 = tpu.vector_load %arg10[%swap3A_424, %swap3A_425, %swap3A_426] {strides = array<i32>} : memref<2x160x128xf32, #tpu.memory_space<vmem>>, vector<16xf32>,
        tpu.vector_store %arg10[%swap3A_424, %swap3A_425, %swap3A_426], %mul3A_423 {add = true, strides = array<i32>} : memref<2x160x128xf32, #tpu.memory_space<vmem>>, vector<16xf32>,
        %mul3A_428 = arith.mulf %gather3A_396, %gather3A_210 : vector<16xf32>
        %swap3A_429 = arith.index_cast %select_n3A_160 : i32 to index
        %swap3A_430 = arith.index_cast %add3A_357 : i32 to index
        %swap3A_431 = arith.constant 96 : index
        %swap3A_432 = tpu.vector_load %arg10[%swap3A_429, %swap3A_430, %swap3A_431] {strides = array<i32>} : memref<2x160x128xf32, #tpu.memory_space<vmem>>, vector<16xf32>,
        tpu.vector_store %arg10[%swap3A_429, %swap3A_430, %swap3A_431], %mul3A_428 {add = true, strides = array<i32>} : memref<2x160x128xf32, #tpu.memory_space<vmem>>, vector<16xf32>,
        %mul3A_433 = arith.mulf %gather3A_397, %gather3A_210 : vector<16xf32>
        %swap3A_434 = arith.index_cast %select_n3A_160 : i32 to index
        %swap3A_435 = arith.index_cast %add3A_357 : i32 to index
        %swap3A_436 = arith.constant 112 : index
        %swap3A_437 = tpu.vector_load %arg10[%swap3A_434, %swap3A_435, %swap3A_436] {strides = array<i32>} : memref<2x160x128xf32, #tpu.memory_space<vmem>>, vector<16xf32>,
        tpu.vector_store %arg10[%swap3A_434, %swap3A_435, %swap3A_436], %mul3A_433 {add = true, strides = array<i32>} : memref<2x160x128xf32, #tpu.memory_space<vmem>>, vector<16xf32>,
      }
      %scan3A_215 = arith.constant 32 : i32
      %mul3A_216 = arith.constant 5 : i32
      %mul3A_217 = arith.muli %add3A_144, %mul3A_216 : i32
      %add3A_218 = arith.constant 2 : i32
      %add3A_219 = arith.addi %mul3A_217, %add3A_218 : i32
      %broadcast_in_dim3A_220 = vector.broadcast %add3A_219 : i32 to vector<16xi32>
      %gather3A_221 = tpu.vector_load_idx %arg8[%broadcast_in_dim3A_220] : memref<3200xf32, #tpu.memory_space<vmem>>[vector<16xi32>], vector<16xf32>,
      %scan3A_222 = arith.constant 0 : i32
      %scan3A_223 = arith.constant 32 : i32
      %scan3A_224 = arith.addi %scan3A_222, %scan3A_223 : i32
      %scan3A_225 = arith.constant 2 : i32
      scf.for %scan3A_265 = %scan3A_222 to %scan3A_224 step %scan3A_225  : i32 {
        %mul3A_266 = arith.constant 1 : i32
        %mul3A_267 = arith.muli %scan3A_265, %mul3A_266 : i32
        %add3A_268 = arith.constant 0 : i32
        %add3A_269 = arith.addi %add3A_268, %mul3A_267 : i32
        %add3A_270 = arith.constant 64 : i32
        %add3A_271 = arith.addi %add3A_270, %add3A_269 : i32
        %get3A = arith.index_cast %select_n3A_160 : i32 to index
        %get3A_272 = arith.index_cast %add3A_271 : i32 to index
        %get3A_273 = arith.constant 0 : index
        %get3A_274 = tpu.vector_load %arg9[%get3A, %get3A_272, %get3A_273] {strides = array<i32>} : memref<2x160x128xi32, #tpu.memory_space<vmem>>, vector<16xi32>,
        %get3A_275 = arith.index_cast %select_n3A_160 : i32 to index
        %get3A_276 = arith.index_cast %add3A_271 : i32 to index
        %get3A_277 = arith.constant 16 : index
        %get3A_278 = tpu.vector_load %arg9[%get3A_275, %get3A_276, %get3A_277] {strides = array<i32>} : memref<2x160x128xi32, #tpu.memory_space<vmem>>, vector<16xi32>,
        %get3A_279 = arith.index_cast %select_n3A_160 : i32 to index
        %get3A_280 = arith.index_cast %add3A_271 : i32 to index
        %get3A_281 = arith.constant 32 : index
        %get3A_282 = tpu.vector_load %arg9[%get3A_279, %get3A_280, %get3A_281] {strides = array<i32>} : memref<2x160x128xi32, #tpu.memory_space<vmem>>, vector<16xi32>,
        %get3A_283 = arith.index_cast %select_n3A_160 : i32 to index
        %get3A_284 = arith.index_cast %add3A_271 : i32 to index
        %get3A_285 = arith.constant 48 : index
        %get3A_286 = tpu.vector_load %arg9[%get3A_283, %get3A_284, %get3A_285] {strides = array<i32>} : memref<2x160x128xi32, #tpu.memory_space<vmem>>, vector<16xi32>,
        %get3A_287 = arith.index_cast %select_n3A_160 : i32 to index
        %get3A_288 = arith.index_cast %add3A_271 : i32 to index
        %get3A_289 = arith.constant 64 : index
        %get3A_290 = tpu.vector_load %arg9[%get3A_287, %get3A_288, %get3A_289] {strides = array<i32>} : memref<2x160x128xi32, #tpu.memory_space<vmem>>, vector<16xi32>,
        %get3A_291 = arith.index_cast %select_n3A_160 : i32 to index
        %get3A_292 = arith.index_cast %add3A_271 : i32 to index
        %get3A_293 = arith.constant 80 : index
        %get3A_294 = tpu.vector_load %arg9[%get3A_291, %get3A_292, %get3A_293] {strides = array<i32>} : memref<2x160x128xi32, #tpu.memory_space<vmem>>, vector<16xi32>,
        %get3A_295 = arith.index_cast %select_n3A_160 : i32 to index
        %get3A_296 = arith.index_cast %add3A_271 : i32 to index
        %get3A_297 = arith.constant 96 : index
        %get3A_298 = tpu.vector_load %arg9[%get3A_295, %get3A_296, %get3A_297] {strides = array<i32>} : memref<2x160x128xi32, #tpu.memory_space<vmem>>, vector<16xi32>,
        %get3A_299 = arith.index_cast %select_n3A_160 : i32 to index
        %get3A_300 = arith.index_cast %add3A_271 : i32 to index
        %get3A_301 = arith.constant 112 : index
        %get3A_302 = tpu.vector_load %arg9[%get3A_299, %get3A_300, %get3A_301] {strides = array<i32>} : memref<2x160x128xi32, #tpu.memory_space<vmem>>, vector<16xi32>,
        %gather3A_303 = tpu.vector_load_idx %arg7[%get3A_274] : memref<256xf32, #tpu.memory_space<vmem>>[vector<16xi32>], vector<16xf32>,
        %gather3A_304 = tpu.vector_load_idx %arg7[%get3A_278] : memref<256xf32, #tpu.memory_space<vmem>>[vector<16xi32>], vector<16xf32>,
        %gather3A_305 = tpu.vector_load_idx %arg7[%get3A_282] : memref<256xf32, #tpu.memory_space<vmem>>[vector<16xi32>], vector<16xf32>,
        %gather3A_306 = tpu.vector_load_idx %arg7[%get3A_286] : memref<256xf32, #tpu.memory_space<vmem>>[vector<16xi32>], vector<16xf32>,
        %gather3A_307 = tpu.vector_load_idx %arg7[%get3A_290] : memref<256xf32, #tpu.memory_space<vmem>>[vector<16xi32>], vector<16xf32>,
        %gather3A_308 = tpu.vector_load_idx %arg7[%get3A_294] : memref<256xf32, #tpu.memory_space<vmem>>[vector<16xi32>], vector<16xf32>,
        %gather3A_309 = tpu.vector_load_idx %arg7[%get3A_298] : memref<256xf32, #tpu.memory_space<vmem>>[vector<16xi32>], vector<16xf32>,
        %gather3A_310 = tpu.vector_load_idx %arg7[%get3A_302] : memref<256xf32, #tpu.memory_space<vmem>>[vector<16xi32>], vector<16xf32>,
        %mul3A_311 = arith.mulf %gather3A_303, %gather3A_221 : vector<16xf32>
        %swap3A = arith.index_cast %select_n3A_160 : i32 to index
        %swap3A_312 = arith.index_cast %add3A_271 : i32 to index
        %swap3A_313 = arith.constant 0 : index
        %swap3A_314 = tpu.vector_load %arg10[%swap3A, %swap3A_312, %swap3A_313] {strides = array<i32>} : memref<2x160x128xf32, #tpu.memory_space<vmem>>, vector<16xf32>,
        tpu.vector_store %arg10[%swap3A, %swap3A_312, %swap3A_313], %mul3A_311 {add = true, strides = array<i32>} : memref<2x160x128xf32, #tpu.memory_space<vmem>>, vector<16xf32>,
        %mul3A_315 = arith.mulf %gather3A_304, %gather3A_221 : vector<16xf32>
        %swap3A_316 = arith.index_cast %select_n3A_160 : i32 to index
        %swap3A_317 = arith.index_cast %add3A_271 : i32 to index
        %swap3A_318 = arith.constant 16 : index
        %swap3A_319 = tpu.vector_load %arg10[%swap3A_316, %swap3A_317, %swap3A_318] {strides = array<i32>} : memref<2x160x128xf32, #tpu.memory_space<vmem>>, vector<16xf32>,
        tpu.vector_store %arg10[%swap3A_316, %swap3A_317, %swap3A_318], %mul3A_315 {add = true, strides = array<i32>} : memref<2x160x128xf32, #tpu.memory_space<vmem>>, vector<16xf32>,
        %mul3A_320 = arith.mulf %gather3A_305, %gather3A_221 : vector<16xf32>
        %swap3A_321 = arith.index_cast %select_n3A_160 : i32 to index
        %swap3A_322 = arith.index_cast %add3A_271 : i32 to index
        %swap3A_323 = arith.constant 32 : index
        %swap3A_324 = tpu.vector_load %arg10[%swap3A_321, %swap3A_322, %swap3A_323] {strides = array<i32>} : memref<2x160x128xf32, #tpu.memory_space<vmem>>, vector<16xf32>,
        tpu.vector_store %arg10[%swap3A_321, %swap3A_322, %swap3A_323], %mul3A_320 {add = true, strides = array<i32>} : memref<2x160x128xf32, #tpu.memory_space<vmem>>, vector<16xf32>,
        %mul3A_325 = arith.mulf %gather3A_306, %gather3A_221 : vector<16xf32>
        %swap3A_326 = arith.index_cast %select_n3A_160 : i32 to index
        %swap3A_327 = arith.index_cast %add3A_271 : i32 to index
        %swap3A_328 = arith.constant 48 : index
        %swap3A_329 = tpu.vector_load %arg10[%swap3A_326, %swap3A_327, %swap3A_328] {strides = array<i32>} : memref<2x160x128xf32, #tpu.memory_space<vmem>>, vector<16xf32>,
        tpu.vector_store %arg10[%swap3A_326, %swap3A_327, %swap3A_328], %mul3A_325 {add = true, strides = array<i32>} : memref<2x160x128xf32, #tpu.memory_space<vmem>>, vector<16xf32>,
        %mul3A_330 = arith.mulf %gather3A_307, %gather3A_221 : vector<16xf32>
        %swap3A_331 = arith.index_cast %select_n3A_160 : i32 to index
        %swap3A_332 = arith.index_cast %add3A_271 : i32 to index
        %swap3A_333 = arith.constant 64 : index
        %swap3A_334 = tpu.vector_load %arg10[%swap3A_331, %swap3A_332, %swap3A_333] {strides = array<i32>} : memref<2x160x128xf32, #tpu.memory_space<vmem>>, vector<16xf32>,
        tpu.vector_store %arg10[%swap3A_331, %swap3A_332, %swap3A_333], %mul3A_330 {add = true, strides = array<i32>} : memref<2x160x128xf32, #tpu.memory_space<vmem>>, vector<16xf32>,
        %mul3A_335 = arith.mulf %gather3A_308, %gather3A_221 : vector<16xf32>
        %swap3A_336 = arith.index_cast %select_n3A_160 : i32 to index
        %swap3A_337 = arith.index_cast %add3A_271 : i32 to index
        %swap3A_338 = arith.constant 80 : index
        %swap3A_339 = tpu.vector_load %arg10[%swap3A_336, %swap3A_337, %swap3A_338] {strides = array<i32>} : memref<2x160x128xf32, #tpu.memory_space<vmem>>, vector<16xf32>,
        tpu.vector_store %arg10[%swap3A_336, %swap3A_337, %swap3A_338], %mul3A_335 {add = true, strides = array<i32>} : memref<2x160x128xf32, #tpu.memory_space<vmem>>, vector<16xf32>,
        %mul3A_340 = arith.mulf %gather3A_309, %gather3A_221 : vector<16xf32>
        %swap3A_341 = arith.index_cast %select_n3A_160 : i32 to index
        %swap3A_342 = arith.index_cast %add3A_271 : i32 to index
        %swap3A_343 = arith.constant 96 : index
        %swap3A_344 = tpu.vector_load %arg10[%swap3A_341, %swap3A_342, %swap3A_343] {strides = array<i32>} : memref<2x160x128xf32, #tpu.memory_space<vmem>>, vector<16xf32>,
        tpu.vector_store %arg10[%swap3A_341, %swap3A_342, %swap3A_343], %mul3A_340 {add = true, strides = array<i32>} : memref<2x160x128xf32, #tpu.memory_space<vmem>>, vector<16xf32>,
        %mul3A_345 = arith.mulf %gather3A_310, %gather3A_221 : vector<16xf32>
        %swap3A_346 = arith.index_cast %select_n3A_160 : i32 to index
        %swap3A_347 = arith.index_cast %add3A_271 : i32 to index
        %swap3A_348 = arith.constant 112 : index
        %swap3A_349 = tpu.vector_load %arg10[%swap3A_346, %swap3A_347, %swap3A_348] {strides = array<i32>} : memref<2x160x128xf32, #tpu.memory_space<vmem>>, vector<16xf32>,
        tpu.vector_store %arg10[%swap3A_346, %swap3A_347, %swap3A_348], %mul3A_345 {add = true, strides = array<i32>} : memref<2x160x128xf32, #tpu.memory_space<vmem>>, vector<16xf32>,
        %scan3A_350 = arith.constant 1 : i32
        %scan3A_351 = arith.addi %scan3A_265, %scan3A_350 : i32
        %mul3A_352 = arith.constant 1 : i32
        %mul3A_353 = arith.muli %scan3A_351, %mul3A_352 : i32
        %add3A_354 = arith.constant 0 : i32
        %add3A_355 = arith.addi %add3A_354, %mul3A_353 : i32
        %add3A_356 = arith.constant 64 : i32
        %add3A_357 = arith.addi %add3A_356, %add3A_355 : i32
        %get3A_358 = arith.index_cast %select_n3A_160 : i32 to index
        %get3A_359 = arith.index_cast %add3A_357 : i32 to index
        %get3A_360 = arith.constant 0 : index
        %get3A_361 = tpu.vector_load %arg9[%get3A_358, %get3A_359, %get3A_360] {strides = array<i32>} : memref<2x160x128xi32, #tpu.memory_space<vmem>>, vector<16xi32>,
        %get3A_362 = arith.index_cast %select_n3A_160 : i32 to index
        %get3A_363 = arith.index_cast %add3A_357 : i32 to index
        %get3A_364 = arith.constant 16 : index
        %get3A_365 = tpu.vector_load %arg9[%get3A_362, %get3A_363, %get3A_364] {strides = array<i32>} : memref<2x160x128xi32, #tpu.memory_space<vmem>>, vector<16xi32>,
        %get3A_366 = arith.index_cast %select_n3A_160 : i32 to index
        %get3A_367 = arith.index_cast %add3A_357 : i32 to index
        %get3A_368 = arith.constant 32 : index
        %get3A_369 = tpu.vector_load %arg9[%get3A_366, %get3A_367, %get3A_368] {strides = array<i32>} : memref<2x160x128xi32, #tpu.memory_space<vmem>>, vector<16xi32>,
        %get3A_370 = arith.index_cast %select_n3A_160 : i32 to index
        %get3A_371 = arith.index_cast %add3A_357 : i32 to index
        %get3A_372 = arith.constant 48 : index
        %get3A_373 = tpu.vector_load %arg9[%get3A_370, %get3A_371, %get3A_372] {strides = array<i32>} : memref<2x160x128xi32, #tpu.memory_space<vmem>>, vector<16xi32>,
        %get3A_374 = arith.index_cast %select_n3A_160 : i32 to index
        %get3A_375 = arith.index_cast %add3A_357 : i32 to index
        %get3A_376 = arith.constant 64 : index
        %get3A_377 = tpu.vector_load %arg9[%get3A_374, %get3A_375, %get3A_376] {strides = array<i32>} : memref<2x160x128xi32, #tpu.memory_space<vmem>>, vector<16xi32>,
        %get3A_378 = arith.index_cast %select_n3A_160 : i32 to index
        %get3A_379 = arith.index_cast %add3A_357 : i32 to index
        %get3A_380 = arith.constant 80 : index
        %get3A_381 = tpu.vector_load %arg9[%get3A_378, %get3A_379, %get3A_380] {strides = array<i32>} : memref<2x160x128xi32, #tpu.memory_space<vmem>>, vector<16xi32>,
        %get3A_382 = arith.index_cast %select_n3A_160 : i32 to index
        %get3A_383 = arith.index_cast %add3A_357 : i32 to index
        %get3A_384 = arith.constant 96 : index
        %get3A_385 = tpu.vector_load %arg9[%get3A_382, %get3A_383, %get3A_384] {strides = array<i32>} : memref<2x160x128xi32, #tpu.memory_space<vmem>>, vector<16xi32>,
        %get3A_386 = arith.index_cast %select_n3A_160 : i32 to index
        %get3A_387 = arith.index_cast %add3A_357 : i32 to index
        %get3A_388 = arith.constant 112 : index
        %get3A_389 = tpu.vector_load %arg9[%get3A_386, %get3A_387, %get3A_388] {strides = array<i32>} : memref<2x160x128xi32, #tpu.memory_space<vmem>>, vector<16xi32>,
        %gather3A_390 = tpu.vector_load_idx %arg7[%get3A_361] : memref<256xf32, #tpu.memory_space<vmem>>[vector<16xi32>], vector<16xf32>,
        %gather3A_391 = tpu.vector_load_idx %arg7[%get3A_365] : memref<256xf32, #tpu.memory_space<vmem>>[vector<16xi32>], vector<16xf32>,
        %gather3A_392 = tpu.vector_load_idx %arg7[%get3A_369] : memref<256xf32, #tpu.memory_space<vmem>>[vector<16xi32>], vector<16xf32>,
        %gather3A_393 = tpu.vector_load_idx %arg7[%get3A_373] : memref<256xf32, #tpu.memory_space<vmem>>[vector<16xi32>], vector<16xf32>,
        %gather3A_394 = tpu.vector_load_idx %arg7[%get3A_377] : memref<256xf32, #tpu.memory_space<vmem>>[vector<16xi32>], vector<16xf32>,
        %gather3A_395 = tpu.vector_load_idx %arg7[%get3A_381] : memref<256xf32, #tpu.memory_space<vmem>>[vector<16xi32>], vector<16xf32>,
        %gather3A_396 = tpu.vector_load_idx %arg7[%get3A_385] : memref<256xf32, #tpu.memory_space<vmem>>[vector<16xi32>], vector<16xf32>,
        %gather3A_397 = tpu.vector_load_idx %arg7[%get3A_389] : memref<256xf32, #tpu.memory_space<vmem>>[vector<16xi32>], vector<16xf32>,
        %mul3A_398 = arith.mulf %gather3A_390, %gather3A_221 : vector<16xf32>
        %swap3A_399 = arith.index_cast %select_n3A_160 : i32 to index
        %swap3A_400 = arith.index_cast %add3A_357 : i32 to index
        %swap3A_401 = arith.constant 0 : index
        %swap3A_402 = tpu.vector_load %arg10[%swap3A_399, %swap3A_400, %swap3A_401] {strides = array<i32>} : memref<2x160x128xf32, #tpu.memory_space<vmem>>, vector<16xf32>,
        tpu.vector_store %arg10[%swap3A_399, %swap3A_400, %swap3A_401], %mul3A_398 {add = true, strides = array<i32>} : memref<2x160x128xf32, #tpu.memory_space<vmem>>, vector<16xf32>,
        %mul3A_403 = arith.mulf %gather3A_391, %gather3A_221 : vector<16xf32>
        %swap3A_404 = arith.index_cast %select_n3A_160 : i32 to index
        %swap3A_405 = arith.index_cast %add3A_357 : i32 to index
        %swap3A_406 = arith.constant 16 : index
        %swap3A_407 = tpu.vector_load %arg10[%swap3A_404, %swap3A_405, %swap3A_406] {strides = array<i32>} : memref<2x160x128xf32, #tpu.memory_space<vmem>>, vector<16xf32>,
        tpu.vector_store %arg10[%swap3A_404, %swap3A_405, %swap3A_406], %mul3A_403 {add = true, strides = array<i32>} : memref<2x160x128xf32, #tpu.memory_space<vmem>>, vector<16xf32>,
        %mul3A_408 = arith.mulf %gather3A_392, %gather3A_221 : vector<16xf32>
        %swap3A_409 = arith.index_cast %select_n3A_160 : i32 to index
        %swap3A_410 = arith.index_cast %add3A_357 : i32 to index
        %swap3A_411 = arith.constant 32 : index
        %swap3A_412 = tpu.vector_load %arg10[%swap3A_409, %swap3A_410, %swap3A_411] {strides = array<i32>} : memref<2x160x128xf32, #tpu.memory_space<vmem>>, vector<16xf32>,
        tpu.vector_store %arg10[%swap3A_409, %swap3A_410, %swap3A_411], %mul3A_408 {add = true, strides = array<i32>} : memref<2x160x128xf32, #tpu.memory_space<vmem>>, vector<16xf32>,
        %mul3A_413 = arith.mulf %gather3A_393, %gather3A_221 : vector<16xf32>
        %swap3A_414 = arith.index_cast %select_n3A_160 : i32 to index
        %swap3A_415 = arith.index_cast %add3A_357 : i32 to index
        %swap3A_416 = arith.constant 48 : index
        %swap3A_417 = tpu.vector_load %arg10[%swap3A_414, %swap3A_415, %swap3A_416] {strides = array<i32>} : memref<2x160x128xf32, #tpu.memory_space<vmem>>, vector<16xf32>,
        tpu.vector_store %arg10[%swap3A_414, %swap3A_415, %swap3A_416], %mul3A_413 {add = true, strides = array<i32>} : memref<2x160x128xf32, #tpu.memory_space<vmem>>, vector<16xf32>,
        %mul3A_418 = arith.mulf %gather3A_394, %gather3A_221 : vector<16xf32>
        %swap3A_419 = arith.index_cast %select_n3A_160 : i32 to index
        %swap3A_420 = arith.index_cast %add3A_357 : i32 to index
        %swap3A_421 = arith.constant 64 : index
        %swap3A_422 = tpu.vector_load %arg10[%swap3A_419, %swap3A_420, %swap3A_421] {strides = array<i32>} : memref<2x160x128xf32, #tpu.memory_space<vmem>>, vector<16xf32>,
        tpu.vector_store %arg10[%swap3A_419, %swap3A_420, %swap3A_421], %mul3A_418 {add = true, strides = array<i32>} : memref<2x160x128xf32, #tpu.memory_space<vmem>>, vector<16xf32>,
        %mul3A_423 = arith.mulf %gather3A_395, %gather3A_221 : vector<16xf32>
        %swap3A_424 = arith.index_cast %select_n3A_160 : i32 to index
        %swap3A_425 = arith.index_cast %add3A_357 : i32 to index
        %swap3A_426 = arith.constant 80 : index
        %swap3A_427 = tpu.vector_load %arg10[%swap3A_424, %swap3A_425, %swap3A_426] {strides = array<i32>} : memref<2x160x128xf32, #tpu.memory_space<vmem>>, vector<16xf32>,
        tpu.vector_store %arg10[%swap3A_424, %swap3A_425, %swap3A_426], %mul3A_423 {add = true, strides = array<i32>} : memref<2x160x128xf32, #tpu.memory_space<vmem>>, vector<16xf32>,
        %mul3A_428 = arith.mulf %gather3A_396, %gather3A_221 : vector<16xf32>
        %swap3A_429 = arith.index_cast %select_n3A_160 : i32 to index
        %swap3A_430 = arith.index_cast %add3A_357 : i32 to index
        %swap3A_431 = arith.constant 96 : index
        %swap3A_432 = tpu.vector_load %arg10[%swap3A_429, %swap3A_430, %swap3A_431] {strides = array<i32>} : memref<2x160x128xf32, #tpu.memory_space<vmem>>, vector<16xf32>,
        tpu.vector_store %arg10[%swap3A_429, %swap3A_430, %swap3A_431], %mul3A_428 {add = true, strides = array<i32>} : memref<2x160x128xf32, #tpu.memory_space<vmem>>, vector<16xf32>,
        %mul3A_433 = arith.mulf %gather3A_397, %gather3A_221 : vector<16xf32>
        %swap3A_434 = arith.index_cast %select_n3A_160 : i32 to index
        %swap3A_435 = arith.index_cast %add3A_357 : i32 to index
        %swap3A_436 = arith.constant 112 : index
        %swap3A_437 = tpu.vector_load %arg10[%swap3A_434, %swap3A_435, %swap3A_436] {strides = array<i32>} : memref<2x160x128xf32, #tpu.memory_space<vmem>>, vector<16xf32>,
        tpu.vector_store %arg10[%swap3A_434, %swap3A_435, %swap3A_436], %mul3A_433 {add = true, strides = array<i32>} : memref<2x160x128xf32, #tpu.memory_space<vmem>>, vector<16xf32>,
      }
      %scan3A_226 = arith.constant 32 : i32
      %mul3A_227 = arith.constant 5 : i32
      %mul3A_228 = arith.muli %add3A_144, %mul3A_227 : i32
      %add3A_229 = arith.constant 3 : i32
      %add3A_230 = arith.addi %mul3A_228, %add3A_229 : i32
      %broadcast_in_dim3A_231 = vector.broadcast %add3A_230 : i32 to vector<16xi32>
      %gather3A_232 = tpu.vector_load_idx %arg8[%broadcast_in_dim3A_231] : memref<3200xf32, #tpu.memory_space<vmem>>[vector<16xi32>], vector<16xf32>,
      %scan3A_233 = arith.constant 0 : i32
      %scan3A_234 = arith.constant 32 : i32
      %scan3A_235 = arith.addi %scan3A_233, %scan3A_234 : i32
      %scan3A_236 = arith.constant 2 : i32
      scf.for %scan3A_265 = %scan3A_233 to %scan3A_235 step %scan3A_236  : i32 {
        %mul3A_266 = arith.constant 1 : i32
        %mul3A_267 = arith.muli %scan3A_265, %mul3A_266 : i32
        %add3A_268 = arith.constant 0 : i32
        %add3A_269 = arith.addi %add3A_268, %mul3A_267 : i32
        %add3A_270 = arith.constant 96 : i32
        %add3A_271 = arith.addi %add3A_270, %add3A_269 : i32
        %get3A = arith.index_cast %select_n3A_160 : i32 to index
        %get3A_272 = arith.index_cast %add3A_271 : i32 to index
        %get3A_273 = arith.constant 0 : index
        %get3A_274 = tpu.vector_load %arg9[%get3A, %get3A_272, %get3A_273] {strides = array<i32>} : memref<2x160x128xi32, #tpu.memory_space<vmem>>, vector<16xi32>,
        %get3A_275 = arith.index_cast %select_n3A_160 : i32 to index
        %get3A_276 = arith.index_cast %add3A_271 : i32 to index
        %get3A_277 = arith.constant 16 : index
        %get3A_278 = tpu.vector_load %arg9[%get3A_275, %get3A_276, %get3A_277] {strides = array<i32>} : memref<2x160x128xi32, #tpu.memory_space<vmem>>, vector<16xi32>,
        %get3A_279 = arith.index_cast %select_n3A_160 : i32 to index
        %get3A_280 = arith.index_cast %add3A_271 : i32 to index
        %get3A_281 = arith.constant 32 : index
        %get3A_282 = tpu.vector_load %arg9[%get3A_279, %get3A_280, %get3A_281] {strides = array<i32>} : memref<2x160x128xi32, #tpu.memory_space<vmem>>, vector<16xi32>,
        %get3A_283 = arith.index_cast %select_n3A_160 : i32 to index
        %get3A_284 = arith.index_cast %add3A_271 : i32 to index
        %get3A_285 = arith.constant 48 : index
        %get3A_286 = tpu.vector_load %arg9[%get3A_283, %get3A_284, %get3A_285] {strides = array<i32>} : memref<2x160x128xi32, #tpu.memory_space<vmem>>, vector<16xi32>,
        %get3A_287 = arith.index_cast %select_n3A_160 : i32 to index
        %get3A_288 = arith.index_cast %add3A_271 : i32 to index
        %get3A_289 = arith.constant 64 : index
        %get3A_290 = tpu.vector_load %arg9[%get3A_287, %get3A_288, %get3A_289] {strides = array<i32>} : memref<2x160x128xi32, #tpu.memory_space<vmem>>, vector<16xi32>,
        %get3A_291 = arith.index_cast %select_n3A_160 : i32 to index
        %get3A_292 = arith.index_cast %add3A_271 : i32 to index
        %get3A_293 = arith.constant 80 : index
        %get3A_294 = tpu.vector_load %arg9[%get3A_291, %get3A_292, %get3A_293] {strides = array<i32>} : memref<2x160x128xi32, #tpu.memory_space<vmem>>, vector<16xi32>,
        %get3A_295 = arith.index_cast %select_n3A_160 : i32 to index
        %get3A_296 = arith.index_cast %add3A_271 : i32 to index
        %get3A_297 = arith.constant 96 : index
        %get3A_298 = tpu.vector_load %arg9[%get3A_295, %get3A_296, %get3A_297] {strides = array<i32>} : memref<2x160x128xi32, #tpu.memory_space<vmem>>, vector<16xi32>,
        %get3A_299 = arith.index_cast %select_n3A_160 : i32 to index
        %get3A_300 = arith.index_cast %add3A_271 : i32 to index
        %get3A_301 = arith.constant 112 : index
        %get3A_302 = tpu.vector_load %arg9[%get3A_299, %get3A_300, %get3A_301] {strides = array<i32>} : memref<2x160x128xi32, #tpu.memory_space<vmem>>, vector<16xi32>,
        %gather3A_303 = tpu.vector_load_idx %arg7[%get3A_274] : memref<256xf32, #tpu.memory_space<vmem>>[vector<16xi32>], vector<16xf32>,
        %gather3A_304 = tpu.vector_load_idx %arg7[%get3A_278] : memref<256xf32, #tpu.memory_space<vmem>>[vector<16xi32>], vector<16xf32>,
        %gather3A_305 = tpu.vector_load_idx %arg7[%get3A_282] : memref<256xf32, #tpu.memory_space<vmem>>[vector<16xi32>], vector<16xf32>,
        %gather3A_306 = tpu.vector_load_idx %arg7[%get3A_286] : memref<256xf32, #tpu.memory_space<vmem>>[vector<16xi32>], vector<16xf32>,
        %gather3A_307 = tpu.vector_load_idx %arg7[%get3A_290] : memref<256xf32, #tpu.memory_space<vmem>>[vector<16xi32>], vector<16xf32>,
        %gather3A_308 = tpu.vector_load_idx %arg7[%get3A_294] : memref<256xf32, #tpu.memory_space<vmem>>[vector<16xi32>], vector<16xf32>,
        %gather3A_309 = tpu.vector_load_idx %arg7[%get3A_298] : memref<256xf32, #tpu.memory_space<vmem>>[vector<16xi32>], vector<16xf32>,
        %gather3A_310 = tpu.vector_load_idx %arg7[%get3A_302] : memref<256xf32, #tpu.memory_space<vmem>>[vector<16xi32>], vector<16xf32>,
        %mul3A_311 = arith.mulf %gather3A_303, %gather3A_232 : vector<16xf32>
        %swap3A = arith.index_cast %select_n3A_160 : i32 to index
        %swap3A_312 = arith.index_cast %add3A_271 : i32 to index
        %swap3A_313 = arith.constant 0 : index
        %swap3A_314 = tpu.vector_load %arg10[%swap3A, %swap3A_312, %swap3A_313] {strides = array<i32>} : memref<2x160x128xf32, #tpu.memory_space<vmem>>, vector<16xf32>,
        tpu.vector_store %arg10[%swap3A, %swap3A_312, %swap3A_313], %mul3A_311 {add = true, strides = array<i32>} : memref<2x160x128xf32, #tpu.memory_space<vmem>>, vector<16xf32>,
        %mul3A_315 = arith.mulf %gather3A_304, %gather3A_232 : vector<16xf32>
        %swap3A_316 = arith.index_cast %select_n3A_160 : i32 to index
        %swap3A_317 = arith.index_cast %add3A_271 : i32 to index
        %swap3A_318 = arith.constant 16 : index
        %swap3A_319 = tpu.vector_load %arg10[%swap3A_316, %swap3A_317, %swap3A_318] {strides = array<i32>} : memref<2x160x128xf32, #tpu.memory_space<vmem>>, vector<16xf32>,
        tpu.vector_store %arg10[%swap3A_316, %swap3A_317, %swap3A_318], %mul3A_315 {add = true, strides = array<i32>} : memref<2x160x128xf32, #tpu.memory_space<vmem>>, vector<16xf32>,
        %mul3A_320 = arith.mulf %gather3A_305, %gather3A_232 : vector<16xf32>
        %swap3A_321 = arith.index_cast %select_n3A_160 : i32 to index
        %swap3A_322 = arith.index_cast %add3A_271 : i32 to index
        %swap3A_323 = arith.constant 32 : index
        %swap3A_324 = tpu.vector_load %arg10[%swap3A_321, %swap3A_322, %swap3A_323] {strides = array<i32>} : memref<2x160x128xf32, #tpu.memory_space<vmem>>, vector<16xf32>,
        tpu.vector_store %arg10[%swap3A_321, %swap3A_322, %swap3A_323], %mul3A_320 {add = true, strides = array<i32>} : memref<2x160x128xf32, #tpu.memory_space<vmem>>, vector<16xf32>,
        %mul3A_325 = arith.mulf %gather3A_306, %gather3A_232 : vector<16xf32>
        %swap3A_326 = arith.index_cast %select_n3A_160 : i32 to index
        %swap3A_327 = arith.index_cast %add3A_271 : i32 to index
        %swap3A_328 = arith.constant 48 : index
        %swap3A_329 = tpu.vector_load %arg10[%swap3A_326, %swap3A_327, %swap3A_328] {strides = array<i32>} : memref<2x160x128xf32, #tpu.memory_space<vmem>>, vector<16xf32>,
        tpu.vector_store %arg10[%swap3A_326, %swap3A_327, %swap3A_328], %mul3A_325 {add = true, strides = array<i32>} : memref<2x160x128xf32, #tpu.memory_space<vmem>>, vector<16xf32>,
        %mul3A_330 = arith.mulf %gather3A_307, %gather3A_232 : vector<16xf32>
        %swap3A_331 = arith.index_cast %select_n3A_160 : i32 to index
        %swap3A_332 = arith.index_cast %add3A_271 : i32 to index
        %swap3A_333 = arith.constant 64 : index
        %swap3A_334 = tpu.vector_load %arg10[%swap3A_331, %swap3A_332, %swap3A_333] {strides = array<i32>} : memref<2x160x128xf32, #tpu.memory_space<vmem>>, vector<16xf32>,
        tpu.vector_store %arg10[%swap3A_331, %swap3A_332, %swap3A_333], %mul3A_330 {add = true, strides = array<i32>} : memref<2x160x128xf32, #tpu.memory_space<vmem>>, vector<16xf32>,
        %mul3A_335 = arith.mulf %gather3A_308, %gather3A_232 : vector<16xf32>
        %swap3A_336 = arith.index_cast %select_n3A_160 : i32 to index
        %swap3A_337 = arith.index_cast %add3A_271 : i32 to index
        %swap3A_338 = arith.constant 80 : index
        %swap3A_339 = tpu.vector_load %arg10[%swap3A_336, %swap3A_337, %swap3A_338] {strides = array<i32>} : memref<2x160x128xf32, #tpu.memory_space<vmem>>, vector<16xf32>,
        tpu.vector_store %arg10[%swap3A_336, %swap3A_337, %swap3A_338], %mul3A_335 {add = true, strides = array<i32>} : memref<2x160x128xf32, #tpu.memory_space<vmem>>, vector<16xf32>,
        %mul3A_340 = arith.mulf %gather3A_309, %gather3A_232 : vector<16xf32>
        %swap3A_341 = arith.index_cast %select_n3A_160 : i32 to index
        %swap3A_342 = arith.index_cast %add3A_271 : i32 to index
        %swap3A_343 = arith.constant 96 : index
        %swap3A_344 = tpu.vector_load %arg10[%swap3A_341, %swap3A_342, %swap3A_343] {strides = array<i32>} : memref<2x160x128xf32, #tpu.memory_space<vmem>>, vector<16xf32>,
        tpu.vector_store %arg10[%swap3A_341, %swap3A_342, %swap3A_343], %mul3A_340 {add = true, strides = array<i32>} : memref<2x160x128xf32, #tpu.memory_space<vmem>>, vector<16xf32>,
        %mul3A_345 = arith.mulf %gather3A_310, %gather3A_232 : vector<16xf32>
        %swap3A_346 = arith.index_cast %select_n3A_160 : i32 to index
        %swap3A_347 = arith.index_cast %add3A_271 : i32 to index
        %swap3A_348 = arith.constant 112 : index
        %swap3A_349 = tpu.vector_load %arg10[%swap3A_346, %swap3A_347, %swap3A_348] {strides = array<i32>} : memref<2x160x128xf32, #tpu.memory_space<vmem>>, vector<16xf32>,
        tpu.vector_store %arg10[%swap3A_346, %swap3A_347, %swap3A_348], %mul3A_345 {add = true, strides = array<i32>} : memref<2x160x128xf32, #tpu.memory_space<vmem>>, vector<16xf32>,
        %scan3A_350 = arith.constant 1 : i32
        %scan3A_351 = arith.addi %scan3A_265, %scan3A_350 : i32
        %mul3A_352 = arith.constant 1 : i32
        %mul3A_353 = arith.muli %scan3A_351, %mul3A_352 : i32
        %add3A_354 = arith.constant 0 : i32
        %add3A_355 = arith.addi %add3A_354, %mul3A_353 : i32
        %add3A_356 = arith.constant 96 : i32
        %add3A_357 = arith.addi %add3A_356, %add3A_355 : i32
        %get3A_358 = arith.index_cast %select_n3A_160 : i32 to index
        %get3A_359 = arith.index_cast %add3A_357 : i32 to index
        %get3A_360 = arith.constant 0 : index
        %get3A_361 = tpu.vector_load %arg9[%get3A_358, %get3A_359, %get3A_360] {strides = array<i32>} : memref<2x160x128xi32, #tpu.memory_space<vmem>>, vector<16xi32>,
        %get3A_362 = arith.index_cast %select_n3A_160 : i32 to index
        %get3A_363 = arith.index_cast %add3A_357 : i32 to index
        %get3A_364 = arith.constant 16 : index
        %get3A_365 = tpu.vector_load %arg9[%get3A_362, %get3A_363, %get3A_364] {strides = array<i32>} : memref<2x160x128xi32, #tpu.memory_space<vmem>>, vector<16xi32>,
        %get3A_366 = arith.index_cast %select_n3A_160 : i32 to index
        %get3A_367 = arith.index_cast %add3A_357 : i32 to index
        %get3A_368 = arith.constant 32 : index
        %get3A_369 = tpu.vector_load %arg9[%get3A_366, %get3A_367, %get3A_368] {strides = array<i32>} : memref<2x160x128xi32, #tpu.memory_space<vmem>>, vector<16xi32>,
        %get3A_370 = arith.index_cast %select_n3A_160 : i32 to index
        %get3A_371 = arith.index_cast %add3A_357 : i32 to index
        %get3A_372 = arith.constant 48 : index
        %get3A_373 = tpu.vector_load %arg9[%get3A_370, %get3A_371, %get3A_372] {strides = array<i32>} : memref<2x160x128xi32, #tpu.memory_space<vmem>>, vector<16xi32>,
        %get3A_374 = arith.index_cast %select_n3A_160 : i32 to index
        %get3A_375 = arith.index_cast %add3A_357 : i32 to index
        %get3A_376 = arith.constant 64 : index
        %get3A_377 = tpu.vector_load %arg9[%get3A_374, %get3A_375, %get3A_376] {strides = array<i32>} : memref<2x160x128xi32, #tpu.memory_space<vmem>>, vector<16xi32>,
        %get3A_378 = arith.index_cast %select_n3A_160 : i32 to index
        %get3A_379 = arith.index_cast %add3A_357 : i32 to index
        %get3A_380 = arith.constant 80 : index
        %get3A_381 = tpu.vector_load %arg9[%get3A_378, %get3A_379, %get3A_380] {strides = array<i32>} : memref<2x160x128xi32, #tpu.memory_space<vmem>>, vector<16xi32>,
        %get3A_382 = arith.index_cast %select_n3A_160 : i32 to index
        %get3A_383 = arith.index_cast %add3A_357 : i32 to index
        %get3A_384 = arith.constant 96 : index
        %get3A_385 = tpu.vector_load %arg9[%get3A_382, %get3A_383, %get3A_384] {strides = array<i32>} : memref<2x160x128xi32, #tpu.memory_space<vmem>>, vector<16xi32>,
        %get3A_386 = arith.index_cast %select_n3A_160 : i32 to index
        %get3A_387 = arith.index_cast %add3A_357 : i32 to index
        %get3A_388 = arith.constant 112 : index
        %get3A_389 = tpu.vector_load %arg9[%get3A_386, %get3A_387, %get3A_388] {strides = array<i32>} : memref<2x160x128xi32, #tpu.memory_space<vmem>>, vector<16xi32>,
        %gather3A_390 = tpu.vector_load_idx %arg7[%get3A_361] : memref<256xf32, #tpu.memory_space<vmem>>[vector<16xi32>], vector<16xf32>,
        %gather3A_391 = tpu.vector_load_idx %arg7[%get3A_365] : memref<256xf32, #tpu.memory_space<vmem>>[vector<16xi32>], vector<16xf32>,
        %gather3A_392 = tpu.vector_load_idx %arg7[%get3A_369] : memref<256xf32, #tpu.memory_space<vmem>>[vector<16xi32>], vector<16xf32>,
        %gather3A_393 = tpu.vector_load_idx %arg7[%get3A_373] : memref<256xf32, #tpu.memory_space<vmem>>[vector<16xi32>], vector<16xf32>,
        %gather3A_394 = tpu.vector_load_idx %arg7[%get3A_377] : memref<256xf32, #tpu.memory_space<vmem>>[vector<16xi32>], vector<16xf32>,
        %gather3A_395 = tpu.vector_load_idx %arg7[%get3A_381] : memref<256xf32, #tpu.memory_space<vmem>>[vector<16xi32>], vector<16xf32>,
        %gather3A_396 = tpu.vector_load_idx %arg7[%get3A_385] : memref<256xf32, #tpu.memory_space<vmem>>[vector<16xi32>], vector<16xf32>,
        %gather3A_397 = tpu.vector_load_idx %arg7[%get3A_389] : memref<256xf32, #tpu.memory_space<vmem>>[vector<16xi32>], vector<16xf32>,
        %mul3A_398 = arith.mulf %gather3A_390, %gather3A_232 : vector<16xf32>
        %swap3A_399 = arith.index_cast %select_n3A_160 : i32 to index
        %swap3A_400 = arith.index_cast %add3A_357 : i32 to index
        %swap3A_401 = arith.constant 0 : index
        %swap3A_402 = tpu.vector_load %arg10[%swap3A_399, %swap3A_400, %swap3A_401] {strides = array<i32>} : memref<2x160x128xf32, #tpu.memory_space<vmem>>, vector<16xf32>,
        tpu.vector_store %arg10[%swap3A_399, %swap3A_400, %swap3A_401], %mul3A_398 {add = true, strides = array<i32>} : memref<2x160x128xf32, #tpu.memory_space<vmem>>, vector<16xf32>,
        %mul3A_403 = arith.mulf %gather3A_391, %gather3A_232 : vector<16xf32>
        %swap3A_404 = arith.index_cast %select_n3A_160 : i32 to index
        %swap3A_405 = arith.index_cast %add3A_357 : i32 to index
        %swap3A_406 = arith.constant 16 : index
        %swap3A_407 = tpu.vector_load %arg10[%swap3A_404, %swap3A_405, %swap3A_406] {strides = array<i32>} : memref<2x160x128xf32, #tpu.memory_space<vmem>>, vector<16xf32>,
        tpu.vector_store %arg10[%swap3A_404, %swap3A_405, %swap3A_406], %mul3A_403 {add = true, strides = array<i32>} : memref<2x160x128xf32, #tpu.memory_space<vmem>>, vector<16xf32>,
        %mul3A_408 = arith.mulf %gather3A_392, %gather3A_232 : vector<16xf32>
        %swap3A_409 = arith.index_cast %select_n3A_160 : i32 to index
        %swap3A_410 = arith.index_cast %add3A_357 : i32 to index
        %swap3A_411 = arith.constant 32 : index
        %swap3A_412 = tpu.vector_load %arg10[%swap3A_409, %swap3A_410, %swap3A_411] {strides = array<i32>} : memref<2x160x128xf32, #tpu.memory_space<vmem>>, vector<16xf32>,
        tpu.vector_store %arg10[%swap3A_409, %swap3A_410, %swap3A_411], %mul3A_408 {add = true, strides = array<i32>} : memref<2x160x128xf32, #tpu.memory_space<vmem>>, vector<16xf32>,
        %mul3A_413 = arith.mulf %gather3A_393, %gather3A_232 : vector<16xf32>
        %swap3A_414 = arith.index_cast %select_n3A_160 : i32 to index
        %swap3A_415 = arith.index_cast %add3A_357 : i32 to index
        %swap3A_416 = arith.constant 48 : index
        %swap3A_417 = tpu.vector_load %arg10[%swap3A_414, %swap3A_415, %swap3A_416] {strides = array<i32>} : memref<2x160x128xf32, #tpu.memory_space<vmem>>, vector<16xf32>,
        tpu.vector_store %arg10[%swap3A_414, %swap3A_415, %swap3A_416], %mul3A_413 {add = true, strides = array<i32>} : memref<2x160x128xf32, #tpu.memory_space<vmem>>, vector<16xf32>,
        %mul3A_418 = arith.mulf %gather3A_394, %gather3A_232 : vector<16xf32>
        %swap3A_419 = arith.index_cast %select_n3A_160 : i32 to index
        %swap3A_420 = arith.index_cast %add3A_357 : i32 to index
        %swap3A_421 = arith.constant 64 : index
        %swap3A_422 = tpu.vector_load %arg10[%swap3A_419, %swap3A_420, %swap3A_421] {strides = array<i32>} : memref<2x160x128xf32, #tpu.memory_space<vmem>>, vector<16xf32>,
        tpu.vector_store %arg10[%swap3A_419, %swap3A_420, %swap3A_421], %mul3A_418 {add = true, strides = array<i32>} : memref<2x160x128xf32, #tpu.memory_space<vmem>>, vector<16xf32>,
        %mul3A_423 = arith.mulf %gather3A_395, %gather3A_232 : vector<16xf32>
        %swap3A_424 = arith.index_cast %select_n3A_160 : i32 to index
        %swap3A_425 = arith.index_cast %add3A_357 : i32 to index
        %swap3A_426 = arith.constant 80 : index
        %swap3A_427 = tpu.vector_load %arg10[%swap3A_424, %swap3A_425, %swap3A_426] {strides = array<i32>} : memref<2x160x128xf32, #tpu.memory_space<vmem>>, vector<16xf32>,
        tpu.vector_store %arg10[%swap3A_424, %swap3A_425, %swap3A_426], %mul3A_423 {add = true, strides = array<i32>} : memref<2x160x128xf32, #tpu.memory_space<vmem>>, vector<16xf32>,
        %mul3A_428 = arith.mulf %gather3A_396, %gather3A_232 : vector<16xf32>
        %swap3A_429 = arith.index_cast %select_n3A_160 : i32 to index
        %swap3A_430 = arith.index_cast %add3A_357 : i32 to index
        %swap3A_431 = arith.constant 96 : index
        %swap3A_432 = tpu.vector_load %arg10[%swap3A_429, %swap3A_430, %swap3A_431] {strides = array<i32>} : memref<2x160x128xf32, #tpu.memory_space<vmem>>, vector<16xf32>,
        tpu.vector_store %arg10[%swap3A_429, %swap3A_430, %swap3A_431], %mul3A_428 {add = true, strides = array<i32>} : memref<2x160x128xf32, #tpu.memory_space<vmem>>, vector<16xf32>,
        %mul3A_433 = arith.mulf %gather3A_397, %gather3A_232 : vector<16xf32>
        %swap3A_434 = arith.index_cast %select_n3A_160 : i32 to index
        %swap3A_435 = arith.index_cast %add3A_357 : i32 to index
        %swap3A_436 = arith.constant 112 : index
        %swap3A_437 = tpu.vector_load %arg10[%swap3A_434, %swap3A_435, %swap3A_436] {strides = array<i32>} : memref<2x160x128xf32, #tpu.memory_space<vmem>>, vector<16xf32>,
        tpu.vector_store %arg10[%swap3A_434, %swap3A_435, %swap3A_436], %mul3A_433 {add = true, strides = array<i32>} : memref<2x160x128xf32, #tpu.memory_space<vmem>>, vector<16xf32>,
      }
      %scan3A_237 = arith.constant 32 : i32
      %mul3A_238 = arith.constant 5 : i32
      %mul3A_239 = arith.muli %add3A_144, %mul3A_238 : i32
      %add3A_240 = arith.constant 4 : i32
      %add3A_241 = arith.addi %mul3A_239, %add3A_240 : i32
      %broadcast_in_dim3A_242 = vector.broadcast %add3A_241 : i32 to vector<16xi32>
      %gather3A_243 = tpu.vector_load_idx %arg8[%broadcast_in_dim3A_242] : memref<3200xf32, #tpu.memory_space<vmem>>[vector<16xi32>], vector<16xf32>,
      %scan3A_244 = arith.constant 0 : i32
      %scan3A_245 = arith.constant 32 : i32
      %scan3A_246 = arith.addi %scan3A_244, %scan3A_245 : i32
      %scan3A_247 = arith.constant 2 : i32
      scf.for %scan3A_265 = %scan3A_244 to %scan3A_246 step %scan3A_247  : i32 {
        %mul3A_266 = arith.constant 1 : i32
        %mul3A_267 = arith.muli %scan3A_265, %mul3A_266 : i32
        %add3A_268 = arith.constant 0 : i32
        %add3A_269 = arith.addi %add3A_268, %mul3A_267 : i32
        %add3A_270 = arith.constant 128 : i32
        %add3A_271 = arith.addi %add3A_270, %add3A_269 : i32
        %get3A = arith.index_cast %select_n3A_160 : i32 to index
        %get3A_272 = arith.index_cast %add3A_271 : i32 to index
        %get3A_273 = arith.constant 0 : index
        %get3A_274 = tpu.vector_load %arg9[%get3A, %get3A_272, %get3A_273] {strides = array<i32>} : memref<2x160x128xi32, #tpu.memory_space<vmem>>, vector<16xi32>,
        %get3A_275 = arith.index_cast %select_n3A_160 : i32 to index
        %get3A_276 = arith.index_cast %add3A_271 : i32 to index
        %get3A_277 = arith.constant 16 : index
        %get3A_278 = tpu.vector_load %arg9[%get3A_275, %get3A_276, %get3A_277] {strides = array<i32>} : memref<2x160x128xi32, #tpu.memory_space<vmem>>, vector<16xi32>,
        %get3A_279 = arith.index_cast %select_n3A_160 : i32 to index
        %get3A_280 = arith.index_cast %add3A_271 : i32 to index
        %get3A_281 = arith.constant 32 : index
        %get3A_282 = tpu.vector_load %arg9[%get3A_279, %get3A_280, %get3A_281] {strides = array<i32>} : memref<2x160x128xi32, #tpu.memory_space<vmem>>, vector<16xi32>,
        %get3A_283 = arith.index_cast %select_n3A_160 : i32 to index
        %get3A_284 = arith.index_cast %add3A_271 : i32 to index
        %get3A_285 = arith.constant 48 : index
        %get3A_286 = tpu.vector_load %arg9[%get3A_283, %get3A_284, %get3A_285] {strides = array<i32>} : memref<2x160x128xi32, #tpu.memory_space<vmem>>, vector<16xi32>,
        %get3A_287 = arith.index_cast %select_n3A_160 : i32 to index
        %get3A_288 = arith.index_cast %add3A_271 : i32 to index
        %get3A_289 = arith.constant 64 : index
        %get3A_290 = tpu.vector_load %arg9[%get3A_287, %get3A_288, %get3A_289] {strides = array<i32>} : memref<2x160x128xi32, #tpu.memory_space<vmem>>, vector<16xi32>,
        %get3A_291 = arith.index_cast %select_n3A_160 : i32 to index
        %get3A_292 = arith.index_cast %add3A_271 : i32 to index
        %get3A_293 = arith.constant 80 : index
        %get3A_294 = tpu.vector_load %arg9[%get3A_291, %get3A_292, %get3A_293] {strides = array<i32>} : memref<2x160x128xi32, #tpu.memory_space<vmem>>, vector<16xi32>,
        %get3A_295 = arith.index_cast %select_n3A_160 : i32 to index
        %get3A_296 = arith.index_cast %add3A_271 : i32 to index
        %get3A_297 = arith.constant 96 : index
        %get3A_298 = tpu.vector_load %arg9[%get3A_295, %get3A_296, %get3A_297] {strides = array<i32>} : memref<2x160x128xi32, #tpu.memory_space<vmem>>, vector<16xi32>,
        %get3A_299 = arith.index_cast %select_n3A_160 : i32 to index
        %get3A_300 = arith.index_cast %add3A_271 : i32 to index
        %get3A_301 = arith.constant 112 : index
        %get3A_302 = tpu.vector_load %arg9[%get3A_299, %get3A_300, %get3A_301] {strides = array<i32>} : memref<2x160x128xi32, #tpu.memory_space<vmem>>, vector<16xi32>,
        %gather3A_303 = tpu.vector_load_idx %arg7[%get3A_274] : memref<256xf32, #tpu.memory_space<vmem>>[vector<16xi32>], vector<16xf32>,
        %gather3A_304 = tpu.vector_load_idx %arg7[%get3A_278] : memref<256xf32, #tpu.memory_space<vmem>>[vector<16xi32>], vector<16xf32>,
        %gather3A_305 = tpu.vector_load_idx %arg7[%get3A_282] : memref<256xf32, #tpu.memory_space<vmem>>[vector<16xi32>], vector<16xf32>,
        %gather3A_306 = tpu.vector_load_idx %arg7[%get3A_286] : memref<256xf32, #tpu.memory_space<vmem>>[vector<16xi32>], vector<16xf32>,
        %gather3A_307 = tpu.vector_load_idx %arg7[%get3A_290] : memref<256xf32, #tpu.memory_space<vmem>>[vector<16xi32>], vector<16xf32>,
        %gather3A_308 = tpu.vector_load_idx %arg7[%get3A_294] : memref<256xf32, #tpu.memory_space<vmem>>[vector<16xi32>], vector<16xf32>,
        %gather3A_309 = tpu.vector_load_idx %arg7[%get3A_298] : memref<256xf32, #tpu.memory_space<vmem>>[vector<16xi32>], vector<16xf32>,
        %gather3A_310 = tpu.vector_load_idx %arg7[%get3A_302] : memref<256xf32, #tpu.memory_space<vmem>>[vector<16xi32>], vector<16xf32>,
        %mul3A_311 = arith.mulf %gather3A_303, %gather3A_243 : vector<16xf32>
        %swap3A = arith.index_cast %select_n3A_160 : i32 to index
        %swap3A_312 = arith.index_cast %add3A_271 : i32 to index
        %swap3A_313 = arith.constant 0 : index
        %swap3A_314 = tpu.vector_load %arg10[%swap3A, %swap3A_312, %swap3A_313] {strides = array<i32>} : memref<2x160x128xf32, #tpu.memory_space<vmem>>, vector<16xf32>,
        tpu.vector_store %arg10[%swap3A, %swap3A_312, %swap3A_313], %mul3A_311 {add = true, strides = array<i32>} : memref<2x160x128xf32, #tpu.memory_space<vmem>>, vector<16xf32>,
        %mul3A_315 = arith.mulf %gather3A_304, %gather3A_243 : vector<16xf32>
        %swap3A_316 = arith.index_cast %select_n3A_160 : i32 to index
        %swap3A_317 = arith.index_cast %add3A_271 : i32 to index
        %swap3A_318 = arith.constant 16 : index
        %swap3A_319 = tpu.vector_load %arg10[%swap3A_316, %swap3A_317, %swap3A_318] {strides = array<i32>} : memref<2x160x128xf32, #tpu.memory_space<vmem>>, vector<16xf32>,
        tpu.vector_store %arg10[%swap3A_316, %swap3A_317, %swap3A_318], %mul3A_315 {add = true, strides = array<i32>} : memref<2x160x128xf32, #tpu.memory_space<vmem>>, vector<16xf32>,
        %mul3A_320 = arith.mulf %gather3A_305, %gather3A_243 : vector<16xf32>
        %swap3A_321 = arith.index_cast %select_n3A_160 : i32 to index
        %swap3A_322 = arith.index_cast %add3A_271 : i32 to index
        %swap3A_323 = arith.constant 32 : index
        %swap3A_324 = tpu.vector_load %arg10[%swap3A_321, %swap3A_322, %swap3A_323] {strides = array<i32>} : memref<2x160x128xf32, #tpu.memory_space<vmem>>, vector<16xf32>,
        tpu.vector_store %arg10[%swap3A_321, %swap3A_322, %swap3A_323], %mul3A_320 {add = true, strides = array<i32>} : memref<2x160x128xf32, #tpu.memory_space<vmem>>, vector<16xf32>,
        %mul3A_325 = arith.mulf %gather3A_306, %gather3A_243 : vector<16xf32>
        %swap3A_326 = arith.index_cast %select_n3A_160 : i32 to index
        %swap3A_327 = arith.index_cast %add3A_271 : i32 to index
        %swap3A_328 = arith.constant 48 : index
        %swap3A_329 = tpu.vector_load %arg10[%swap3A_326, %swap3A_327, %swap3A_328] {strides = array<i32>} : memref<2x160x128xf32, #tpu.memory_space<vmem>>, vector<16xf32>,
        tpu.vector_store %arg10[%swap3A_326, %swap3A_327, %swap3A_328], %mul3A_325 {add = true, strides = array<i32>} : memref<2x160x128xf32, #tpu.memory_space<vmem>>, vector<16xf32>,
        %mul3A_330 = arith.mulf %gather3A_307, %gather3A_243 : vector<16xf32>
        %swap3A_331 = arith.index_cast %select_n3A_160 : i32 to index
        %swap3A_332 = arith.index_cast %add3A_271 : i32 to index
        %swap3A_333 = arith.constant 64 : index
        %swap3A_334 = tpu.vector_load %arg10[%swap3A_331, %swap3A_332, %swap3A_333] {strides = array<i32>} : memref<2x160x128xf32, #tpu.memory_space<vmem>>, vector<16xf32>,
        tpu.vector_store %arg10[%swap3A_331, %swap3A_332, %swap3A_333], %mul3A_330 {add = true, strides = array<i32>} : memref<2x160x128xf32, #tpu.memory_space<vmem>>, vector<16xf32>,
        %mul3A_335 = arith.mulf %gather3A_308, %gather3A_243 : vector<16xf32>
        %swap3A_336 = arith.index_cast %select_n3A_160 : i32 to index
        %swap3A_337 = arith.index_cast %add3A_271 : i32 to index
        %swap3A_338 = arith.constant 80 : index
        %swap3A_339 = tpu.vector_load %arg10[%swap3A_336, %swap3A_337, %swap3A_338] {strides = array<i32>} : memref<2x160x128xf32, #tpu.memory_space<vmem>>, vector<16xf32>,
        tpu.vector_store %arg10[%swap3A_336, %swap3A_337, %swap3A_338], %mul3A_335 {add = true, strides = array<i32>} : memref<2x160x128xf32, #tpu.memory_space<vmem>>, vector<16xf32>,
        %mul3A_340 = arith.mulf %gather3A_309, %gather3A_243 : vector<16xf32>
        %swap3A_341 = arith.index_cast %select_n3A_160 : i32 to index
        %swap3A_342 = arith.index_cast %add3A_271 : i32 to index
        %swap3A_343 = arith.constant 96 : index
        %swap3A_344 = tpu.vector_load %arg10[%swap3A_341, %swap3A_342, %swap3A_343] {strides = array<i32>} : memref<2x160x128xf32, #tpu.memory_space<vmem>>, vector<16xf32>,
        tpu.vector_store %arg10[%swap3A_341, %swap3A_342, %swap3A_343], %mul3A_340 {add = true, strides = array<i32>} : memref<2x160x128xf32, #tpu.memory_space<vmem>>, vector<16xf32>,
        %mul3A_345 = arith.mulf %gather3A_310, %gather3A_243 : vector<16xf32>
        %swap3A_346 = arith.index_cast %select_n3A_160 : i32 to index
        %swap3A_347 = arith.index_cast %add3A_271 : i32 to index
        %swap3A_348 = arith.constant 112 : index
        %swap3A_349 = tpu.vector_load %arg10[%swap3A_346, %swap3A_347, %swap3A_348] {strides = array<i32>} : memref<2x160x128xf32, #tpu.memory_space<vmem>>, vector<16xf32>,
        tpu.vector_store %arg10[%swap3A_346, %swap3A_347, %swap3A_348], %mul3A_345 {add = true, strides = array<i32>} : memref<2x160x128xf32, #tpu.memory_space<vmem>>, vector<16xf32>,
        %scan3A_350 = arith.constant 1 : i32
        %scan3A_351 = arith.addi %scan3A_265, %scan3A_350 : i32
        %mul3A_352 = arith.constant 1 : i32
        %mul3A_353 = arith.muli %scan3A_351, %mul3A_352 : i32
        %add3A_354 = arith.constant 0 : i32
        %add3A_355 = arith.addi %add3A_354, %mul3A_353 : i32
        %add3A_356 = arith.constant 128 : i32
        %add3A_357 = arith.addi %add3A_356, %add3A_355 : i32
        %get3A_358 = arith.index_cast %select_n3A_160 : i32 to index
        %get3A_359 = arith.index_cast %add3A_357 : i32 to index
        %get3A_360 = arith.constant 0 : index
        %get3A_361 = tpu.vector_load %arg9[%get3A_358, %get3A_359, %get3A_360] {strides = array<i32>} : memref<2x160x128xi32, #tpu.memory_space<vmem>>, vector<16xi32>,
        %get3A_362 = arith.index_cast %select_n3A_160 : i32 to index
        %get3A_363 = arith.index_cast %add3A_357 : i32 to index
        %get3A_364 = arith.constant 16 : index
        %get3A_365 = tpu.vector_load %arg9[%get3A_362, %get3A_363, %get3A_364] {strides = array<i32>} : memref<2x160x128xi32, #tpu.memory_space<vmem>>, vector<16xi32>,
        %get3A_366 = arith.index_cast %select_n3A_160 : i32 to index
        %get3A_367 = arith.index_cast %add3A_357 : i32 to index
        %get3A_368 = arith.constant 32 : index
        %get3A_369 = tpu.vector_load %arg9[%get3A_366, %get3A_367, %get3A_368] {strides = array<i32>} : memref<2x160x128xi32, #tpu.memory_space<vmem>>, vector<16xi32>,
        %get3A_370 = arith.index_cast %select_n3A_160 : i32 to index
        %get3A_371 = arith.index_cast %add3A_357 : i32 to index
        %get3A_372 = arith.constant 48 : index
        %get3A_373 = tpu.vector_load %arg9[%get3A_370, %get3A_371, %get3A_372] {strides = array<i32>} : memref<2x160x128xi32, #tpu.memory_space<vmem>>, vector<16xi32>,
        %get3A_374 = arith.index_cast %select_n3A_160 : i32 to index
        %get3A_375 = arith.index_cast %add3A_357 : i32 to index
        %get3A_376 = arith.constant 64 : index
        %get3A_377 = tpu.vector_load %arg9[%get3A_374, %get3A_375, %get3A_376] {strides = array<i32>} : memref<2x160x128xi32, #tpu.memory_space<vmem>>, vector<16xi32>,
        %get3A_378 = arith.index_cast %select_n3A_160 : i32 to index
        %get3A_379 = arith.index_cast %add3A_357 : i32 to index
        %get3A_380 = arith.constant 80 : index
        %get3A_381 = tpu.vector_load %arg9[%get3A_378, %get3A_379, %get3A_380] {strides = array<i32>} : memref<2x160x128xi32, #tpu.memory_space<vmem>>, vector<16xi32>,
        %get3A_382 = arith.index_cast %select_n3A_160 : i32 to index
        %get3A_383 = arith.index_cast %add3A_357 : i32 to index
        %get3A_384 = arith.constant 96 : index
        %get3A_385 = tpu.vector_load %arg9[%get3A_382, %get3A_383, %get3A_384] {strides = array<i32>} : memref<2x160x128xi32, #tpu.memory_space<vmem>>, vector<16xi32>,
        %get3A_386 = arith.index_cast %select_n3A_160 : i32 to index
        %get3A_387 = arith.index_cast %add3A_357 : i32 to index
        %get3A_388 = arith.constant 112 : index
        %get3A_389 = tpu.vector_load %arg9[%get3A_386, %get3A_387, %get3A_388] {strides = array<i32>} : memref<2x160x128xi32, #tpu.memory_space<vmem>>, vector<16xi32>,
        %gather3A_390 = tpu.vector_load_idx %arg7[%get3A_361] : memref<256xf32, #tpu.memory_space<vmem>>[vector<16xi32>], vector<16xf32>,
        %gather3A_391 = tpu.vector_load_idx %arg7[%get3A_365] : memref<256xf32, #tpu.memory_space<vmem>>[vector<16xi32>], vector<16xf32>,
        %gather3A_392 = tpu.vector_load_idx %arg7[%get3A_369] : memref<256xf32, #tpu.memory_space<vmem>>[vector<16xi32>], vector<16xf32>,
        %gather3A_393 = tpu.vector_load_idx %arg7[%get3A_373] : memref<256xf32, #tpu.memory_space<vmem>>[vector<16xi32>], vector<16xf32>,
        %gather3A_394 = tpu.vector_load_idx %arg7[%get3A_377] : memref<256xf32, #tpu.memory_space<vmem>>[vector<16xi32>], vector<16xf32>,
        %gather3A_395 = tpu.vector_load_idx %arg7[%get3A_381] : memref<256xf32, #tpu.memory_space<vmem>>[vector<16xi32>], vector<16xf32>,
        %gather3A_396 = tpu.vector_load_idx %arg7[%get3A_385] : memref<256xf32, #tpu.memory_space<vmem>>[vector<16xi32>], vector<16xf32>,
        %gather3A_397 = tpu.vector_load_idx %arg7[%get3A_389] : memref<256xf32, #tpu.memory_space<vmem>>[vector<16xi32>], vector<16xf32>,
        %mul3A_398 = arith.mulf %gather3A_390, %gather3A_243 : vector<16xf32>
        %swap3A_399 = arith.index_cast %select_n3A_160 : i32 to index
        %swap3A_400 = arith.index_cast %add3A_357 : i32 to index
        %swap3A_401 = arith.constant 0 : index
        %swap3A_402 = tpu.vector_load %arg10[%swap3A_399, %swap3A_400, %swap3A_401] {strides = array<i32>} : memref<2x160x128xf32, #tpu.memory_space<vmem>>, vector<16xf32>,
        tpu.vector_store %arg10[%swap3A_399, %swap3A_400, %swap3A_401], %mul3A_398 {add = true, strides = array<i32>} : memref<2x160x128xf32, #tpu.memory_space<vmem>>, vector<16xf32>,
        %mul3A_403 = arith.mulf %gather3A_391, %gather3A_243 : vector<16xf32>
        %swap3A_404 = arith.index_cast %select_n3A_160 : i32 to index
        %swap3A_405 = arith.index_cast %add3A_357 : i32 to index
        %swap3A_406 = arith.constant 16 : index
        %swap3A_407 = tpu.vector_load %arg10[%swap3A_404, %swap3A_405, %swap3A_406] {strides = array<i32>} : memref<2x160x128xf32, #tpu.memory_space<vmem>>, vector<16xf32>,
        tpu.vector_store %arg10[%swap3A_404, %swap3A_405, %swap3A_406], %mul3A_403 {add = true, strides = array<i32>} : memref<2x160x128xf32, #tpu.memory_space<vmem>>, vector<16xf32>,
        %mul3A_408 = arith.mulf %gather3A_392, %gather3A_243 : vector<16xf32>
        %swap3A_409 = arith.index_cast %select_n3A_160 : i32 to index
        %swap3A_410 = arith.index_cast %add3A_357 : i32 to index
        %swap3A_411 = arith.constant 32 : index
        %swap3A_412 = tpu.vector_load %arg10[%swap3A_409, %swap3A_410, %swap3A_411] {strides = array<i32>} : memref<2x160x128xf32, #tpu.memory_space<vmem>>, vector<16xf32>,
        tpu.vector_store %arg10[%swap3A_409, %swap3A_410, %swap3A_411], %mul3A_408 {add = true, strides = array<i32>} : memref<2x160x128xf32, #tpu.memory_space<vmem>>, vector<16xf32>,
        %mul3A_413 = arith.mulf %gather3A_393, %gather3A_243 : vector<16xf32>
        %swap3A_414 = arith.index_cast %select_n3A_160 : i32 to index
        %swap3A_415 = arith.index_cast %add3A_357 : i32 to index
        %swap3A_416 = arith.constant 48 : index
        %swap3A_417 = tpu.vector_load %arg10[%swap3A_414, %swap3A_415, %swap3A_416] {strides = array<i32>} : memref<2x160x128xf32, #tpu.memory_space<vmem>>, vector<16xf32>,
        tpu.vector_store %arg10[%swap3A_414, %swap3A_415, %swap3A_416], %mul3A_413 {add = true, strides = array<i32>} : memref<2x160x128xf32, #tpu.memory_space<vmem>>, vector<16xf32>,
        %mul3A_418 = arith.mulf %gather3A_394, %gather3A_243 : vector<16xf32>
        %swap3A_419 = arith.index_cast %select_n3A_160 : i32 to index
        %swap3A_420 = arith.index_cast %add3A_357 : i32 to index
        %swap3A_421 = arith.constant 64 : index
        %swap3A_422 = tpu.vector_load %arg10[%swap3A_419, %swap3A_420, %swap3A_421] {strides = array<i32>} : memref<2x160x128xf32, #tpu.memory_space<vmem>>, vector<16xf32>,
        tpu.vector_store %arg10[%swap3A_419, %swap3A_420, %swap3A_421], %mul3A_418 {add = true, strides = array<i32>} : memref<2x160x128xf32, #tpu.memory_space<vmem>>, vector<16xf32>,
        %mul3A_423 = arith.mulf %gather3A_395, %gather3A_243 : vector<16xf32>
        %swap3A_424 = arith.index_cast %select_n3A_160 : i32 to index
        %swap3A_425 = arith.index_cast %add3A_357 : i32 to index
        %swap3A_426 = arith.constant 80 : index
        %swap3A_427 = tpu.vector_load %arg10[%swap3A_424, %swap3A_425, %swap3A_426] {strides = array<i32>} : memref<2x160x128xf32, #tpu.memory_space<vmem>>, vector<16xf32>,
        tpu.vector_store %arg10[%swap3A_424, %swap3A_425, %swap3A_426], %mul3A_423 {add = true, strides = array<i32>} : memref<2x160x128xf32, #tpu.memory_space<vmem>>, vector<16xf32>,
        %mul3A_428 = arith.mulf %gather3A_396, %gather3A_243 : vector<16xf32>
        %swap3A_429 = arith.index_cast %select_n3A_160 : i32 to index
        %swap3A_430 = arith.index_cast %add3A_357 : i32 to index
        %swap3A_431 = arith.constant 96 : index
        %swap3A_432 = tpu.vector_load %arg10[%swap3A_429, %swap3A_430, %swap3A_431] {strides = array<i32>} : memref<2x160x128xf32, #tpu.memory_space<vmem>>, vector<16xf32>,
        tpu.vector_store %arg10[%swap3A_429, %swap3A_430, %swap3A_431], %mul3A_428 {add = true, strides = array<i32>} : memref<2x160x128xf32, #tpu.memory_space<vmem>>, vector<16xf32>,
        %mul3A_433 = arith.mulf %gather3A_397, %gather3A_243 : vector<16xf32>
        %swap3A_434 = arith.index_cast %select_n3A_160 : i32 to index
        %swap3A_435 = arith.index_cast %add3A_357 : i32 to index
        %swap3A_436 = arith.constant 112 : index
        %swap3A_437 = tpu.vector_load %arg10[%swap3A_434, %swap3A_435, %swap3A_436] {strides = array<i32>} : memref<2x160x128xf32, #tpu.memory_space<vmem>>, vector<16xf32>,
        tpu.vector_store %arg10[%swap3A_434, %swap3A_435, %swap3A_436], %mul3A_433 {add = true, strides = array<i32>} : memref<2x160x128xf32, #tpu.memory_space<vmem>>, vector<16xf32>,
      }
      %scan3A_248 = arith.constant 32 : i32
      %mul3A_249 = arith.constant 160 : i32
      %mul3A_250 = arith.muli %add3A_144, %mul3A_249 : i32
      %dma_start3A_251 = arith.constant 0 : i32
      %dma_start3A_252 = arith.constant 0 : i32
      %dma_start3A_253 = tpu.memref_slice %arg10[%select_n3A_160, %dma_start3A_251, %dma_start3A_252] : memref<2x160x128xf32, #tpu.memory_space<vmem>> -> memref<1x160x128xf32, #tpu.memory_space<vmem>>
      %dma_start3A_254 = tpu.memref_squeeze %dma_start3A_253 : memref<1x160x128xf32, #tpu.memory_space<vmem>> -> memref<160x128xf32, #tpu.memory_space<vmem>>
      %dma_start3A_255 = arith.constant 0 : i32
      %dma_start3A_256 = tpu.memref_slice %arg6[%mul3A_250, %dma_start3A_255] : memref<100000x128xf32, #tpu.memory_space<hbm>> -> memref<160x128xf32, #tpu.memory_space<hbm>>
      %dma_start3A_257 = tpu.memref_slice %arg13[%select_n3A_160] : memref<2x!tpu.dma_semaphore, #tpu.memory_space<semaphore_mem>> -> memref<1x!tpu.dma_semaphore, #tpu.memory_space<semaphore_mem>>
      %dma_start3A_258 = tpu.memref_squeeze %dma_start3A_257 : memref<1x!tpu.dma_semaphore, #tpu.memory_space<semaphore_mem>> -> memref<!tpu.dma_semaphore, #tpu.memory_space<semaphore_mem>>
      %dma_start3A_259 = arith.constant 0 : i32
      %dma_start3A_260 = tpu.memref_slice %arg6[%mul3A_250, %dma_start3A_259] : memref<100000x128xf32, #tpu.memory_space<hbm>> -> memref<160x128xf32, #tpu.memory_space<hbm>>
      %dma_start3A_261 = arith.constant 0 : i32
      %dma_start3A_262 = arith.constant 0 : i32
      %dma_start3A_263 = tpu.memref_slice %arg10[%select_n3A_160, %dma_start3A_261, %dma_start3A_262] : memref<2x160x128xf32, #tpu.memory_space<vmem>> -> memref<1x160x128xf32, #tpu.memory_space<vmem>>
      %dma_start3A_264 = tpu.memref_squeeze %dma_start3A_263 : memref<1x160x128xf32, #tpu.memory_space<vmem>> -> memref<160x128xf32, #tpu.memory_space<vmem>>
      tpu.enqueue_dma source(%dma_start3A_264 : memref<160x128xf32, #tpu.memory_space<vmem>>) target(%dma_start3A_260 : memref<160x128xf32, #tpu.memory_space<hbm>>) target_semaphore(%dma_start3A_258 : memref<!tpu.dma_semaphore, #tpu.memory_space<semaphore_mem>>)
    }
    %while3A_73 = arith.constant 1 : i32
    scf.for %while3A_139 = %while3A_71 to %while3A_67 step %while3A_73  : i32 {
      %mul3A_140 = arith.muli %while3A_139, %while3A : i32
      %add3A_141 = arith.addi %while3A_64, %mul3A_140 : i32
      %mul3A_142 = arith.constant 32 : i32
      %mul3A_143 = arith.muli %add3A_141, %mul3A_142 : i32
      %add3A_144 = arith.addi %add3A, %mul3A_143 : i32
      %jit3A_145 = arith.constant 2 : i32
      %eq3A_146 = arith.constant 0 : i32
      %eq3A_147 = arith.cmpi eq, %jit3A_145, %eq3A_146 : i32
      %jit3A_148 = arith.constant 1 : i32
      %select_n3A_149 = arith.select %eq3A_147, %jit3A_148, %jit3A_145 : i32
      %rem3A_150 = arith.remsi %add3A_141, %select_n3A_149 : i32
      %ne3A_151 = arith.constant 0 : i32
      %ne3A_152 = arith.cmpi ne, %rem3A_150, %ne3A_151 : i32
      %lt3A_153 = arith.constant 0 : i32
      %lt3A_154 = arith.cmpi slt, %rem3A_150, %lt3A_153 : i32
      %lt3A_155 = arith.constant 0 : i32
      %lt3A_156 = arith.cmpi slt, %select_n3A_149, %lt3A_155 : i32
      %ne3A_157 = arith.xori %lt3A_154, %lt3A_156 : i1
      %and3A_158 = arith.andi %ne3A_157, %ne3A_152 : i1
      %add3A_159 = arith.addi %rem3A_150, %select_n3A_149 : i32
      %select_n3A_160 = arith.select %and3A_158, %add3A_159, %rem3A_150 : i32
      %add3A_161 = arith.constant 1 : i32
      %add3A_162 = arith.addi %add3A_141, %add3A_161 : i32
      %lt3A_163 = arith.cmpi slt, %add3A_162, %select_n3A : i32
      %convert_element_type3A = arith.extui %lt3A_163 : i1 to i32
      %cond3A = arith.constant 0 : i32
      %cond3A_164 = arith.cmpi ne, %convert_element_type3A, %cond3A : i32
      scf.if %cond3A_164 {
        %ge3A = arith.constant 1 : i32
        %ge3A_265 = arith.cmpi sge, %add3A_141, %ge3A : i32
        %convert_element_type3A_266 = arith.extui %ge3A_265 : i1 to i32
        %cond3A_267 = arith.constant 0 : i32
        %cond3A_268 = arith.cmpi ne, %convert_element_type3A_266, %cond3A_267 : i32
        scf.if %cond3A_268 {
          %sub3A_303 = arith.constant 1 : i32
          %sub3A_304 = arith.subi %sub3A_303, %select_n3A_160 : i32
          %dma_wait3A_305 = arith.constant 0 : i32
          %dma_wait3A_306 = arith.constant 0 : i32
          %dma_wait3A_307 = tpu.memref_slice %arg10[%sub3A_304, %dma_wait3A_305, %dma_wait3A_306] : memref<2x160x128xf32, #tpu.memory_space<vmem>> -> memref<1x160x128xf32, #tpu.memory_space<vmem>>
          %dma_wait3A_308 = tpu.memref_squeeze %dma_wait3A_307 : memref<1x160x128xf32, #tpu.memory_space<vmem>> -> memref<160x128xf32, #tpu.memory_space<vmem>>
          %dma_wait3A_309 = arith.constant 0 : i32
          %dma_wait3A_310 = arith.constant 0 : i32
          %dma_wait3A_311 = tpu.memref_slice %arg6[%dma_wait3A_309, %dma_wait3A_310] : memref<100000x128xf32, #tpu.memory_space<hbm>> -> memref<160x128xf32, #tpu.memory_space<hbm>>
          %dma_wait3A_312 = tpu.memref_slice %arg13[%sub3A_304] : memref<2x!tpu.dma_semaphore, #tpu.memory_space<semaphore_mem>> -> memref<1x!tpu.dma_semaphore, #tpu.memory_space<semaphore_mem>>
          %dma_wait3A_313 = tpu.memref_squeeze %dma_wait3A_312 : memref<1x!tpu.dma_semaphore, #tpu.memory_space<semaphore_mem>> -> memref<!tpu.dma_semaphore, #tpu.memory_space<semaphore_mem>>
          %dma_wait3A_314 = arith.constant 0 : i32
          %dma_wait3A_315 = arith.constant 0 : i32
          %dma_wait3A_316 = tpu.memref_slice %arg6[%dma_wait3A_314, %dma_wait3A_315] : memref<100000x128xf32, #tpu.memory_space<hbm>> -> memref<160x128xf32, #tpu.memory_space<hbm>>
          %dma_wait3A_317 = arith.constant 0 : i32
          %dma_wait3A_318 = arith.constant 0 : i32
          %dma_wait3A_319 = tpu.memref_slice %arg10[%sub3A_304, %dma_wait3A_317, %dma_wait3A_318] : memref<2x160x128xf32, #tpu.memory_space<vmem>> -> memref<1x160x128xf32, #tpu.memory_space<vmem>>
          %dma_wait3A_320 = tpu.memref_squeeze %dma_wait3A_319 : memref<1x160x128xf32, #tpu.memory_space<vmem>> -> memref<160x128xf32, #tpu.memory_space<vmem>>
          tpu.wait_dma2 semaphore(%dma_wait3A_313 : memref<!tpu.dma_semaphore, #tpu.memory_space<semaphore_mem>>) src(%dma_wait3A_320 : memref<160x128xf32, #tpu.memory_space<vmem>>) dst(%dma_wait3A_316 : memref<160x128xf32, #tpu.memory_space<hbm>>)
        } else {
        }
        %add3A_269 = arith.constant 32 : i32
        %add3A_270 = arith.addi %add3A_144, %add3A_269 : i32
        %sub3A_271 = arith.constant 1 : i32
        %sub3A_272 = arith.subi %sub3A_271, %select_n3A_160 : i32
        %mul3A_273 = arith.constant 160 : i32
        %mul3A_274 = arith.muli %add3A_270, %mul3A_273 : i32
        %dma_start3A_275 = arith.constant 0 : i32
        %dma_start3A_276 = arith.constant 0 : i32
        %dma_start3A_277 = tpu.memref_slice %arg9[%sub3A_272, %dma_start3A_275, %dma_start3A_276] : memref<2x160x128xi32, #tpu.memory_space<vmem>> -> memref<1x160x128xi32, #tpu.memory_space<vmem>>
        %dma_start3A_278 = tpu.memref_squeeze %dma_start3A_277 : memref<1x160x128xi32, #tpu.memory_space<vmem>> -> memref<160x128xi32, #tpu.memory_space<vmem>>
        %dma_start3A_279 = arith.constant 0 : i32
        %dma_start3A_280 = tpu.memref_slice %arg2[%mul3A_274, %dma_start3A_279] : memref<100000x128xi32, #tpu.memory_space<hbm>> -> memref<160x128xi32, #tpu.memory_space<hbm>>
        %dma_start3A_281 = tpu.memref_slice %arg11[%sub3A_272] : memref<2x!tpu.dma_semaphore, #tpu.memory_space<semaphore_mem>> -> memref<1x!tpu.dma_semaphore, #tpu.memory_space<semaphore_mem>>
        %dma_start3A_282 = tpu.memref_squeeze %dma_start3A_281 : memref<1x!tpu.dma_semaphore, #tpu.memory_space<semaphore_mem>> -> memref<!tpu.dma_semaphore, #tpu.memory_space<semaphore_mem>>
        %dma_start3A_283 = arith.constant 0 : i32
        %dma_start3A_284 = arith.constant 0 : i32
        %dma_start3A_285 = tpu.memref_slice %arg9[%sub3A_272, %dma_start3A_283, %dma_start3A_284] : memref<2x160x128xi32, #tpu.memory_space<vmem>> -> memref<1x160x128xi32, #tpu.memory_space<vmem>>
        %dma_start3A_286 = tpu.memref_squeeze %dma_start3A_285 : memref<1x160x128xi32, #tpu.memory_space<vmem>> -> memref<160x128xi32, #tpu.memory_space<vmem>>
        %dma_start3A_287 = arith.constant 0 : i32
        %dma_start3A_288 = tpu.memref_slice %arg2[%mul3A_274, %dma_start3A_287] : memref<100000x128xi32, #tpu.memory_space<hbm>> -> memref<160x128xi32, #tpu.memory_space<hbm>>
        tpu.enqueue_dma source(%dma_start3A_288 : memref<160x128xi32, #tpu.memory_space<hbm>>) target(%dma_start3A_286 : memref<160x128xi32, #tpu.memory_space<vmem>>) target_semaphore(%dma_start3A_282 : memref<!tpu.dma_semaphore, #tpu.memory_space<semaphore_mem>>)
        %dma_start3A_289 = arith.constant 0 : i32
        %dma_start3A_290 = arith.constant 0 : i32
        %dma_start3A_291 = tpu.memref_slice %arg10[%sub3A_272, %dma_start3A_289, %dma_start3A_290] : memref<2x160x128xf32, #tpu.memory_space<vmem>> -> memref<1x160x128xf32, #tpu.memory_space<vmem>>
        %dma_start3A_292 = tpu.memref_squeeze %dma_start3A_291 : memref<1x160x128xf32, #tpu.memory_space<vmem>> -> memref<160x128xf32, #tpu.memory_space<vmem>>
        %dma_start3A_293 = arith.constant 0 : i32
        %dma_start3A_294 = tpu.memref_slice %arg5[%mul3A_274, %dma_start3A_293] : memref<100000x128xf32, #tpu.memory_space<hbm>> -> memref<160x128xf32, #tpu.memory_space<hbm>>
        %dma_start3A_295 = tpu.memref_slice %arg12[%sub3A_272] : memref<2x!tpu.dma_semaphore, #tpu.memory_space<semaphore_mem>> -> memref<1x!tpu.dma_semaphore, #tpu.memory_space<semaphore_mem>>
        %dma_start3A_296 = tpu.memref_squeeze %dma_start3A_295 : memref<1x!tpu.dma_semaphore, #tpu.memory_space<semaphore_mem>> -> memref<!tpu.dma_semaphore, #tpu.memory_space<semaphore_mem>>
        %dma_start3A_297 = arith.constant 0 : i32
        %dma_start3A_298 = arith.constant 0 : i32
        %dma_start3A_299 = tpu.memref_slice %arg10[%sub3A_272, %dma_start3A_297, %dma_start3A_298] : memref<2x160x128xf32, #tpu.memory_space<vmem>> -> memref<1x160x128xf32, #tpu.memory_space<vmem>>
        %dma_start3A_300 = tpu.memref_squeeze %dma_start3A_299 : memref<1x160x128xf32, #tpu.memory_space<vmem>> -> memref<160x128xf32, #tpu.memory_space<vmem>>
        %dma_start3A_301 = arith.constant 0 : i32
        %dma_start3A_302 = tpu.memref_slice %arg5[%mul3A_274, %dma_start3A_301] : memref<100000x128xf32, #tpu.memory_space<hbm>> -> memref<160x128xf32, #tpu.memory_space<hbm>>
        tpu.enqueue_dma source(%dma_start3A_302 : memref<160x128xf32, #tpu.memory_space<hbm>>) target(%dma_start3A_300 : memref<160x128xf32, #tpu.memory_space<vmem>>) target_semaphore(%dma_start3A_296 : memref<!tpu.dma_semaphore, #tpu.memory_space<semaphore_mem>>)
      } else {
      }
      %dma_wait3A_165 = arith.constant 0 : i32
      %dma_wait3A_166 = arith.constant 0 : i32
      %dma_wait3A_167 = tpu.memref_slice %arg9[%select_n3A_160, %dma_wait3A_165, %dma_wait3A_166] : memref<2x160x128xi32, #tpu.memory_space<vmem>> -> memref<1x160x128xi32, #tpu.memory_space<vmem>>
      %dma_wait3A_168 = tpu.memref_squeeze %dma_wait3A_167 : memref<1x160x128xi32, #tpu.memory_space<vmem>> -> memref<160x128xi32, #tpu.memory_space<vmem>>
      %dma_wait3A_169 = arith.constant 0 : i32
      %dma_wait3A_170 = arith.constant 0 : i32
      %dma_wait3A_171 = tpu.memref_slice %arg2[%dma_wait3A_169, %dma_wait3A_170] : memref<100000x128xi32, #tpu.memory_space<hbm>> -> memref<160x128xi32, #tpu.memory_space<hbm>>
      %dma_wait3A_172 = tpu.memref_slice %arg11[%select_n3A_160] : memref<2x!tpu.dma_semaphore, #tpu.memory_space<semaphore_mem>> -> memref<1x!tpu.dma_semaphore, #tpu.memory_space<semaphore_mem>>
      %dma_wait3A_173 = tpu.memref_squeeze %dma_wait3A_172 : memref<1x!tpu.dma_semaphore, #tpu.memory_space<semaphore_mem>> -> memref<!tpu.dma_semaphore, #tpu.memory_space<semaphore_mem>>
      %dma_wait3A_174 = arith.constant 0 : i32
      %dma_wait3A_175 = arith.constant 0 : i32
      %dma_wait3A_176 = tpu.memref_slice %arg9[%select_n3A_160, %dma_wait3A_174, %dma_wait3A_175] : memref<2x160x128xi32, #tpu.memory_space<vmem>> -> memref<1x160x128xi32, #tpu.memory_space<vmem>>
      %dma_wait3A_177 = tpu.memref_squeeze %dma_wait3A_176 : memref<1x160x128xi32, #tpu.memory_space<vmem>> -> memref<160x128xi32, #tpu.memory_space<vmem>>
      %dma_wait3A_178 = arith.constant 0 : i32
      %dma_wait3A_179 = arith.constant 0 : i32
      %dma_wait3A_180 = tpu.memref_slice %arg2[%dma_wait3A_178, %dma_wait3A_179] : memref<100000x128xi32, #tpu.memory_space<hbm>> -> memref<160x128xi32, #tpu.memory_space<hbm>>
      tpu.wait_dma2 semaphore(%dma_wait3A_173 : memref<!tpu.dma_semaphore, #tpu.memory_space<semaphore_mem>>) src(%dma_wait3A_180 : memref<160x128xi32, #tpu.memory_space<hbm>>) dst(%dma_wait3A_177 : memref<160x128xi32, #tpu.memory_space<vmem>>)
      %dma_wait3A_181 = arith.constant 0 : i32
      %dma_wait3A_182 = arith.constant 0 : i32
      %dma_wait3A_183 = tpu.memref_slice %arg10[%select_n3A_160, %dma_wait3A_181, %dma_wait3A_182] : memref<2x160x128xf32, #tpu.memory_space<vmem>> -> memref<1x160x128xf32, #tpu.memory_space<vmem>>
      %dma_wait3A_184 = tpu.memref_squeeze %dma_wait3A_183 : memref<1x160x128xf32, #tpu.memory_space<vmem>> -> memref<160x128xf32, #tpu.memory_space<vmem>>
      %dma_wait3A_185 = arith.constant 0 : i32
      %dma_wait3A_186 = arith.constant 0 : i32
      %dma_wait3A_187 = tpu.memref_slice %arg5[%dma_wait3A_185, %dma_wait3A_186] : memref<100000x128xf32, #tpu.memory_space<hbm>> -> memref<160x128xf32, #tpu.memory_space<hbm>>
      %dma_wait3A_188 = tpu.memref_slice %arg12[%select_n3A_160] : memref<2x!tpu.dma_semaphore, #tpu.memory_space<semaphore_mem>> -> memref<1x!tpu.dma_semaphore, #tpu.memory_space<semaphore_mem>>
      %dma_wait3A_189 = tpu.memref_squeeze %dma_wait3A_188 : memref<1x!tpu.dma_semaphore, #tpu.memory_space<semaphore_mem>> -> memref<!tpu.dma_semaphore, #tpu.memory_space<semaphore_mem>>
      %dma_wait3A_190 = arith.constant 0 : i32
      %dma_wait3A_191 = arith.constant 0 : i32
      %dma_wait3A_192 = tpu.memref_slice %arg10[%select_n3A_160, %dma_wait3A_190, %dma_wait3A_191] : memref<2x160x128xf32, #tpu.memory_space<vmem>> -> memref<1x160x128xf32, #tpu.memory_space<vmem>>
      %dma_wait3A_193 = tpu.memref_squeeze %dma_wait3A_192 : memref<1x160x128xf32, #tpu.memory_space<vmem>> -> memref<160x128xf32, #tpu.memory_space<vmem>>
      %dma_wait3A_194 = arith.constant 0 : i32
      %dma_wait3A_195 = arith.constant 0 : i32
      %dma_wait3A_196 = tpu.memref_slice %arg5[%dma_wait3A_194, %dma_wait3A_195] : memref<100000x128xf32, #tpu.memory_space<hbm>> -> memref<160x128xf32, #tpu.memory_space<hbm>>
      tpu.wait_dma2 semaphore(%dma_wait3A_189 : memref<!tpu.dma_semaphore, #tpu.memory_space<semaphore_mem>>) src(%dma_wait3A_196 : memref<160x128xf32, #tpu.memory_space<hbm>>) dst(%dma_wait3A_193 : memref<160x128xf32, #tpu.memory_space<vmem>>)
      %mul3A_197 = arith.constant 5 : i32
      %mul3A_198 = arith.muli %add3A_144, %mul3A_197 : i32
      %add3A_199 = arith.constant 0 : i32
      %add3A_200 = arith.addi %mul3A_198, %add3A_199 : i32
      %broadcast_in_dim3A = vector.broadcast %add3A_200 : i32 to vector<16xi32>
      %gather3A = tpu.vector_load_idx %arg8[%broadcast_in_dim3A] : memref<3200xf32, #tpu.memory_space<vmem>>[vector<16xi32>], vector<16xf32>,
      %scan3A = arith.constant 0 : i32
      %scan3A_201 = arith.constant 32 : i32
      %scan3A_202 = arith.addi %scan3A, %scan3A_201 : i32
      %scan3A_203 = arith.constant 2 : i32
      scf.for %scan3A_265 = %scan3A to %scan3A_202 step %scan3A_203  : i32 {
        %mul3A_266 = arith.constant 1 : i32
        %mul3A_267 = arith.muli %scan3A_265, %mul3A_266 : i32
        %add3A_268 = arith.constant 0 : i32
        %add3A_269 = arith.addi %add3A_268, %mul3A_267 : i32
        %add3A_270 = arith.constant 0 : i32
        %add3A_271 = arith.addi %add3A_270, %add3A_269 : i32
        %get3A = arith.index_cast %select_n3A_160 : i32 to index
        %get3A_272 = arith.index_cast %add3A_271 : i32 to index
        %get3A_273 = arith.constant 0 : index
        %get3A_274 = tpu.vector_load %arg9[%get3A, %get3A_272, %get3A_273] {strides = array<i32>} : memref<2x160x128xi32, #tpu.memory_space<vmem>>, vector<16xi32>,
        %get3A_275 = arith.index_cast %select_n3A_160 : i32 to index
        %get3A_276 = arith.index_cast %add3A_271 : i32 to index
        %get3A_277 = arith.constant 16 : index
        %get3A_278 = tpu.vector_load %arg9[%get3A_275, %get3A_276, %get3A_277] {strides = array<i32>} : memref<2x160x128xi32, #tpu.memory_space<vmem>>, vector<16xi32>,
        %get3A_279 = arith.index_cast %select_n3A_160 : i32 to index
        %get3A_280 = arith.index_cast %add3A_271 : i32 to index
        %get3A_281 = arith.constant 32 : index
        %get3A_282 = tpu.vector_load %arg9[%get3A_279, %get3A_280, %get3A_281] {strides = array<i32>} : memref<2x160x128xi32, #tpu.memory_space<vmem>>, vector<16xi32>,
        %get3A_283 = arith.index_cast %select_n3A_160 : i32 to index
        %get3A_284 = arith.index_cast %add3A_271 : i32 to index
        %get3A_285 = arith.constant 48 : index
        %get3A_286 = tpu.vector_load %arg9[%get3A_283, %get3A_284, %get3A_285] {strides = array<i32>} : memref<2x160x128xi32, #tpu.memory_space<vmem>>, vector<16xi32>,
        %get3A_287 = arith.index_cast %select_n3A_160 : i32 to index
        %get3A_288 = arith.index_cast %add3A_271 : i32 to index
        %get3A_289 = arith.constant 64 : index
        %get3A_290 = tpu.vector_load %arg9[%get3A_287, %get3A_288, %get3A_289] {strides = array<i32>} : memref<2x160x128xi32, #tpu.memory_space<vmem>>, vector<16xi32>,
        %get3A_291 = arith.index_cast %select_n3A_160 : i32 to index
        %get3A_292 = arith.index_cast %add3A_271 : i32 to index
        %get3A_293 = arith.constant 80 : index
        %get3A_294 = tpu.vector_load %arg9[%get3A_291, %get3A_292, %get3A_293] {strides = array<i32>} : memref<2x160x128xi32, #tpu.memory_space<vmem>>, vector<16xi32>,
        %get3A_295 = arith.index_cast %select_n3A_160 : i32 to index
        %get3A_296 = arith.index_cast %add3A_271 : i32 to index
        %get3A_297 = arith.constant 96 : index
        %get3A_298 = tpu.vector_load %arg9[%get3A_295, %get3A_296, %get3A_297] {strides = array<i32>} : memref<2x160x128xi32, #tpu.memory_space<vmem>>, vector<16xi32>,
        %get3A_299 = arith.index_cast %select_n3A_160 : i32 to index
        %get3A_300 = arith.index_cast %add3A_271 : i32 to index
        %get3A_301 = arith.constant 112 : index
        %get3A_302 = tpu.vector_load %arg9[%get3A_299, %get3A_300, %get3A_301] {strides = array<i32>} : memref<2x160x128xi32, #tpu.memory_space<vmem>>, vector<16xi32>,
        %gather3A_303 = tpu.vector_load_idx %arg7[%get3A_274] : memref<256xf32, #tpu.memory_space<vmem>>[vector<16xi32>], vector<16xf32>,
        %gather3A_304 = tpu.vector_load_idx %arg7[%get3A_278] : memref<256xf32, #tpu.memory_space<vmem>>[vector<16xi32>], vector<16xf32>,
        %gather3A_305 = tpu.vector_load_idx %arg7[%get3A_282] : memref<256xf32, #tpu.memory_space<vmem>>[vector<16xi32>], vector<16xf32>,
        %gather3A_306 = tpu.vector_load_idx %arg7[%get3A_286] : memref<256xf32, #tpu.memory_space<vmem>>[vector<16xi32>], vector<16xf32>,
        %gather3A_307 = tpu.vector_load_idx %arg7[%get3A_290] : memref<256xf32, #tpu.memory_space<vmem>>[vector<16xi32>], vector<16xf32>,
        %gather3A_308 = tpu.vector_load_idx %arg7[%get3A_294] : memref<256xf32, #tpu.memory_space<vmem>>[vector<16xi32>], vector<16xf32>,
        %gather3A_309 = tpu.vector_load_idx %arg7[%get3A_298] : memref<256xf32, #tpu.memory_space<vmem>>[vector<16xi32>], vector<16xf32>,
        %gather3A_310 = tpu.vector_load_idx %arg7[%get3A_302] : memref<256xf32, #tpu.memory_space<vmem>>[vector<16xi32>], vector<16xf32>,
        %mul3A_311 = arith.mulf %gather3A_303, %gather3A : vector<16xf32>
        %swap3A = arith.index_cast %select_n3A_160 : i32 to index
        %swap3A_312 = arith.index_cast %add3A_271 : i32 to index
        %swap3A_313 = arith.constant 0 : index
        %swap3A_314 = tpu.vector_load %arg10[%swap3A, %swap3A_312, %swap3A_313] {strides = array<i32>} : memref<2x160x128xf32, #tpu.memory_space<vmem>>, vector<16xf32>,
        tpu.vector_store %arg10[%swap3A, %swap3A_312, %swap3A_313], %mul3A_311 {add = true, strides = array<i32>} : memref<2x160x128xf32, #tpu.memory_space<vmem>>, vector<16xf32>,
        %mul3A_315 = arith.mulf %gather3A_304, %gather3A : vector<16xf32>
        %swap3A_316 = arith.index_cast %select_n3A_160 : i32 to index
        %swap3A_317 = arith.index_cast %add3A_271 : i32 to index
        %swap3A_318 = arith.constant 16 : index
        %swap3A_319 = tpu.vector_load %arg10[%swap3A_316, %swap3A_317, %swap3A_318] {strides = array<i32>} : memref<2x160x128xf32, #tpu.memory_space<vmem>>, vector<16xf32>,
        tpu.vector_store %arg10[%swap3A_316, %swap3A_317, %swap3A_318], %mul3A_315 {add = true, strides = array<i32>} : memref<2x160x128xf32, #tpu.memory_space<vmem>>, vector<16xf32>,
        %mul3A_320 = arith.mulf %gather3A_305, %gather3A : vector<16xf32>
        %swap3A_321 = arith.index_cast %select_n3A_160 : i32 to index
        %swap3A_322 = arith.index_cast %add3A_271 : i32 to index
        %swap3A_323 = arith.constant 32 : index
        %swap3A_324 = tpu.vector_load %arg10[%swap3A_321, %swap3A_322, %swap3A_323] {strides = array<i32>} : memref<2x160x128xf32, #tpu.memory_space<vmem>>, vector<16xf32>,
        tpu.vector_store %arg10[%swap3A_321, %swap3A_322, %swap3A_323], %mul3A_320 {add = true, strides = array<i32>} : memref<2x160x128xf32, #tpu.memory_space<vmem>>, vector<16xf32>,
        %mul3A_325 = arith.mulf %gather3A_306, %gather3A : vector<16xf32>
        %swap3A_326 = arith.index_cast %select_n3A_160 : i32 to index
        %swap3A_327 = arith.index_cast %add3A_271 : i32 to index
        %swap3A_328 = arith.constant 48 : index
        %swap3A_329 = tpu.vector_load %arg10[%swap3A_326, %swap3A_327, %swap3A_328] {strides = array<i32>} : memref<2x160x128xf32, #tpu.memory_space<vmem>>, vector<16xf32>,
        tpu.vector_store %arg10[%swap3A_326, %swap3A_327, %swap3A_328], %mul3A_325 {add = true, strides = array<i32>} : memref<2x160x128xf32, #tpu.memory_space<vmem>>, vector<16xf32>,
        %mul3A_330 = arith.mulf %gather3A_307, %gather3A : vector<16xf32>
        %swap3A_331 = arith.index_cast %select_n3A_160 : i32 to index
        %swap3A_332 = arith.index_cast %add3A_271 : i32 to index
        %swap3A_333 = arith.constant 64 : index
        %swap3A_334 = tpu.vector_load %arg10[%swap3A_331, %swap3A_332, %swap3A_333] {strides = array<i32>} : memref<2x160x128xf32, #tpu.memory_space<vmem>>, vector<16xf32>,
        tpu.vector_store %arg10[%swap3A_331, %swap3A_332, %swap3A_333], %mul3A_330 {add = true, strides = array<i32>} : memref<2x160x128xf32, #tpu.memory_space<vmem>>, vector<16xf32>,
        %mul3A_335 = arith.mulf %gather3A_308, %gather3A : vector<16xf32>
        %swap3A_336 = arith.index_cast %select_n3A_160 : i32 to index
        %swap3A_337 = arith.index_cast %add3A_271 : i32 to index
        %swap3A_338 = arith.constant 80 : index
        %swap3A_339 = tpu.vector_load %arg10[%swap3A_336, %swap3A_337, %swap3A_338] {strides = array<i32>} : memref<2x160x128xf32, #tpu.memory_space<vmem>>, vector<16xf32>,
        tpu.vector_store %arg10[%swap3A_336, %swap3A_337, %swap3A_338], %mul3A_335 {add = true, strides = array<i32>} : memref<2x160x128xf32, #tpu.memory_space<vmem>>, vector<16xf32>,
        %mul3A_340 = arith.mulf %gather3A_309, %gather3A : vector<16xf32>
        %swap3A_341 = arith.index_cast %select_n3A_160 : i32 to index
        %swap3A_342 = arith.index_cast %add3A_271 : i32 to index
        %swap3A_343 = arith.constant 96 : index
        %swap3A_344 = tpu.vector_load %arg10[%swap3A_341, %swap3A_342, %swap3A_343] {strides = array<i32>} : memref<2x160x128xf32, #tpu.memory_space<vmem>>, vector<16xf32>,
        tpu.vector_store %arg10[%swap3A_341, %swap3A_342, %swap3A_343], %mul3A_340 {add = true, strides = array<i32>} : memref<2x160x128xf32, #tpu.memory_space<vmem>>, vector<16xf32>,
        %mul3A_345 = arith.mulf %gather3A_310, %gather3A : vector<16xf32>
        %swap3A_346 = arith.index_cast %select_n3A_160 : i32 to index
        %swap3A_347 = arith.index_cast %add3A_271 : i32 to index
        %swap3A_348 = arith.constant 112 : index
        %swap3A_349 = tpu.vector_load %arg10[%swap3A_346, %swap3A_347, %swap3A_348] {strides = array<i32>} : memref<2x160x128xf32, #tpu.memory_space<vmem>>, vector<16xf32>,
        tpu.vector_store %arg10[%swap3A_346, %swap3A_347, %swap3A_348], %mul3A_345 {add = true, strides = array<i32>} : memref<2x160x128xf32, #tpu.memory_space<vmem>>, vector<16xf32>,
        %scan3A_350 = arith.constant 1 : i32
        %scan3A_351 = arith.addi %scan3A_265, %scan3A_350 : i32
        %mul3A_352 = arith.constant 1 : i32
        %mul3A_353 = arith.muli %scan3A_351, %mul3A_352 : i32
        %add3A_354 = arith.constant 0 : i32
        %add3A_355 = arith.addi %add3A_354, %mul3A_353 : i32
        %add3A_356 = arith.constant 0 : i32
        %add3A_357 = arith.addi %add3A_356, %add3A_355 : i32
        %get3A_358 = arith.index_cast %select_n3A_160 : i32 to index
        %get3A_359 = arith.index_cast %add3A_357 : i32 to index
        %get3A_360 = arith.constant 0 : index
        %get3A_361 = tpu.vector_load %arg9[%get3A_358, %get3A_359, %get3A_360] {strides = array<i32>} : memref<2x160x128xi32, #tpu.memory_space<vmem>>, vector<16xi32>,
        %get3A_362 = arith.index_cast %select_n3A_160 : i32 to index
        %get3A_363 = arith.index_cast %add3A_357 : i32 to index
        %get3A_364 = arith.constant 16 : index
        %get3A_365 = tpu.vector_load %arg9[%get3A_362, %get3A_363, %get3A_364] {strides = array<i32>} : memref<2x160x128xi32, #tpu.memory_space<vmem>>, vector<16xi32>,
        %get3A_366 = arith.index_cast %select_n3A_160 : i32 to index
        %get3A_367 = arith.index_cast %add3A_357 : i32 to index
        %get3A_368 = arith.constant 32 : index
        %get3A_369 = tpu.vector_load %arg9[%get3A_366, %get3A_367, %get3A_368] {strides = array<i32>} : memref<2x160x128xi32, #tpu.memory_space<vmem>>, vector<16xi32>,
        %get3A_370 = arith.index_cast %select_n3A_160 : i32 to index
        %get3A_371 = arith.index_cast %add3A_357 : i32 to index
        %get3A_372 = arith.constant 48 : index
        %get3A_373 = tpu.vector_load %arg9[%get3A_370, %get3A_371, %get3A_372] {strides = array<i32>} : memref<2x160x128xi32, #tpu.memory_space<vmem>>, vector<16xi32>,
        %get3A_374 = arith.index_cast %select_n3A_160 : i32 to index
        %get3A_375 = arith.index_cast %add3A_357 : i32 to index
        %get3A_376 = arith.constant 64 : index
        %get3A_377 = tpu.vector_load %arg9[%get3A_374, %get3A_375, %get3A_376] {strides = array<i32>} : memref<2x160x128xi32, #tpu.memory_space<vmem>>, vector<16xi32>,
        %get3A_378 = arith.index_cast %select_n3A_160 : i32 to index
        %get3A_379 = arith.index_cast %add3A_357 : i32 to index
        %get3A_380 = arith.constant 80 : index
        %get3A_381 = tpu.vector_load %arg9[%get3A_378, %get3A_379, %get3A_380] {strides = array<i32>} : memref<2x160x128xi32, #tpu.memory_space<vmem>>, vector<16xi32>,
        %get3A_382 = arith.index_cast %select_n3A_160 : i32 to index
        %get3A_383 = arith.index_cast %add3A_357 : i32 to index
        %get3A_384 = arith.constant 96 : index
        %get3A_385 = tpu.vector_load %arg9[%get3A_382, %get3A_383, %get3A_384] {strides = array<i32>} : memref<2x160x128xi32, #tpu.memory_space<vmem>>, vector<16xi32>,
        %get3A_386 = arith.index_cast %select_n3A_160 : i32 to index
        %get3A_387 = arith.index_cast %add3A_357 : i32 to index
        %get3A_388 = arith.constant 112 : index
        %get3A_389 = tpu.vector_load %arg9[%get3A_386, %get3A_387, %get3A_388] {strides = array<i32>} : memref<2x160x128xi32, #tpu.memory_space<vmem>>, vector<16xi32>,
        %gather3A_390 = tpu.vector_load_idx %arg7[%get3A_361] : memref<256xf32, #tpu.memory_space<vmem>>[vector<16xi32>], vector<16xf32>,
        %gather3A_391 = tpu.vector_load_idx %arg7[%get3A_365] : memref<256xf32, #tpu.memory_space<vmem>>[vector<16xi32>], vector<16xf32>,
        %gather3A_392 = tpu.vector_load_idx %arg7[%get3A_369] : memref<256xf32, #tpu.memory_space<vmem>>[vector<16xi32>], vector<16xf32>,
        %gather3A_393 = tpu.vector_load_idx %arg7[%get3A_373] : memref<256xf32, #tpu.memory_space<vmem>>[vector<16xi32>], vector<16xf32>,
        %gather3A_394 = tpu.vector_load_idx %arg7[%get3A_377] : memref<256xf32, #tpu.memory_space<vmem>>[vector<16xi32>], vector<16xf32>,
        %gather3A_395 = tpu.vector_load_idx %arg7[%get3A_381] : memref<256xf32, #tpu.memory_space<vmem>>[vector<16xi32>], vector<16xf32>,
        %gather3A_396 = tpu.vector_load_idx %arg7[%get3A_385] : memref<256xf32, #tpu.memory_space<vmem>>[vector<16xi32>], vector<16xf32>,
        %gather3A_397 = tpu.vector_load_idx %arg7[%get3A_389] : memref<256xf32, #tpu.memory_space<vmem>>[vector<16xi32>], vector<16xf32>,
        %mul3A_398 = arith.mulf %gather3A_390, %gather3A : vector<16xf32>
        %swap3A_399 = arith.index_cast %select_n3A_160 : i32 to index
        %swap3A_400 = arith.index_cast %add3A_357 : i32 to index
        %swap3A_401 = arith.constant 0 : index
        %swap3A_402 = tpu.vector_load %arg10[%swap3A_399, %swap3A_400, %swap3A_401] {strides = array<i32>} : memref<2x160x128xf32, #tpu.memory_space<vmem>>, vector<16xf32>,
        tpu.vector_store %arg10[%swap3A_399, %swap3A_400, %swap3A_401], %mul3A_398 {add = true, strides = array<i32>} : memref<2x160x128xf32, #tpu.memory_space<vmem>>, vector<16xf32>,
        %mul3A_403 = arith.mulf %gather3A_391, %gather3A : vector<16xf32>
        %swap3A_404 = arith.index_cast %select_n3A_160 : i32 to index
        %swap3A_405 = arith.index_cast %add3A_357 : i32 to index
        %swap3A_406 = arith.constant 16 : index
        %swap3A_407 = tpu.vector_load %arg10[%swap3A_404, %swap3A_405, %swap3A_406] {strides = array<i32>} : memref<2x160x128xf32, #tpu.memory_space<vmem>>, vector<16xf32>,
        tpu.vector_store %arg10[%swap3A_404, %swap3A_405, %swap3A_406], %mul3A_403 {add = true, strides = array<i32>} : memref<2x160x128xf32, #tpu.memory_space<vmem>>, vector<16xf32>,
        %mul3A_408 = arith.mulf %gather3A_392, %gather3A : vector<16xf32>
        %swap3A_409 = arith.index_cast %select_n3A_160 : i32 to index
        %swap3A_410 = arith.index_cast %add3A_357 : i32 to index
        %swap3A_411 = arith.constant 32 : index
        %swap3A_412 = tpu.vector_load %arg10[%swap3A_409, %swap3A_410, %swap3A_411] {strides = array<i32>} : memref<2x160x128xf32, #tpu.memory_space<vmem>>, vector<16xf32>,
        tpu.vector_store %arg10[%swap3A_409, %swap3A_410, %swap3A_411], %mul3A_408 {add = true, strides = array<i32>} : memref<2x160x128xf32, #tpu.memory_space<vmem>>, vector<16xf32>,
        %mul3A_413 = arith.mulf %gather3A_393, %gather3A : vector<16xf32>
        %swap3A_414 = arith.index_cast %select_n3A_160 : i32 to index
        %swap3A_415 = arith.index_cast %add3A_357 : i32 to index
        %swap3A_416 = arith.constant 48 : index
        %swap3A_417 = tpu.vector_load %arg10[%swap3A_414, %swap3A_415, %swap3A_416] {strides = array<i32>} : memref<2x160x128xf32, #tpu.memory_space<vmem>>, vector<16xf32>,
        tpu.vector_store %arg10[%swap3A_414, %swap3A_415, %swap3A_416], %mul3A_413 {add = true, strides = array<i32>} : memref<2x160x128xf32, #tpu.memory_space<vmem>>, vector<16xf32>,
        %mul3A_418 = arith.mulf %gather3A_394, %gather3A : vector<16xf32>
        %swap3A_419 = arith.index_cast %select_n3A_160 : i32 to index
        %swap3A_420 = arith.index_cast %add3A_357 : i32 to index
        %swap3A_421 = arith.constant 64 : index
        %swap3A_422 = tpu.vector_load %arg10[%swap3A_419, %swap3A_420, %swap3A_421] {strides = array<i32>} : memref<2x160x128xf32, #tpu.memory_space<vmem>>, vector<16xf32>,
        tpu.vector_store %arg10[%swap3A_419, %swap3A_420, %swap3A_421], %mul3A_418 {add = true, strides = array<i32>} : memref<2x160x128xf32, #tpu.memory_space<vmem>>, vector<16xf32>,
        %mul3A_423 = arith.mulf %gather3A_395, %gather3A : vector<16xf32>
        %swap3A_424 = arith.index_cast %select_n3A_160 : i32 to index
        %swap3A_425 = arith.index_cast %add3A_357 : i32 to index
        %swap3A_426 = arith.constant 80 : index
        %swap3A_427 = tpu.vector_load %arg10[%swap3A_424, %swap3A_425, %swap3A_426] {strides = array<i32>} : memref<2x160x128xf32, #tpu.memory_space<vmem>>, vector<16xf32>,
        tpu.vector_store %arg10[%swap3A_424, %swap3A_425, %swap3A_426], %mul3A_423 {add = true, strides = array<i32>} : memref<2x160x128xf32, #tpu.memory_space<vmem>>, vector<16xf32>,
        %mul3A_428 = arith.mulf %gather3A_396, %gather3A : vector<16xf32>
        %swap3A_429 = arith.index_cast %select_n3A_160 : i32 to index
        %swap3A_430 = arith.index_cast %add3A_357 : i32 to index
        %swap3A_431 = arith.constant 96 : index
        %swap3A_432 = tpu.vector_load %arg10[%swap3A_429, %swap3A_430, %swap3A_431] {strides = array<i32>} : memref<2x160x128xf32, #tpu.memory_space<vmem>>, vector<16xf32>,
        tpu.vector_store %arg10[%swap3A_429, %swap3A_430, %swap3A_431], %mul3A_428 {add = true, strides = array<i32>} : memref<2x160x128xf32, #tpu.memory_space<vmem>>, vector<16xf32>,
        %mul3A_433 = arith.mulf %gather3A_397, %gather3A : vector<16xf32>
        %swap3A_434 = arith.index_cast %select_n3A_160 : i32 to index
        %swap3A_435 = arith.index_cast %add3A_357 : i32 to index
        %swap3A_436 = arith.constant 112 : index
        %swap3A_437 = tpu.vector_load %arg10[%swap3A_434, %swap3A_435, %swap3A_436] {strides = array<i32>} : memref<2x160x128xf32, #tpu.memory_space<vmem>>, vector<16xf32>,
        tpu.vector_store %arg10[%swap3A_434, %swap3A_435, %swap3A_436], %mul3A_433 {add = true, strides = array<i32>} : memref<2x160x128xf32, #tpu.memory_space<vmem>>, vector<16xf32>,
      }
      %scan3A_204 = arith.constant 32 : i32
      %mul3A_205 = arith.constant 5 : i32
      %mul3A_206 = arith.muli %add3A_144, %mul3A_205 : i32
      %add3A_207 = arith.constant 1 : i32
      %add3A_208 = arith.addi %mul3A_206, %add3A_207 : i32
      %broadcast_in_dim3A_209 = vector.broadcast %add3A_208 : i32 to vector<16xi32>
      %gather3A_210 = tpu.vector_load_idx %arg8[%broadcast_in_dim3A_209] : memref<3200xf32, #tpu.memory_space<vmem>>[vector<16xi32>], vector<16xf32>,
      %scan3A_211 = arith.constant 0 : i32
      %scan3A_212 = arith.constant 32 : i32
      %scan3A_213 = arith.addi %scan3A_211, %scan3A_212 : i32
      %scan3A_214 = arith.constant 2 : i32
      scf.for %scan3A_265 = %scan3A_211 to %scan3A_213 step %scan3A_214  : i32 {
        %mul3A_266 = arith.constant 1 : i32
        %mul3A_267 = arith.muli %scan3A_265, %mul3A_266 : i32
        %add3A_268 = arith.constant 0 : i32
        %add3A_269 = arith.addi %add3A_268, %mul3A_267 : i32
        %add3A_270 = arith.constant 32 : i32
        %add3A_271 = arith.addi %add3A_270, %add3A_269 : i32
        %get3A = arith.index_cast %select_n3A_160 : i32 to index
        %get3A_272 = arith.index_cast %add3A_271 : i32 to index
        %get3A_273 = arith.constant 0 : index
        %get3A_274 = tpu.vector_load %arg9[%get3A, %get3A_272, %get3A_273] {strides = array<i32>} : memref<2x160x128xi32, #tpu.memory_space<vmem>>, vector<16xi32>,
        %get3A_275 = arith.index_cast %select_n3A_160 : i32 to index
        %get3A_276 = arith.index_cast %add3A_271 : i32 to index
        %get3A_277 = arith.constant 16 : index
        %get3A_278 = tpu.vector_load %arg9[%get3A_275, %get3A_276, %get3A_277] {strides = array<i32>} : memref<2x160x128xi32, #tpu.memory_space<vmem>>, vector<16xi32>,
        %get3A_279 = arith.index_cast %select_n3A_160 : i32 to index
        %get3A_280 = arith.index_cast %add3A_271 : i32 to index
        %get3A_281 = arith.constant 32 : index
        %get3A_282 = tpu.vector_load %arg9[%get3A_279, %get3A_280, %get3A_281] {strides = array<i32>} : memref<2x160x128xi32, #tpu.memory_space<vmem>>, vector<16xi32>,
        %get3A_283 = arith.index_cast %select_n3A_160 : i32 to index
        %get3A_284 = arith.index_cast %add3A_271 : i32 to index
        %get3A_285 = arith.constant 48 : index
        %get3A_286 = tpu.vector_load %arg9[%get3A_283, %get3A_284, %get3A_285] {strides = array<i32>} : memref<2x160x128xi32, #tpu.memory_space<vmem>>, vector<16xi32>,
        %get3A_287 = arith.index_cast %select_n3A_160 : i32 to index
        %get3A_288 = arith.index_cast %add3A_271 : i32 to index
        %get3A_289 = arith.constant 64 : index
        %get3A_290 = tpu.vector_load %arg9[%get3A_287, %get3A_288, %get3A_289] {strides = array<i32>} : memref<2x160x128xi32, #tpu.memory_space<vmem>>, vector<16xi32>,
        %get3A_291 = arith.index_cast %select_n3A_160 : i32 to index
        %get3A_292 = arith.index_cast %add3A_271 : i32 to index
        %get3A_293 = arith.constant 80 : index
        %get3A_294 = tpu.vector_load %arg9[%get3A_291, %get3A_292, %get3A_293] {strides = array<i32>} : memref<2x160x128xi32, #tpu.memory_space<vmem>>, vector<16xi32>,
        %get3A_295 = arith.index_cast %select_n3A_160 : i32 to index
        %get3A_296 = arith.index_cast %add3A_271 : i32 to index
        %get3A_297 = arith.constant 96 : index
        %get3A_298 = tpu.vector_load %arg9[%get3A_295, %get3A_296, %get3A_297] {strides = array<i32>} : memref<2x160x128xi32, #tpu.memory_space<vmem>>, vector<16xi32>,
        %get3A_299 = arith.index_cast %select_n3A_160 : i32 to index
        %get3A_300 = arith.index_cast %add3A_271 : i32 to index
        %get3A_301 = arith.constant 112 : index
        %get3A_302 = tpu.vector_load %arg9[%get3A_299, %get3A_300, %get3A_301] {strides = array<i32>} : memref<2x160x128xi32, #tpu.memory_space<vmem>>, vector<16xi32>,
        %gather3A_303 = tpu.vector_load_idx %arg7[%get3A_274] : memref<256xf32, #tpu.memory_space<vmem>>[vector<16xi32>], vector<16xf32>,
        %gather3A_304 = tpu.vector_load_idx %arg7[%get3A_278] : memref<256xf32, #tpu.memory_space<vmem>>[vector<16xi32>], vector<16xf32>,
        %gather3A_305 = tpu.vector_load_idx %arg7[%get3A_282] : memref<256xf32, #tpu.memory_space<vmem>>[vector<16xi32>], vector<16xf32>,
        %gather3A_306 = tpu.vector_load_idx %arg7[%get3A_286] : memref<256xf32, #tpu.memory_space<vmem>>[vector<16xi32>], vector<16xf32>,
        %gather3A_307 = tpu.vector_load_idx %arg7[%get3A_290] : memref<256xf32, #tpu.memory_space<vmem>>[vector<16xi32>], vector<16xf32>,
        %gather3A_308 = tpu.vector_load_idx %arg7[%get3A_294] : memref<256xf32, #tpu.memory_space<vmem>>[vector<16xi32>], vector<16xf32>,
        %gather3A_309 = tpu.vector_load_idx %arg7[%get3A_298] : memref<256xf32, #tpu.memory_space<vmem>>[vector<16xi32>], vector<16xf32>,
        %gather3A_310 = tpu.vector_load_idx %arg7[%get3A_302] : memref<256xf32, #tpu.memory_space<vmem>>[vector<16xi32>], vector<16xf32>,
        %mul3A_311 = arith.mulf %gather3A_303, %gather3A_210 : vector<16xf32>
        %swap3A = arith.index_cast %select_n3A_160 : i32 to index
        %swap3A_312 = arith.index_cast %add3A_271 : i32 to index
        %swap3A_313 = arith.constant 0 : index
        %swap3A_314 = tpu.vector_load %arg10[%swap3A, %swap3A_312, %swap3A_313] {strides = array<i32>} : memref<2x160x128xf32, #tpu.memory_space<vmem>>, vector<16xf32>,
        tpu.vector_store %arg10[%swap3A, %swap3A_312, %swap3A_313], %mul3A_311 {add = true, strides = array<i32>} : memref<2x160x128xf32, #tpu.memory_space<vmem>>, vector<16xf32>,
        %mul3A_315 = arith.mulf %gather3A_304, %gather3A_210 : vector<16xf32>
        %swap3A_316 = arith.index_cast %select_n3A_160 : i32 to index
        %swap3A_317 = arith.index_cast %add3A_271 : i32 to index
        %swap3A_318 = arith.constant 16 : index
        %swap3A_319 = tpu.vector_load %arg10[%swap3A_316, %swap3A_317, %swap3A_318] {strides = array<i32>} : memref<2x160x128xf32, #tpu.memory_space<vmem>>, vector<16xf32>,
        tpu.vector_store %arg10[%swap3A_316, %swap3A_317, %swap3A_318], %mul3A_315 {add = true, strides = array<i32>} : memref<2x160x128xf32, #tpu.memory_space<vmem>>, vector<16xf32>,
        %mul3A_320 = arith.mulf %gather3A_305, %gather3A_210 : vector<16xf32>
        %swap3A_321 = arith.index_cast %select_n3A_160 : i32 to index
        %swap3A_322 = arith.index_cast %add3A_271 : i32 to index
        %swap3A_323 = arith.constant 32 : index
        %swap3A_324 = tpu.vector_load %arg10[%swap3A_321, %swap3A_322, %swap3A_323] {strides = array<i32>} : memref<2x160x128xf32, #tpu.memory_space<vmem>>, vector<16xf32>,
        tpu.vector_store %arg10[%swap3A_321, %swap3A_322, %swap3A_323], %mul3A_320 {add = true, strides = array<i32>} : memref<2x160x128xf32, #tpu.memory_space<vmem>>, vector<16xf32>,
        %mul3A_325 = arith.mulf %gather3A_306, %gather3A_210 : vector<16xf32>
        %swap3A_326 = arith.index_cast %select_n3A_160 : i32 to index
        %swap3A_327 = arith.index_cast %add3A_271 : i32 to index
        %swap3A_328 = arith.constant 48 : index
        %swap3A_329 = tpu.vector_load %arg10[%swap3A_326, %swap3A_327, %swap3A_328] {strides = array<i32>} : memref<2x160x128xf32, #tpu.memory_space<vmem>>, vector<16xf32>,
        tpu.vector_store %arg10[%swap3A_326, %swap3A_327, %swap3A_328], %mul3A_325 {add = true, strides = array<i32>} : memref<2x160x128xf32, #tpu.memory_space<vmem>>, vector<16xf32>,
        %mul3A_330 = arith.mulf %gather3A_307, %gather3A_210 : vector<16xf32>
        %swap3A_331 = arith.index_cast %select_n3A_160 : i32 to index
        %swap3A_332 = arith.index_cast %add3A_271 : i32 to index
        %swap3A_333 = arith.constant 64 : index
        %swap3A_334 = tpu.vector_load %arg10[%swap3A_331, %swap3A_332, %swap3A_333] {strides = array<i32>} : memref<2x160x128xf32, #tpu.memory_space<vmem>>, vector<16xf32>,
        tpu.vector_store %arg10[%swap3A_331, %swap3A_332, %swap3A_333], %mul3A_330 {add = true, strides = array<i32>} : memref<2x160x128xf32, #tpu.memory_space<vmem>>, vector<16xf32>,
        %mul3A_335 = arith.mulf %gather3A_308, %gather3A_210 : vector<16xf32>
        %swap3A_336 = arith.index_cast %select_n3A_160 : i32 to index
        %swap3A_337 = arith.index_cast %add3A_271 : i32 to index
        %swap3A_338 = arith.constant 80 : index
        %swap3A_339 = tpu.vector_load %arg10[%swap3A_336, %swap3A_337, %swap3A_338] {strides = array<i32>} : memref<2x160x128xf32, #tpu.memory_space<vmem>>, vector<16xf32>,
        tpu.vector_store %arg10[%swap3A_336, %swap3A_337, %swap3A_338], %mul3A_335 {add = true, strides = array<i32>} : memref<2x160x128xf32, #tpu.memory_space<vmem>>, vector<16xf32>,
        %mul3A_340 = arith.mulf %gather3A_309, %gather3A_210 : vector<16xf32>
        %swap3A_341 = arith.index_cast %select_n3A_160 : i32 to index
        %swap3A_342 = arith.index_cast %add3A_271 : i32 to index
        %swap3A_343 = arith.constant 96 : index
        %swap3A_344 = tpu.vector_load %arg10[%swap3A_341, %swap3A_342, %swap3A_343] {strides = array<i32>} : memref<2x160x128xf32, #tpu.memory_space<vmem>>, vector<16xf32>,
        tpu.vector_store %arg10[%swap3A_341, %swap3A_342, %swap3A_343], %mul3A_340 {add = true, strides = array<i32>} : memref<2x160x128xf32, #tpu.memory_space<vmem>>, vector<16xf32>,
        %mul3A_345 = arith.mulf %gather3A_310, %gather3A_210 : vector<16xf32>
        %swap3A_346 = arith.index_cast %select_n3A_160 : i32 to index
        %swap3A_347 = arith.index_cast %add3A_271 : i32 to index
        %swap3A_348 = arith.constant 112 : index
        %swap3A_349 = tpu.vector_load %arg10[%swap3A_346, %swap3A_347, %swap3A_348] {strides = array<i32>} : memref<2x160x128xf32, #tpu.memory_space<vmem>>, vector<16xf32>,
        tpu.vector_store %arg10[%swap3A_346, %swap3A_347, %swap3A_348], %mul3A_345 {add = true, strides = array<i32>} : memref<2x160x128xf32, #tpu.memory_space<vmem>>, vector<16xf32>,
        %scan3A_350 = arith.constant 1 : i32
        %scan3A_351 = arith.addi %scan3A_265, %scan3A_350 : i32
        %mul3A_352 = arith.constant 1 : i32
        %mul3A_353 = arith.muli %scan3A_351, %mul3A_352 : i32
        %add3A_354 = arith.constant 0 : i32
        %add3A_355 = arith.addi %add3A_354, %mul3A_353 : i32
        %add3A_356 = arith.constant 32 : i32
        %add3A_357 = arith.addi %add3A_356, %add3A_355 : i32
        %get3A_358 = arith.index_cast %select_n3A_160 : i32 to index
        %get3A_359 = arith.index_cast %add3A_357 : i32 to index
        %get3A_360 = arith.constant 0 : index
        %get3A_361 = tpu.vector_load %arg9[%get3A_358, %get3A_359, %get3A_360] {strides = array<i32>} : memref<2x160x128xi32, #tpu.memory_space<vmem>>, vector<16xi32>,
        %get3A_362 = arith.index_cast %select_n3A_160 : i32 to index
        %get3A_363 = arith.index_cast %add3A_357 : i32 to index
        %get3A_364 = arith.constant 16 : index
        %get3A_365 = tpu.vector_load %arg9[%get3A_362, %get3A_363, %get3A_364] {strides = array<i32>} : memref<2x160x128xi32, #tpu.memory_space<vmem>>, vector<16xi32>,
        %get3A_366 = arith.index_cast %select_n3A_160 : i32 to index
        %get3A_367 = arith.index_cast %add3A_357 : i32 to index
        %get3A_368 = arith.constant 32 : index
        %get3A_369 = tpu.vector_load %arg9[%get3A_366, %get3A_367, %get3A_368] {strides = array<i32>} : memref<2x160x128xi32, #tpu.memory_space<vmem>>, vector<16xi32>,
        %get3A_370 = arith.index_cast %select_n3A_160 : i32 to index
        %get3A_371 = arith.index_cast %add3A_357 : i32 to index
        %get3A_372 = arith.constant 48 : index
        %get3A_373 = tpu.vector_load %arg9[%get3A_370, %get3A_371, %get3A_372] {strides = array<i32>} : memref<2x160x128xi32, #tpu.memory_space<vmem>>, vector<16xi32>,
        %get3A_374 = arith.index_cast %select_n3A_160 : i32 to index
        %get3A_375 = arith.index_cast %add3A_357 : i32 to index
        %get3A_376 = arith.constant 64 : index
        %get3A_377 = tpu.vector_load %arg9[%get3A_374, %get3A_375, %get3A_376] {strides = array<i32>} : memref<2x160x128xi32, #tpu.memory_space<vmem>>, vector<16xi32>,
        %get3A_378 = arith.index_cast %select_n3A_160 : i32 to index
        %get3A_379 = arith.index_cast %add3A_357 : i32 to index
        %get3A_380 = arith.constant 80 : index
        %get3A_381 = tpu.vector_load %arg9[%get3A_378, %get3A_379, %get3A_380] {strides = array<i32>} : memref<2x160x128xi32, #tpu.memory_space<vmem>>, vector<16xi32>,
        %get3A_382 = arith.index_cast %select_n3A_160 : i32 to index
        %get3A_383 = arith.index_cast %add3A_357 : i32 to index
        %get3A_384 = arith.constant 96 : index
        %get3A_385 = tpu.vector_load %arg9[%get3A_382, %get3A_383, %get3A_384] {strides = array<i32>} : memref<2x160x128xi32, #tpu.memory_space<vmem>>, vector<16xi32>,
        %get3A_386 = arith.index_cast %select_n3A_160 : i32 to index
        %get3A_387 = arith.index_cast %add3A_357 : i32 to index
        %get3A_388 = arith.constant 112 : index
        %get3A_389 = tpu.vector_load %arg9[%get3A_386, %get3A_387, %get3A_388] {strides = array<i32>} : memref<2x160x128xi32, #tpu.memory_space<vmem>>, vector<16xi32>,
        %gather3A_390 = tpu.vector_load_idx %arg7[%get3A_361] : memref<256xf32, #tpu.memory_space<vmem>>[vector<16xi32>], vector<16xf32>,
        %gather3A_391 = tpu.vector_load_idx %arg7[%get3A_365] : memref<256xf32, #tpu.memory_space<vmem>>[vector<16xi32>], vector<16xf32>,
        %gather3A_392 = tpu.vector_load_idx %arg7[%get3A_369] : memref<256xf32, #tpu.memory_space<vmem>>[vector<16xi32>], vector<16xf32>,
        %gather3A_393 = tpu.vector_load_idx %arg7[%get3A_373] : memref<256xf32, #tpu.memory_space<vmem>>[vector<16xi32>], vector<16xf32>,
        %gather3A_394 = tpu.vector_load_idx %arg7[%get3A_377] : memref<256xf32, #tpu.memory_space<vmem>>[vector<16xi32>], vector<16xf32>,
        %gather3A_395 = tpu.vector_load_idx %arg7[%get3A_381] : memref<256xf32, #tpu.memory_space<vmem>>[vector<16xi32>], vector<16xf32>,
        %gather3A_396 = tpu.vector_load_idx %arg7[%get3A_385] : memref<256xf32, #tpu.memory_space<vmem>>[vector<16xi32>], vector<16xf32>,
        %gather3A_397 = tpu.vector_load_idx %arg7[%get3A_389] : memref<256xf32, #tpu.memory_space<vmem>>[vector<16xi32>], vector<16xf32>,
        %mul3A_398 = arith.mulf %gather3A_390, %gather3A_210 : vector<16xf32>
        %swap3A_399 = arith.index_cast %select_n3A_160 : i32 to index
        %swap3A_400 = arith.index_cast %add3A_357 : i32 to index
        %swap3A_401 = arith.constant 0 : index
        %swap3A_402 = tpu.vector_load %arg10[%swap3A_399, %swap3A_400, %swap3A_401] {strides = array<i32>} : memref<2x160x128xf32, #tpu.memory_space<vmem>>, vector<16xf32>,
        tpu.vector_store %arg10[%swap3A_399, %swap3A_400, %swap3A_401], %mul3A_398 {add = true, strides = array<i32>} : memref<2x160x128xf32, #tpu.memory_space<vmem>>, vector<16xf32>,
        %mul3A_403 = arith.mulf %gather3A_391, %gather3A_210 : vector<16xf32>
        %swap3A_404 = arith.index_cast %select_n3A_160 : i32 to index
        %swap3A_405 = arith.index_cast %add3A_357 : i32 to index
        %swap3A_406 = arith.constant 16 : index
        %swap3A_407 = tpu.vector_load %arg10[%swap3A_404, %swap3A_405, %swap3A_406] {strides = array<i32>} : memref<2x160x128xf32, #tpu.memory_space<vmem>>, vector<16xf32>,
        tpu.vector_store %arg10[%swap3A_404, %swap3A_405, %swap3A_406], %mul3A_403 {add = true, strides = array<i32>} : memref<2x160x128xf32, #tpu.memory_space<vmem>>, vector<16xf32>,
        %mul3A_408 = arith.mulf %gather3A_392, %gather3A_210 : vector<16xf32>
        %swap3A_409 = arith.index_cast %select_n3A_160 : i32 to index
        %swap3A_410 = arith.index_cast %add3A_357 : i32 to index
        %swap3A_411 = arith.constant 32 : index
        %swap3A_412 = tpu.vector_load %arg10[%swap3A_409, %swap3A_410, %swap3A_411] {strides = array<i32>} : memref<2x160x128xf32, #tpu.memory_space<vmem>>, vector<16xf32>,
        tpu.vector_store %arg10[%swap3A_409, %swap3A_410, %swap3A_411], %mul3A_408 {add = true, strides = array<i32>} : memref<2x160x128xf32, #tpu.memory_space<vmem>>, vector<16xf32>,
        %mul3A_413 = arith.mulf %gather3A_393, %gather3A_210 : vector<16xf32>
        %swap3A_414 = arith.index_cast %select_n3A_160 : i32 to index
        %swap3A_415 = arith.index_cast %add3A_357 : i32 to index
        %swap3A_416 = arith.constant 48 : index
        %swap3A_417 = tpu.vector_load %arg10[%swap3A_414, %swap3A_415, %swap3A_416] {strides = array<i32>} : memref<2x160x128xf32, #tpu.memory_space<vmem>>, vector<16xf32>,
        tpu.vector_store %arg10[%swap3A_414, %swap3A_415, %swap3A_416], %mul3A_413 {add = true, strides = array<i32>} : memref<2x160x128xf32, #tpu.memory_space<vmem>>, vector<16xf32>,
        %mul3A_418 = arith.mulf %gather3A_394, %gather3A_210 : vector<16xf32>
        %swap3A_419 = arith.index_cast %select_n3A_160 : i32 to index
        %swap3A_420 = arith.index_cast %add3A_357 : i32 to index
        %swap3A_421 = arith.constant 64 : index
        %swap3A_422 = tpu.vector_load %arg10[%swap3A_419, %swap3A_420, %swap3A_421] {strides = array<i32>} : memref<2x160x128xf32, #tpu.memory_space<vmem>>, vector<16xf32>,
        tpu.vector_store %arg10[%swap3A_419, %swap3A_420, %swap3A_421], %mul3A_418 {add = true, strides = array<i32>} : memref<2x160x128xf32, #tpu.memory_space<vmem>>, vector<16xf32>,
        %mul3A_423 = arith.mulf %gather3A_395, %gather3A_210 : vector<16xf32>
        %swap3A_424 = arith.index_cast %select_n3A_160 : i32 to index
        %swap3A_425 = arith.index_cast %add3A_357 : i32 to index
        %swap3A_426 = arith.constant 80 : index
        %swap3A_427 = tpu.vector_load %arg10[%swap3A_424, %swap3A_425, %swap3A_426] {strides = array<i32>} : memref<2x160x128xf32, #tpu.memory_space<vmem>>, vector<16xf32>,
        tpu.vector_store %arg10[%swap3A_424, %swap3A_425, %swap3A_426], %mul3A_423 {add = true, strides = array<i32>} : memref<2x160x128xf32, #tpu.memory_space<vmem>>, vector<16xf32>,
        %mul3A_428 = arith.mulf %gather3A_396, %gather3A_210 : vector<16xf32>
        %swap3A_429 = arith.index_cast %select_n3A_160 : i32 to index
        %swap3A_430 = arith.index_cast %add3A_357 : i32 to index
        %swap3A_431 = arith.constant 96 : index
        %swap3A_432 = tpu.vector_load %arg10[%swap3A_429, %swap3A_430, %swap3A_431] {strides = array<i32>} : memref<2x160x128xf32, #tpu.memory_space<vmem>>, vector<16xf32>,
        tpu.vector_store %arg10[%swap3A_429, %swap3A_430, %swap3A_431], %mul3A_428 {add = true, strides = array<i32>} : memref<2x160x128xf32, #tpu.memory_space<vmem>>, vector<16xf32>,
        %mul3A_433 = arith.mulf %gather3A_397, %gather3A_210 : vector<16xf32>
        %swap3A_434 = arith.index_cast %select_n3A_160 : i32 to index
        %swap3A_435 = arith.index_cast %add3A_357 : i32 to index
        %swap3A_436 = arith.constant 112 : index
        %swap3A_437 = tpu.vector_load %arg10[%swap3A_434, %swap3A_435, %swap3A_436] {strides = array<i32>} : memref<2x160x128xf32, #tpu.memory_space<vmem>>, vector<16xf32>,
        tpu.vector_store %arg10[%swap3A_434, %swap3A_435, %swap3A_436], %mul3A_433 {add = true, strides = array<i32>} : memref<2x160x128xf32, #tpu.memory_space<vmem>>, vector<16xf32>,
      }
      %scan3A_215 = arith.constant 32 : i32
      %mul3A_216 = arith.constant 5 : i32
      %mul3A_217 = arith.muli %add3A_144, %mul3A_216 : i32
      %add3A_218 = arith.constant 2 : i32
      %add3A_219 = arith.addi %mul3A_217, %add3A_218 : i32
      %broadcast_in_dim3A_220 = vector.broadcast %add3A_219 : i32 to vector<16xi32>
      %gather3A_221 = tpu.vector_load_idx %arg8[%broadcast_in_dim3A_220] : memref<3200xf32, #tpu.memory_space<vmem>>[vector<16xi32>], vector<16xf32>,
      %scan3A_222 = arith.constant 0 : i32
      %scan3A_223 = arith.constant 32 : i32
      %scan3A_224 = arith.addi %scan3A_222, %scan3A_223 : i32
      %scan3A_225 = arith.constant 2 : i32
      scf.for %scan3A_265 = %scan3A_222 to %scan3A_224 step %scan3A_225  : i32 {
        %mul3A_266 = arith.constant 1 : i32
        %mul3A_267 = arith.muli %scan3A_265, %mul3A_266 : i32
        %add3A_268 = arith.constant 0 : i32
        %add3A_269 = arith.addi %add3A_268, %mul3A_267 : i32
        %add3A_270 = arith.constant 64 : i32
        %add3A_271 = arith.addi %add3A_270, %add3A_269 : i32
        %get3A = arith.index_cast %select_n3A_160 : i32 to index
        %get3A_272 = arith.index_cast %add3A_271 : i32 to index
        %get3A_273 = arith.constant 0 : index
        %get3A_274 = tpu.vector_load %arg9[%get3A, %get3A_272, %get3A_273] {strides = array<i32>} : memref<2x160x128xi32, #tpu.memory_space<vmem>>, vector<16xi32>,
        %get3A_275 = arith.index_cast %select_n3A_160 : i32 to index
        %get3A_276 = arith.index_cast %add3A_271 : i32 to index
        %get3A_277 = arith.constant 16 : index
        %get3A_278 = tpu.vector_load %arg9[%get3A_275, %get3A_276, %get3A_277] {strides = array<i32>} : memref<2x160x128xi32, #tpu.memory_space<vmem>>, vector<16xi32>,
        %get3A_279 = arith.index_cast %select_n3A_160 : i32 to index
        %get3A_280 = arith.index_cast %add3A_271 : i32 to index
        %get3A_281 = arith.constant 32 : index
        %get3A_282 = tpu.vector_load %arg9[%get3A_279, %get3A_280, %get3A_281] {strides = array<i32>} : memref<2x160x128xi32, #tpu.memory_space<vmem>>, vector<16xi32>,
        %get3A_283 = arith.index_cast %select_n3A_160 : i32 to index
        %get3A_284 = arith.index_cast %add3A_271 : i32 to index
        %get3A_285 = arith.constant 48 : index
        %get3A_286 = tpu.vector_load %arg9[%get3A_283, %get3A_284, %get3A_285] {strides = array<i32>} : memref<2x160x128xi32, #tpu.memory_space<vmem>>, vector<16xi32>,
        %get3A_287 = arith.index_cast %select_n3A_160 : i32 to index
        %get3A_288 = arith.index_cast %add3A_271 : i32 to index
        %get3A_289 = arith.constant 64 : index
        %get3A_290 = tpu.vector_load %arg9[%get3A_287, %get3A_288, %get3A_289] {strides = array<i32>} : memref<2x160x128xi32, #tpu.memory_space<vmem>>, vector<16xi32>,
        %get3A_291 = arith.index_cast %select_n3A_160 : i32 to index
        %get3A_292 = arith.index_cast %add3A_271 : i32 to index
        %get3A_293 = arith.constant 80 : index
        %get3A_294 = tpu.vector_load %arg9[%get3A_291, %get3A_292, %get3A_293] {strides = array<i32>} : memref<2x160x128xi32, #tpu.memory_space<vmem>>, vector<16xi32>,
        %get3A_295 = arith.index_cast %select_n3A_160 : i32 to index
        %get3A_296 = arith.index_cast %add3A_271 : i32 to index
        %get3A_297 = arith.constant 96 : index
        %get3A_298 = tpu.vector_load %arg9[%get3A_295, %get3A_296, %get3A_297] {strides = array<i32>} : memref<2x160x128xi32, #tpu.memory_space<vmem>>, vector<16xi32>,
        %get3A_299 = arith.index_cast %select_n3A_160 : i32 to index
        %get3A_300 = arith.index_cast %add3A_271 : i32 to index
        %get3A_301 = arith.constant 112 : index
        %get3A_302 = tpu.vector_load %arg9[%get3A_299, %get3A_300, %get3A_301] {strides = array<i32>} : memref<2x160x128xi32, #tpu.memory_space<vmem>>, vector<16xi32>,
        %gather3A_303 = tpu.vector_load_idx %arg7[%get3A_274] : memref<256xf32, #tpu.memory_space<vmem>>[vector<16xi32>], vector<16xf32>,
        %gather3A_304 = tpu.vector_load_idx %arg7[%get3A_278] : memref<256xf32, #tpu.memory_space<vmem>>[vector<16xi32>], vector<16xf32>,
        %gather3A_305 = tpu.vector_load_idx %arg7[%get3A_282] : memref<256xf32, #tpu.memory_space<vmem>>[vector<16xi32>], vector<16xf32>,
        %gather3A_306 = tpu.vector_load_idx %arg7[%get3A_286] : memref<256xf32, #tpu.memory_space<vmem>>[vector<16xi32>], vector<16xf32>,
        %gather3A_307 = tpu.vector_load_idx %arg7[%get3A_290] : memref<256xf32, #tpu.memory_space<vmem>>[vector<16xi32>], vector<16xf32>,
        %gather3A_308 = tpu.vector_load_idx %arg7[%get3A_294] : memref<256xf32, #tpu.memory_space<vmem>>[vector<16xi32>], vector<16xf32>,
        %gather3A_309 = tpu.vector_load_idx %arg7[%get3A_298] : memref<256xf32, #tpu.memory_space<vmem>>[vector<16xi32>], vector<16xf32>,
        %gather3A_310 = tpu.vector_load_idx %arg7[%get3A_302] : memref<256xf32, #tpu.memory_space<vmem>>[vector<16xi32>], vector<16xf32>,
        %mul3A_311 = arith.mulf %gather3A_303, %gather3A_221 : vector<16xf32>
        %swap3A = arith.index_cast %select_n3A_160 : i32 to index
        %swap3A_312 = arith.index_cast %add3A_271 : i32 to index
        %swap3A_313 = arith.constant 0 : index
        %swap3A_314 = tpu.vector_load %arg10[%swap3A, %swap3A_312, %swap3A_313] {strides = array<i32>} : memref<2x160x128xf32, #tpu.memory_space<vmem>>, vector<16xf32>,
        tpu.vector_store %arg10[%swap3A, %swap3A_312, %swap3A_313], %mul3A_311 {add = true, strides = array<i32>} : memref<2x160x128xf32, #tpu.memory_space<vmem>>, vector<16xf32>,
        %mul3A_315 = arith.mulf %gather3A_304, %gather3A_221 : vector<16xf32>
        %swap3A_316 = arith.index_cast %select_n3A_160 : i32 to index
        %swap3A_317 = arith.index_cast %add3A_271 : i32 to index
        %swap3A_318 = arith.constant 16 : index
        %swap3A_319 = tpu.vector_load %arg10[%swap3A_316, %swap3A_317, %swap3A_318] {strides = array<i32>} : memref<2x160x128xf32, #tpu.memory_space<vmem>>, vector<16xf32>,
        tpu.vector_store %arg10[%swap3A_316, %swap3A_317, %swap3A_318], %mul3A_315 {add = true, strides = array<i32>} : memref<2x160x128xf32, #tpu.memory_space<vmem>>, vector<16xf32>,
        %mul3A_320 = arith.mulf %gather3A_305, %gather3A_221 : vector<16xf32>
        %swap3A_321 = arith.index_cast %select_n3A_160 : i32 to index
        %swap3A_322 = arith.index_cast %add3A_271 : i32 to index
        %swap3A_323 = arith.constant 32 : index
        %swap3A_324 = tpu.vector_load %arg10[%swap3A_321, %swap3A_322, %swap3A_323] {strides = array<i32>} : memref<2x160x128xf32, #tpu.memory_space<vmem>>, vector<16xf32>,
        tpu.vector_store %arg10[%swap3A_321, %swap3A_322, %swap3A_323], %mul3A_320 {add = true, strides = array<i32>} : memref<2x160x128xf32, #tpu.memory_space<vmem>>, vector<16xf32>,
        %mul3A_325 = arith.mulf %gather3A_306, %gather3A_221 : vector<16xf32>
        %swap3A_326 = arith.index_cast %select_n3A_160 : i32 to index
        %swap3A_327 = arith.index_cast %add3A_271 : i32 to index
        %swap3A_328 = arith.constant 48 : index
        %swap3A_329 = tpu.vector_load %arg10[%swap3A_326, %swap3A_327, %swap3A_328] {strides = array<i32>} : memref<2x160x128xf32, #tpu.memory_space<vmem>>, vector<16xf32>,
        tpu.vector_store %arg10[%swap3A_326, %swap3A_327, %swap3A_328], %mul3A_325 {add = true, strides = array<i32>} : memref<2x160x128xf32, #tpu.memory_space<vmem>>, vector<16xf32>,
        %mul3A_330 = arith.mulf %gather3A_307, %gather3A_221 : vector<16xf32>
        %swap3A_331 = arith.index_cast %select_n3A_160 : i32 to index
        %swap3A_332 = arith.index_cast %add3A_271 : i32 to index
        %swap3A_333 = arith.constant 64 : index
        %swap3A_334 = tpu.vector_load %arg10[%swap3A_331, %swap3A_332, %swap3A_333] {strides = array<i32>} : memref<2x160x128xf32, #tpu.memory_space<vmem>>, vector<16xf32>,
        tpu.vector_store %arg10[%swap3A_331, %swap3A_332, %swap3A_333], %mul3A_330 {add = true, strides = array<i32>} : memref<2x160x128xf32, #tpu.memory_space<vmem>>, vector<16xf32>,
        %mul3A_335 = arith.mulf %gather3A_308, %gather3A_221 : vector<16xf32>
        %swap3A_336 = arith.index_cast %select_n3A_160 : i32 to index
        %swap3A_337 = arith.index_cast %add3A_271 : i32 to index
        %swap3A_338 = arith.constant 80 : index
        %swap3A_339 = tpu.vector_load %arg10[%swap3A_336, %swap3A_337, %swap3A_338] {strides = array<i32>} : memref<2x160x128xf32, #tpu.memory_space<vmem>>, vector<16xf32>,
        tpu.vector_store %arg10[%swap3A_336, %swap3A_337, %swap3A_338], %mul3A_335 {add = true, strides = array<i32>} : memref<2x160x128xf32, #tpu.memory_space<vmem>>, vector<16xf32>,
        %mul3A_340 = arith.mulf %gather3A_309, %gather3A_221 : vector<16xf32>
        %swap3A_341 = arith.index_cast %select_n3A_160 : i32 to index
        %swap3A_342 = arith.index_cast %add3A_271 : i32 to index
        %swap3A_343 = arith.constant 96 : index
        %swap3A_344 = tpu.vector_load %arg10[%swap3A_341, %swap3A_342, %swap3A_343] {strides = array<i32>} : memref<2x160x128xf32, #tpu.memory_space<vmem>>, vector<16xf32>,
        tpu.vector_store %arg10[%swap3A_341, %swap3A_342, %swap3A_343], %mul3A_340 {add = true, strides = array<i32>} : memref<2x160x128xf32, #tpu.memory_space<vmem>>, vector<16xf32>,
        %mul3A_345 = arith.mulf %gather3A_310, %gather3A_221 : vector<16xf32>
        %swap3A_346 = arith.index_cast %select_n3A_160 : i32 to index
        %swap3A_347 = arith.index_cast %add3A_271 : i32 to index
        %swap3A_348 = arith.constant 112 : index
        %swap3A_349 = tpu.vector_load %arg10[%swap3A_346, %swap3A_347, %swap3A_348] {strides = array<i32>} : memref<2x160x128xf32, #tpu.memory_space<vmem>>, vector<16xf32>,
        tpu.vector_store %arg10[%swap3A_346, %swap3A_347, %swap3A_348], %mul3A_345 {add = true, strides = array<i32>} : memref<2x160x128xf32, #tpu.memory_space<vmem>>, vector<16xf32>,
        %scan3A_350 = arith.constant 1 : i32
        %scan3A_351 = arith.addi %scan3A_265, %scan3A_350 : i32
        %mul3A_352 = arith.constant 1 : i32
        %mul3A_353 = arith.muli %scan3A_351, %mul3A_352 : i32
        %add3A_354 = arith.constant 0 : i32
        %add3A_355 = arith.addi %add3A_354, %mul3A_353 : i32
        %add3A_356 = arith.constant 64 : i32
        %add3A_357 = arith.addi %add3A_356, %add3A_355 : i32
        %get3A_358 = arith.index_cast %select_n3A_160 : i32 to index
        %get3A_359 = arith.index_cast %add3A_357 : i32 to index
        %get3A_360 = arith.constant 0 : index
        %get3A_361 = tpu.vector_load %arg9[%get3A_358, %get3A_359, %get3A_360] {strides = array<i32>} : memref<2x160x128xi32, #tpu.memory_space<vmem>>, vector<16xi32>,
        %get3A_362 = arith.index_cast %select_n3A_160 : i32 to index
        %get3A_363 = arith.index_cast %add3A_357 : i32 to index
        %get3A_364 = arith.constant 16 : index
        %get3A_365 = tpu.vector_load %arg9[%get3A_362, %get3A_363, %get3A_364] {strides = array<i32>} : memref<2x160x128xi32, #tpu.memory_space<vmem>>, vector<16xi32>,
        %get3A_366 = arith.index_cast %select_n3A_160 : i32 to index
        %get3A_367 = arith.index_cast %add3A_357 : i32 to index
        %get3A_368 = arith.constant 32 : index
        %get3A_369 = tpu.vector_load %arg9[%get3A_366, %get3A_367, %get3A_368] {strides = array<i32>} : memref<2x160x128xi32, #tpu.memory_space<vmem>>, vector<16xi32>,
        %get3A_370 = arith.index_cast %select_n3A_160 : i32 to index
        %get3A_371 = arith.index_cast %add3A_357 : i32 to index
        %get3A_372 = arith.constant 48 : index
        %get3A_373 = tpu.vector_load %arg9[%get3A_370, %get3A_371, %get3A_372] {strides = array<i32>} : memref<2x160x128xi32, #tpu.memory_space<vmem>>, vector<16xi32>,
        %get3A_374 = arith.index_cast %select_n3A_160 : i32 to index
        %get3A_375 = arith.index_cast %add3A_357 : i32 to index
        %get3A_376 = arith.constant 64 : index
        %get3A_377 = tpu.vector_load %arg9[%get3A_374, %get3A_375, %get3A_376] {strides = array<i32>} : memref<2x160x128xi32, #tpu.memory_space<vmem>>, vector<16xi32>,
        %get3A_378 = arith.index_cast %select_n3A_160 : i32 to index
        %get3A_379 = arith.index_cast %add3A_357 : i32 to index
        %get3A_380 = arith.constant 80 : index
        %get3A_381 = tpu.vector_load %arg9[%get3A_378, %get3A_379, %get3A_380] {strides = array<i32>} : memref<2x160x128xi32, #tpu.memory_space<vmem>>, vector<16xi32>,
        %get3A_382 = arith.index_cast %select_n3A_160 : i32 to index
        %get3A_383 = arith.index_cast %add3A_357 : i32 to index
        %get3A_384 = arith.constant 96 : index
        %get3A_385 = tpu.vector_load %arg9[%get3A_382, %get3A_383, %get3A_384] {strides = array<i32>} : memref<2x160x128xi32, #tpu.memory_space<vmem>>, vector<16xi32>,
        %get3A_386 = arith.index_cast %select_n3A_160 : i32 to index
        %get3A_387 = arith.index_cast %add3A_357 : i32 to index
        %get3A_388 = arith.constant 112 : index
        %get3A_389 = tpu.vector_load %arg9[%get3A_386, %get3A_387, %get3A_388] {strides = array<i32>} : memref<2x160x128xi32, #tpu.memory_space<vmem>>, vector<16xi32>,
        %gather3A_390 = tpu.vector_load_idx %arg7[%get3A_361] : memref<256xf32, #tpu.memory_space<vmem>>[vector<16xi32>], vector<16xf32>,
        %gather3A_391 = tpu.vector_load_idx %arg7[%get3A_365] : memref<256xf32, #tpu.memory_space<vmem>>[vector<16xi32>], vector<16xf32>,
        %gather3A_392 = tpu.vector_load_idx %arg7[%get3A_369] : memref<256xf32, #tpu.memory_space<vmem>>[vector<16xi32>], vector<16xf32>,
        %gather3A_393 = tpu.vector_load_idx %arg7[%get3A_373] : memref<256xf32, #tpu.memory_space<vmem>>[vector<16xi32>], vector<16xf32>,
        %gather3A_394 = tpu.vector_load_idx %arg7[%get3A_377] : memref<256xf32, #tpu.memory_space<vmem>>[vector<16xi32>], vector<16xf32>,
        %gather3A_395 = tpu.vector_load_idx %arg7[%get3A_381] : memref<256xf32, #tpu.memory_space<vmem>>[vector<16xi32>], vector<16xf32>,
        %gather3A_396 = tpu.vector_load_idx %arg7[%get3A_385] : memref<256xf32, #tpu.memory_space<vmem>>[vector<16xi32>], vector<16xf32>,
        %gather3A_397 = tpu.vector_load_idx %arg7[%get3A_389] : memref<256xf32, #tpu.memory_space<vmem>>[vector<16xi32>], vector<16xf32>,
        %mul3A_398 = arith.mulf %gather3A_390, %gather3A_221 : vector<16xf32>
        %swap3A_399 = arith.index_cast %select_n3A_160 : i32 to index
        %swap3A_400 = arith.index_cast %add3A_357 : i32 to index
        %swap3A_401 = arith.constant 0 : index
        %swap3A_402 = tpu.vector_load %arg10[%swap3A_399, %swap3A_400, %swap3A_401] {strides = array<i32>} : memref<2x160x128xf32, #tpu.memory_space<vmem>>, vector<16xf32>,
        tpu.vector_store %arg10[%swap3A_399, %swap3A_400, %swap3A_401], %mul3A_398 {add = true, strides = array<i32>} : memref<2x160x128xf32, #tpu.memory_space<vmem>>, vector<16xf32>,
        %mul3A_403 = arith.mulf %gather3A_391, %gather3A_221 : vector<16xf32>
        %swap3A_404 = arith.index_cast %select_n3A_160 : i32 to index
        %swap3A_405 = arith.index_cast %add3A_357 : i32 to index
        %swap3A_406 = arith.constant 16 : index
        %swap3A_407 = tpu.vector_load %arg10[%swap3A_404, %swap3A_405, %swap3A_406] {strides = array<i32>} : memref<2x160x128xf32, #tpu.memory_space<vmem>>, vector<16xf32>,
        tpu.vector_store %arg10[%swap3A_404, %swap3A_405, %swap3A_406], %mul3A_403 {add = true, strides = array<i32>} : memref<2x160x128xf32, #tpu.memory_space<vmem>>, vector<16xf32>,
        %mul3A_408 = arith.mulf %gather3A_392, %gather3A_221 : vector<16xf32>
        %swap3A_409 = arith.index_cast %select_n3A_160 : i32 to index
        %swap3A_410 = arith.index_cast %add3A_357 : i32 to index
        %swap3A_411 = arith.constant 32 : index
        %swap3A_412 = tpu.vector_load %arg10[%swap3A_409, %swap3A_410, %swap3A_411] {strides = array<i32>} : memref<2x160x128xf32, #tpu.memory_space<vmem>>, vector<16xf32>,
        tpu.vector_store %arg10[%swap3A_409, %swap3A_410, %swap3A_411], %mul3A_408 {add = true, strides = array<i32>} : memref<2x160x128xf32, #tpu.memory_space<vmem>>, vector<16xf32>,
        %mul3A_413 = arith.mulf %gather3A_393, %gather3A_221 : vector<16xf32>
        %swap3A_414 = arith.index_cast %select_n3A_160 : i32 to index
        %swap3A_415 = arith.index_cast %add3A_357 : i32 to index
        %swap3A_416 = arith.constant 48 : index
        %swap3A_417 = tpu.vector_load %arg10[%swap3A_414, %swap3A_415, %swap3A_416] {strides = array<i32>} : memref<2x160x128xf32, #tpu.memory_space<vmem>>, vector<16xf32>,
        tpu.vector_store %arg10[%swap3A_414, %swap3A_415, %swap3A_416], %mul3A_413 {add = true, strides = array<i32>} : memref<2x160x128xf32, #tpu.memory_space<vmem>>, vector<16xf32>,
        %mul3A_418 = arith.mulf %gather3A_394, %gather3A_221 : vector<16xf32>
        %swap3A_419 = arith.index_cast %select_n3A_160 : i32 to index
        %swap3A_420 = arith.index_cast %add3A_357 : i32 to index
        %swap3A_421 = arith.constant 64 : index
        %swap3A_422 = tpu.vector_load %arg10[%swap3A_419, %swap3A_420, %swap3A_421] {strides = array<i32>} : memref<2x160x128xf32, #tpu.memory_space<vmem>>, vector<16xf32>,
        tpu.vector_store %arg10[%swap3A_419, %swap3A_420, %swap3A_421], %mul3A_418 {add = true, strides = array<i32>} : memref<2x160x128xf32, #tpu.memory_space<vmem>>, vector<16xf32>,
        %mul3A_423 = arith.mulf %gather3A_395, %gather3A_221 : vector<16xf32>
        %swap3A_424 = arith.index_cast %select_n3A_160 : i32 to index
        %swap3A_425 = arith.index_cast %add3A_357 : i32 to index
        %swap3A_426 = arith.constant 80 : index
        %swap3A_427 = tpu.vector_load %arg10[%swap3A_424, %swap3A_425, %swap3A_426] {strides = array<i32>} : memref<2x160x128xf32, #tpu.memory_space<vmem>>, vector<16xf32>,
        tpu.vector_store %arg10[%swap3A_424, %swap3A_425, %swap3A_426], %mul3A_423 {add = true, strides = array<i32>} : memref<2x160x128xf32, #tpu.memory_space<vmem>>, vector<16xf32>,
        %mul3A_428 = arith.mulf %gather3A_396, %gather3A_221 : vector<16xf32>
        %swap3A_429 = arith.index_cast %select_n3A_160 : i32 to index
        %swap3A_430 = arith.index_cast %add3A_357 : i32 to index
        %swap3A_431 = arith.constant 96 : index
        %swap3A_432 = tpu.vector_load %arg10[%swap3A_429, %swap3A_430, %swap3A_431] {strides = array<i32>} : memref<2x160x128xf32, #tpu.memory_space<vmem>>, vector<16xf32>,
        tpu.vector_store %arg10[%swap3A_429, %swap3A_430, %swap3A_431], %mul3A_428 {add = true, strides = array<i32>} : memref<2x160x128xf32, #tpu.memory_space<vmem>>, vector<16xf32>,
        %mul3A_433 = arith.mulf %gather3A_397, %gather3A_221 : vector<16xf32>
        %swap3A_434 = arith.index_cast %select_n3A_160 : i32 to index
        %swap3A_435 = arith.index_cast %add3A_357 : i32 to index
        %swap3A_436 = arith.constant 112 : index
        %swap3A_437 = tpu.vector_load %arg10[%swap3A_434, %swap3A_435, %swap3A_436] {strides = array<i32>} : memref<2x160x128xf32, #tpu.memory_space<vmem>>, vector<16xf32>,
        tpu.vector_store %arg10[%swap3A_434, %swap3A_435, %swap3A_436], %mul3A_433 {add = true, strides = array<i32>} : memref<2x160x128xf32, #tpu.memory_space<vmem>>, vector<16xf32>,
      }
      %scan3A_226 = arith.constant 32 : i32
      %mul3A_227 = arith.constant 5 : i32
      %mul3A_228 = arith.muli %add3A_144, %mul3A_227 : i32
      %add3A_229 = arith.constant 3 : i32
      %add3A_230 = arith.addi %mul3A_228, %add3A_229 : i32
      %broadcast_in_dim3A_231 = vector.broadcast %add3A_230 : i32 to vector<16xi32>
      %gather3A_232 = tpu.vector_load_idx %arg8[%broadcast_in_dim3A_231] : memref<3200xf32, #tpu.memory_space<vmem>>[vector<16xi32>], vector<16xf32>,
      %scan3A_233 = arith.constant 0 : i32
      %scan3A_234 = arith.constant 32 : i32
      %scan3A_235 = arith.addi %scan3A_233, %scan3A_234 : i32
      %scan3A_236 = arith.constant 2 : i32
      scf.for %scan3A_265 = %scan3A_233 to %scan3A_235 step %scan3A_236  : i32 {
        %mul3A_266 = arith.constant 1 : i32
        %mul3A_267 = arith.muli %scan3A_265, %mul3A_266 : i32
        %add3A_268 = arith.constant 0 : i32
        %add3A_269 = arith.addi %add3A_268, %mul3A_267 : i32
        %add3A_270 = arith.constant 96 : i32
        %add3A_271 = arith.addi %add3A_270, %add3A_269 : i32
        %get3A = arith.index_cast %select_n3A_160 : i32 to index
        %get3A_272 = arith.index_cast %add3A_271 : i32 to index
        %get3A_273 = arith.constant 0 : index
        %get3A_274 = tpu.vector_load %arg9[%get3A, %get3A_272, %get3A_273] {strides = array<i32>} : memref<2x160x128xi32, #tpu.memory_space<vmem>>, vector<16xi32>,
        %get3A_275 = arith.index_cast %select_n3A_160 : i32 to index
        %get3A_276 = arith.index_cast %add3A_271 : i32 to index
        %get3A_277 = arith.constant 16 : index
        %get3A_278 = tpu.vector_load %arg9[%get3A_275, %get3A_276, %get3A_277] {strides = array<i32>} : memref<2x160x128xi32, #tpu.memory_space<vmem>>, vector<16xi32>,
        %get3A_279 = arith.index_cast %select_n3A_160 : i32 to index
        %get3A_280 = arith.index_cast %add3A_271 : i32 to index
        %get3A_281 = arith.constant 32 : index
        %get3A_282 = tpu.vector_load %arg9[%get3A_279, %get3A_280, %get3A_281] {strides = array<i32>} : memref<2x160x128xi32, #tpu.memory_space<vmem>>, vector<16xi32>,
        %get3A_283 = arith.index_cast %select_n3A_160 : i32 to index
        %get3A_284 = arith.index_cast %add3A_271 : i32 to index
        %get3A_285 = arith.constant 48 : index
        %get3A_286 = tpu.vector_load %arg9[%get3A_283, %get3A_284, %get3A_285] {strides = array<i32>} : memref<2x160x128xi32, #tpu.memory_space<vmem>>, vector<16xi32>,
        %get3A_287 = arith.index_cast %select_n3A_160 : i32 to index
        %get3A_288 = arith.index_cast %add3A_271 : i32 to index
        %get3A_289 = arith.constant 64 : index
        %get3A_290 = tpu.vector_load %arg9[%get3A_287, %get3A_288, %get3A_289] {strides = array<i32>} : memref<2x160x128xi32, #tpu.memory_space<vmem>>, vector<16xi32>,
        %get3A_291 = arith.index_cast %select_n3A_160 : i32 to index
        %get3A_292 = arith.index_cast %add3A_271 : i32 to index
        %get3A_293 = arith.constant 80 : index
        %get3A_294 = tpu.vector_load %arg9[%get3A_291, %get3A_292, %get3A_293] {strides = array<i32>} : memref<2x160x128xi32, #tpu.memory_space<vmem>>, vector<16xi32>,
        %get3A_295 = arith.index_cast %select_n3A_160 : i32 to index
        %get3A_296 = arith.index_cast %add3A_271 : i32 to index
        %get3A_297 = arith.constant 96 : index
        %get3A_298 = tpu.vector_load %arg9[%get3A_295, %get3A_296, %get3A_297] {strides = array<i32>} : memref<2x160x128xi32, #tpu.memory_space<vmem>>, vector<16xi32>,
        %get3A_299 = arith.index_cast %select_n3A_160 : i32 to index
        %get3A_300 = arith.index_cast %add3A_271 : i32 to index
        %get3A_301 = arith.constant 112 : index
        %get3A_302 = tpu.vector_load %arg9[%get3A_299, %get3A_300, %get3A_301] {strides = array<i32>} : memref<2x160x128xi32, #tpu.memory_space<vmem>>, vector<16xi32>,
        %gather3A_303 = tpu.vector_load_idx %arg7[%get3A_274] : memref<256xf32, #tpu.memory_space<vmem>>[vector<16xi32>], vector<16xf32>,
        %gather3A_304 = tpu.vector_load_idx %arg7[%get3A_278] : memref<256xf32, #tpu.memory_space<vmem>>[vector<16xi32>], vector<16xf32>,
        %gather3A_305 = tpu.vector_load_idx %arg7[%get3A_282] : memref<256xf32, #tpu.memory_space<vmem>>[vector<16xi32>], vector<16xf32>,
        %gather3A_306 = tpu.vector_load_idx %arg7[%get3A_286] : memref<256xf32, #tpu.memory_space<vmem>>[vector<16xi32>], vector<16xf32>,
        %gather3A_307 = tpu.vector_load_idx %arg7[%get3A_290] : memref<256xf32, #tpu.memory_space<vmem>>[vector<16xi32>], vector<16xf32>,
        %gather3A_308 = tpu.vector_load_idx %arg7[%get3A_294] : memref<256xf32, #tpu.memory_space<vmem>>[vector<16xi32>], vector<16xf32>,
        %gather3A_309 = tpu.vector_load_idx %arg7[%get3A_298] : memref<256xf32, #tpu.memory_space<vmem>>[vector<16xi32>], vector<16xf32>,
        %gather3A_310 = tpu.vector_load_idx %arg7[%get3A_302] : memref<256xf32, #tpu.memory_space<vmem>>[vector<16xi32>], vector<16xf32>,
        %mul3A_311 = arith.mulf %gather3A_303, %gather3A_232 : vector<16xf32>
        %swap3A = arith.index_cast %select_n3A_160 : i32 to index
        %swap3A_312 = arith.index_cast %add3A_271 : i32 to index
        %swap3A_313 = arith.constant 0 : index
        %swap3A_314 = tpu.vector_load %arg10[%swap3A, %swap3A_312, %swap3A_313] {strides = array<i32>} : memref<2x160x128xf32, #tpu.memory_space<vmem>>, vector<16xf32>,
        tpu.vector_store %arg10[%swap3A, %swap3A_312, %swap3A_313], %mul3A_311 {add = true, strides = array<i32>} : memref<2x160x128xf32, #tpu.memory_space<vmem>>, vector<16xf32>,
        %mul3A_315 = arith.mulf %gather3A_304, %gather3A_232 : vector<16xf32>
        %swap3A_316 = arith.index_cast %select_n3A_160 : i32 to index
        %swap3A_317 = arith.index_cast %add3A_271 : i32 to index
        %swap3A_318 = arith.constant 16 : index
        %swap3A_319 = tpu.vector_load %arg10[%swap3A_316, %swap3A_317, %swap3A_318] {strides = array<i32>} : memref<2x160x128xf32, #tpu.memory_space<vmem>>, vector<16xf32>,
        tpu.vector_store %arg10[%swap3A_316, %swap3A_317, %swap3A_318], %mul3A_315 {add = true, strides = array<i32>} : memref<2x160x128xf32, #tpu.memory_space<vmem>>, vector<16xf32>,
        %mul3A_320 = arith.mulf %gather3A_305, %gather3A_232 : vector<16xf32>
        %swap3A_321 = arith.index_cast %select_n3A_160 : i32 to index
        %swap3A_322 = arith.index_cast %add3A_271 : i32 to index
        %swap3A_323 = arith.constant 32 : index
        %swap3A_324 = tpu.vector_load %arg10[%swap3A_321, %swap3A_322, %swap3A_323] {strides = array<i32>} : memref<2x160x128xf32, #tpu.memory_space<vmem>>, vector<16xf32>,
        tpu.vector_store %arg10[%swap3A_321, %swap3A_322, %swap3A_323], %mul3A_320 {add = true, strides = array<i32>} : memref<2x160x128xf32, #tpu.memory_space<vmem>>, vector<16xf32>,
        %mul3A_325 = arith.mulf %gather3A_306, %gather3A_232 : vector<16xf32>
        %swap3A_326 = arith.index_cast %select_n3A_160 : i32 to index
        %swap3A_327 = arith.index_cast %add3A_271 : i32 to index
        %swap3A_328 = arith.constant 48 : index
        %swap3A_329 = tpu.vector_load %arg10[%swap3A_326, %swap3A_327, %swap3A_328] {strides = array<i32>} : memref<2x160x128xf32, #tpu.memory_space<vmem>>, vector<16xf32>,
        tpu.vector_store %arg10[%swap3A_326, %swap3A_327, %swap3A_328], %mul3A_325 {add = true, strides = array<i32>} : memref<2x160x128xf32, #tpu.memory_space<vmem>>, vector<16xf32>,
        %mul3A_330 = arith.mulf %gather3A_307, %gather3A_232 : vector<16xf32>
        %swap3A_331 = arith.index_cast %select_n3A_160 : i32 to index
        %swap3A_332 = arith.index_cast %add3A_271 : i32 to index
        %swap3A_333 = arith.constant 64 : index
        %swap3A_334 = tpu.vector_load %arg10[%swap3A_331, %swap3A_332, %swap3A_333] {strides = array<i32>} : memref<2x160x128xf32, #tpu.memory_space<vmem>>, vector<16xf32>,
        tpu.vector_store %arg10[%swap3A_331, %swap3A_332, %swap3A_333], %mul3A_330 {add = true, strides = array<i32>} : memref<2x160x128xf32, #tpu.memory_space<vmem>>, vector<16xf32>,
        %mul3A_335 = arith.mulf %gather3A_308, %gather3A_232 : vector<16xf32>
        %swap3A_336 = arith.index_cast %select_n3A_160 : i32 to index
        %swap3A_337 = arith.index_cast %add3A_271 : i32 to index
        %swap3A_338 = arith.constant 80 : index
        %swap3A_339 = tpu.vector_load %arg10[%swap3A_336, %swap3A_337, %swap3A_338] {strides = array<i32>} : memref<2x160x128xf32, #tpu.memory_space<vmem>>, vector<16xf32>,
        tpu.vector_store %arg10[%swap3A_336, %swap3A_337, %swap3A_338], %mul3A_335 {add = true, strides = array<i32>} : memref<2x160x128xf32, #tpu.memory_space<vmem>>, vector<16xf32>,
        %mul3A_340 = arith.mulf %gather3A_309, %gather3A_232 : vector<16xf32>
        %swap3A_341 = arith.index_cast %select_n3A_160 : i32 to index
        %swap3A_342 = arith.index_cast %add3A_271 : i32 to index
        %swap3A_343 = arith.constant 96 : index
        %swap3A_344 = tpu.vector_load %arg10[%swap3A_341, %swap3A_342, %swap3A_343] {strides = array<i32>} : memref<2x160x128xf32, #tpu.memory_space<vmem>>, vector<16xf32>,
        tpu.vector_store %arg10[%swap3A_341, %swap3A_342, %swap3A_343], %mul3A_340 {add = true, strides = array<i32>} : memref<2x160x128xf32, #tpu.memory_space<vmem>>, vector<16xf32>,
        %mul3A_345 = arith.mulf %gather3A_310, %gather3A_232 : vector<16xf32>
        %swap3A_346 = arith.index_cast %select_n3A_160 : i32 to index
        %swap3A_347 = arith.index_cast %add3A_271 : i32 to index
        %swap3A_348 = arith.constant 112 : index
        %swap3A_349 = tpu.vector_load %arg10[%swap3A_346, %swap3A_347, %swap3A_348] {strides = array<i32>} : memref<2x160x128xf32, #tpu.memory_space<vmem>>, vector<16xf32>,
        tpu.vector_store %arg10[%swap3A_346, %swap3A_347, %swap3A_348], %mul3A_345 {add = true, strides = array<i32>} : memref<2x160x128xf32, #tpu.memory_space<vmem>>, vector<16xf32>,
        %scan3A_350 = arith.constant 1 : i32
        %scan3A_351 = arith.addi %scan3A_265, %scan3A_350 : i32
        %mul3A_352 = arith.constant 1 : i32
        %mul3A_353 = arith.muli %scan3A_351, %mul3A_352 : i32
        %add3A_354 = arith.constant 0 : i32
        %add3A_355 = arith.addi %add3A_354, %mul3A_353 : i32
        %add3A_356 = arith.constant 96 : i32
        %add3A_357 = arith.addi %add3A_356, %add3A_355 : i32
        %get3A_358 = arith.index_cast %select_n3A_160 : i32 to index
        %get3A_359 = arith.index_cast %add3A_357 : i32 to index
        %get3A_360 = arith.constant 0 : index
        %get3A_361 = tpu.vector_load %arg9[%get3A_358, %get3A_359, %get3A_360] {strides = array<i32>} : memref<2x160x128xi32, #tpu.memory_space<vmem>>, vector<16xi32>,
        %get3A_362 = arith.index_cast %select_n3A_160 : i32 to index
        %get3A_363 = arith.index_cast %add3A_357 : i32 to index
        %get3A_364 = arith.constant 16 : index
        %get3A_365 = tpu.vector_load %arg9[%get3A_362, %get3A_363, %get3A_364] {strides = array<i32>} : memref<2x160x128xi32, #tpu.memory_space<vmem>>, vector<16xi32>,
        %get3A_366 = arith.index_cast %select_n3A_160 : i32 to index
        %get3A_367 = arith.index_cast %add3A_357 : i32 to index
        %get3A_368 = arith.constant 32 : index
        %get3A_369 = tpu.vector_load %arg9[%get3A_366, %get3A_367, %get3A_368] {strides = array<i32>} : memref<2x160x128xi32, #tpu.memory_space<vmem>>, vector<16xi32>,
        %get3A_370 = arith.index_cast %select_n3A_160 : i32 to index
        %get3A_371 = arith.index_cast %add3A_357 : i32 to index
        %get3A_372 = arith.constant 48 : index
        %get3A_373 = tpu.vector_load %arg9[%get3A_370, %get3A_371, %get3A_372] {strides = array<i32>} : memref<2x160x128xi32, #tpu.memory_space<vmem>>, vector<16xi32>,
        %get3A_374 = arith.index_cast %select_n3A_160 : i32 to index
        %get3A_375 = arith.index_cast %add3A_357 : i32 to index
        %get3A_376 = arith.constant 64 : index
        %get3A_377 = tpu.vector_load %arg9[%get3A_374, %get3A_375, %get3A_376] {strides = array<i32>} : memref<2x160x128xi32, #tpu.memory_space<vmem>>, vector<16xi32>,
        %get3A_378 = arith.index_cast %select_n3A_160 : i32 to index
        %get3A_379 = arith.index_cast %add3A_357 : i32 to index
        %get3A_380 = arith.constant 80 : index
        %get3A_381 = tpu.vector_load %arg9[%get3A_378, %get3A_379, %get3A_380] {strides = array<i32>} : memref<2x160x128xi32, #tpu.memory_space<vmem>>, vector<16xi32>,
        %get3A_382 = arith.index_cast %select_n3A_160 : i32 to index
        %get3A_383 = arith.index_cast %add3A_357 : i32 to index
        %get3A_384 = arith.constant 96 : index
        %get3A_385 = tpu.vector_load %arg9[%get3A_382, %get3A_383, %get3A_384] {strides = array<i32>} : memref<2x160x128xi32, #tpu.memory_space<vmem>>, vector<16xi32>,
        %get3A_386 = arith.index_cast %select_n3A_160 : i32 to index
        %get3A_387 = arith.index_cast %add3A_357 : i32 to index
        %get3A_388 = arith.constant 112 : index
        %get3A_389 = tpu.vector_load %arg9[%get3A_386, %get3A_387, %get3A_388] {strides = array<i32>} : memref<2x160x128xi32, #tpu.memory_space<vmem>>, vector<16xi32>,
        %gather3A_390 = tpu.vector_load_idx %arg7[%get3A_361] : memref<256xf32, #tpu.memory_space<vmem>>[vector<16xi32>], vector<16xf32>,
        %gather3A_391 = tpu.vector_load_idx %arg7[%get3A_365] : memref<256xf32, #tpu.memory_space<vmem>>[vector<16xi32>], vector<16xf32>,
        %gather3A_392 = tpu.vector_load_idx %arg7[%get3A_369] : memref<256xf32, #tpu.memory_space<vmem>>[vector<16xi32>], vector<16xf32>,
        %gather3A_393 = tpu.vector_load_idx %arg7[%get3A_373] : memref<256xf32, #tpu.memory_space<vmem>>[vector<16xi32>], vector<16xf32>,
        %gather3A_394 = tpu.vector_load_idx %arg7[%get3A_377] : memref<256xf32, #tpu.memory_space<vmem>>[vector<16xi32>], vector<16xf32>,
        %gather3A_395 = tpu.vector_load_idx %arg7[%get3A_381] : memref<256xf32, #tpu.memory_space<vmem>>[vector<16xi32>], vector<16xf32>,
        %gather3A_396 = tpu.vector_load_idx %arg7[%get3A_385] : memref<256xf32, #tpu.memory_space<vmem>>[vector<16xi32>], vector<16xf32>,
        %gather3A_397 = tpu.vector_load_idx %arg7[%get3A_389] : memref<256xf32, #tpu.memory_space<vmem>>[vector<16xi32>], vector<16xf32>,
        %mul3A_398 = arith.mulf %gather3A_390, %gather3A_232 : vector<16xf32>
        %swap3A_399 = arith.index_cast %select_n3A_160 : i32 to index
        %swap3A_400 = arith.index_cast %add3A_357 : i32 to index
        %swap3A_401 = arith.constant 0 : index
        %swap3A_402 = tpu.vector_load %arg10[%swap3A_399, %swap3A_400, %swap3A_401] {strides = array<i32>} : memref<2x160x128xf32, #tpu.memory_space<vmem>>, vector<16xf32>,
        tpu.vector_store %arg10[%swap3A_399, %swap3A_400, %swap3A_401], %mul3A_398 {add = true, strides = array<i32>} : memref<2x160x128xf32, #tpu.memory_space<vmem>>, vector<16xf32>,
        %mul3A_403 = arith.mulf %gather3A_391, %gather3A_232 : vector<16xf32>
        %swap3A_404 = arith.index_cast %select_n3A_160 : i32 to index
        %swap3A_405 = arith.index_cast %add3A_357 : i32 to index
        %swap3A_406 = arith.constant 16 : index
        %swap3A_407 = tpu.vector_load %arg10[%swap3A_404, %swap3A_405, %swap3A_406] {strides = array<i32>} : memref<2x160x128xf32, #tpu.memory_space<vmem>>, vector<16xf32>,
        tpu.vector_store %arg10[%swap3A_404, %swap3A_405, %swap3A_406], %mul3A_403 {add = true, strides = array<i32>} : memref<2x160x128xf32, #tpu.memory_space<vmem>>, vector<16xf32>,
        %mul3A_408 = arith.mulf %gather3A_392, %gather3A_232 : vector<16xf32>
        %swap3A_409 = arith.index_cast %select_n3A_160 : i32 to index
        %swap3A_410 = arith.index_cast %add3A_357 : i32 to index
        %swap3A_411 = arith.constant 32 : index
        %swap3A_412 = tpu.vector_load %arg10[%swap3A_409, %swap3A_410, %swap3A_411] {strides = array<i32>} : memref<2x160x128xf32, #tpu.memory_space<vmem>>, vector<16xf32>,
        tpu.vector_store %arg10[%swap3A_409, %swap3A_410, %swap3A_411], %mul3A_408 {add = true, strides = array<i32>} : memref<2x160x128xf32, #tpu.memory_space<vmem>>, vector<16xf32>,
        %mul3A_413 = arith.mulf %gather3A_393, %gather3A_232 : vector<16xf32>
        %swap3A_414 = arith.index_cast %select_n3A_160 : i32 to index
        %swap3A_415 = arith.index_cast %add3A_357 : i32 to index
        %swap3A_416 = arith.constant 48 : index
        %swap3A_417 = tpu.vector_load %arg10[%swap3A_414, %swap3A_415, %swap3A_416] {strides = array<i32>} : memref<2x160x128xf32, #tpu.memory_space<vmem>>, vector<16xf32>,
        tpu.vector_store %arg10[%swap3A_414, %swap3A_415, %swap3A_416], %mul3A_413 {add = true, strides = array<i32>} : memref<2x160x128xf32, #tpu.memory_space<vmem>>, vector<16xf32>,
        %mul3A_418 = arith.mulf %gather3A_394, %gather3A_232 : vector<16xf32>
        %swap3A_419 = arith.index_cast %select_n3A_160 : i32 to index
        %swap3A_420 = arith.index_cast %add3A_357 : i32 to index
        %swap3A_421 = arith.constant 64 : index
        %swap3A_422 = tpu.vector_load %arg10[%swap3A_419, %swap3A_420, %swap3A_421] {strides = array<i32>} : memref<2x160x128xf32, #tpu.memory_space<vmem>>, vector<16xf32>,
        tpu.vector_store %arg10[%swap3A_419, %swap3A_420, %swap3A_421], %mul3A_418 {add = true, strides = array<i32>} : memref<2x160x128xf32, #tpu.memory_space<vmem>>, vector<16xf32>,
        %mul3A_423 = arith.mulf %gather3A_395, %gather3A_232 : vector<16xf32>
        %swap3A_424 = arith.index_cast %select_n3A_160 : i32 to index
        %swap3A_425 = arith.index_cast %add3A_357 : i32 to index
        %swap3A_426 = arith.constant 80 : index
        %swap3A_427 = tpu.vector_load %arg10[%swap3A_424, %swap3A_425, %swap3A_426] {strides = array<i32>} : memref<2x160x128xf32, #tpu.memory_space<vmem>>, vector<16xf32>,
        tpu.vector_store %arg10[%swap3A_424, %swap3A_425, %swap3A_426], %mul3A_423 {add = true, strides = array<i32>} : memref<2x160x128xf32, #tpu.memory_space<vmem>>, vector<16xf32>,
        %mul3A_428 = arith.mulf %gather3A_396, %gather3A_232 : vector<16xf32>
        %swap3A_429 = arith.index_cast %select_n3A_160 : i32 to index
        %swap3A_430 = arith.index_cast %add3A_357 : i32 to index
        %swap3A_431 = arith.constant 96 : index
        %swap3A_432 = tpu.vector_load %arg10[%swap3A_429, %swap3A_430, %swap3A_431] {strides = array<i32>} : memref<2x160x128xf32, #tpu.memory_space<vmem>>, vector<16xf32>,
        tpu.vector_store %arg10[%swap3A_429, %swap3A_430, %swap3A_431], %mul3A_428 {add = true, strides = array<i32>} : memref<2x160x128xf32, #tpu.memory_space<vmem>>, vector<16xf32>,
        %mul3A_433 = arith.mulf %gather3A_397, %gather3A_232 : vector<16xf32>
        %swap3A_434 = arith.index_cast %select_n3A_160 : i32 to index
        %swap3A_435 = arith.index_cast %add3A_357 : i32 to index
        %swap3A_436 = arith.constant 112 : index
        %swap3A_437 = tpu.vector_load %arg10[%swap3A_434, %swap3A_435, %swap3A_436] {strides = array<i32>} : memref<2x160x128xf32, #tpu.memory_space<vmem>>, vector<16xf32>,
        tpu.vector_store %arg10[%swap3A_434, %swap3A_435, %swap3A_436], %mul3A_433 {add = true, strides = array<i32>} : memref<2x160x128xf32, #tpu.memory_space<vmem>>, vector<16xf32>,
      }
      %scan3A_237 = arith.constant 32 : i32
      %mul3A_238 = arith.constant 5 : i32
      %mul3A_239 = arith.muli %add3A_144, %mul3A_238 : i32
      %add3A_240 = arith.constant 4 : i32
      %add3A_241 = arith.addi %mul3A_239, %add3A_240 : i32
      %broadcast_in_dim3A_242 = vector.broadcast %add3A_241 : i32 to vector<16xi32>
      %gather3A_243 = tpu.vector_load_idx %arg8[%broadcast_in_dim3A_242] : memref<3200xf32, #tpu.memory_space<vmem>>[vector<16xi32>], vector<16xf32>,
      %scan3A_244 = arith.constant 0 : i32
      %scan3A_245 = arith.constant 32 : i32
      %scan3A_246 = arith.addi %scan3A_244, %scan3A_245 : i32
      %scan3A_247 = arith.constant 2 : i32
      scf.for %scan3A_265 = %scan3A_244 to %scan3A_246 step %scan3A_247  : i32 {
        %mul3A_266 = arith.constant 1 : i32
        %mul3A_267 = arith.muli %scan3A_265, %mul3A_266 : i32
        %add3A_268 = arith.constant 0 : i32
        %add3A_269 = arith.addi %add3A_268, %mul3A_267 : i32
        %add3A_270 = arith.constant 128 : i32
        %add3A_271 = arith.addi %add3A_270, %add3A_269 : i32
        %get3A = arith.index_cast %select_n3A_160 : i32 to index
        %get3A_272 = arith.index_cast %add3A_271 : i32 to index
        %get3A_273 = arith.constant 0 : index
        %get3A_274 = tpu.vector_load %arg9[%get3A, %get3A_272, %get3A_273] {strides = array<i32>} : memref<2x160x128xi32, #tpu.memory_space<vmem>>, vector<16xi32>,
        %get3A_275 = arith.index_cast %select_n3A_160 : i32 to index
        %get3A_276 = arith.index_cast %add3A_271 : i32 to index
        %get3A_277 = arith.constant 16 : index
        %get3A_278 = tpu.vector_load %arg9[%get3A_275, %get3A_276, %get3A_277] {strides = array<i32>} : memref<2x160x128xi32, #tpu.memory_space<vmem>>, vector<16xi32>,
        %get3A_279 = arith.index_cast %select_n3A_160 : i32 to index
        %get3A_280 = arith.index_cast %add3A_271 : i32 to index
        %get3A_281 = arith.constant 32 : index
        %get3A_282 = tpu.vector_load %arg9[%get3A_279, %get3A_280, %get3A_281] {strides = array<i32>} : memref<2x160x128xi32, #tpu.memory_space<vmem>>, vector<16xi32>,
        %get3A_283 = arith.index_cast %select_n3A_160 : i32 to index
        %get3A_284 = arith.index_cast %add3A_271 : i32 to index
        %get3A_285 = arith.constant 48 : index
        %get3A_286 = tpu.vector_load %arg9[%get3A_283, %get3A_284, %get3A_285] {strides = array<i32>} : memref<2x160x128xi32, #tpu.memory_space<vmem>>, vector<16xi32>,
        %get3A_287 = arith.index_cast %select_n3A_160 : i32 to index
        %get3A_288 = arith.index_cast %add3A_271 : i32 to index
        %get3A_289 = arith.constant 64 : index
        %get3A_290 = tpu.vector_load %arg9[%get3A_287, %get3A_288, %get3A_289] {strides = array<i32>} : memref<2x160x128xi32, #tpu.memory_space<vmem>>, vector<16xi32>,
        %get3A_291 = arith.index_cast %select_n3A_160 : i32 to index
        %get3A_292 = arith.index_cast %add3A_271 : i32 to index
        %get3A_293 = arith.constant 80 : index
        %get3A_294 = tpu.vector_load %arg9[%get3A_291, %get3A_292, %get3A_293] {strides = array<i32>} : memref<2x160x128xi32, #tpu.memory_space<vmem>>, vector<16xi32>,
        %get3A_295 = arith.index_cast %select_n3A_160 : i32 to index
        %get3A_296 = arith.index_cast %add3A_271 : i32 to index
        %get3A_297 = arith.constant 96 : index
        %get3A_298 = tpu.vector_load %arg9[%get3A_295, %get3A_296, %get3A_297] {strides = array<i32>} : memref<2x160x128xi32, #tpu.memory_space<vmem>>, vector<16xi32>,
        %get3A_299 = arith.index_cast %select_n3A_160 : i32 to index
        %get3A_300 = arith.index_cast %add3A_271 : i32 to index
        %get3A_301 = arith.constant 112 : index
        %get3A_302 = tpu.vector_load %arg9[%get3A_299, %get3A_300, %get3A_301] {strides = array<i32>} : memref<2x160x128xi32, #tpu.memory_space<vmem>>, vector<16xi32>,
        %gather3A_303 = tpu.vector_load_idx %arg7[%get3A_274] : memref<256xf32, #tpu.memory_space<vmem>>[vector<16xi32>], vector<16xf32>,
        %gather3A_304 = tpu.vector_load_idx %arg7[%get3A_278] : memref<256xf32, #tpu.memory_space<vmem>>[vector<16xi32>], vector<16xf32>,
        %gather3A_305 = tpu.vector_load_idx %arg7[%get3A_282] : memref<256xf32, #tpu.memory_space<vmem>>[vector<16xi32>], vector<16xf32>,
        %gather3A_306 = tpu.vector_load_idx %arg7[%get3A_286] : memref<256xf32, #tpu.memory_space<vmem>>[vector<16xi32>], vector<16xf32>,
        %gather3A_307 = tpu.vector_load_idx %arg7[%get3A_290] : memref<256xf32, #tpu.memory_space<vmem>>[vector<16xi32>], vector<16xf32>,
        %gather3A_308 = tpu.vector_load_idx %arg7[%get3A_294] : memref<256xf32, #tpu.memory_space<vmem>>[vector<16xi32>], vector<16xf32>,
        %gather3A_309 = tpu.vector_load_idx %arg7[%get3A_298] : memref<256xf32, #tpu.memory_space<vmem>>[vector<16xi32>], vector<16xf32>,
        %gather3A_310 = tpu.vector_load_idx %arg7[%get3A_302] : memref<256xf32, #tpu.memory_space<vmem>>[vector<16xi32>], vector<16xf32>,
        %mul3A_311 = arith.mulf %gather3A_303, %gather3A_243 : vector<16xf32>
        %swap3A = arith.index_cast %select_n3A_160 : i32 to index
        %swap3A_312 = arith.index_cast %add3A_271 : i32 to index
        %swap3A_313 = arith.constant 0 : index
        %swap3A_314 = tpu.vector_load %arg10[%swap3A, %swap3A_312, %swap3A_313] {strides = array<i32>} : memref<2x160x128xf32, #tpu.memory_space<vmem>>, vector<16xf32>,
        tpu.vector_store %arg10[%swap3A, %swap3A_312, %swap3A_313], %mul3A_311 {add = true, strides = array<i32>} : memref<2x160x128xf32, #tpu.memory_space<vmem>>, vector<16xf32>,
        %mul3A_315 = arith.mulf %gather3A_304, %gather3A_243 : vector<16xf32>
        %swap3A_316 = arith.index_cast %select_n3A_160 : i32 to index
        %swap3A_317 = arith.index_cast %add3A_271 : i32 to index
        %swap3A_318 = arith.constant 16 : index
        %swap3A_319 = tpu.vector_load %arg10[%swap3A_316, %swap3A_317, %swap3A_318] {strides = array<i32>} : memref<2x160x128xf32, #tpu.memory_space<vmem>>, vector<16xf32>,
        tpu.vector_store %arg10[%swap3A_316, %swap3A_317, %swap3A_318], %mul3A_315 {add = true, strides = array<i32>} : memref<2x160x128xf32, #tpu.memory_space<vmem>>, vector<16xf32>,
        %mul3A_320 = arith.mulf %gather3A_305, %gather3A_243 : vector<16xf32>
        %swap3A_321 = arith.index_cast %select_n3A_160 : i32 to index
        %swap3A_322 = arith.index_cast %add3A_271 : i32 to index
        %swap3A_323 = arith.constant 32 : index
        %swap3A_324 = tpu.vector_load %arg10[%swap3A_321, %swap3A_322, %swap3A_323] {strides = array<i32>} : memref<2x160x128xf32, #tpu.memory_space<vmem>>, vector<16xf32>,
        tpu.vector_store %arg10[%swap3A_321, %swap3A_322, %swap3A_323], %mul3A_320 {add = true, strides = array<i32>} : memref<2x160x128xf32, #tpu.memory_space<vmem>>, vector<16xf32>,
        %mul3A_325 = arith.mulf %gather3A_306, %gather3A_243 : vector<16xf32>
        %swap3A_326 = arith.index_cast %select_n3A_160 : i32 to index
        %swap3A_327 = arith.index_cast %add3A_271 : i32 to index
        %swap3A_328 = arith.constant 48 : index
        %swap3A_329 = tpu.vector_load %arg10[%swap3A_326, %swap3A_327, %swap3A_328] {strides = array<i32>} : memref<2x160x128xf32, #tpu.memory_space<vmem>>, vector<16xf32>,
        tpu.vector_store %arg10[%swap3A_326, %swap3A_327, %swap3A_328], %mul3A_325 {add = true, strides = array<i32>} : memref<2x160x128xf32, #tpu.memory_space<vmem>>, vector<16xf32>,
        %mul3A_330 = arith.mulf %gather3A_307, %gather3A_243 : vector<16xf32>
        %swap3A_331 = arith.index_cast %select_n3A_160 : i32 to index
        %swap3A_332 = arith.index_cast %add3A_271 : i32 to index
        %swap3A_333 = arith.constant 64 : index
        %swap3A_334 = tpu.vector_load %arg10[%swap3A_331, %swap3A_332, %swap3A_333] {strides = array<i32>} : memref<2x160x128xf32, #tpu.memory_space<vmem>>, vector<16xf32>,
        tpu.vector_store %arg10[%swap3A_331, %swap3A_332, %swap3A_333], %mul3A_330 {add = true, strides = array<i32>} : memref<2x160x128xf32, #tpu.memory_space<vmem>>, vector<16xf32>,
        %mul3A_335 = arith.mulf %gather3A_308, %gather3A_243 : vector<16xf32>
        %swap3A_336 = arith.index_cast %select_n3A_160 : i32 to index
        %swap3A_337 = arith.index_cast %add3A_271 : i32 to index
        %swap3A_338 = arith.constant 80 : index
        %swap3A_339 = tpu.vector_load %arg10[%swap3A_336, %swap3A_337, %swap3A_338] {strides = array<i32>} : memref<2x160x128xf32, #tpu.memory_space<vmem>>, vector<16xf32>,
        tpu.vector_store %arg10[%swap3A_336, %swap3A_337, %swap3A_338], %mul3A_335 {add = true, strides = array<i32>} : memref<2x160x128xf32, #tpu.memory_space<vmem>>, vector<16xf32>,
        %mul3A_340 = arith.mulf %gather3A_309, %gather3A_243 : vector<16xf32>
        %swap3A_341 = arith.index_cast %select_n3A_160 : i32 to index
        %swap3A_342 = arith.index_cast %add3A_271 : i32 to index
        %swap3A_343 = arith.constant 96 : index
        %swap3A_344 = tpu.vector_load %arg10[%swap3A_341, %swap3A_342, %swap3A_343] {strides = array<i32>} : memref<2x160x128xf32, #tpu.memory_space<vmem>>, vector<16xf32>,
        tpu.vector_store %arg10[%swap3A_341, %swap3A_342, %swap3A_343], %mul3A_340 {add = true, strides = array<i32>} : memref<2x160x128xf32, #tpu.memory_space<vmem>>, vector<16xf32>,
        %mul3A_345 = arith.mulf %gather3A_310, %gather3A_243 : vector<16xf32>
        %swap3A_346 = arith.index_cast %select_n3A_160 : i32 to index
        %swap3A_347 = arith.index_cast %add3A_271 : i32 to index
        %swap3A_348 = arith.constant 112 : index
        %swap3A_349 = tpu.vector_load %arg10[%swap3A_346, %swap3A_347, %swap3A_348] {strides = array<i32>} : memref<2x160x128xf32, #tpu.memory_space<vmem>>, vector<16xf32>,
        tpu.vector_store %arg10[%swap3A_346, %swap3A_347, %swap3A_348], %mul3A_345 {add = true, strides = array<i32>} : memref<2x160x128xf32, #tpu.memory_space<vmem>>, vector<16xf32>,
        %scan3A_350 = arith.constant 1 : i32
        %scan3A_351 = arith.addi %scan3A_265, %scan3A_350 : i32
        %mul3A_352 = arith.constant 1 : i32
        %mul3A_353 = arith.muli %scan3A_351, %mul3A_352 : i32
        %add3A_354 = arith.constant 0 : i32
        %add3A_355 = arith.addi %add3A_354, %mul3A_353 : i32
        %add3A_356 = arith.constant 128 : i32
        %add3A_357 = arith.addi %add3A_356, %add3A_355 : i32
        %get3A_358 = arith.index_cast %select_n3A_160 : i32 to index
        %get3A_359 = arith.index_cast %add3A_357 : i32 to index
        %get3A_360 = arith.constant 0 : index
        %get3A_361 = tpu.vector_load %arg9[%get3A_358, %get3A_359, %get3A_360] {strides = array<i32>} : memref<2x160x128xi32, #tpu.memory_space<vmem>>, vector<16xi32>,
        %get3A_362 = arith.index_cast %select_n3A_160 : i32 to index
        %get3A_363 = arith.index_cast %add3A_357 : i32 to index
        %get3A_364 = arith.constant 16 : index
        %get3A_365 = tpu.vector_load %arg9[%get3A_362, %get3A_363, %get3A_364] {strides = array<i32>} : memref<2x160x128xi32, #tpu.memory_space<vmem>>, vector<16xi32>,
        %get3A_366 = arith.index_cast %select_n3A_160 : i32 to index
        %get3A_367 = arith.index_cast %add3A_357 : i32 to index
        %get3A_368 = arith.constant 32 : index
        %get3A_369 = tpu.vector_load %arg9[%get3A_366, %get3A_367, %get3A_368] {strides = array<i32>} : memref<2x160x128xi32, #tpu.memory_space<vmem>>, vector<16xi32>,
        %get3A_370 = arith.index_cast %select_n3A_160 : i32 to index
        %get3A_371 = arith.index_cast %add3A_357 : i32 to index
        %get3A_372 = arith.constant 48 : index
        %get3A_373 = tpu.vector_load %arg9[%get3A_370, %get3A_371, %get3A_372] {strides = array<i32>} : memref<2x160x128xi32, #tpu.memory_space<vmem>>, vector<16xi32>,
        %get3A_374 = arith.index_cast %select_n3A_160 : i32 to index
        %get3A_375 = arith.index_cast %add3A_357 : i32 to index
        %get3A_376 = arith.constant 64 : index
        %get3A_377 = tpu.vector_load %arg9[%get3A_374, %get3A_375, %get3A_376] {strides = array<i32>} : memref<2x160x128xi32, #tpu.memory_space<vmem>>, vector<16xi32>,
        %get3A_378 = arith.index_cast %select_n3A_160 : i32 to index
        %get3A_379 = arith.index_cast %add3A_357 : i32 to index
        %get3A_380 = arith.constant 80 : index
        %get3A_381 = tpu.vector_load %arg9[%get3A_378, %get3A_379, %get3A_380] {strides = array<i32>} : memref<2x160x128xi32, #tpu.memory_space<vmem>>, vector<16xi32>,
        %get3A_382 = arith.index_cast %select_n3A_160 : i32 to index
        %get3A_383 = arith.index_cast %add3A_357 : i32 to index
        %get3A_384 = arith.constant 96 : index
        %get3A_385 = tpu.vector_load %arg9[%get3A_382, %get3A_383, %get3A_384] {strides = array<i32>} : memref<2x160x128xi32, #tpu.memory_space<vmem>>, vector<16xi32>,
        %get3A_386 = arith.index_cast %select_n3A_160 : i32 to index
        %get3A_387 = arith.index_cast %add3A_357 : i32 to index
        %get3A_388 = arith.constant 112 : index
        %get3A_389 = tpu.vector_load %arg9[%get3A_386, %get3A_387, %get3A_388] {strides = array<i32>} : memref<2x160x128xi32, #tpu.memory_space<vmem>>, vector<16xi32>,
        %gather3A_390 = tpu.vector_load_idx %arg7[%get3A_361] : memref<256xf32, #tpu.memory_space<vmem>>[vector<16xi32>], vector<16xf32>,
        %gather3A_391 = tpu.vector_load_idx %arg7[%get3A_365] : memref<256xf32, #tpu.memory_space<vmem>>[vector<16xi32>], vector<16xf32>,
        %gather3A_392 = tpu.vector_load_idx %arg7[%get3A_369] : memref<256xf32, #tpu.memory_space<vmem>>[vector<16xi32>], vector<16xf32>,
        %gather3A_393 = tpu.vector_load_idx %arg7[%get3A_373] : memref<256xf32, #tpu.memory_space<vmem>>[vector<16xi32>], vector<16xf32>,
        %gather3A_394 = tpu.vector_load_idx %arg7[%get3A_377] : memref<256xf32, #tpu.memory_space<vmem>>[vector<16xi32>], vector<16xf32>,
        %gather3A_395 = tpu.vector_load_idx %arg7[%get3A_381] : memref<256xf32, #tpu.memory_space<vmem>>[vector<16xi32>], vector<16xf32>,
        %gather3A_396 = tpu.vector_load_idx %arg7[%get3A_385] : memref<256xf32, #tpu.memory_space<vmem>>[vector<16xi32>], vector<16xf32>,
        %gather3A_397 = tpu.vector_load_idx %arg7[%get3A_389] : memref<256xf32, #tpu.memory_space<vmem>>[vector<16xi32>], vector<16xf32>,
        %mul3A_398 = arith.mulf %gather3A_390, %gather3A_243 : vector<16xf32>
        %swap3A_399 = arith.index_cast %select_n3A_160 : i32 to index
        %swap3A_400 = arith.index_cast %add3A_357 : i32 to index
        %swap3A_401 = arith.constant 0 : index
        %swap3A_402 = tpu.vector_load %arg10[%swap3A_399, %swap3A_400, %swap3A_401] {strides = array<i32>} : memref<2x160x128xf32, #tpu.memory_space<vmem>>, vector<16xf32>,
        tpu.vector_store %arg10[%swap3A_399, %swap3A_400, %swap3A_401], %mul3A_398 {add = true, strides = array<i32>} : memref<2x160x128xf32, #tpu.memory_space<vmem>>, vector<16xf32>,
        %mul3A_403 = arith.mulf %gather3A_391, %gather3A_243 : vector<16xf32>
        %swap3A_404 = arith.index_cast %select_n3A_160 : i32 to index
        %swap3A_405 = arith.index_cast %add3A_357 : i32 to index
        %swap3A_406 = arith.constant 16 : index
        %swap3A_407 = tpu.vector_load %arg10[%swap3A_404, %swap3A_405, %swap3A_406] {strides = array<i32>} : memref<2x160x128xf32, #tpu.memory_space<vmem>>, vector<16xf32>,
        tpu.vector_store %arg10[%swap3A_404, %swap3A_405, %swap3A_406], %mul3A_403 {add = true, strides = array<i32>} : memref<2x160x128xf32, #tpu.memory_space<vmem>>, vector<16xf32>,
        %mul3A_408 = arith.mulf %gather3A_392, %gather3A_243 : vector<16xf32>
        %swap3A_409 = arith.index_cast %select_n3A_160 : i32 to index
        %swap3A_410 = arith.index_cast %add3A_357 : i32 to index
        %swap3A_411 = arith.constant 32 : index
        %swap3A_412 = tpu.vector_load %arg10[%swap3A_409, %swap3A_410, %swap3A_411] {strides = array<i32>} : memref<2x160x128xf32, #tpu.memory_space<vmem>>, vector<16xf32>,
        tpu.vector_store %arg10[%swap3A_409, %swap3A_410, %swap3A_411], %mul3A_408 {add = true, strides = array<i32>} : memref<2x160x128xf32, #tpu.memory_space<vmem>>, vector<16xf32>,
        %mul3A_413 = arith.mulf %gather3A_393, %gather3A_243 : vector<16xf32>
        %swap3A_414 = arith.index_cast %select_n3A_160 : i32 to index
        %swap3A_415 = arith.index_cast %add3A_357 : i32 to index
        %swap3A_416 = arith.constant 48 : index
        %swap3A_417 = tpu.vector_load %arg10[%swap3A_414, %swap3A_415, %swap3A_416] {strides = array<i32>} : memref<2x160x128xf32, #tpu.memory_space<vmem>>, vector<16xf32>,
        tpu.vector_store %arg10[%swap3A_414, %swap3A_415, %swap3A_416], %mul3A_413 {add = true, strides = array<i32>} : memref<2x160x128xf32, #tpu.memory_space<vmem>>, vector<16xf32>,
        %mul3A_418 = arith.mulf %gather3A_394, %gather3A_243 : vector<16xf32>
        %swap3A_419 = arith.index_cast %select_n3A_160 : i32 to index
        %swap3A_420 = arith.index_cast %add3A_357 : i32 to index
        %swap3A_421 = arith.constant 64 : index
        %swap3A_422 = tpu.vector_load %arg10[%swap3A_419, %swap3A_420, %swap3A_421] {strides = array<i32>} : memref<2x160x128xf32, #tpu.memory_space<vmem>>, vector<16xf32>,
        tpu.vector_store %arg10[%swap3A_419, %swap3A_420, %swap3A_421], %mul3A_418 {add = true, strides = array<i32>} : memref<2x160x128xf32, #tpu.memory_space<vmem>>, vector<16xf32>,
        %mul3A_423 = arith.mulf %gather3A_395, %gather3A_243 : vector<16xf32>
        %swap3A_424 = arith.index_cast %select_n3A_160 : i32 to index
        %swap3A_425 = arith.index_cast %add3A_357 : i32 to index
        %swap3A_426 = arith.constant 80 : index
        %swap3A_427 = tpu.vector_load %arg10[%swap3A_424, %swap3A_425, %swap3A_426] {strides = array<i32>} : memref<2x160x128xf32, #tpu.memory_space<vmem>>, vector<16xf32>,
        tpu.vector_store %arg10[%swap3A_424, %swap3A_425, %swap3A_426], %mul3A_423 {add = true, strides = array<i32>} : memref<2x160x128xf32, #tpu.memory_space<vmem>>, vector<16xf32>,
        %mul3A_428 = arith.mulf %gather3A_396, %gather3A_243 : vector<16xf32>
        %swap3A_429 = arith.index_cast %select_n3A_160 : i32 to index
        %swap3A_430 = arith.index_cast %add3A_357 : i32 to index
        %swap3A_431 = arith.constant 96 : index
        %swap3A_432 = tpu.vector_load %arg10[%swap3A_429, %swap3A_430, %swap3A_431] {strides = array<i32>} : memref<2x160x128xf32, #tpu.memory_space<vmem>>, vector<16xf32>,
        tpu.vector_store %arg10[%swap3A_429, %swap3A_430, %swap3A_431], %mul3A_428 {add = true, strides = array<i32>} : memref<2x160x128xf32, #tpu.memory_space<vmem>>, vector<16xf32>,
        %mul3A_433 = arith.mulf %gather3A_397, %gather3A_243 : vector<16xf32>
        %swap3A_434 = arith.index_cast %select_n3A_160 : i32 to index
        %swap3A_435 = arith.index_cast %add3A_357 : i32 to index
        %swap3A_436 = arith.constant 112 : index
        %swap3A_437 = tpu.vector_load %arg10[%swap3A_434, %swap3A_435, %swap3A_436] {strides = array<i32>} : memref<2x160x128xf32, #tpu.memory_space<vmem>>, vector<16xf32>,
        tpu.vector_store %arg10[%swap3A_434, %swap3A_435, %swap3A_436], %mul3A_433 {add = true, strides = array<i32>} : memref<2x160x128xf32, #tpu.memory_space<vmem>>, vector<16xf32>,
      }
      %scan3A_248 = arith.constant 32 : i32
      %mul3A_249 = arith.constant 160 : i32
      %mul3A_250 = arith.muli %add3A_144, %mul3A_249 : i32
      %dma_start3A_251 = arith.constant 0 : i32
      %dma_start3A_252 = arith.constant 0 : i32
      %dma_start3A_253 = tpu.memref_slice %arg10[%select_n3A_160, %dma_start3A_251, %dma_start3A_252] : memref<2x160x128xf32, #tpu.memory_space<vmem>> -> memref<1x160x128xf32, #tpu.memory_space<vmem>>
      %dma_start3A_254 = tpu.memref_squeeze %dma_start3A_253 : memref<1x160x128xf32, #tpu.memory_space<vmem>> -> memref<160x128xf32, #tpu.memory_space<vmem>>
      %dma_start3A_255 = arith.constant 0 : i32
      %dma_start3A_256 = tpu.memref_slice %arg6[%mul3A_250, %dma_start3A_255] : memref<100000x128xf32, #tpu.memory_space<hbm>> -> memref<160x128xf32, #tpu.memory_space<hbm>>
      %dma_start3A_257 = tpu.memref_slice %arg13[%select_n3A_160] : memref<2x!tpu.dma_semaphore, #tpu.memory_space<semaphore_mem>> -> memref<1x!tpu.dma_semaphore, #tpu.memory_space<semaphore_mem>>
      %dma_start3A_258 = tpu.memref_squeeze %dma_start3A_257 : memref<1x!tpu.dma_semaphore, #tpu.memory_space<semaphore_mem>> -> memref<!tpu.dma_semaphore, #tpu.memory_space<semaphore_mem>>
      %dma_start3A_259 = arith.constant 0 : i32
      %dma_start3A_260 = tpu.memref_slice %arg6[%mul3A_250, %dma_start3A_259] : memref<100000x128xf32, #tpu.memory_space<hbm>> -> memref<160x128xf32, #tpu.memory_space<hbm>>
      %dma_start3A_261 = arith.constant 0 : i32
      %dma_start3A_262 = arith.constant 0 : i32
      %dma_start3A_263 = tpu.memref_slice %arg10[%select_n3A_160, %dma_start3A_261, %dma_start3A_262] : memref<2x160x128xf32, #tpu.memory_space<vmem>> -> memref<1x160x128xf32, #tpu.memory_space<vmem>>
      %dma_start3A_264 = tpu.memref_squeeze %dma_start3A_263 : memref<1x160x128xf32, #tpu.memory_space<vmem>> -> memref<160x128xf32, #tpu.memory_space<vmem>>
      tpu.enqueue_dma source(%dma_start3A_264 : memref<160x128xf32, #tpu.memory_space<vmem>>) target(%dma_start3A_260 : memref<160x128xf32, #tpu.memory_space<hbm>>) target_semaphore(%dma_start3A_258 : memref<!tpu.dma_semaphore, #tpu.memory_space<semaphore_mem>>)
    }
    %sub3A_74 = arith.constant 2 : i32
    %sub3A_75 = arith.subi %select_n3A, %sub3A_74 : i32
    %jit3A_76 = arith.constant 2 : i32
    %eq3A = arith.constant 0 : i32
    %eq3A_77 = arith.cmpi eq, %jit3A_76, %eq3A : i32
    %jit3A_78 = arith.constant 1 : i32
    %select_n3A_79 = arith.select %eq3A_77, %jit3A_78, %jit3A_76 : i32
    %rem3A_80 = arith.remsi %sub3A_75, %select_n3A_79 : i32
    %ne3A_81 = arith.constant 0 : i32
    %ne3A_82 = arith.cmpi ne, %rem3A_80, %ne3A_81 : i32
    %lt3A = arith.constant 0 : i32
    %lt3A_83 = arith.cmpi slt, %rem3A_80, %lt3A : i32
    %lt3A_84 = arith.constant 0 : i32
    %lt3A_85 = arith.cmpi slt, %select_n3A_79, %lt3A_84 : i32
    %ne3A_86 = arith.xori %lt3A_83, %lt3A_85 : i1
    %and3A_87 = arith.andi %ne3A_86, %ne3A_82 : i1
    %add3A_88 = arith.addi %rem3A_80, %select_n3A_79 : i32
    %select_n3A_89 = arith.select %and3A_87, %add3A_88, %rem3A_80 : i32
    %dma_wait3A = arith.constant 0 : i32
    %dma_wait3A_90 = arith.constant 0 : i32
    %dma_wait3A_91 = tpu.memref_slice %arg10[%select_n3A_89, %dma_wait3A, %dma_wait3A_90] : memref<2x160x128xf32, #tpu.memory_space<vmem>> -> memref<1x160x128xf32, #tpu.memory_space<vmem>>
    %dma_wait3A_92 = tpu.memref_squeeze %dma_wait3A_91 : memref<1x160x128xf32, #tpu.memory_space<vmem>> -> memref<160x128xf32, #tpu.memory_space<vmem>>
    %dma_wait3A_93 = arith.constant 0 : i32
    %dma_wait3A_94 = arith.constant 0 : i32
    %dma_wait3A_95 = tpu.memref_slice %arg6[%dma_wait3A_93, %dma_wait3A_94] : memref<100000x128xf32, #tpu.memory_space<hbm>> -> memref<160x128xf32, #tpu.memory_space<hbm>>
    %dma_wait3A_96 = tpu.memref_slice %arg13[%select_n3A_89] : memref<2x!tpu.dma_semaphore, #tpu.memory_space<semaphore_mem>> -> memref<1x!tpu.dma_semaphore, #tpu.memory_space<semaphore_mem>>
    %dma_wait3A_97 = tpu.memref_squeeze %dma_wait3A_96 : memref<1x!tpu.dma_semaphore, #tpu.memory_space<semaphore_mem>> -> memref<!tpu.dma_semaphore, #tpu.memory_space<semaphore_mem>>
    %dma_wait3A_98 = arith.constant 0 : i32
    %dma_wait3A_99 = arith.constant 0 : i32
    %dma_wait3A_100 = tpu.memref_slice %arg6[%dma_wait3A_98, %dma_wait3A_99] : memref<100000x128xf32, #tpu.memory_space<hbm>> -> memref<160x128xf32, #tpu.memory_space<hbm>>
    %dma_wait3A_101 = arith.constant 0 : i32
    %dma_wait3A_102 = arith.constant 0 : i32
    %dma_wait3A_103 = tpu.memref_slice %arg10[%select_n3A_89, %dma_wait3A_101, %dma_wait3A_102] : memref<2x160x128xf32, #tpu.memory_space<vmem>> -> memref<1x160x128xf32, #tpu.memory_space<vmem>>
    %dma_wait3A_104 = tpu.memref_squeeze %dma_wait3A_103 : memref<1x160x128xf32, #tpu.memory_space<vmem>> -> memref<160x128xf32, #tpu.memory_space<vmem>>
    tpu.wait_dma2 semaphore(%dma_wait3A_97 : memref<!tpu.dma_semaphore, #tpu.memory_space<semaphore_mem>>) src(%dma_wait3A_104 : memref<160x128xf32, #tpu.memory_space<vmem>>) dst(%dma_wait3A_100 : memref<160x128xf32, #tpu.memory_space<hbm>>)
    %sub3A_105 = arith.constant 1 : i32
    %sub3A_106 = arith.subi %select_n3A, %sub3A_105 : i32
    %jit3A_107 = arith.constant 2 : i32
    %eq3A_108 = arith.constant 0 : i32
    %eq3A_109 = arith.cmpi eq, %jit3A_107, %eq3A_108 : i32
    %jit3A_110 = arith.constant 1 : i32
    %select_n3A_111 = arith.select %eq3A_109, %jit3A_110, %jit3A_107 : i32
    %rem3A_112 = arith.remsi %sub3A_106, %select_n3A_111 : i32
    %ne3A_113 = arith.constant 0 : i32
    %ne3A_114 = arith.cmpi ne, %rem3A_112, %ne3A_113 : i32
    %lt3A_115 = arith.constant 0 : i32
    %lt3A_116 = arith.cmpi slt, %rem3A_112, %lt3A_115 : i32
    %lt3A_117 = arith.constant 0 : i32
    %lt3A_118 = arith.cmpi slt, %select_n3A_111, %lt3A_117 : i32
    %ne3A_119 = arith.xori %lt3A_116, %lt3A_118 : i1
    %and3A_120 = arith.andi %ne3A_119, %ne3A_114 : i1
    %add3A_121 = arith.addi %rem3A_112, %select_n3A_111 : i32
    %select_n3A_122 = arith.select %and3A_120, %add3A_121, %rem3A_112 : i32
    %dma_wait3A_123 = arith.constant 0 : i32
    %dma_wait3A_124 = arith.constant 0 : i32
    %dma_wait3A_125 = tpu.memref_slice %arg10[%select_n3A_122, %dma_wait3A_123, %dma_wait3A_124] : memref<2x160x128xf32, #tpu.memory_space<vmem>> -> memref<1x160x128xf32, #tpu.memory_space<vmem>>
    %dma_wait3A_126 = tpu.memref_squeeze %dma_wait3A_125 : memref<1x160x128xf32, #tpu.memory_space<vmem>> -> memref<160x128xf32, #tpu.memory_space<vmem>>
    %dma_wait3A_127 = arith.constant 0 : i32
    %dma_wait3A_128 = arith.constant 0 : i32
    %dma_wait3A_129 = tpu.memref_slice %arg6[%dma_wait3A_127, %dma_wait3A_128] : memref<100000x128xf32, #tpu.memory_space<hbm>> -> memref<160x128xf32, #tpu.memory_space<hbm>>
    %dma_wait3A_130 = tpu.memref_slice %arg13[%select_n3A_122] : memref<2x!tpu.dma_semaphore, #tpu.memory_space<semaphore_mem>> -> memref<1x!tpu.dma_semaphore, #tpu.memory_space<semaphore_mem>>
    %dma_wait3A_131 = tpu.memref_squeeze %dma_wait3A_130 : memref<1x!tpu.dma_semaphore, #tpu.memory_space<semaphore_mem>> -> memref<!tpu.dma_semaphore, #tpu.memory_space<semaphore_mem>>
    %dma_wait3A_132 = arith.constant 0 : i32
    %dma_wait3A_133 = arith.constant 0 : i32
    %dma_wait3A_134 = tpu.memref_slice %arg6[%dma_wait3A_132, %dma_wait3A_133] : memref<100000x128xf32, #tpu.memory_space<hbm>> -> memref<160x128xf32, #tpu.memory_space<hbm>>
    %dma_wait3A_135 = arith.constant 0 : i32
    %dma_wait3A_136 = arith.constant 0 : i32
    %dma_wait3A_137 = tpu.memref_slice %arg10[%select_n3A_122, %dma_wait3A_135, %dma_wait3A_136] : memref<2x160x128xf32, #tpu.memory_space<vmem>> -> memref<1x160x128xf32, #tpu.memory_space<vmem>>
    %dma_wait3A_138 = tpu.memref_squeeze %dma_wait3A_137 : memref<1x160x128xf32, #tpu.memory_space<vmem>> -> memref<160x128xf32, #tpu.memory_space<vmem>>
    tpu.wait_dma2 semaphore(%dma_wait3A_131 : memref<!tpu.dma_semaphore, #tpu.memory_space<semaphore_mem>>) src(%dma_wait3A_138 : memref<160x128xf32, #tpu.memory_space<vmem>>) dst(%dma_wait3A_134 : memref<160x128xf32, #tpu.memory_space<hbm>>)
    return
  }
}

module attributes {stable_mosaic.version = 14 : i64} {
  func.func @body(%arg0: i32, %arg1: memref<64x4096xf32, #tpu.memory_space<vmem>>, %arg2: memref<64x128xf32, #tpu.memory_space<vmem>>, %arg3: memref<4096x128xf32, #tpu.memory_space<vmem>>) attributes {dimension_semantics = [#tpu.dimension_semantics<arbitrary>], iteration_bounds = array<i64: 25>, scalar_prefetch = 0 : i64, scratch_operands = 0 : i64, tpu.core_type = #tpu.core_type<tc>, window_params = [{transform_indices = @transform_0, window_bounds = array<i64: 64, 4096>}, {pipeline_mode = #tpu.pipeline_mode<synchronous>, transform_indices = @transform_1, window_bounds = array<i64: 64, 128>}, {transform_indices = @transform_2, window_bounds = array<i64: 4096, 128>}]} {
    %get3A = arith.constant 0 : index
    %get3A_0 = arith.constant 0 : index
    %get3A_1 = vector.load %arg1[%get3A, %get3A_0] : memref<64x4096xf32, #tpu.memory_space<vmem>>, vector<64x4096xf32>
    %get3A_2 = arith.constant 0 : index
    %get3A_3 = arith.constant 0 : index
    %get3A_4 = vector.load %arg2[%get3A_2, %get3A_3] : memref<64x128xf32, #tpu.memory_space<vmem>>, vector<64x128xf32>
    %dot_general3A = arith.constant dense<0.000000e+00> : vector<4096x128xf32>
    %dot_general3A_5 = tpu.matmul %get3A_1, %get3A_4, %dot_general3A {dimension_numbers = #tpu.dot_dimension_numbers<[0], [0], [1], [1], [0, 1, 1, 1], [], []>, transpose_lhs_hint = false} : vector<64x4096xf32>, vector<64x128xf32>, vector<4096x128xf32> -> vector<4096x128xf32>
    %swap3A = arith.constant 0 : index
    %swap3A_6 = arith.constant 0 : index
    %swap3A_7 = vector.load %arg3[%swap3A, %swap3A_6] : memref<4096x128xf32, #tpu.memory_space<vmem>>, vector<4096x128xf32>
    tpu.vector_store %arg3[%swap3A, %swap3A_6], %dot_general3A_5 {strides = array<i32>} : memref<4096x128xf32, #tpu.memory_space<vmem>>, vector<4096x128xf32>,
    return
  }
  func.func @transform_0(%arg0: i32) -> (i32, i32) {
    %c0_i32 = arith.constant 0 : i32
    %c0_i32_0 = arith.constant 0 : i32
    return %c0_i32, %arg0 : i32, i32
  }
  func.func @transform_1(%arg0: i32) -> (i32, i32) {
    %c0_i32 = arith.constant 0 : i32
    %c0_i32_0 = arith.constant 0 : i32
    %c0_i32_1 = arith.constant 0 : i32
    return %c0_i32, %c0_i32_0 : i32, i32
  }
  func.func @transform_2(%arg0: i32) -> (i32, i32) {
    %c0_i32 = arith.constant 0 : i32
    %c0_i32_0 = arith.constant 0 : i32
    return %arg0, %c0_i32 : i32, i32
  }
}

</mosaic_0001>

<sc_bundles>
// kernel: kernel.5.cloned.1.call-start
scs
__scs_entry_jumppad:
0x0: {  	(pc) =	sbr.rel $0x88, $3  }
0x1: {  	(tag) =	ssettag $0x0;
	lr =	simm.s32 $0x1  }
0x2: {  	[smem:$0x3F9B] =	sst lr;
	_ =	strace $0xD0000000  }
0x3: {  	_ = 	snop  }
0x4: {  	_ = 	snop  }
0x5: {  	_ = 	snop  }
0x6: {  	_ = 	snop  }
0x7: {  	_ = 	snop  }
__scs_overlays_trampoline_lowered:
0x8: {  	[smem:$0x3FAA] =	sst s0  }
0x9: {  	[smem:$0x3FAB] =	sst s1  }
0xa: {  	[smem:$0x3FAC] =	sst s2  }
0xb: {  	[smem:$0x3FAD] =	sst s3  }
0xc: {  	[smem:$0x3FAE] =	sst s4  }
0xd: {  	[smem:$0x3FAF] =	sst s5  }
0xe: {  	[smem:$0x3FB0] =	sst s6  }
0xf: {  	[smem:$0x3FB1] =	sst s7  }
0x10: {  	[smem:$0x3FB2] =	sst s8  }
0x11: {  	[smem:$0x3FB3] =	sst s9;
	s0 =	simm.s32 @!p0 $0x0  }
0x12: {  	s1 =	sld [smem:$0x3F99];
	s0 =	simm.s32 @p0 $0x1  }
0x13: {  	[smem:$0x3FB4] =	sst s0;
	s0 =	simm.s32 @!p1 $0x0  }
0x14: {  	s2 =	sld [smem:$0x3F98];
	s0 =	simm.s32 @p1 $0x1  }
0x15: {  	[smem:$0x3FB5] =	sst s0;
	s0 =	simm.s32 @!p2 $0x0  }
0x16: {  	s3 =	sld [smem:$0x3FDB];
	s0 =	simm.s32 @p2 $0x1  }
0x17: {  	s4 =	simm.s32 $0x1BF5;
	[smem:$0x3FB7] =	sst s0  }
0x18: {  	s0 =	sld [smem:$0x3F9A];
	_ =	swait.ge [sflag:s4], $0x0  }
0x19: {  	s7 =	sld [smem:$0x3F9B]  }
0x1a: {  	s8 =	sadd.s32 $0xFFFFE003, lr  }
0x1b: {  	s9 =	sadd.s32 $0xFFFFFEF7, lr;
	s5 =	simm.s32 $0xFFFFFFFF;
	p2 =	slt.u32 s8, $0xFFFFF086  }
0x1c: {  	p1 =	slt.u32 s9, $0xF7A;
	s5 =	simm.s32 @!p2 $0x0  }
0x1d: {  	s5 =	simm.s32 @p1 $0x1;
	p0 =	seq.s32 s7, s2  }
0x1e: {  	s7 =	smul.u32 @!p0 $0xF7A, s2;
	p2 =	seq.s32 @!p0 s5, $0x0  }
0x1f: {  	s9 =	smul.u32 $0xF7A, s1;
	s8 =	simm.s32 @!p0 $0x1BF5;
	p2 =	por !p2, p0  }
0x20: {  	[sflag:s8] =	ssyncset.s32 @!p0 $0xFFFFF086;
	s6 =	sadd.s32 @!p0 s3, s7;
	s7 =	simm.s32 @!p0 $0x108  }
0x21: {  	s3 =	sadd.s32 s3, s9;
	s6 =	sadd.s32 @!p0 $0x88, s6;
	s7 =	simm.s32 @p2 $0x1082  }
0x22: {  	[simem:s7], [sflag:s8] =	dma.local @!p0 [hbm:s6], $0xF7A  }
0x23: {  	s9 =	sor.u32 $0xD0000000, s2;
	s6 =	simm.s32 $0x108;
	_ =	swait.ge @!p0 [sflag:s8], $0x0  }
0x24: {  	s3 =	sadd.s32 $0x88, s3;
	s6 =	simm.s32 @!p1 $0x1082;
	[sflag:s4] =	ssyncset.s32 $0xFFFFF086  }
0x25: {  	[simem:s6], [sflag:s4] =	dma.local [hbm:s3], $0xF7A  }
0x26: {  	[smem:$0x3F9B] =	sst s1;
	(tag) =	ssettag s2;
	_ =	strace s9  }
0x27: {  	s1 =	sld [smem:$0x3FAB]  }
0x28: {  	s2 =	sld [smem:$0x3FAC]  }
0x29: {  	s4 =	sld [smem:$0x3FAE]  }
0x2a: {  	p0 =	seq.s32 s5, $0x0;
	s5 =	sld [smem:$0x3FAF]  }
0x2b: {  	s6 =	sld [smem:$0x3FB0]  }
0x2c: {  	s7 =	sld [smem:$0x3FB1]  }
0x2d: {  	s3 =	simm.s32 $0x108;
	s8 =	sld [smem:$0x3FB2]  }
0x2e: {  	s3 =	simm.s32 @!p0 $0x1082;
	s9 =	sld [smem:$0x3FB3]  }
0x2f: {  	lr =	sadd.s32 s0, s3;
	s0 =	sld [smem:$0x3FAA]  }
0x30: {  	s3 =	sld [smem:$0x3FAD]  }
0x31: {  	[smem:$0x3FB6] =	sst s10  }
0x32: {  	s10 =	sld [smem:$0x3FB4];
	_ =	sdelay $0x3  }
0x33: {  	p0 =	seq.s32 s10, $0x1;
	s10 =	sld [smem:$0x3FB6];
	_ =	sdelay $0x3  }
0x34: {  	[smem:$0x3FB6] =	sst s10  }
0x35: {  	s10 =	sld [smem:$0x3FB5];
	_ =	sdelay $0x3  }
0x36: {  	p1 =	seq.s32 s10, $0x1;
	s10 =	sld [smem:$0x3FB6];
	_ =	sdelay $0x3  }
0x37: {  	[smem:$0x3FB6] =	sst s10  }
0x38: {  	s10 =	sld [smem:$0x3FB7]  }
0x39: {  	_ = 	snop;
	(pc) =	sbr.ind lr, $3  }
0x3a: {  	_ = 	snop  }
0x3b: {  	_ = 	snop  }
0x3c: {  	p2 =	seq.s32 s10, $0x1;
	s10 =	sld [smem:$0x3FB6]  }
0x3d: {  	_ =	shalt  }
0x3e: {  	_ =	shalt  }
0x3f: {  	_ =	shalt  }
0x40: {  	_ =	shalt  }
0x41: {  	_ =	shalt  }
0x42: {  	_ =	shalt  }
0x43: {  	_ =	shalt  }
0x44: {  	_ =	shalt  }
0x45: {  	_ =	shalt  }
0x46: {  	_ =	shalt  }
0x47: {  	_ =	shalt  }
0x48: {  	_ =	shalt  }
0x49: {  	_ =	shalt  }
0x4a: {  	_ =	shalt  }
0x4b: {  	_ =	shalt  }
0x4c: {  	_ =	shalt  }
0x4d: {  	_ =	shalt  }
0x4e: {  	_ =	shalt  }
0x4f: {  	_ =	shalt  }
0x50: {  	_ =	shalt  }
0x51: {  	_ =	shalt  }
0x52: {  	_ =	shalt  }
0x53: {  	_ =	shalt  }
0x54: {  	_ =	shalt  }
0x55: {  	_ =	shalt  }
0x56: {  	_ =	shalt  }
0x57: {  	_ =	shalt  }
0x58: {  	_ =	shalt  }
0x59: {  	_ =	shalt  }
0x5a: {  	_ =	shalt  }
0x5b: {  	_ =	shalt  }
0x5c: {  	_ =	shalt  }
0x5d: {  	_ =	shalt  }
0x5e: {  	_ =	shalt  }
0x5f: {  	_ =	shalt  }
0x60: {  	_ =	shalt  }
0x61: {  	_ =	shalt  }
0x62: {  	_ =	shalt  }
0x63: {  	_ =	shalt  }
0x64: {  	_ =	shalt  }
0x65: {  	_ =	shalt  }
0x66: {  	_ =	shalt  }
0x67: {  	_ =	shalt  }
0x68: {  	_ =	shalt  }
0x69: {  	_ =	shalt  }
0x6a: {  	_ =	shalt  }
0x6b: {  	_ =	shalt  }
0x6c: {  	_ =	shalt  }
0x6d: {  	_ =	shalt  }
0x6e: {  	_ =	shalt  }
0x6f: {  	_ =	shalt  }
0x70: {  	_ =	shalt  }
0x71: {  	_ =	shalt  }
0x72: {  	_ =	shalt  }
0x73: {  	_ =	shalt  }
0x74: {  	_ =	shalt  }
0x75: {  	_ =	shalt  }
0x76: {  	_ =	shalt  }
0x77: {  	_ =	shalt  }
0x78: {  	_ =	shalt  }
0x79: {  	_ =	shalt  }
0x7a: {  	_ =	shalt  }
0x7b: {  	_ =	shalt  }
0x7c: {  	_ =	shalt  }
0x7d: {  	_ =	shalt  }
0x7e: {  	_ =	shalt  }
0x7f: {  	_ =	shalt  }
0x80: {  	_ =	shalt  }
0x81: {  	_ =	shalt  }
0x82: {  	_ =	shalt  }
0x83: {  	_ =	shalt  }
0x84: {  	_ =	shalt  }
0x85: {  	_ =	shalt  }
0x86: {  	_ =	shalt  }
0x87: {  	_ =	shalt  }
.Lfunc_end0:
.L_simem_size_0:
called_computation_lowered:
.L_overlay_start_0:
0x88: {  	s2 =	sld [smem:$0x3FD9]  }
0x89: {  	s3 =	sld [smem:$0x3FFE];
	_ =	sdelay $0x1  }
0x8a: {  	s1 =	srdreg.scid  }
0x8b: {  	s0 =	sand.u32 $0x1, s1  }
0x8c: {  	s17 =	sshll.u32 s0, $0xA;
	s2 =	sadd.s32 s3, s2  }
0x8d: {  	s2 =	sadd.s32 s2, s17  }
0x8e: {  	[smem:$0x3FC2] =	sst s2  }
0x8f: {  	_ = 	snop  }
0x90: {  	s2 =	sld [smem:$0x3FC8]  }
0x91: {  	s18 =	sld [smem:$0x3FC6]  }
0x92: {  	s4 =	sld [smem:$0x3FD0];
	(tm) =	ssettm $0x1  }
0x93: {  	s5 =	sld [smem:$0x3FFB];
	_ =	sdelay $0x3  }
0x94: {  	_ =	strace s5  }
0x95: {  	s5 =	sld [smem:$0x3FFC];
	_ =	sdelay $0x3  }
0x96: {  	_ =	strace s5  }
0x97: {  	s5 =	sld [smem:$0x3FFD];
	_ =	sdelay $0x3  }
0x98: {  	_ =	strace s5  }
0x99: {  	_ =	strace $0x8FFFFFFF  }
0x9a: {  	s19 =	sld [smem:$0x3FDB];
	_ =	sdelay $0x1  }
0x9b: {  	s6 =	simm.s32 $_scs_section_size  }
0x9c: {  	s7 =	simm.s32 $_size__tile_overlayer_lowered;
	s8 =	simm.s32 $_tile_overlayer_lowered  }
0x9d: {  	s22 =	simm.s32 $0x1BFF;
	s21 =	sshll.u32 s8, $0x1;
	s5 =	sadd.s32 s6, s19  }
0x9e: {  	s9 =	simm.s32 $0x0;
	s20 =	sshll.u32 s7, $0x1;
	s7 =	sadd.s32 s21, s5  }
0x9f: {  	[timem:s9], [sflag:s22] =	dma.local [hbm:s7], s20  }
0xa0: {  	_ =	swait.ge [sflag:s22], s20  }
0xa1: {  	s6 =	ssub.s32 $0x0, s20;
	[sflag:s22] =	ssyncset.done $0x0  }
0xa2: {  	[sflag:s22] =	ssyncadd.s32 s6;
	_ =	sdelay $0x1  }
0xa3: {  	s23 =	simm.s32 $0x1B8B  }
0xa4: {  	_ =	swait.ge [sflag:s23], $0x1  }
0xa5: {  	[sflag:s23] =	ssyncset.done $0x0  }
0xa6: {  	s25 =	simm.s32 $0x1B8E;
	s24 =	sld [smem:$0x3FFE];
	[sflag:s23] =	ssyncadd.s32 $0xFFFFFFFF  }
0xa7: {  	s26 =	simm.s32 $execute0_lowered;
	[smem:$0x3FD2] =	sst s25  }
0xa8: {  	s7 =	sshll.u32 s26, $0x1;
	_ =	strace $0x80000046;
	[dreg:$0x1] =	wrdreg $0xFFFFFFFF  }
0xa9: {  	s28 =	simm.s32 $_size_execute0_lowered;
	s5 =	sadd.s32 s5, s7;
	[dreg:$0x0] =	wrdreg $0x0  }
0xaa: {  	s7 =	sshll.u32 s28, $0x1;
	[dreg:$0x2] =	wrdreg s5  }
0xab: {  	[dreg:$0x3] =	wrdreg s7  }
0xac: {  	[dreg:$0x4] =	wrdreg $0xC0  }
0xad: {  	_ =	task [dreg:s9], $0x5FFFF  }
0xae: {  	[dreg:$0x1] =	wrdreg $0xFFFFFFFF  }
0xaf: {  	[dreg:$0x0] =	wrdreg $0x60  }
0xb0: {  	[dreg:$0x2] =	wrdreg s2  }
0xb1: {  	[dreg:$0x3] =	wrdreg s24  }
0xb2: {  	[dreg:$0x4] =	wrdreg s18  }
0xb3: {  	[dreg:$0x5] =	wrdreg s4  }
0xb4: {  	[dreg:$0x6] =	wrdreg $0x9  }
0xb5: {  	_ =	task.clear_ibuf [dreg:s9], $0x7FFFF;
	_ =	strace $0x90000046  }
0xb6: {  	s29 =	simm.s32 $0x9;
	_ =	strace $0x80000048  }
0xb7: {  	_ =	swait.ge [sflag:s29], $0x1  }
0xb8: {  	[sflag:s29] =	ssyncadd.s32 $0xFFFFFFFF  }
0xb9: {  	_ =	strace $0x90000048  }
0xba: {  	_ =	sfence  }
0xbb: {  	s30 =	sld [smem:$0x0];
	_ =	sdelay $0x2  }
0xbc: {  	s31 =	sshll.u32 s1, $0xD;
	s1 =	sshrl.u32 s1, $0x2  }
0xbd: {  	s3 =	sand.u32 $0x4000, s31;
	s1 =	sadd.s32 s1, s30  }
0xbe: {  	s0 =	sor.u32 s3, s0;
	s1 =	sshll.u32 s1, $0x11  }
0xbf: {  	s0 =	sor.u32 s1, s0  }
0xc0: {  	s0 =	sadd.s32 $0x8F2B, s0  }
0xc1: {  	[sflag:s0] =	ssyncadd.remote.s32 $0x1  }
0xc2: {  	_ =	sfence.sel $0xFFFF  }
0xc3: {  	[dreg:$0x0] =	wrdreg $0xFFFFFFFF;
	(pc) =	sbr.abs _section_cstart, $3  }
0xc4: {  	[dreg:$0x1] =	wrdreg $0xFFFFFFFF  }
0xc5: {  	_ =	task.clear_ibuf [dreg:s9], $0x2FFFF;
	_ =	strace $0x9FFFFFFF  }
0xc6: {  	(tm) =	ssettm $0x7FFFFFFF  }
0xc7: {  	_ =	shalt  }
tec
execute0_lowered:
.L_overlay_start_1:
0x0: {  	(tag) =	ssettag $0x1  }
0x1: {  	s1 =	rddreg [dreg:$0x0]  }
0x2: {  	s9 =	rddreg [dreg:$0x1]  }
0x3: {  	s3 =	rddreg [dreg:$0x2]  }
0x4: {  	s4 =	rddreg [dreg:$0x3]  }
0x5: {  	s0 =	rddreg [dreg:$0x4];
	s6 =	srdreg.scid  }
0x6: {  	s2 =	stileid.u32;
	s5 =	simm.s32 $0x0;
	s16 =	simm.s32 $0x100  }
0x7: {  	s17 =	simm.s32 $0xD80;
	s18 =	simm.s32 $0xAD80;
	s19 =	simm.s32 $0x0  }
0x8: {  	s8 =	sand.u32 $0x1, s6;
	s30 =	sshll.u32 s2, $0x1;
	[smem:$0x7FF] =	sst s5  }
0x9: {  	s7 =	sadd.s32 $0xC00, s9;
	s9 =	sadd.s32 $0xE00, s9;
	s6 =	sor.u32 s8, s30  }
0xa: {  	s11 =	ssub.s32 $0x2, s8;
	s10 =	ssub.s32 $0x290, s6;
	s12 =	smul.u32 $0xA00, s6  }
0xb: {  	_ =	strace $0x80000047;
	s31 =	sshrl.u32 s11, $0x1;
	s8 =	sshrl.u32 s10, $0x5  }
0xc: {  	s14 =	ssub.s32 s11, s31;
	s13 =	sand.u32 $0x1, s8;
	s10 =	sadd.s32 s1, s12  }
0xd: {  	s11 =	sadd.s32 s4, s12;
	s14 =	smax.u32 s14, $0x1;
	s15 =	sxor.u32 $0x1, s13  }
0xe: {  	s12 =	sadd.s32 $0x5, s13;
	s13 =	sadd.s32 $0x5, s15;
	s15 =	simm.s32 $0x7  }
.LBB2_1:
0xf: {  	[tilespmem:s5], [sflag:$0x7] =	stream.linear.gather [hbm4b:s3+s5], $0x100, $0x38;
	[tilespmem:$0x14D80] =	vst v63  }
0x10: {  	_ =	swait.ge [sflag:s15], $0x100  }
0x11: {  	[sflag:s15] =	ssyncset.done $0x0  }
0x12: {  	[sflag:s15] =	ssyncadd.s32 $0xFFFFFF00  }
0x13: {  	[tilespmem:s16], [sflag:$0x7] =	stream.linear.gather [hbm4b:s7+s5], $0xC80, $0x38;
	[tilespmem:$0x14D80] =	vst v63  }
0x14: {  	_ =	swait.ge [sflag:s15], $0xC80  }
0x15: {  	[sflag:s15] =	ssyncset.done $0x0  }
0x16: {  	[sflag:s15] =	ssyncadd.s32 $0xFFFFF380  }
0x17: {  	[tilespmem:s17], [sflag:$0x1] =	stream.linear.gather [hbm4b:s10+s5], $0x5000, $0x38;
	[tilespmem:$0x14D80] =	vst v63  }
0x18: {  	p0 =	por $0x0, $0x0;
	s20 =	simm.s32 $0x0  }
0x19: {  	[tilespmem:s18], [sflag:$0x3] =	stream.linear.gather [hbm4b:s11+s5], $0x5000, $0x38;
	[tilespmem:$0x14D80] =	vst v63  }
.LBB2_2:
0x1a: {  	s22 =	smov.u32 s20;
	s20 =	sadd.s32 $0x1, s20  }
0x1b: {  	p1 =	sge.u32 s20, s8  }
0x1c: {  	s21 =	sand.u32 $0x1, s22;
	p2 =	seq.s32 @!p1 s22, $0x0;
	s22 =	sshll.u32 s22, $0x5  }
0x1d: {  	p3 =	por p2, p1;
	s22 =	sor.u32 s6, s22  }
0x1e: {  	p2 =	por !p2, p1;
	s23 =	sxor.u32 @!p3 $0x1, s21;
	s25 =	smul.u32 @!p1 $0x5000, s22  }
0x1f: {  	s30 =	simm.s32 @!p1 $0x0;
	s24 =	sadd.s32 @!p3 $0x5, s23;
	s23 =	simm.s32 @!p2 $0x1  }
0x20: {  	_ =	swait.ge @!p3 [sflag:s24], $0x5000;
	s26 =	smul.u32 @!p1 $0x5000, s23;
	s25 =	sadd.s32 @!p1 $0xA0000, s25  }
0x21: {  	s28 =	sadd.s32 @!p1 $0x1, s23;
	[sflag:s24] =	ssyncset.done @!p3 $0x0;
	s25 =	sshrl.u32 @!p1 s25, $0x3  }
0x22: {  	[sflag:s24] =	ssyncadd.s32 @!p3 $0xFFFFB000;
	s24 =	sor.u32 @!p1 $0xD80, s26;
	s29 =	sadd.s32 @!p1 s1, s25  }
0x23: {  	[tilespmem:s24], [sflag:s28] =	stream.linear.gather @!p1 [hbm4b:s29+s30], $0x5000, $0x38;
	[tilespmem:$0x14D80] =	vst v63  }
0x24: {  	s23 =	sadd.s32 @!p1 $0x3, s23;
	s25 =	sadd.s32 @!p1 s4, s25;
	s24 =	sadd.s32 @!p1 $0xAD80, s26  }
0x25: {  	[tilespmem:s24], [sflag:s23] =	stream.linear.gather @!p1 [hbm4b:s25+s30], $0x5000, $0x38;
	[tilespmem:$0x14D80] =	vst v63  }
0x26: {  	s26 =	sadd.s32 $0x1, s21;
	s25 =	smul.u32 $0x5, s22  }
0x27: {  	_ =	swait.ge [sflag:s26], $0x5000  }
0x28: {  	s24 =	simm.s32 $0x1;
	[sflag:s26] =	ssyncset.done $0x0;
	v0 =	vmov s25  }
0x29: {  	s31 =	sadd.s32 $0x3, s21;
	s24 =	simm.s32 @!p0 $0x0;
	[sflag:s26] =	ssyncadd.s32 $0xFFFFB000  }
0x2a: {  	s24 =	smul.u32 $0x14000, s24;
	_ =	swait.ge [sflag:s31], $0x5000  }
0x2b: {  	[sflag:s31] =	ssyncset.done $0x0  }
0x2c: {  	s23 =	sshrl.u32 s24, $0x2;
	[sflag:s31] =	ssyncadd.s32 $0xFFFFB000  }
0x2d: {  	s24 =	sadd.s32 $0xD80, s23;
	v1 =	vld.idx.msk [tilespmem:v0+s16+$0x0], $0xffff  }
0x2e: {  	v0 =	vld [tilespmem:s24+$0x30]  }
0x2f: {  	v2 =	vld [tilespmem:s24+$0x20]  }
0x30: {  	v3 =	vld [tilespmem:s24+$0x50]  }
0x31: {  	v4 =	vld [tilespmem:s24+$0x40]  }
0x32: {  	v5 =	vld [tilespmem:s24+$0x10]  }
0x33: {  	v6 =	vld [tilespmem:s24+$0x60]  }
0x34: {  	v7 =	vld [tilespmem:s24+$0x0]  }
0x35: {  	v8 =	vld [tilespmem:s24+$0x70]  }
0x36: {  	v0 =	vld.idx.msk [tilespmem:v0+s5+$0x0], $0xffff  }
0x37: {  	v2 =	vld.idx.msk [tilespmem:v2+s5+$0x0], $0xffff  }
0x38: {  	v3 =	vld.idx.msk [tilespmem:v3+s5+$0x0], $0xffff  }
0x39: {  	v4 =	vld.idx.msk [tilespmem:v4+s5+$0x0], $0xffff  }
0x3a: {  	v5 =	vld.idx.msk [tilespmem:v5+s5+$0x0], $0xffff  }
0x3b: {  	v6 =	vld.idx.msk [tilespmem:v6+s5+$0x0], $0xffff  }
0x3c: {  	v7 =	vld.idx.msk [tilespmem:v7+s5+$0x0], $0xffff;
	v0 =	vmul.f32 v0, v1  }
0x3d: {  	s26 =	sadd.s32 $0xAD80, s23;
	v8 =	vld.idx.msk [tilespmem:v8+s5+$0x0], $0xffff;
	v2 =	vmul.f32 v2, v1  }
0x3e: {  	[tilespmem:s26+$0x30] =	vst.add.f32.msk $0xffff, v0;
	v0 =	vmul.f32 v3, v1  }
0x3f: {  	[tilespmem:s26+$0x20] =	vst.add.f32.msk $0xffff, v2;
	v2 =	vmul.f32 v4, v1  }
0x40: {  	v3 =	vmul.f32 v5, v1;
	[tilespmem:s26+$0x50] =	vst.add.f32.msk $0xffff, v0  }
0x41: {  	[tilespmem:s26+$0x40] =	vst.add.f32.msk $0xffff, v2;
	v0 =	vmul.f32 v6, v1  }
0x42: {  	v2 =	vmul.f32 v7, v1;
	[tilespmem:s26+$0x10] =	vst.add.f32.msk $0xffff, v3  }
0x43: {  	[tilespmem:s26+$0x60] =	vst.add.f32.msk $0xffff, v0;
	v0 =	vmul.f32 v8, v1  }
0x44: {  	[tilespmem:s26+$0x0] =	vst.add.f32.msk $0xffff, v2  }
0x45: {  	[tilespmem:s26+$0x70] =	vst.add.f32.msk $0xffff, v0  }
0x46: {  	v0 =	vld [tilespmem:s24+$0xB0]  }
0x47: {  	v2 =	vld [tilespmem:s24+$0x90]  }
0x48: {  	v3 =	vld [tilespmem:s24+$0xC0]  }
0x49: {  	v5 =	vld [tilespmem:s24+$0xA0]  }
0x4a: {  	v4 =	vld [tilespmem:s24+$0x80]  }
0x4b: {  	v6 =	vld [tilespmem:s24+$0xD0]  }
0x4c: {  	v7 =	vld [tilespmem:s24+$0xE0]  }
0x4d: {  	v62 =	vld [tilespmem:s24+$0xF0]  }
0x4e: {  	v0 =	vld.idx.msk [tilespmem:v0+s5+$0x0], $0xffff  }
0x4f: {  	v9 =	vld.idx.msk [tilespmem:v2+s5+$0x0], $0xffff  }
0x50: {  	v3 =	vld.idx.msk [tilespmem:v3+s5+$0x0], $0xffff  }
0x51: {  	v5 =	vld.idx.msk [tilespmem:v5+s5+$0x0], $0xffff  }
0x52: {  	v4 =	vld.idx.msk [tilespmem:v4+s5+$0x0], $0xffff  }
0x53: {  	v6 =	vld.idx.msk [tilespmem:v6+s5+$0x0], $0xffff  }
0x54: {  	v7 =	vld.idx.msk [tilespmem:v7+s5+$0x0], $0xffff;
	v0 =	vmul.f32 v0, v1  }
0x55: {  	v2 =	vld.idx.msk [tilespmem:v62+s5+$0x0], $0xffff;
	v63 =	vmul.f32 v9, v1  }
0x56: {  	v5 =	vmul.f32 v5, v1;
	[tilespmem:s26+$0xB0] =	vst.add.f32.msk $0xffff, v0  }
0x57: {  	v0 =	vmul.f32 v3, v1;
	[tilespmem:s26+$0x90] =	vst.add.f32.msk $0xffff, v63  }
0x58: {  	v3 =	vmul.f32 v4, v1;
	[tilespmem:s26+$0xA0] =	vst.add.f32.msk $0xffff, v5  }
0x59: {  	s28 =	simm.s32 $0xAD80;
	v4 =	vmul.f32 v6, v1;
	[tilespmem:s26+$0xC0] =	vst.add.f32.msk $0xffff, v0  }
0x5a: {  	s29 =	simm.s32 $0x0;
	s30 =	simm.s32 $0xE80;
	s24 =	smul.u32 $0x5000, s21;
	[tilespmem:s26+$0x80] =	vst.add.f32.msk $0xffff, v3;
	v3 =	vmul.f32 v7, v1  }
.LBB2_3:
0x5b: {  	s29 =	sadd.s32 $0x2, s29;
	[tilespmem:s26+$0xD0] =	vst.add.f32.msk $0xffff, v4;
	v0 =	vmul.f32 v2, v1;
	s28 =	sadd.s32 $0x100, s28  }
0x5c: {  	s31 =	sadd.s32 s23, s30;
	p1 =	slt.u32 s29, $0x1E;
	[tilespmem:s26+$0xE0] =	vst.add.f32.msk $0xffff, v3  }
0x5d: {  	[tilespmem:s26+$0xF0] =	vst.add.f32.msk $0xffff, v0  }
0x5e: {  	v0 =	vld [tilespmem:s31+$0x30]  }
0x5f: {  	v2 =	vld [tilespmem:s31+$0x20]  }
0x60: {  	v3 =	vld [tilespmem:s31+$0x50]  }
0x61: {  	v4 =	vld [tilespmem:s31+$0x40]  }
0x62: {  	v5 =	vld [tilespmem:s31+$0x10]  }
0x63: {  	v6 =	vld [tilespmem:s31+$0x60]  }
0x64: {  	v7 =	vld [tilespmem:s31+$0x0]  }
0x65: {  	v8 =	vld [tilespmem:s31+$0x70]  }
0x66: {  	v0 =	vld.idx.msk [tilespmem:v0+s5+$0x0], $0xffff  }
0x67: {  	v2 =	vld.idx.msk [tilespmem:v2+s5+$0x0], $0xffff  }
0x68: {  	v3 =	vld.idx.msk [tilespmem:v3+s5+$0x0], $0xffff  }
0x69: {  	v4 =	vld.idx.msk [tilespmem:v4+s5+$0x0], $0xffff  }
0x6a: {  	v5 =	vld.idx.msk [tilespmem:v5+s5+$0x0], $0xffff  }
0x6b: {  	v6 =	vld.idx.msk [tilespmem:v6+s5+$0x0], $0xffff  }
0x6c: {  	v0 =	vmul.f32 v0, v1;
	v7 =	vld.idx.msk [tilespmem:v7+s5+$0x0], $0xffff  }
0x6d: {  	s26 =	sadd.s32 s23, s28;
	v2 =	vmul.f32 v2, v1;
	v8 =	vld.idx.msk [tilespmem:v8+s5+$0x0], $0xffff  }
0x6e: {  	[tilespmem:s26+$0x30] =	vst.add.f32.msk $0xffff, v0;
	v0 =	vmul.f32 v3, v1  }
0x6f: {  	[tilespmem:s26+$0x20] =	vst.add.f32.msk $0xffff, v2;
	v2 =	vmul.f32 v4, v1  }
0x70: {  	v3 =	vmul.f32 v5, v1;
	[tilespmem:s26+$0x50] =	vst.add.f32.msk $0xffff, v0  }
0x71: {  	v0 =	vmul.f32 v6, v1;
	[tilespmem:s26+$0x40] =	vst.add.f32.msk $0xffff, v2  }
0x72: {  	v2 =	vmul.f32 v7, v1;
	[tilespmem:s26+$0x10] =	vst.add.f32.msk $0xffff, v3  }
0x73: {  	[tilespmem:s26+$0x60] =	vst.add.f32.msk $0xffff, v0;
	v0 =	vmul.f32 v8, v1  }
0x74: {  	[tilespmem:s26+$0x0] =	vst.add.f32.msk $0xffff, v2  }
0x75: {  	[tilespmem:s26+$0x70] =	vst.add.f32.msk $0xffff, v0  }
0x76: {  	v0 =	vld [tilespmem:s31+$0xB0]  }
0x77: {  	v2 =	vld [tilespmem:s31+$0x90]  }
0x78: {  	v3 =	vld [tilespmem:s31+$0xC0]  }
0x79: {  	v4 =	vld [tilespmem:s31+$0x80]  }
0x7a: {  	v5 =	vld [tilespmem:s31+$0xA0]  }
0x7b: {  	v6 =	vld [tilespmem:s31+$0xD0]  }
0x7c: {  	v7 =	vld [tilespmem:s31+$0xE0]  }
0x7d: {  	v8 =	vld [tilespmem:s31+$0xF0]  }
0x7e: {  	v0 =	vld.idx.msk [tilespmem:v0+s5+$0x0], $0xffff  }
0x7f: {  	v9 =	vld.idx.msk [tilespmem:v2+s5+$0x0], $0xffff  }
0x80: {  	v3 =	vld.idx.msk [tilespmem:v3+s5+$0x0], $0xffff  }
0x81: {  	v4 =	vld.idx.msk [tilespmem:v4+s5+$0x0], $0xffff  }
0x82: {  	v5 =	vld.idx.msk [tilespmem:v5+s5+$0x0], $0xffff  }
0x83: {  	v6 =	vld.idx.msk [tilespmem:v6+s5+$0x0], $0xffff  }
0x84: {  	v0 =	vmul.f32 v0, v1;
	v7 =	vld.idx.msk [tilespmem:v7+s5+$0x0], $0xffff  }
0x85: {  	v2 =	vld.idx.msk [tilespmem:v8+s5+$0x0], $0xffff;
	v8 =	vmul.f32 v9, v1  }
.Ltmp0:
0x86: {  	[tilespmem:s26+$0xB0] =	vst.add.f32.msk $0xffff, v0;
	v0 =	vmul.f32 v3, v1;
	(pc) =	sbr.rel @p1 .LBB2_3-.Ltmp0, $4  }
0x87: {  	v3 =	vmul.f32 v4, v1;
	[tilespmem:s26+$0x90] =	vst.add.f32.msk $0xffff, v8  }
0x88: {  	v5 =	vmul.f32 v5, v1;
	[tilespmem:s26+$0xC0] =	vst.add.f32.msk $0xffff, v0  }
0x89: {  	v4 =	vmul.f32 v6, v1;
	[tilespmem:s26+$0x80] =	vst.add.f32.msk $0xffff, v3  }
0x8a: {  	s30 =	sadd.s32 $0x100, s30;
	v3 =	vmul.f32 v7, v1;
	[tilespmem:s26+$0xA0] =	vst.add.f32.msk $0xffff, v5  }
0x8b: {  	v0 =	vmov s23;
	_ =	sdelay $0x1  }
0x8c: {  	[tilespmem:s26+$0xD0] =	vst.add.f32.msk $0xffff, v4;
	v1 =	vmul.f32 v2, v1  }
0x8d: {  	s28 =	sadd.s32 $0x1, s25;
	[tilespmem:s26+$0xE0] =	vst.add.f32.msk $0xffff, v3  }
0x8e: {  	v5 =	vmov s28;
	[tilespmem:s26+$0xF0] =	vst.add.f32.msk $0xffff, v1;
	s26 =	simm.s32 $0x1D80  }
0x8f: {  	v2 =	vld.idx.msk [tilespmem:v0+s26+$0x50 ss:$0x1], $0xffff  }
0x90: {  	v3 =	vld.idx.msk [tilespmem:v0+s26+$0x40 ss:$0x1], $0xffff  }
0x91: {  	v4 =	vld.idx.msk [tilespmem:v0+s26+$0x30 ss:$0x1], $0xffff  }
0x92: {  	v6 =	vld.idx.msk [tilespmem:v0+s26+$0x20 ss:$0x1], $0xffff  }
0x93: {  	v1 =	vld.idx.msk [tilespmem:v5+s16+$0x0], $0xffff  }
0x94: {  	v5 =	vld.idx.msk [tilespmem:v0+s26+$0x60 ss:$0x1], $0xffff  }
0x95: {  	v7 =	vld.idx.msk [tilespmem:v0+s26+$0x0 ss:$0x1], $0xffff  }
0x96: {  	v8 =	vld.idx.msk [tilespmem:v0+s26+$0x10 ss:$0x1], $0xffff  }
0x97: {  	v9 =	vld.idx.msk [tilespmem:v0+s26+$0x70 ss:$0x1], $0xffff  }
0x98: {  	v2 =	vld.idx.msk [tilespmem:v2+s5+$0x0], $0xffff  }
0x99: {  	v3 =	vld.idx.msk [tilespmem:v3+s5+$0x0], $0xffff  }
0x9a: {  	v4 =	vld.idx.msk [tilespmem:v4+s5+$0x0], $0xffff  }
0x9b: {  	v6 =	vld.idx.msk [tilespmem:v6+s5+$0x0], $0xffff  }
0x9c: {  	v5 =	vld.idx.msk [tilespmem:v5+s5+$0x0], $0xffff  }
0x9d: {  	v7 =	vld.idx.msk [tilespmem:v7+s5+$0x0], $0xffff  }
0x9e: {  	v8 =	vld.idx.msk [tilespmem:v8+s5+$0x0], $0xffff;
	v2 =	vmul.f32 v2, v1  }
0x9f: {  	s28 =	sadd.s32 $0xAD80, s23;
	v9 =	vld.idx.msk [tilespmem:v9+s5+$0x0], $0xffff;
	v3 =	vmul.f32 v3, v1  }
0xa0: {  	v4 =	vmul.f32 v4, v1;
	[tilespmem:s28+$0x1050] =	vst.add.f32.msk $0xffff, v2  }
0xa1: {  	[tilespmem:s28+$0x1040] =	vst.add.f32.msk $0xffff, v3;
	v2 =	vmul.f32 v5, v1  }
0xa2: {  	v3 =	vmul.f32 v6, v1;
	[tilespmem:s28+$0x1030] =	vst.add.f32.msk $0xffff, v4  }
0xa3: {  	v4 =	vmul.f32 v7, v1;
	[tilespmem:s28+$0x1060] =	vst.add.f32.msk $0xffff, v2  }
0xa4: {  	v2 =	vmul.f32 v8, v1;
	[tilespmem:s28+$0x1020] =	vst.add.f32.msk $0xffff, v3  }
0xa5: {  	[tilespmem:s28+$0x1000] =	vst.add.f32.msk $0xffff, v4;
	v3 =	vmul.f32 v9, v1  }
0xa6: {  	[tilespmem:s28+$0x1010] =	vst.add.f32.msk $0xffff, v2  }
0xa7: {  	[tilespmem:s28+$0x1070] =	vst.add.f32.msk $0xffff, v3  }
0xa8: {  	v2 =	vld.idx.msk [tilespmem:v0+s26+$0xE0 ss:$0x1], $0xffff  }
0xa9: {  	v3 =	vld.idx.msk [tilespmem:v0+s26+$0x90 ss:$0x1], $0xffff  }
0xaa: {  	v4 =	vld.idx.msk [tilespmem:v0+s26+$0xA0 ss:$0x1], $0xffff  }
0xab: {  	v5 =	vld.idx.msk [tilespmem:v0+s26+$0xB0 ss:$0x1], $0xffff  }
0xac: {  	v9 =	vld.idx.msk [tilespmem:v0+s26+$0xC0 ss:$0x1], $0xffff  }
0xad: {  	v10 =	vld.idx.msk [tilespmem:v0+s26+$0xD0 ss:$0x1], $0xffff  }
0xae: {  	v11 =	vld.idx.msk [tilespmem:v0+s26+$0xF0 ss:$0x1], $0xffff  }
0xaf: {  	v6 =	vld.idx.msk [tilespmem:v0+s26+$0x80 ss:$0x1], $0xffff  }
0xb0: {  	v12 =	vld.idx.msk [tilespmem:v2+s5+$0x0], $0xffff  }
0xb1: {  	v8 =	vld.idx.msk [tilespmem:v3+s5+$0x0], $0xffff  }
0xb2: {  	v7 =	vld.idx.msk [tilespmem:v4+s5+$0x0], $0xffff  }
0xb3: {  	v5 =	vld.idx.msk [tilespmem:v5+s5+$0x0], $0xffff  }
0xb4: {  	v4 =	vld.idx.msk [tilespmem:v9+s5+$0x0], $0xffff  }
0xb5: {  	v3 =	vld.idx.msk [tilespmem:v10+s5+$0x0], $0xffff  }
0xb6: {  	s29 =	simm.s32 $0xAD80;
	s30 =	simm.s32 $0x0;
	v2 =	vld.idx.msk [tilespmem:v11+s5+$0x0], $0xffff;
	v9 =	vmul.f32 v12, v1  }
.LBB2_5:
0xb7: {  	s30 =	sadd.s32 $0x2, s30;
	v6 =	vld.idx.msk [tilespmem:v6+s5+$0x0], $0xffff;
	v8 =	vmul.f32 v8, v1;
	s26 =	sadd.s32 $0x100, s26;
	s29 =	sadd.s32 $0x100, s29  }
0xb8: {  	v7 =	vmul.f32 v7, v1;
	p1 =	slt.u32 s30, $0x1E;
	[tilespmem:s28+$0x10E0] =	vst.add.f32.msk $0xffff, v9  }
0xb9: {  	v5 =	vmul.f32 v5, v1;
	[tilespmem:s28+$0x1090] =	vst.add.f32.msk $0xffff, v8  }
0xba: {  	v4 =	vmul.f32 v4, v1;
	[tilespmem:s28+$0x10A0] =	vst.add.f32.msk $0xffff, v7  }
0xbb: {  	v3 =	vmul.f32 v3, v1;
	[tilespmem:s28+$0x10B0] =	vst.add.f32.msk $0xffff, v5  }
0xbc: {  	v2 =	vmul.f32 v2, v1;
	[tilespmem:s28+$0x10C0] =	vst.add.f32.msk $0xffff, v4  }
0xbd: {  	v4 =	vmul.f32 v6, v1;
	[tilespmem:s28+$0x10D0] =	vst.add.f32.msk $0xffff, v3  }
0xbe: {  	[tilespmem:s28+$0x10F0] =	vst.add.f32.msk $0xffff, v2  }
0xbf: {  	[tilespmem:s28+$0x1080] =	vst.add.f32.msk $0xffff, v4  }
0xc0: {  	v2 =	vld.idx.msk [tilespmem:v0+s26+$0x50 ss:$0x1], $0xffff  }
0xc1: {  	v3 =	vld.idx.msk [tilespmem:v0+s26+$0x40 ss:$0x1], $0xffff  }
0xc2: {  	v4 =	vld.idx.msk [tilespmem:v0+s26+$0x30 ss:$0x1], $0xffff  }
0xc3: {  	v5 =	vld.idx.msk [tilespmem:v0+s26+$0x60 ss:$0x1], $0xffff  }
0xc4: {  	v6 =	vld.idx.msk [tilespmem:v0+s26+$0x20 ss:$0x1], $0xffff  }
0xc5: {  	v7 =	vld.idx.msk [tilespmem:v0+s26+$0x0 ss:$0x1], $0xffff  }
0xc6: {  	v8 =	vld.idx.msk [tilespmem:v0+s26+$0x10 ss:$0x1], $0xffff  }
0xc7: {  	v9 =	vld.idx.msk [tilespmem:v0+s26+$0x70 ss:$0x1], $0xffff  }
0xc8: {  	v2 =	vld.idx.msk [tilespmem:v2+s5+$0x0], $0xffff  }
0xc9: {  	v3 =	vld.idx.msk [tilespmem:v3+s5+$0x0], $0xffff  }
0xca: {  	v4 =	vld.idx.msk [tilespmem:v4+s5+$0x0], $0xffff  }
0xcb: {  	v5 =	vld.idx.msk [tilespmem:v5+s5+$0x0], $0xffff  }
0xcc: {  	v6 =	vld.idx.msk [tilespmem:v6+s5+$0x0], $0xffff  }
0xcd: {  	v7 =	vld.idx.msk [tilespmem:v7+s5+$0x0], $0xffff  }
0xce: {  	v2 =	vmul.f32 v2, v1;
	v8 =	vld.idx.msk [tilespmem:v8+s5+$0x0], $0xffff  }
0xcf: {  	s28 =	sadd.s32 s23, s29;
	v3 =	vmul.f32 v3, v1;
	v9 =	vld.idx.msk [tilespmem:v9+s5+$0x0], $0xffff  }
0xd0: {  	v4 =	vmul.f32 v4, v1;
	[tilespmem:s28+$0x1050] =	vst.add.f32.msk $0xffff, v2  }
0xd1: {  	v2 =	vmul.f32 v5, v1;
	[tilespmem:s28+$0x1040] =	vst.add.f32.msk $0xffff, v3  }
0xd2: {  	v3 =	vmul.f32 v6, v1;
	[tilespmem:s28+$0x1030] =	vst.add.f32.msk $0xffff, v4  }
0xd3: {  	v4 =	vmul.f32 v7, v1;
	[tilespmem:s28+$0x1060] =	vst.add.f32.msk $0xffff, v2  }
0xd4: {  	v2 =	vmul.f32 v8, v1;
	[tilespmem:s28+$0x1020] =	vst.add.f32.msk $0xffff, v3  }
0xd5: {  	v3 =	vmul.f32 v9, v1;
	[tilespmem:s28+$0x1000] =	vst.add.f32.msk $0xffff, v4  }
0xd6: {  	[tilespmem:s28+$0x1010] =	vst.add.f32.msk $0xffff, v2  }
0xd7: {  	[tilespmem:s28+$0x1070] =	vst.add.f32.msk $0xffff, v3  }
0xd8: {  	v2 =	vld.idx.msk [tilespmem:v0+s26+$0xE0 ss:$0x1], $0xffff  }
0xd9: {  	v3 =	vld.idx.msk [tilespmem:v0+s26+$0x90 ss:$0x1], $0xffff  }
0xda: {  	v4 =	vld.idx.msk [tilespmem:v0+s26+$0xA0 ss:$0x1], $0xffff  }
0xdb: {  	v5 =	vld.idx.msk [tilespmem:v0+s26+$0xB0 ss:$0x1], $0xffff  }
0xdc: {  	v9 =	vld.idx.msk [tilespmem:v0+s26+$0xC0 ss:$0x1], $0xffff  }
0xdd: {  	v10 =	vld.idx.msk [tilespmem:v0+s26+$0xD0 ss:$0x1], $0xffff  }
0xde: {  	v11 =	vld.idx.msk [tilespmem:v0+s26+$0xF0 ss:$0x1], $0xffff  }
0xdf: {  	v6 =	vld.idx.msk [tilespmem:v0+s26+$0x80 ss:$0x1], $0xffff  }
0xe0: {  	v12 =	vld.idx.msk [tilespmem:v2+s5+$0x0], $0xffff  }
0xe1: {  	v8 =	vld.idx.msk [tilespmem:v3+s5+$0x0], $0xffff  }
.Ltmp1:
0xe2: {  	v7 =	vld.idx.msk [tilespmem:v4+s5+$0x0], $0xffff;
	(pc) =	sbr.rel @p1 .LBB2_5-.Ltmp1, $4  }
0xe3: {  	v5 =	vld.idx.msk [tilespmem:v5+s5+$0x0], $0xffff  }
0xe4: {  	v4 =	vld.idx.msk [tilespmem:v9+s5+$0x0], $0xffff  }
0xe5: {  	v3 =	vld.idx.msk [tilespmem:v10+s5+$0x0], $0xffff  }
0xe6: {  	v9 =	vmul.f32 v12, v1;
	v2 =	vld.idx.msk [tilespmem:v11+s5+$0x0], $0xffff  }
0xe7: {  	_ =	sdelay $0x3  }
0xe8: {  	v6 =	vld.idx.msk [tilespmem:v6+s5+$0x0], $0xffff;
	v8 =	vmul.f32 v8, v1  }
0xe9: {  	v7 =	vmul.f32 v7, v1;
	[tilespmem:s28+$0x10E0] =	vst.add.f32.msk $0xffff, v9  }
0xea: {  	v5 =	vmul.f32 v5, v1;
	[tilespmem:s28+$0x1090] =	vst.add.f32.msk $0xffff, v8  }
0xeb: {  	s26 =	sadd.s32 $0x2, s25;
	[tilespmem:s28+$0x10A0] =	vst.add.f32.msk $0xffff, v7;
	v4 =	vmul.f32 v4, v1  }
0xec: {  	[tilespmem:s28+$0x10B0] =	vst.add.f32.msk $0xffff, v5;
	v3 =	vmul.f32 v3, v1;
	v5 =	vmov s26  }
0xed: {  	[tilespmem:s28+$0x10C0] =	vst.add.f32.msk $0xffff, v4;
	v2 =	vmul.f32 v2, v1  }
0xee: {  	v1 =	vmul.f32 v6, v1;
	[tilespmem:s28+$0x10D0] =	vst.add.f32.msk $0xffff, v3  }
0xef: {  	[tilespmem:s28+$0x10F0] =	vst.add.f32.msk $0xffff, v2  }
0xf0: {  	[tilespmem:s28+$0x1080] =	vst.add.f32.msk $0xffff, v1  }
0xf1: {  	s26 =	simm.s32 $0x2D80;
	v1 =	vld.idx.msk [tilespmem:v5+s16+$0x0], $0xffff  }
0xf2: {  	v2 =	vld.idx.msk [tilespmem:v0+s26+$0x50 ss:$0x1], $0xffff  }
0xf3: {  	v3 =	vld.idx.msk [tilespmem:v0+s26+$0x40 ss:$0x1], $0xffff  }
0xf4: {  	v4 =	vld.idx.msk [tilespmem:v0+s26+$0x30 ss:$0x1], $0xffff  }
0xf5: {  	v5 =	vld.idx.msk [tilespmem:v0+s26+$0x60 ss:$0x1], $0xffff  }
0xf6: {  	v6 =	vld.idx.msk [tilespmem:v0+s26+$0x20 ss:$0x1], $0xffff  }
0xf7: {  	v7 =	vld.idx.msk [tilespmem:v0+s26+$0x0 ss:$0x1], $0xffff  }
0xf8: {  	v8 =	vld.idx.msk [tilespmem:v0+s26+$0x10 ss:$0x1], $0xffff  }
0xf9: {  	v9 =	vld.idx.msk [tilespmem:v0+s26+$0x70 ss:$0x1], $0xffff  }
0xfa: {  	v2 =	vld.idx.msk [tilespmem:v2+s5+$0x0], $0xffff  }
0xfb: {  	v3 =	vld.idx.msk [tilespmem:v3+s5+$0x0], $0xffff  }
0xfc: {  	v4 =	vld.idx.msk [tilespmem:v4+s5+$0x0], $0xffff  }
0xfd: {  	v5 =	vld.idx.msk [tilespmem:v5+s5+$0x0], $0xffff  }
0xfe: {  	v6 =	vld.idx.msk [tilespmem:v6+s5+$0x0], $0xffff  }
0xff: {  	v7 =	vld.idx.msk [tilespmem:v7+s5+$0x0], $0xffff  }
0x100: {  	v8 =	vld.idx.msk [tilespmem:v8+s5+$0x0], $0xffff;
	v2 =	vmul.f32 v2, v1  }
0x101: {  	s28 =	sadd.s32 $0xAD80, s23;
	v9 =	vld.idx.msk [tilespmem:v9+s5+$0x0], $0xffff;
	v3 =	vmul.f32 v3, v1  }
0x102: {  	v4 =	vmul.f32 v4, v1;
	[tilespmem:s28+$0x2050] =	vst.add.f32.msk $0xffff, v2  }
0x103: {  	[tilespmem:s28+$0x2040] =	vst.add.f32.msk $0xffff, v3;
	v2 =	vmul.f32 v5, v1  }
0x104: {  	v3 =	vmul.f32 v6, v1;
	[tilespmem:s28+$0x2030] =	vst.add.f32.msk $0xffff, v4  }
0x105: {  	v4 =	vmul.f32 v7, v1;
	[tilespmem:s28+$0x2060] =	vst.add.f32.msk $0xffff, v2  }
0x106: {  	v2 =	vmul.f32 v8, v1;
	[tilespmem:s28+$0x2020] =	vst.add.f32.msk $0xffff, v3  }
0x107: {  	[tilespmem:s28+$0x2000] =	vst.add.f32.msk $0xffff, v4;
	v3 =	vmul.f32 v9, v1  }
0x108: {  	[tilespmem:s28+$0x2010] =	vst.add.f32.msk $0xffff, v2  }
0x109: {  	[tilespmem:s28+$0x2070] =	vst.add.f32.msk $0xffff, v3  }
0x10a: {  	v2 =	vld.idx.msk [tilespmem:v0+s26+$0xE0 ss:$0x1], $0xffff  }
0x10b: {  	v3 =	vld.idx.msk [tilespmem:v0+s26+$0x90 ss:$0x1], $0xffff  }
0x10c: {  	v4 =	vld.idx.msk [tilespmem:v0+s26+$0xA0 ss:$0x1], $0xffff  }
0x10d: {  	v5 =	vld.idx.msk [tilespmem:v0+s26+$0xB0 ss:$0x1], $0xffff  }
0x10e: {  	v9 =	vld.idx.msk [tilespmem:v0+s26+$0xC0 ss:$0x1], $0xffff  }
0x10f: {  	v10 =	vld.idx.msk [tilespmem:v0+s26+$0xD0 ss:$0x1], $0xffff  }
0x110: {  	v11 =	vld.idx.msk [tilespmem:v0+s26+$0xF0 ss:$0x1], $0xffff  }
0x111: {  	v6 =	vld.idx.msk [tilespmem:v0+s26+$0x80 ss:$0x1], $0xffff  }
0x112: {  	v12 =	vld.idx.msk [tilespmem:v2+s5+$0x0], $0xffff  }
0x113: {  	v8 =	vld.idx.msk [tilespmem:v3+s5+$0x0], $0xffff  }
0x114: {  	v7 =	vld.idx.msk [tilespmem:v4+s5+$0x0], $0xffff  }
0x115: {  	v5 =	vld.idx.msk [tilespmem:v5+s5+$0x0], $0xffff  }
0x116: {  	v4 =	vld.idx.msk [tilespmem:v9+s5+$0x0], $0xffff  }
0x117: {  	v3 =	vld.idx.msk [tilespmem:v10+s5+$0x0], $0xffff  }
0x118: {  	s29 =	simm.s32 $0xAD80;
	s30 =	simm.s32 $0x0;
	v2 =	vld.idx.msk [tilespmem:v11+s5+$0x0], $0xffff;
	v9 =	vmul.f32 v12, v1  }
.LBB2_7:
0x119: {  	s30 =	sadd.s32 $0x2, s30;
	v6 =	vld.idx.msk [tilespmem:v6+s5+$0x0], $0xffff;
	v8 =	vmul.f32 v8, v1;
	s26 =	sadd.s32 $0x100, s26;
	s29 =	sadd.s32 $0x100, s29  }
0x11a: {  	v7 =	vmul.f32 v7, v1;
	p1 =	slt.u32 s30, $0x1E;
	[tilespmem:s28+$0x20E0] =	vst.add.f32.msk $0xffff, v9  }
0x11b: {  	v5 =	vmul.f32 v5, v1;
	[tilespmem:s28+$0x2090] =	vst.add.f32.msk $0xffff, v8  }
0x11c: {  	v4 =	vmul.f32 v4, v1;
	[tilespmem:s28+$0x20A0] =	vst.add.f32.msk $0xffff, v7  }
0x11d: {  	v3 =	vmul.f32 v3, v1;
	[tilespmem:s28+$0x20B0] =	vst.add.f32.msk $0xffff, v5  }
0x11e: {  	v2 =	vmul.f32 v2, v1;
	[tilespmem:s28+$0x20C0] =	vst.add.f32.msk $0xffff, v4  }
0x11f: {  	v4 =	vmul.f32 v6, v1;
	[tilespmem:s28+$0x20D0] =	vst.add.f32.msk $0xffff, v3  }
0x120: {  	[tilespmem:s28+$0x20F0] =	vst.add.f32.msk $0xffff, v2  }
0x121: {  	[tilespmem:s28+$0x2080] =	vst.add.f32.msk $0xffff, v4  }
0x122: {  	v2 =	vld.idx.msk [tilespmem:v0+s26+$0x50 ss:$0x1], $0xffff  }
0x123: {  	v3 =	vld.idx.msk [tilespmem:v0+s26+$0x40 ss:$0x1], $0xffff  }
0x124: {  	v4 =	vld.idx.msk [tilespmem:v0+s26+$0x30 ss:$0x1], $0xffff  }
0x125: {  	v5 =	vld.idx.msk [tilespmem:v0+s26+$0x60 ss:$0x1], $0xffff  }
0x126: {  	v6 =	vld.idx.msk [tilespmem:v0+s26+$0x20 ss:$0x1], $0xffff  }
0x127: {  	v7 =	vld.idx.msk [tilespmem:v0+s26+$0x0 ss:$0x1], $0xffff  }
0x128: {  	v8 =	vld.idx.msk [tilespmem:v0+s26+$0x10 ss:$0x1], $0xffff  }
0x129: {  	v9 =	vld.idx.msk [tilespmem:v0+s26+$0x70 ss:$0x1], $0xffff  }
0x12a: {  	v2 =	vld.idx.msk [tilespmem:v2+s5+$0x0], $0xffff  }
0x12b: {  	v3 =	vld.idx.msk [tilespmem:v3+s5+$0x0], $0xffff  }
0x12c: {  	v4 =	vld.idx.msk [tilespmem:v4+s5+$0x0], $0xffff  }
0x12d: {  	v5 =	vld.idx.msk [tilespmem:v5+s5+$0x0], $0xffff  }
0x12e: {  	v6 =	vld.idx.msk [tilespmem:v6+s5+$0x0], $0xffff  }
0x12f: {  	v7 =	vld.idx.msk [tilespmem:v7+s5+$0x0], $0xffff  }
0x130: {  	v2 =	vmul.f32 v2, v1;
	v8 =	vld.idx.msk [tilespmem:v8+s5+$0x0], $0xffff  }
0x131: {  	s28 =	sadd.s32 s23, s29;
	v3 =	vmul.f32 v3, v1;
	v9 =	vld.idx.msk [tilespmem:v9+s5+$0x0], $0xffff  }
0x132: {  	v4 =	vmul.f32 v4, v1;
	[tilespmem:s28+$0x2050] =	vst.add.f32.msk $0xffff, v2  }
0x133: {  	v2 =	vmul.f32 v5, v1;
	[tilespmem:s28+$0x2040] =	vst.add.f32.msk $0xffff, v3  }
0x134: {  	v3 =	vmul.f32 v6, v1;
	[tilespmem:s28+$0x2030] =	vst.add.f32.msk $0xffff, v4  }
0x135: {  	v4 =	vmul.f32 v7, v1;
	[tilespmem:s28+$0x2060] =	vst.add.f32.msk $0xffff, v2  }
0x136: {  	v2 =	vmul.f32 v8, v1;
	[tilespmem:s28+$0x2020] =	vst.add.f32.msk $0xffff, v3  }
0x137: {  	v3 =	vmul.f32 v9, v1;
	[tilespmem:s28+$0x2000] =	vst.add.f32.msk $0xffff, v4  }
0x138: {  	[tilespmem:s28+$0x2010] =	vst.add.f32.msk $0xffff, v2  }
0x139: {  	[tilespmem:s28+$0x2070] =	vst.add.f32.msk $0xffff, v3  }
0x13a: {  	v2 =	vld.idx.msk [tilespmem:v0+s26+$0xE0 ss:$0x1], $0xffff  }
0x13b: {  	v3 =	vld.idx.msk [tilespmem:v0+s26+$0x90 ss:$0x1], $0xffff  }
0x13c: {  	v4 =	vld.idx.msk [tilespmem:v0+s26+$0xA0 ss:$0x1], $0xffff  }
0x13d: {  	v5 =	vld.idx.msk [tilespmem:v0+s26+$0xB0 ss:$0x1], $0xffff  }
0x13e: {  	v9 =	vld.idx.msk [tilespmem:v0+s26+$0xC0 ss:$0x1], $0xffff  }
0x13f: {  	v10 =	vld.idx.msk [tilespmem:v0+s26+$0xD0 ss:$0x1], $0xffff  }
0x140: {  	v11 =	vld.idx.msk [tilespmem:v0+s26+$0xF0 ss:$0x1], $0xffff  }
0x141: {  	v6 =	vld.idx.msk [tilespmem:v0+s26+$0x80 ss:$0x1], $0xffff  }
0x142: {  	v12 =	vld.idx.msk [tilespmem:v2+s5+$0x0], $0xffff  }
0x143: {  	v8 =	vld.idx.msk [tilespmem:v3+s5+$0x0], $0xffff  }
.Ltmp2:
0x144: {  	v7 =	vld.idx.msk [tilespmem:v4+s5+$0x0], $0xffff;
	(pc) =	sbr.rel @p1 .LBB2_7-.Ltmp2, $4  }
0x145: {  	v5 =	vld.idx.msk [tilespmem:v5+s5+$0x0], $0xffff  }
0x146: {  	v4 =	vld.idx.msk [tilespmem:v9+s5+$0x0], $0xffff  }
0x147: {  	v3 =	vld.idx.msk [tilespmem:v10+s5+$0x0], $0xffff  }
0x148: {  	v9 =	vmul.f32 v12, v1;
	v2 =	vld.idx.msk [tilespmem:v11+s5+$0x0], $0xffff  }
0x149: {  	_ =	sdelay $0x3  }
0x14a: {  	v6 =	vld.idx.msk [tilespmem:v6+s5+$0x0], $0xffff;
	v8 =	vmul.f32 v8, v1  }
0x14b: {  	v7 =	vmul.f32 v7, v1;
	[tilespmem:s28+$0x20E0] =	vst.add.f32.msk $0xffff, v9  }
0x14c: {  	v5 =	vmul.f32 v5, v1;
	[tilespmem:s28+$0x2090] =	vst.add.f32.msk $0xffff, v8  }
0x14d: {  	s26 =	sadd.s32 $0x3, s25;
	[tilespmem:s28+$0x20A0] =	vst.add.f32.msk $0xffff, v7;
	v4 =	vmul.f32 v4, v1  }
0x14e: {  	[tilespmem:s28+$0x20B0] =	vst.add.f32.msk $0xffff, v5;
	v3 =	vmul.f32 v3, v1;
	v5 =	vmov s26  }
0x14f: {  	[tilespmem:s28+$0x20C0] =	vst.add.f32.msk $0xffff, v4;
	v2 =	vmul.f32 v2, v1  }
0x150: {  	v1 =	vmul.f32 v6, v1;
	[tilespmem:s28+$0x20D0] =	vst.add.f32.msk $0xffff, v3  }
0x151: {  	[tilespmem:s28+$0x20F0] =	vst.add.f32.msk $0xffff, v2  }
0x152: {  	[tilespmem:s28+$0x2080] =	vst.add.f32.msk $0xffff, v1  }
0x153: {  	s26 =	simm.s32 $0x3D80;
	v1 =	vld.idx.msk [tilespmem:v5+s16+$0x0], $0xffff  }
0x154: {  	v2 =	vld.idx.msk [tilespmem:v0+s26+$0x50 ss:$0x1], $0xffff  }
0x155: {  	v3 =	vld.idx.msk [tilespmem:v0+s26+$0x40 ss:$0x1], $0xffff  }
0x156: {  	v4 =	vld.idx.msk [tilespmem:v0+s26+$0x30 ss:$0x1], $0xffff  }
0x157: {  	v5 =	vld.idx.msk [tilespmem:v0+s26+$0x60 ss:$0x1], $0xffff  }
0x158: {  	v6 =	vld.idx.msk [tilespmem:v0+s26+$0x20 ss:$0x1], $0xffff  }
0x159: {  	v7 =	vld.idx.msk [tilespmem:v0+s26+$0x0 ss:$0x1], $0xffff  }
0x15a: {  	v8 =	vld.idx.msk [tilespmem:v0+s26+$0x10 ss:$0x1], $0xffff  }
0x15b: {  	v9 =	vld.idx.msk [tilespmem:v0+s26+$0x70 ss:$0x1], $0xffff  }
0x15c: {  	v2 =	vld.idx.msk [tilespmem:v2+s5+$0x0], $0xffff  }
0x15d: {  	v3 =	vld.idx.msk [tilespmem:v3+s5+$0x0], $0xffff  }
0x15e: {  	v4 =	vld.idx.msk [tilespmem:v4+s5+$0x0], $0xffff  }
0x15f: {  	v5 =	vld.idx.msk [tilespmem:v5+s5+$0x0], $0xffff  }
0x160: {  	v6 =	vld.idx.msk [tilespmem:v6+s5+$0x0], $0xffff  }
0x161: {  	v7 =	vld.idx.msk [tilespmem:v7+s5+$0x0], $0xffff  }
0x162: {  	v8 =	vld.idx.msk [tilespmem:v8+s5+$0x0], $0xffff;
	v2 =	vmul.f32 v2, v1  }
0x163: {  	s28 =	sadd.s32 $0xAD80, s23;
	v9 =	vld.idx.msk [tilespmem:v9+s5+$0x0], $0xffff;
	v3 =	vmul.f32 v3, v1  }
0x164: {  	v4 =	vmul.f32 v4, v1;
	[tilespmem:s28+$0x3050] =	vst.add.f32.msk $0xffff, v2  }
0x165: {  	[tilespmem:s28+$0x3040] =	vst.add.f32.msk $0xffff, v3;
	v2 =	vmul.f32 v5, v1  }
0x166: {  	v3 =	vmul.f32 v6, v1;
	[tilespmem:s28+$0x3030] =	vst.add.f32.msk $0xffff, v4  }
0x167: {  	v4 =	vmul.f32 v7, v1;
	[tilespmem:s28+$0x3060] =	vst.add.f32.msk $0xffff, v2  }
0x168: {  	v2 =	vmul.f32 v8, v1;
	[tilespmem:s28+$0x3020] =	vst.add.f32.msk $0xffff, v3  }
0x169: {  	[tilespmem:s28+$0x3000] =	vst.add.f32.msk $0xffff, v4;
	v3 =	vmul.f32 v9, v1  }
0x16a: {  	[tilespmem:s28+$0x3010] =	vst.add.f32.msk $0xffff, v2  }
0x16b: {  	[tilespmem:s28+$0x3070] =	vst.add.f32.msk $0xffff, v3  }
0x16c: {  	v2 =	vld.idx.msk [tilespmem:v0+s26+$0xE0 ss:$0x1], $0xffff  }
0x16d: {  	v3 =	vld.idx.msk [tilespmem:v0+s26+$0x90 ss:$0x1], $0xffff  }
0x16e: {  	v4 =	vld.idx.msk [tilespmem:v0+s26+$0xA0 ss:$0x1], $0xffff  }
0x16f: {  	v5 =	vld.idx.msk [tilespmem:v0+s26+$0xB0 ss:$0x1], $0xffff  }
0x170: {  	v9 =	vld.idx.msk [tilespmem:v0+s26+$0xC0 ss:$0x1], $0xffff  }
0x171: {  	v10 =	vld.idx.msk [tilespmem:v0+s26+$0xD0 ss:$0x1], $0xffff  }
0x172: {  	v11 =	vld.idx.msk [tilespmem:v0+s26+$0xF0 ss:$0x1], $0xffff  }
0x173: {  	v6 =	vld.idx.msk [tilespmem:v0+s26+$0x80 ss:$0x1], $0xffff  }
0x174: {  	v12 =	vld.idx.msk [tilespmem:v2+s5+$0x0], $0xffff  }
0x175: {  	v8 =	vld.idx.msk [tilespmem:v3+s5+$0x0], $0xffff  }
0x176: {  	v7 =	vld.idx.msk [tilespmem:v4+s5+$0x0], $0xffff  }
0x177: {  	v5 =	vld.idx.msk [tilespmem:v5+s5+$0x0], $0xffff  }
0x178: {  	v4 =	vld.idx.msk [tilespmem:v9+s5+$0x0], $0xffff  }
0x179: {  	v3 =	vld.idx.msk [tilespmem:v10+s5+$0x0], $0xffff  }
0x17a: {  	s29 =	simm.s32 $0xAD80;
	s30 =	simm.s32 $0x0;
	v2 =	vld.idx.msk [tilespmem:v11+s5+$0x0], $0xffff;
	v9 =	vmul.f32 v12, v1  }
.LBB2_9:
0x17b: {  	s30 =	sadd.s32 $0x2, s30;
	v6 =	vld.idx.msk [tilespmem:v6+s5+$0x0], $0xffff;
	v8 =	vmul.f32 v8, v1;
	s26 =	sadd.s32 $0x100, s26;
	s29 =	sadd.s32 $0x100, s29  }
0x17c: {  	v7 =	vmul.f32 v7, v1;
	p1 =	slt.u32 s30, $0x1E;
	[tilespmem:s28+$0x30E0] =	vst.add.f32.msk $0xffff, v9  }
0x17d: {  	v5 =	vmul.f32 v5, v1;
	[tilespmem:s28+$0x3090] =	vst.add.f32.msk $0xffff, v8  }
0x17e: {  	v4 =	vmul.f32 v4, v1;
	[tilespmem:s28+$0x30A0] =	vst.add.f32.msk $0xffff, v7  }
0x17f: {  	v3 =	vmul.f32 v3, v1;
	[tilespmem:s28+$0x30B0] =	vst.add.f32.msk $0xffff, v5  }
0x180: {  	v2 =	vmul.f32 v2, v1;
	[tilespmem:s28+$0x30C0] =	vst.add.f32.msk $0xffff, v4  }
0x181: {  	v4 =	vmul.f32 v6, v1;
	[tilespmem:s28+$0x30D0] =	vst.add.f32.msk $0xffff, v3  }
0x182: {  	[tilespmem:s28+$0x30F0] =	vst.add.f32.msk $0xffff, v2  }
0x183: {  	[tilespmem:s28+$0x3080] =	vst.add.f32.msk $0xffff, v4  }
0x184: {  	v2 =	vld.idx.msk [tilespmem:v0+s26+$0x50 ss:$0x1], $0xffff  }
0x185: {  	v3 =	vld.idx.msk [tilespmem:v0+s26+$0x40 ss:$0x1], $0xffff  }
0x186: {  	v4 =	vld.idx.msk [tilespmem:v0+s26+$0x30 ss:$0x1], $0xffff  }
0x187: {  	v5 =	vld.idx.msk [tilespmem:v0+s26+$0x60 ss:$0x1], $0xffff  }
0x188: {  	v6 =	vld.idx.msk [tilespmem:v0+s26+$0x20 ss:$0x1], $0xffff  }
0x189: {  	v7 =	vld.idx.msk [tilespmem:v0+s26+$0x0 ss:$0x1], $0xffff  }
0x18a: {  	v8 =	vld.idx.msk [tilespmem:v0+s26+$0x10 ss:$0x1], $0xffff  }
0x18b: {  	v9 =	vld.idx.msk [tilespmem:v0+s26+$0x70 ss:$0x1], $0xffff  }
0x18c: {  	v2 =	vld.idx.msk [tilespmem:v2+s5+$0x0], $0xffff  }
0x18d: {  	v3 =	vld.idx.msk [tilespmem:v3+s5+$0x0], $0xffff  }
0x18e: {  	v4 =	vld.idx.msk [tilespmem:v4+s5+$0x0], $0xffff  }
0x18f: {  	v5 =	vld.idx.msk [tilespmem:v5+s5+$0x0], $0xffff  }
0x190: {  	v6 =	vld.idx.msk [tilespmem:v6+s5+$0x0], $0xffff  }
0x191: {  	v7 =	vld.idx.msk [tilespmem:v7+s5+$0x0], $0xffff  }
0x192: {  	v2 =	vmul.f32 v2, v1;
	v8 =	vld.idx.msk [tilespmem:v8+s5+$0x0], $0xffff  }
0x193: {  	s28 =	sadd.s32 s23, s29;
	v3 =	vmul.f32 v3, v1;
	v9 =	vld.idx.msk [tilespmem:v9+s5+$0x0], $0xffff  }
0x194: {  	v4 =	vmul.f32 v4, v1;
	[tilespmem:s28+$0x3050] =	vst.add.f32.msk $0xffff, v2  }
0x195: {  	v2 =	vmul.f32 v5, v1;
	[tilespmem:s28+$0x3040] =	vst.add.f32.msk $0xffff, v3  }
0x196: {  	v3 =	vmul.f32 v6, v1;
	[tilespmem:s28+$0x3030] =	vst.add.f32.msk $0xffff, v4  }
0x197: {  	v4 =	vmul.f32 v7, v1;
	[tilespmem:s28+$0x3060] =	vst.add.f32.msk $0xffff, v2  }
0x198: {  	v2 =	vmul.f32 v8, v1;
	[tilespmem:s28+$0x3020] =	vst.add.f32.msk $0xffff, v3  }
0x199: {  	v3 =	vmul.f32 v9, v1;
	[tilespmem:s28+$0x3000] =	vst.add.f32.msk $0xffff, v4  }
0x19a: {  	[tilespmem:s28+$0x3010] =	vst.add.f32.msk $0xffff, v2  }
0x19b: {  	[tilespmem:s28+$0x3070] =	vst.add.f32.msk $0xffff, v3  }
0x19c: {  	v2 =	vld.idx.msk [tilespmem:v0+s26+$0xE0 ss:$0x1], $0xffff  }
0x19d: {  	v3 =	vld.idx.msk [tilespmem:v0+s26+$0x90 ss:$0x1], $0xffff  }
0x19e: {  	v4 =	vld.idx.msk [tilespmem:v0+s26+$0xA0 ss:$0x1], $0xffff  }
0x19f: {  	v5 =	vld.idx.msk [tilespmem:v0+s26+$0xB0 ss:$0x1], $0xffff  }
0x1a0: {  	v9 =	vld.idx.msk [tilespmem:v0+s26+$0xC0 ss:$0x1], $0xffff  }
0x1a1: {  	v10 =	vld.idx.msk [tilespmem:v0+s26+$0xD0 ss:$0x1], $0xffff  }
0x1a2: {  	v11 =	vld.idx.msk [tilespmem:v0+s26+$0xF0 ss:$0x1], $0xffff  }
0x1a3: {  	v6 =	vld.idx.msk [tilespmem:v0+s26+$0x80 ss:$0x1], $0xffff  }
0x1a4: {  	v12 =	vld.idx.msk [tilespmem:v2+s5+$0x0], $0xffff  }
0x1a5: {  	v8 =	vld.idx.msk [tilespmem:v3+s5+$0x0], $0xffff  }
.Ltmp3:
0x1a6: {  	v7 =	vld.idx.msk [tilespmem:v4+s5+$0x0], $0xffff;
	(pc) =	sbr.rel @p1 .LBB2_9-.Ltmp3, $4  }
0x1a7: {  	v5 =	vld.idx.msk [tilespmem:v5+s5+$0x0], $0xffff  }
0x1a8: {  	v4 =	vld.idx.msk [tilespmem:v9+s5+$0x0], $0xffff  }
0x1a9: {  	v3 =	vld.idx.msk [tilespmem:v10+s5+$0x0], $0xffff  }
0x1aa: {  	v9 =	vmul.f32 v12, v1;
	v2 =	vld.idx.msk [tilespmem:v11+s5+$0x0], $0xffff  }
0x1ab: {  	_ =	sdelay $0x3  }
0x1ac: {  	v6 =	vld.idx.msk [tilespmem:v6+s5+$0x0], $0xffff;
	v8 =	vmul.f32 v8, v1  }
0x1ad: {  	v7 =	vmul.f32 v7, v1;
	[tilespmem:s28+$0x30E0] =	vst.add.f32.msk $0xffff, v9  }
0x1ae: {  	v5 =	vmul.f32 v5, v1;
	[tilespmem:s28+$0x3090] =	vst.add.f32.msk $0xffff, v8  }
0x1af: {  	s25 =	sadd.s32 $0x4, s25;
	[tilespmem:s28+$0x30A0] =	vst.add.f32.msk $0xffff, v7;
	v4 =	vmul.f32 v4, v1  }
0x1b0: {  	[tilespmem:s28+$0x30B0] =	vst.add.f32.msk $0xffff, v5;
	v3 =	vmul.f32 v3, v1;
	v5 =	vmov s25  }
0x1b1: {  	[tilespmem:s28+$0x30C0] =	vst.add.f32.msk $0xffff, v4;
	v2 =	vmul.f32 v2, v1  }
0x1b2: {  	v1 =	vmul.f32 v6, v1;
	[tilespmem:s28+$0x30D0] =	vst.add.f32.msk $0xffff, v3  }
0x1b3: {  	[tilespmem:s28+$0x30F0] =	vst.add.f32.msk $0xffff, v2  }
0x1b4: {  	[tilespmem:s28+$0x3080] =	vst.add.f32.msk $0xffff, v1  }
0x1b5: {  	s25 =	simm.s32 $0xD80;
	v1 =	vld.idx.msk [tilespmem:v5+s16+$0x0], $0xffff  }
0x1b6: {  	v2 =	vld.idx.msk [tilespmem:v0+s25+$0x4050 ss:$0x1], $0xffff  }
0x1b7: {  	v3 =	vld.idx.msk [tilespmem:v0+s25+$0x4040 ss:$0x1], $0xffff  }
0x1b8: {  	v4 =	vld.idx.msk [tilespmem:v0+s25+$0x4030 ss:$0x1], $0xffff  }
0x1b9: {  	v5 =	vld.idx.msk [tilespmem:v0+s25+$0x4060 ss:$0x1], $0xffff  }
0x1ba: {  	v6 =	vld.idx.msk [tilespmem:v0+s25+$0x4020 ss:$0x1], $0xffff  }
0x1bb: {  	v7 =	vld.idx.msk [tilespmem:v0+s25+$0x4000 ss:$0x1], $0xffff  }
0x1bc: {  	v8 =	vld.idx.msk [tilespmem:v0+s25+$0x4010 ss:$0x1], $0xffff  }
0x1bd: {  	v9 =	vld.idx.msk [tilespmem:v0+s25+$0x4070 ss:$0x1], $0xffff  }
0x1be: {  	v2 =	vld.idx.msk [tilespmem:v2+s5+$0x0], $0xffff  }
0x1bf: {  	v3 =	vld.idx.msk [tilespmem:v3+s5+$0x0], $0xffff  }
0x1c0: {  	v4 =	vld.idx.msk [tilespmem:v4+s5+$0x0], $0xffff  }
0x1c1: {  	v5 =	vld.idx.msk [tilespmem:v5+s5+$0x0], $0xffff  }
0x1c2: {  	v6 =	vld.idx.msk [tilespmem:v6+s5+$0x0], $0xffff  }
0x1c3: {  	v7 =	vld.idx.msk [tilespmem:v7+s5+$0x0], $0xffff  }
0x1c4: {  	v8 =	vld.idx.msk [tilespmem:v8+s5+$0x0], $0xffff;
	v2 =	vmul.f32 v2, v1  }
0x1c5: {  	s26 =	sadd.s32 $0xAD80, s23;
	v9 =	vld.idx.msk [tilespmem:v9+s5+$0x0], $0xffff;
	v3 =	vmul.f32 v3, v1  }
0x1c6: {  	v4 =	vmul.f32 v4, v1;
	[tilespmem:s26+$0x4050] =	vst.add.f32.msk $0xffff, v2  }
0x1c7: {  	[tilespmem:s26+$0x4040] =	vst.add.f32.msk $0xffff, v3;
	v2 =	vmul.f32 v5, v1  }
0x1c8: {  	v3 =	vmul.f32 v6, v1;
	[tilespmem:s26+$0x4030] =	vst.add.f32.msk $0xffff, v4  }
0x1c9: {  	v4 =	vmul.f32 v7, v1;
	[tilespmem:s26+$0x4060] =	vst.add.f32.msk $0xffff, v2  }
0x1ca: {  	v2 =	vmul.f32 v8, v1;
	[tilespmem:s26+$0x4020] =	vst.add.f32.msk $0xffff, v3  }
0x1cb: {  	[tilespmem:s26+$0x4000] =	vst.add.f32.msk $0xffff, v4;
	v3 =	vmul.f32 v9, v1  }
0x1cc: {  	[tilespmem:s26+$0x4010] =	vst.add.f32.msk $0xffff, v2  }
0x1cd: {  	[tilespmem:s26+$0x4070] =	vst.add.f32.msk $0xffff, v3  }
0x1ce: {  	v2 =	vld.idx.msk [tilespmem:v0+s25+$0x40E0 ss:$0x1], $0xffff  }
0x1cf: {  	v3 =	vld.idx.msk [tilespmem:v0+s25+$0x4090 ss:$0x1], $0xffff  }
0x1d0: {  	v4 =	vld.idx.msk [tilespmem:v0+s25+$0x40A0 ss:$0x1], $0xffff  }
0x1d1: {  	v5 =	vld.idx.msk [tilespmem:v0+s25+$0x40B0 ss:$0x1], $0xffff  }
0x1d2: {  	v9 =	vld.idx.msk [tilespmem:v0+s25+$0x40C0 ss:$0x1], $0xffff  }
0x1d3: {  	v10 =	vld.idx.msk [tilespmem:v0+s25+$0x40D0 ss:$0x1], $0xffff  }
0x1d4: {  	v11 =	vld.idx.msk [tilespmem:v0+s25+$0x40F0 ss:$0x1], $0xffff  }
0x1d5: {  	v6 =	vld.idx.msk [tilespmem:v0+s25+$0x4080 ss:$0x1], $0xffff  }
0x1d6: {  	v12 =	vld.idx.msk [tilespmem:v2+s5+$0x0], $0xffff  }
0x1d7: {  	v8 =	vld.idx.msk [tilespmem:v3+s5+$0x0], $0xffff  }
0x1d8: {  	v7 =	vld.idx.msk [tilespmem:v4+s5+$0x0], $0xffff  }
0x1d9: {  	v5 =	vld.idx.msk [tilespmem:v5+s5+$0x0], $0xffff  }
0x1da: {  	v4 =	vld.idx.msk [tilespmem:v9+s5+$0x0], $0xffff  }
0x1db: {  	v2 =	vld.idx.msk [tilespmem:v10+s5+$0x0], $0xffff  }
0x1dc: {  	s29 =	simm.s32 $0x0;
	s28 =	simm.s32 $0xAD80;
	v3 =	vld.idx.msk [tilespmem:v11+s5+$0x0], $0xffff;
	v9 =	vmul.f32 v12, v1  }
.LBB2_11:
0x1dd: {  	s29 =	sadd.s32 $0x2, s29;
	v6 =	vld.idx.msk [tilespmem:v6+s5+$0x0], $0xffff;
	v8 =	vmul.f32 v8, v1;
	s25 =	sadd.s32 $0x100, s25;
	s28 =	sadd.s32 $0x100, s28  }
0x1de: {  	v7 =	vmul.f32 v7, v1;
	p1 =	slt.u32 s29, $0x1E;
	[tilespmem:s26+$0x40E0] =	vst.add.f32.msk $0xffff, v9  }
0x1df: {  	v5 =	vmul.f32 v5, v1;
	[tilespmem:s26+$0x4090] =	vst.add.f32.msk $0xffff, v8  }
0x1e0: {  	v4 =	vmul.f32 v4, v1;
	[tilespmem:s26+$0x40A0] =	vst.add.f32.msk $0xffff, v7  }
0x1e1: {  	v2 =	vmul.f32 v2, v1;
	[tilespmem:s26+$0x40B0] =	vst.add.f32.msk $0xffff, v5  }
0x1e2: {  	v3 =	vmul.f32 v3, v1;
	[tilespmem:s26+$0x40C0] =	vst.add.f32.msk $0xffff, v4  }
0x1e3: {  	v4 =	vmul.f32 v6, v1;
	[tilespmem:s26+$0x40D0] =	vst.add.f32.msk $0xffff, v2  }
0x1e4: {  	[tilespmem:s26+$0x40F0] =	vst.add.f32.msk $0xffff, v3  }
0x1e5: {  	[tilespmem:s26+$0x4080] =	vst.add.f32.msk $0xffff, v4  }
0x1e6: {  	v2 =	vld.idx.msk [tilespmem:v0+s25+$0x4050 ss:$0x1], $0xffff  }
0x1e7: {  	v3 =	vld.idx.msk [tilespmem:v0+s25+$0x4040 ss:$0x1], $0xffff  }
0x1e8: {  	v4 =	vld.idx.msk [tilespmem:v0+s25+$0x4030 ss:$0x1], $0xffff  }
0x1e9: {  	v5 =	vld.idx.msk [tilespmem:v0+s25+$0x4060 ss:$0x1], $0xffff  }
0x1ea: {  	v6 =	vld.idx.msk [tilespmem:v0+s25+$0x4020 ss:$0x1], $0xffff  }
0x1eb: {  	v7 =	vld.idx.msk [tilespmem:v0+s25+$0x4000 ss:$0x1], $0xffff  }
0x1ec: {  	v8 =	vld.idx.msk [tilespmem:v0+s25+$0x4010 ss:$0x1], $0xffff  }
0x1ed: {  	v9 =	vld.idx.msk [tilespmem:v0+s25+$0x4070 ss:$0x1], $0xffff  }
0x1ee: {  	v2 =	vld.idx.msk [tilespmem:v2+s5+$0x0], $0xffff  }
0x1ef: {  	v3 =	vld.idx.msk [tilespmem:v3+s5+$0x0], $0xffff  }
0x1f0: {  	v4 =	vld.idx.msk [tilespmem:v4+s5+$0x0], $0xffff  }
0x1f1: {  	v5 =	vld.idx.msk [tilespmem:v5+s5+$0x0], $0xffff  }
0x1f2: {  	v6 =	vld.idx.msk [tilespmem:v6+s5+$0x0], $0xffff  }
0x1f3: {  	v7 =	vld.idx.msk [tilespmem:v7+s5+$0x0], $0xffff  }
0x1f4: {  	v2 =	vmul.f32 v2, v1;
	v8 =	vld.idx.msk [tilespmem:v8+s5+$0x0], $0xffff  }
0x1f5: {  	s26 =	sadd.s32 s23, s28;
	v3 =	vmul.f32 v3, v1;
	v9 =	vld.idx.msk [tilespmem:v9+s5+$0x0], $0xffff  }
0x1f6: {  	v4 =	vmul.f32 v4, v1;
	[tilespmem:s26+$0x4050] =	vst.add.f32.msk $0xffff, v2  }
0x1f7: {  	v2 =	vmul.f32 v5, v1;
	[tilespmem:s26+$0x4040] =	vst.add.f32.msk $0xffff, v3  }
0x1f8: {  	v3 =	vmul.f32 v6, v1;
	[tilespmem:s26+$0x4030] =	vst.add.f32.msk $0xffff, v4  }
0x1f9: {  	v4 =	vmul.f32 v7, v1;
	[tilespmem:s26+$0x4060] =	vst.add.f32.msk $0xffff, v2  }
0x1fa: {  	v2 =	vmul.f32 v8, v1;
	[tilespmem:s26+$0x4020] =	vst.add.f32.msk $0xffff, v3  }
0x1fb: {  	v3 =	vmul.f32 v9, v1;
	[tilespmem:s26+$0x4000] =	vst.add.f32.msk $0xffff, v4  }
0x1fc: {  	[tilespmem:s26+$0x4010] =	vst.add.f32.msk $0xffff, v2  }
0x1fd: {  	[tilespmem:s26+$0x4070] =	vst.add.f32.msk $0xffff, v3  }
0x1fe: {  	v2 =	vld.idx.msk [tilespmem:v0+s25+$0x40E0 ss:$0x1], $0xffff  }
0x1ff: {  	v3 =	vld.idx.msk [tilespmem:v0+s25+$0x4090 ss:$0x1], $0xffff  }
0x200: {  	v4 =	vld.idx.msk [tilespmem:v0+s25+$0x40A0 ss:$0x1], $0xffff  }
0x201: {  	v5 =	vld.idx.msk [tilespmem:v0+s25+$0x40B0 ss:$0x1], $0xffff  }
0x202: {  	v9 =	vld.idx.msk [tilespmem:v0+s25+$0x40C0 ss:$0x1], $0xffff  }
0x203: {  	v10 =	vld.idx.msk [tilespmem:v0+s25+$0x40D0 ss:$0x1], $0xffff  }
0x204: {  	v11 =	vld.idx.msk [tilespmem:v0+s25+$0x40F0 ss:$0x1], $0xffff  }
0x205: {  	v6 =	vld.idx.msk [tilespmem:v0+s25+$0x4080 ss:$0x1], $0xffff  }
0x206: {  	v12 =	vld.idx.msk [tilespmem:v2+s5+$0x0], $0xffff  }
0x207: {  	v8 =	vld.idx.msk [tilespmem:v3+s5+$0x0], $0xffff  }
.Ltmp4:
0x208: {  	v7 =	vld.idx.msk [tilespmem:v4+s5+$0x0], $0xffff;
	(pc) =	sbr.rel @p1 .LBB2_11-.Ltmp4, $4  }
0x209: {  	v5 =	vld.idx.msk [tilespmem:v5+s5+$0x0], $0xffff  }
0x20a: {  	v4 =	vld.idx.msk [tilespmem:v9+s5+$0x0], $0xffff  }
0x20b: {  	v2 =	vld.idx.msk [tilespmem:v10+s5+$0x0], $0xffff  }
0x20c: {  	v9 =	vmul.f32 v12, v1;
	v3 =	vld.idx.msk [tilespmem:v11+s5+$0x0], $0xffff  }
0x20d: {  	_ =	sdelay $0x3  }
0x20e: {  	v0 =	vld.idx.msk [tilespmem:v6+s5+$0x0], $0xffff;
	v63 =	vmul.f32 v8, v1  }
0x20f: {  	v7 =	vmul.f32 v7, v1;
	[tilespmem:s26+$0x40E0] =	vst.add.f32.msk $0xffff, v9  }
0x210: {  	v5 =	vmul.f32 v5, v1;
	[tilespmem:s26+$0x4090] =	vst.add.f32.msk $0xffff, v63  }
0x211: {  	[tilespmem:s26+$0x40A0] =	vst.add.f32.msk $0xffff, v7;
	v4 =	vmul.f32 v4, v1  }
0x212: {  	s22 =	smul.u32 $0x5000, s22;
	p1 =	sne.s32 s20, s8;
	[tilespmem:s26+$0x40B0] =	vst.add.f32.msk $0xffff, v5;
	v2 =	vmul.f32 v2, v1  }
.Ltmp5:
0x213: {  	[tilespmem:s26+$0x40C0] =	vst.add.f32.msk $0xffff, v4;
	v3 =	vmul.f32 v3, v1;
	(pc) =	sbr.rel @p1 .LBB2_2-.Ltmp5, $4  }
0x214: {  	v0 =	vmul.f32 v0, v1;
	[tilespmem:s26+$0x40D0] =	vst.add.f32.msk $0xffff, v2  }
0x215: {  	s23 =	sadd.s32 $0xAD80, s24;
	s22 =	sshrl.u32 s22, $0x3;
	[tilespmem:s26+$0x40F0] =	vst.add.f32.msk $0xffff, v3  }
0x216: {  	s21 =	sadd.s32 $0x5, s21;
	p0 =	por !p0, !p0;
	s22 =	sadd.s32 s9, s22;
	[tilespmem:s26+$0x4080] =	vst.add.f32.msk $0xffff, v0  }
0x217: {  	[hbm4b:s22+s5] =	stream.linear.scatter [tilespmem:s23], [sflag:s21], $0x5000, $0x38;
	[tilespmem:$0x14D80] =	vst v63  }
0x218: {  	s19 =	sadd.s32 $0x1, s19  }
0x219: {  	_ =	swait.ge [sflag:s12], $0x5000;
	p0 =	sne.s32 s19, s14  }
.Ltmp6:
0x21a: {  	[sflag:s12] =	ssyncset.done $0x0;
	(pc) =	sbr.rel @p0 .LBB2_1-.Ltmp6, $4  }
0x21b: {  	[sflag:s12] =	ssyncadd.s32 $0xFFFFB000  }
0x21c: {  	_ =	swait.ge [sflag:s13], $0x5000  }
0x21d: {  	[sflag:s13] =	ssyncset.done $0x0  }
0x21e: {  	[sflag:s13] =	ssyncadd.s32 $0xFFFFB000  }
0x21f: {  	_ =	sfence.sel $0x180000  }
0x220: {  	[bflag:$0x0] =	sbarrier.arrive $0xFFFF  }
0x221: {  	p0 =	sne.s32 s2, $0x0;
	_ =	strace $0x90000047  }
0x222: {  	s0 =	sadd.s32 @!p0 $0x100000, s0;
	[bflag:$0x2] =	sbarrier.arrive $0xFFFF  }
0x223: {  	[sflag:s0] =	ssyncadd.tile.s32 @!p0 $0x1;
	_ =	shalt  }
.Lfunc_end2:
_tile_overlayer_lowered:
.L_overlay_start_2:
0x224: {  	(tag) =	ssettag $0x2  }
0x225: {  	s0 =	rddreg [dreg:$0x0];
	s2 =	stileid.u32  }
0x226: {  	s1 =	rddreg [dreg:$0x1];
	p0 =	sne.s32 s2, $0x0  }
0x227: {  	s3 =	rddreg [dreg:$0x2];
	[bflag:$0x3] =	sbarrier.arrive $0xFFFF;
	s2 =	simm.s32 @!p0 $0x1C07  }
0x228: {  	[timem:s3], [sflag:s2] =	dma.local @!p0 [hbm:s0], s1  }
0x229: {  	s0 =	simm.s32 @!p0 $0x7  }
0x22a: {  	_ =	swait.ge @!p0 [sflag:s0], s1  }
0x22b: {  	s1 =	ssub.s32 @!p0 $0x0, s1;
	[sflag:s0] =	ssyncset.done @!p0 $0x0  }
0x22c: {  	[sflag:s0] =	ssyncadd.s32 @!p0 s1  }
0x22d: {  	[bflag:$0x3] =	sbarrier.arrive $0xFFFF  }
0x22e: {  	_ =	shalt  }

// kernel: kernel.8.cloned.1.call-start
scs
__scs_entry_jumppad:
0x0: {  	(pc) =	sbr.rel $0x88, $3  }
0x1: {  	(tag) =	ssettag $0x0;
	lr =	simm.s32 $0x1  }
0x2: {  	[smem:$0x3F9B] =	sst lr;
	_ =	strace $0xD0000000  }
0x3: {  	_ = 	snop  }
0x4: {  	_ = 	snop  }
0x5: {  	_ = 	snop  }
0x6: {  	_ = 	snop  }
0x7: {  	_ = 	snop  }
__scs_overlays_trampoline_lowered:
0x8: {  	[smem:$0x3FAA] =	sst s0  }
0x9: {  	[smem:$0x3FAB] =	sst s1  }
0xa: {  	[smem:$0x3FAC] =	sst s2  }
0xb: {  	[smem:$0x3FAD] =	sst s3  }
0xc: {  	[smem:$0x3FAE] =	sst s4  }
0xd: {  	[smem:$0x3FAF] =	sst s5  }
0xe: {  	[smem:$0x3FB0] =	sst s6  }
0xf: {  	[smem:$0x3FB1] =	sst s7  }
0x10: {  	[smem:$0x3FB2] =	sst s8  }
0x11: {  	[smem:$0x3FB3] =	sst s9;
	s0 =	simm.s32 @!p0 $0x0  }
0x12: {  	s1 =	sld [smem:$0x3F99];
	s0 =	simm.s32 @p0 $0x1  }
0x13: {  	[smem:$0x3FB4] =	sst s0;
	s0 =	simm.s32 @!p1 $0x0  }
0x14: {  	s2 =	sld [smem:$0x3F98];
	s0 =	simm.s32 @p1 $0x1  }
0x15: {  	[smem:$0x3FB5] =	sst s0;
	s0 =	simm.s32 @!p2 $0x0  }
0x16: {  	s3 =	sld [smem:$0x3FDB];
	s0 =	simm.s32 @p2 $0x1  }
0x17: {  	s4 =	simm.s32 $0x1BF5;
	[smem:$0x3FB7] =	sst s0  }
0x18: {  	s0 =	sld [smem:$0x3F9A];
	_ =	swait.ge [sflag:s4], $0x0  }
0x19: {  	s7 =	sld [smem:$0x3F9B]  }
0x1a: {  	s8 =	sadd.s32 $0xFFFFE003, lr  }
0x1b: {  	s9 =	sadd.s32 $0xFFFFFEF7, lr;
	s5 =	simm.s32 $0xFFFFFFFF;
	p2 =	slt.u32 s8, $0xFFFFF086  }
0x1c: {  	p1 =	slt.u32 s9, $0xF7A;
	s5 =	simm.s32 @!p2 $0x0  }
0x1d: {  	s5 =	simm.s32 @p1 $0x1;
	p0 =	seq.s32 s7, s2  }
0x1e: {  	s7 =	smul.u32 @!p0 $0xF7A, s2;
	p2 =	seq.s32 @!p0 s5, $0x0  }
0x1f: {  	s9 =	smul.u32 $0xF7A, s1;
	s8 =	simm.s32 @!p0 $0x1BF5;
	p2 =	por !p2, p0  }
0x20: {  	[sflag:s8] =	ssyncset.s32 @!p0 $0xFFFFF086;
	s6 =	sadd.s32 @!p0 s3, s7;
	s7 =	simm.s32 @!p0 $0x108  }
0x21: {  	s3 =	sadd.s32 s3, s9;
	s6 =	sadd.s32 @!p0 $0x88, s6;
	s7 =	simm.s32 @p2 $0x1082  }
0x22: {  	[simem:s7], [sflag:s8] =	dma.local @!p0 [hbm:s6], $0xF7A  }
0x23: {  	s9 =	sor.u32 $0xD0000000, s2;
	s6 =	simm.s32 $0x108;
	_ =	swait.ge @!p0 [sflag:s8], $0x0  }
0x24: {  	s3 =	sadd.s32 $0x88, s3;
	s6 =	simm.s32 @!p1 $0x1082;
	[sflag:s4] =	ssyncset.s32 $0xFFFFF086  }
0x25: {  	[simem:s6], [sflag:s4] =	dma.local [hbm:s3], $0xF7A  }
0x26: {  	[smem:$0x3F9B] =	sst s1;
	(tag) =	ssettag s2;
	_ =	strace s9  }
0x27: {  	s1 =	sld [smem:$0x3FAB]  }
0x28: {  	s2 =	sld [smem:$0x3FAC]  }
0x29: {  	s4 =	sld [smem:$0x3FAE]  }
0x2a: {  	p0 =	seq.s32 s5, $0x0;
	s5 =	sld [smem:$0x3FAF]  }
0x2b: {  	s6 =	sld [smem:$0x3FB0]  }
0x2c: {  	s7 =	sld [smem:$0x3FB1]  }
0x2d: {  	s3 =	simm.s32 $0x108;
	s8 =	sld [smem:$0x3FB2]  }
0x2e: {  	s3 =	simm.s32 @!p0 $0x1082;
	s9 =	sld [smem:$0x3FB3]  }
0x2f: {  	lr =	sadd.s32 s0, s3;
	s0 =	sld [smem:$0x3FAA]  }
0x30: {  	s3 =	sld [smem:$0x3FAD]  }
0x31: {  	[smem:$0x3FB6] =	sst s10  }
0x32: {  	s10 =	sld [smem:$0x3FB4];
	_ =	sdelay $0x3  }
0x33: {  	p0 =	seq.s32 s10, $0x1;
	s10 =	sld [smem:$0x3FB6];
	_ =	sdelay $0x3  }
0x34: {  	[smem:$0x3FB6] =	sst s10  }
0x35: {  	s10 =	sld [smem:$0x3FB5];
	_ =	sdelay $0x3  }
0x36: {  	p1 =	seq.s32 s10, $0x1;
	s10 =	sld [smem:$0x3FB6];
	_ =	sdelay $0x3  }
0x37: {  	[smem:$0x3FB6] =	sst s10  }
0x38: {  	s10 =	sld [smem:$0x3FB7]  }
0x39: {  	_ = 	snop;
	(pc) =	sbr.ind lr, $3  }
0x3a: {  	_ = 	snop  }
0x3b: {  	_ = 	snop  }
0x3c: {  	p2 =	seq.s32 s10, $0x1;
	s10 =	sld [smem:$0x3FB6]  }
0x3d: {  	_ =	shalt  }
0x3e: {  	_ =	shalt  }
0x3f: {  	_ =	shalt  }
0x40: {  	_ =	shalt  }
0x41: {  	_ =	shalt  }
0x42: {  	_ =	shalt  }
0x43: {  	_ =	shalt  }
0x44: {  	_ =	shalt  }
0x45: {  	_ =	shalt  }
0x46: {  	_ =	shalt  }
0x47: {  	_ =	shalt  }
0x48: {  	_ =	shalt  }
0x49: {  	_ =	shalt  }
0x4a: {  	_ =	shalt  }
0x4b: {  	_ =	shalt  }
0x4c: {  	_ =	shalt  }
0x4d: {  	_ =	shalt  }
0x4e: {  	_ =	shalt  }
0x4f: {  	_ =	shalt  }
0x50: {  	_ =	shalt  }
0x51: {  	_ =	shalt  }
0x52: {  	_ =	shalt  }
0x53: {  	_ =	shalt  }
0x54: {  	_ =	shalt  }
0x55: {  	_ =	shalt  }
0x56: {  	_ =	shalt  }
0x57: {  	_ =	shalt  }
0x58: {  	_ =	shalt  }
0x59: {  	_ =	shalt  }
0x5a: {  	_ =	shalt  }
0x5b: {  	_ =	shalt  }
0x5c: {  	_ =	shalt  }
0x5d: {  	_ =	shalt  }
0x5e: {  	_ =	shalt  }
0x5f: {  	_ =	shalt  }
0x60: {  	_ =	shalt  }
0x61: {  	_ =	shalt  }
0x62: {  	_ =	shalt  }
0x63: {  	_ =	shalt  }
0x64: {  	_ =	shalt  }
0x65: {  	_ =	shalt  }
0x66: {  	_ =	shalt  }
0x67: {  	_ =	shalt  }
0x68: {  	_ =	shalt  }
0x69: {  	_ =	shalt  }
0x6a: {  	_ =	shalt  }
0x6b: {  	_ =	shalt  }
0x6c: {  	_ =	shalt  }
0x6d: {  	_ =	shalt  }
0x6e: {  	_ =	shalt  }
0x6f: {  	_ =	shalt  }
0x70: {  	_ =	shalt  }
0x71: {  	_ =	shalt  }
0x72: {  	_ =	shalt  }
0x73: {  	_ =	shalt  }
0x74: {  	_ =	shalt  }
0x75: {  	_ =	shalt  }
0x76: {  	_ =	shalt  }
0x77: {  	_ =	shalt  }
0x78: {  	_ =	shalt  }
0x79: {  	_ =	shalt  }
0x7a: {  	_ =	shalt  }
0x7b: {  	_ =	shalt  }
0x7c: {  	_ =	shalt  }
0x7d: {  	_ =	shalt  }
0x7e: {  	_ =	shalt  }
0x7f: {  	_ =	shalt  }
0x80: {  	_ =	shalt  }
0x81: {  	_ =	shalt  }
0x82: {  	_ =	shalt  }
0x83: {  	_ =	shalt  }
0x84: {  	_ =	shalt  }
0x85: {  	_ =	shalt  }
0x86: {  	_ =	shalt  }
0x87: {  	_ =	shalt  }
.Lfunc_end0:
.L_simem_size_0:
called_computation.1_lowered:
.L_overlay_start_0:
0x88: {  	s2 =	sld [smem:$0x3FD9]  }
0x89: {  	s3 =	sld [smem:$0x3FFE];
	_ =	sdelay $0x1  }
0x8a: {  	s1 =	srdreg.scid  }
0x8b: {  	s0 =	sand.u32 $0x1, s1  }
0x8c: {  	s17 =	sshll.u32 s0, $0xA;
	s2 =	sadd.s32 s3, s2  }
0x8d: {  	s2 =	sadd.s32 s2, s17  }
0x8e: {  	[smem:$0x3FC2] =	sst s2  }
0x8f: {  	_ = 	snop  }
0x90: {  	s2 =	sld [smem:$0x3FD0];
	(tm) =	ssettm $0x1  }
0x91: {  	s18 =	sld [smem:$0x3FFB];
	_ =	sdelay $0x3  }
0x92: {  	_ =	strace s18  }
0x93: {  	s3 =	sld [smem:$0x3FFC];
	_ =	sdelay $0x3  }
0x94: {  	_ =	strace s3  }
0x95: {  	s3 =	sld [smem:$0x3FFD];
	_ =	sdelay $0x3  }
0x96: {  	_ =	strace s3  }
0x97: {  	_ =	strace $0x8FFFFFFF  }
0x98: {  	s19 =	sld [smem:$0x3FDB];
	_ =	sdelay $0x1  }
0x99: {  	s4 =	simm.s32 $_scs_section_size  }
0x9a: {  	s5 =	simm.s32 $_size__tile_overlayer_lowered;
	s6 =	simm.s32 $_tile_overlayer_lowered  }
0x9b: {  	s22 =	simm.s32 $0x1BFF;
	s21 =	sshll.u32 s6, $0x1;
	s3 =	sadd.s32 s4, s19  }
0x9c: {  	s7 =	simm.s32 $0x0;
	s20 =	sshll.u32 s5, $0x1;
	s5 =	sadd.s32 s21, s3  }
0x9d: {  	[timem:s7], [sflag:s22] =	dma.local [hbm:s5], s20  }
0x9e: {  	_ =	swait.ge [sflag:s22], s20  }
0x9f: {  	s4 =	ssub.s32 $0x0, s20;
	[sflag:s22] =	ssyncset.done $0x0  }
0xa0: {  	[sflag:s22] =	ssyncadd.s32 s4;
	_ =	sdelay $0x1  }
0xa1: {  	s23 =	simm.s32 $0x1B8B  }
0xa2: {  	_ =	swait.ge [sflag:s23], $0x1  }
0xa3: {  	[sflag:s23] =	ssyncset.done $0x0  }
0xa4: {  	s25 =	simm.s32 $0x1B8E;
	s24 =	sld [smem:$0x3FFE];
	[sflag:s23] =	ssyncadd.s32 $0xFFFFFFFF  }
0xa5: {  	s26 =	simm.s32 $execute0_lowered;
	[smem:$0x3FD2] =	sst s25  }
0xa6: {  	s5 =	sshll.u32 s26, $0x1;
	_ =	strace $0x80000049;
	[dreg:$0x1] =	wrdreg $0xFFFFFFFF  }
0xa7: {  	s28 =	simm.s32 $_size_execute0_lowered;
	s3 =	sadd.s32 s3, s5;
	[dreg:$0x0] =	wrdreg $0x0  }
0xa8: {  	s5 =	sshll.u32 s28, $0x1;
	[dreg:$0x2] =	wrdreg s3  }
0xa9: {  	[dreg:$0x3] =	wrdreg s5  }
0xaa: {  	[dreg:$0x4] =	wrdreg $0xC0  }
0xab: {  	_ =	task [dreg:s7], $0x5FFFF  }
0xac: {  	[dreg:$0x1] =	wrdreg $0xFFFFFFFF  }
0xad: {  	[dreg:$0x0] =	wrdreg $0x60  }
0xae: {  	[dreg:$0x2] =	wrdreg s24  }
0xaf: {  	[dreg:$0x3] =	wrdreg s2  }
0xb0: {  	[dreg:$0x4] =	wrdreg $0x9  }
0xb1: {  	_ =	task.clear_ibuf [dreg:s7], $0x5FFFF;
	_ =	strace $0x90000049  }
0xb2: {  	s29 =	simm.s32 $0x9;
	_ =	strace $0x8000004B  }
0xb3: {  	_ =	swait.ge [sflag:s29], $0x1  }
0xb4: {  	[sflag:s29] =	ssyncadd.s32 $0xFFFFFFFF  }
0xb5: {  	_ =	strace $0x9000004B  }
0xb6: {  	_ =	sfence  }
0xb7: {  	s30 =	sld [smem:$0x0];
	_ =	sdelay $0x2  }
0xb8: {  	s31 =	sshll.u32 s1, $0xD;
	s1 =	sshrl.u32 s1, $0x2  }
0xb9: {  	s3 =	sand.u32 $0x4000, s31;
	s1 =	sadd.s32 s1, s30  }
0xba: {  	s0 =	sor.u32 s3, s0;
	s1 =	sshll.u32 s1, $0x11  }
0xbb: {  	s0 =	sor.u32 s1, s0  }
0xbc: {  	s0 =	sadd.s32 $0x8F2B, s0  }
0xbd: {  	[sflag:s0] =	ssyncadd.remote.s32 $0x1  }
0xbe: {  	_ =	sfence.sel $0xFFFF  }
0xbf: {  	[dreg:$0x0] =	wrdreg $0xFFFFFFFF;
	(pc) =	sbr.abs _section_cstart, $3  }
0xc0: {  	[dreg:$0x1] =	wrdreg $0xFFFFFFFF  }
0xc1: {  	_ =	task.clear_ibuf [dreg:s7], $0x2FFFF;
	_ =	strace $0x9FFFFFFF  }
0xc2: {  	(tm) =	ssettm $0x7FFFFFFF  }
0xc3: {  	_ =	shalt  }
tec
execute0_lowered:
.L_overlay_start_1:
0x0: {  	(tag) =	ssettag $0x1  }
0x1: {  	s0 =	srdreg.scid;
	s4 =	rddreg [dreg:$0x0]  }
0x2: {  	s3 =	stileid.u32;
	s10 =	rddreg [dreg:$0x1]  }
0x3: {  	s2 =	simm.s32 $0x0;
	s11 =	simm.s32 $0x9;
	s12 =	simm.s32 $0x80  }
0x4: {  	s13 =	simm.s32 $0x1900;
	s14 =	simm.s32 $0x5900;
	s15 =	simm.s32 $0x1  }
0x5: {  	s17 =	simm.s32 $0x9900;
	s18 =	simm.s32 $0x2;
	s21 =	simm.s32 $0x3  }
0x6: {  	s22 =	simm.s32 $0x7;
	s23 =	simm.s32 $0x8;
	s24 =	simm.s32 $0x5  }
0x7: {  	s0 =	sand.u32 $0x1, s0;
	s1 =	sshll.u32 s3, $0x1;
	s7 =	smul.u32 $0x190000, s3  }
0x8: {  	s1 =	sor.u32 s0, s1;
	s6 =	ssub.s32 $0x2, s0;
	s0 =	smul.u32 $0xC8000, s0  }
0x9: {  	s25 =	simm.s32 $0x6;
	s26 =	simm.s32 $0x0;
	s5 =	smul.u32 $0x320, s1  }
0xa: {  	[smem:$0x7FF] =	sst s2;
	s1 =	smul.u32 $0xC8000, s1;
	s8 =	sshrl.u32 s6, $0x1  }
0xb: {  	s3 =	sadd.s32 $0xE00, s4;
	_ =	strace $0x8000004A;
	s31 =	ssub.s32 s6, s8  }
0xc: {  	s0 =	sadd.s32 s0, s7;
	s4 =	sadd.s32 s5, s4;
	s1 =	sshrl.u32 s1, $0x3  }
0xd: {  	s5 =	smax.u32 s31, $0x1;
	s0 =	sadd.s32 $0xC000, s0;
	s6 =	sadd.s32 s10, s1  }
0xe: {  	s4 =	sadd.s32 $0x187800, s4;
	s0 =	sshrl.u32 s0, $0x3;
	s7 =	sadd.s32 $0x800, s6  }
0xf: {  	s8 =	sadd.s32 $0x1000, s6;
	s9 =	sadd.s32 $0x18800, s6;
	s10 =	sadd.s32 s0, s10  }
.LBB2_1:
0x10: {  	[tilespmem:s2], [sflag:$0x9] =	stream.linear.gather [hbm4b:s4+s2], $0x1900, $0x38;
	[tilespmem:$0x11900] =	vst v63  }
0x11: {  	_ =	swait.ge [sflag:s11], $0x1900  }
0x12: {  	[sflag:s11] =	ssyncset.done $0x0  }
0x13: {  	[sflag:s11] =	ssyncadd.s32 $0xFFFFE700  }
0x14: {  	[tilespmem:s13], [sflag:$0x1] =	stream.indirect.gather [hbm4b:s3+s12], $0x80, s2, s12, $0xb8;
	[tilespmem:$0x11900] =	vst v63  }
0x15: {  	_ = 	snop  }
0x16: {  	[tilespmem:s14], [sflag:$0x2] =	stream.indirect.gather [hbm4b:s3+s12], $0x80, s12, s12, $0xb8;
	[tilespmem:$0x11900] =	vst v63  }
0x17: {  	_ =	swait.ge [sflag:s15], $0x4000  }
0x18: {  	[sflag:s15] =	ssyncset.done $0x0  }
0x19: {  	[sflag:s15] =	ssyncadd.s32 $0xFFFFC000  }
0x1a: {  	[hbm4b:s6+s2] =	stream.linear.scatter [tilespmem:s13], [sflag:$0x5], $0x4000, $0x38;
	[tilespmem:$0x11900] =	vst v63  }
0x1b: {  	s0 =	simm.s32 $0x100  }
0x1c: {  	[tilespmem:s17], [sflag:$0x3] =	stream.indirect.gather [hbm4b:s3+s12], $0x80, s0, s12, $0xb8;
	[tilespmem:$0x11900] =	vst v63  }
0x1d: {  	_ =	swait.ge [sflag:s18], $0x4000  }
0x1e: {  	[sflag:s18] =	ssyncset.done $0x0  }
0x1f: {  	[sflag:s18] =	ssyncadd.s32 $0xFFFFC000  }
0x20: {  	[hbm4b:s7+s2] =	stream.linear.scatter [tilespmem:s14], [sflag:$0x6], $0x4000, $0x38;
	[tilespmem:$0x11900] =	vst v63  }
0x21: {  	s16 =	simm.s32 $0x180;
	s1 =	simm.s32 $0xD900  }
0x22: {  	[tilespmem:s1], [sflag:$0x4] =	stream.indirect.gather [hbm4b:s3+s12], $0x80, s16, s12, $0xb8;
	[tilespmem:$0x11900] =	vst v63  }
0x23: {  	s19 =	simm.s32 $0x4;
	s28 =	simm.s32 $0x200;
	_ =	swait.ge [sflag:s21], $0x4000  }
0x24: {  	s29 =	simm.s32 $0x3;
	s0 =	sand.u32 $0x3, s19;
	[sflag:s21] =	ssyncset.done $0x0  }
0x25: {  	s31 =	smov.u32 s10;
	s20 =	sadd.s32 $0x5, s0;
	[sflag:s21] =	ssyncadd.s32 $0xFFFFC000  }
0x26: {  	[hbm4b:s8+s2] =	stream.linear.scatter [tilespmem:s17], [sflag:$0x7], $0x4000, $0x38;
	[tilespmem:$0x11900] =	vst v63  }
0x27: {  	s30 =	sand.u32 $0x3, s29;
	s29 =	simm.s32 $0x5;
	_ =	swait.ge [sflag:s20], $0x4000  }
0x28: {  	s16 =	sshll.u32 s0, $0xE;
	s0 =	sadd.s32 $0x1, s0;
	[sflag:s20] =	ssyncset.done $0x0  }
0x29: {  	s1 =	sadd.s32 $0x1, s30;
	s19 =	sor.u32 $0x1900, s16;
	[sflag:s20] =	ssyncadd.s32 $0xFFFFC000  }
0x2a: {  	[tilespmem:s19], [sflag:s0] =	stream.indirect.gather [hbm4b:s3+s12], $0x80, s28, s12, $0xb8;
	[tilespmem:$0x11900] =	vst v63  }
0x2b: {  	s16 =	sadd.s32 $0x5, s30;
	s20 =	sshll.u32 s30, $0xE;
	_ =	swait.ge [sflag:s1], $0x4000  }
0x2c: {  	s30 =	smov.u32 s10;
	s0 =	sor.u32 $0x1900, s20;
	[sflag:s1] =	ssyncset.done $0x0  }
.LBB2_2:
0x2d: {  	[sflag:s1] =	ssyncadd.s32 $0xFFFFC000  }
0x2e: {  	s30 =	sadd.s32 $0x800, s30;
	s28 =	sadd.s32 $0x80, s28;
	s1 =	smov.u32 s29  }
0x2f: {  	[hbm4b:s31+s2] =	stream.linear.scatter [tilespmem:s0], [sflag:s16], $0x4000, $0x38;
	[tilespmem:$0x11900] =	vst v63  }
0x30: {  	p0 =	sne.s32 s29, $0x31;
	s29 =	sadd.s32 $0x1, s29;
	s0 =	sand.u32 $0x3, s1  }
0x31: {  	s31 =	smov.u32 s30;
	s16 =	sadd.s32 $0x5, s0;
	s19 =	sshll.u32 s0, $0xE  }
0x32: {  	s1 =	sadd.s32 $0xFFFFFFFF, s1;
	_ =	swait.ge [sflag:s16], $0x4000  }
0x33: {  	s0 =	sadd.s32 $0x1, s0;
	s20 =	sand.u32 $0x3, s1;
	[sflag:s16] =	ssyncset.done $0x0  }
.Ltmp0:
0x34: {  	s1 =	sor.u32 $0x1900, s19;
	[sflag:s16] =	ssyncadd.s32 $0xFFFFC000;
	(pc) =	sbr.rel @p0 .LBB2_2-.Ltmp0, $4  }
0x35: {  	[tilespmem:s1], [sflag:s0] =	stream.indirect.gather [hbm4b:s3+s12], $0x80, s28, s12, $0xb8;
	[tilespmem:$0x11900] =	vst v63  }
0x36: {  	s1 =	sadd.s32 $0x1, s20;
	s0 =	sshll.u32 s20, $0xE  }
0x37: {  	_ =	swait.ge [sflag:s1], $0x4000  }
0x38: {  	s16 =	sadd.s32 $0x5, s20;
	s0 =	sor.u32 $0x1900, s0;
	[sflag:s1] =	ssyncset.done $0x0  }
0x39: {  	[sflag:s1] =	ssyncadd.s32 $0xFFFFC000  }
0x3a: {  	[hbm4b:s31+s2] =	stream.linear.scatter [tilespmem:s0], [sflag:s16], $0x4000, $0x38;
	[tilespmem:$0x11900] =	vst v63  }
0x3b: {  	_ =	swait.ge [sflag:s18], $0x4000  }
0x3c: {  	[sflag:s18] =	ssyncset.done $0x0  }
0x3d: {  	[sflag:s18] =	ssyncadd.s32 $0xFFFFC000  }
0x3e: {  	[hbm4b:s9+s2] =	stream.linear.scatter [tilespmem:s14], [sflag:$0x6], $0x4000, $0x38;
	[tilespmem:$0x11900] =	vst v63  }
0x3f: {  	_ =	swait.ge [sflag:s22], $0x4000  }
0x40: {  	[sflag:s22] =	ssyncset.done $0x0  }
0x41: {  	[sflag:s22] =	ssyncadd.s32 $0xFFFFC000  }
0x42: {  	_ =	swait.ge [sflag:s23], $0x4000  }
0x43: {  	[sflag:s23] =	ssyncset.done $0x0  }
0x44: {  	s26 =	sadd.s32 $0x1, s26;
	[sflag:s23] =	ssyncadd.s32 $0xFFFFC000  }
0x45: {  	p0 =	sne.s32 s26, s5;
	_ =	swait.ge [sflag:s24], $0x4000  }
.Ltmp1:
0x46: {  	[sflag:s24] =	ssyncset.done $0x0;
	(pc) =	sbr.rel @p0 .LBB2_1-.Ltmp1, $4  }
0x47: {  	[sflag:s24] =	ssyncadd.s32 $0xFFFFC000  }
0x48: {  	_ =	swait.ge [sflag:s25], $0x4000  }
0x49: {  	[sflag:s25] =	ssyncset.done $0x0  }
0x4a: {  	[sflag:s25] =	ssyncadd.s32 $0xFFFFC000  }
0x4b: {  	_ =	sfence.sel $0x180000  }
0x4c: {  	[bflag:$0x0] =	sbarrier.arrive $0xFFFF  }
0x4d: {  	_ =	strace $0x9000004A  }
0x4e: {  	s0 =	stileid.u32;
	[bflag:$0x2] =	sbarrier.arrive $0xFFFF  }
0x4f: {  	p0 =	sne.s32 s0, $0x0;
	s0 =	rddreg [dreg:$0x2]  }
0x50: {  	s0 =	sadd.s32 @!p0 $0x100000, s0  }
0x51: {  	[sflag:s0] =	ssyncadd.tile.s32 @!p0 $0x1;
	_ =	shalt  }
.Lfunc_end2:
_tile_overlayer_lowered:
.L_overlay_start_2:
0x52: {  	(tag) =	ssettag $0x2  }
0x53: {  	s0 =	rddreg [dreg:$0x0];
	s2 =	stileid.u32  }
0x54: {  	s1 =	rddreg [dreg:$0x1];
	p0 =	sne.s32 s2, $0x0  }
0x55: {  	s3 =	rddreg [dreg:$0x2];
	[bflag:$0x3] =	sbarrier.arrive $0xFFFF;
	s2 =	simm.s32 @!p0 $0x1C09  }
0x56: {  	[timem:s3], [sflag:s2] =	dma.local @!p0 [hbm:s0], s1  }
0x57: {  	s0 =	simm.s32 @!p0 $0x9  }
0x58: {  	_ =	swait.ge @!p0 [sflag:s0], s1  }
0x59: {  	s1 =	ssub.s32 @!p0 $0x0, s1;
	[sflag:s0] =	ssyncset.done @!p0 $0x0  }
0x5a: {  	[sflag:s0] =	ssyncadd.s32 @!p0 s1  }
0x5b: {  	[bflag:$0x3] =	sbarrier.arrive $0xFFFF  }
0x5c: {  	_ =	shalt  }

</sc_bundles>
